<compile_context>
chip_gen: v7x
topology: tpu7x:2x2x1
jax: 0.10.2.dev20260603
libtpu: 0.0.44.dev20260713+nightly
codegen_flags: <defaults>
</compile_context>

<pallas_src>
import jax
import jax.numpy as jnp
from jax import lax
from jax.experimental import pallas as pl
from jax.experimental.pallas import tpu as pltpu
from jax.experimental.pallas import tpu_sc as plsc

B, M, P, L, LE = 64, 20, 32, 256, 512
LANES = 16
NW = 32
PAIRS = B * P
PER_W = PAIRS // NW
HALF = PER_W // 2
NV = LE // LANES


def _body(ev_hbm, ma_hbm, be_hbm, q_hbm, out_hbm,
          e_a, q_a, ma_a, be_a, out_a,
          e_b, q_b, ma_b, be_b, out_b,
          idx_r, ndt_r,
          sem_ia, sem_ib, sem_oa, sem_ob):
    cid = lax.axis_index("c")
    sid = lax.axis_index("s")
    wid = sid * 2 + cid

    def in_descs(j, e_v, q_v, ma_v, be_v, sem):
        pair = wid * PER_W + j
        b = pair // P
        p = pair % P
        return (
            pltpu.make_async_copy(ev_hbm.at[b, p], e_v, sem),
            pltpu.make_async_copy(q_hbm.at[b, p], q_v, sem),
            pltpu.make_async_copy(ma_hbm.at[b, :, p], ma_v, sem),
            pltpu.make_async_copy(be_hbm.at[b, :, p], be_v, sem),
        )

    def out_desc(j, out_v, sem):
        pair = wid * PER_W + j
        b = pair // P
        p = pair % P
        return pltpu.make_async_copy(out_v, out_hbm.at[b, :, p], sem)

    def start_in(j, *bufs):
        for d in in_descs(j, *bufs):
            d.start()

    def wait_in(j, *bufs):
        for d in in_descs(j, *bufs):
            d.wait()

    def compute(e_v, q_v, ma_v, be_v, out_v):
        W = 8
        e_last = plsc.load_gather(e_v, [jnp.full((LANES,), L - 1, jnp.int32)])
        def s_body(u, c):
            bases = [(u * W + i) * LANES for i in range(W)]
            qs = [q_v[pl.ds(b, LANES)] for b in bases]
            full = jnp.full((LANES,), L, jnp.int32)
            zeroi = jnp.zeros((LANES,), jnp.int32)
            cs = [jnp.where(e_last < qs[i], full, zeroi) for i in range(W)]
            step = L // 2
            while step >= 1:
                ts = [jnp.minimum(cs[i] + step, L) for i in range(W)]
                es = [plsc.load_gather(e_v, [ts[i] - 1]) for i in range(W)]
                cs = [jnp.where(es[i] < qs[i], ts[i], cs[i]) for i in range(W)]
                step //= 2
            lics = [jnp.maximum(cs[i] - 1, 0) for i in range(W)]
            tls = [plsc.load_gather(e_v, [lics[i]]) for i in range(W)]
            zero = jnp.zeros((LANES,), jnp.float32)
            tls = [jnp.where(cs[i] == 0, zero, tls[i]) for i in range(W)]
            for i in range(W):
                idx_r[pl.ds(bases[i], LANES)] = lics[i]
                ndt_r[pl.ds(bases[i], LANES)] = tls[i] - qs[i]
            return c
        lax.fori_loop(0, NV // W, s_body, 0)

        G = 10
        W2 = 2
        sh16 = jnp.full((LANES,), 16, jnp.int32)
        def v_body(v, c):
            bases = [(v * W2 + i) * LANES for i in range(W2)]
            idxs = [idx_r[pl.ds(b, LANES)] for b in bases]
            ndts = [ndt_r[pl.ds(b, LANES)] for b in bases]
            for g in range(0, M, G):
                mas = [[None] * G for _ in range(W2)]
                bes = [[None] * G for _ in range(W2)]
                for k in range(G):
                    mf = jnp.full((LANES,), g + k, jnp.int32)
                    for i in range(W2):
                        mas[i][k] = plsc.load_gather(ma_v, [mf, idxs[i]])
                        bes[i][k] = plsc.load_gather(be_v, [mf, idxs[i]])
                exs = [[jnp.exp(bes[i][k] * ndts[i]) for k in range(G)]
                       for i in range(W2)]
                for k in range(G):
                    for i in range(W2):
                        muv = plsc.bitcast(mas[i][k], jnp.float32)
                        dfv = plsc.bitcast(
                            lax.shift_left(mas[i][k], sh16), jnp.float32)
                        out_v[g + k, pl.ds(bases[i], LANES)] = (
                            muv + dfv * exs[i][k])
            return c
        lax.fori_loop(0, NV // W2, v_body, 0)

    bufs_a = (e_a, q_a, ma_a, be_a)
    bufs_b = (e_b, q_b, ma_b, be_b)

    start_in(0, *bufs_a, sem_ia)

    def jj_body(jj, c):
        j0 = jj * 2
        j1 = j0 + 1
        wait_in(j0, *bufs_a, sem_ia)
        start_in(j1, *bufs_b, sem_ib)

        @pl.when(jj > 0)
        def _():
            out_desc(j0, out_a, sem_oa).wait()

        compute(*bufs_a, out_a)
        out_desc(j0, out_a, sem_oa).start()

        wait_in(j1, *bufs_b, sem_ib)

        @pl.when(jj < HALF - 1)
        def _():
            start_in(j0 + 2, *bufs_a, sem_ia)

        @pl.when(jj > 0)
        def _():
            out_desc(j1, out_b, sem_ob).wait()

        compute(*bufs_b, out_b)
        out_desc(j1, out_b, sem_ob).start()
        return c

    lax.fori_loop(0, HALF, jj_body, 0)
    out_desc(PER_W - 2, out_a, sem_oa).wait()
    out_desc(PER_W - 1, out_b, sem_ob).wait()


_mesh = plsc.VectorSubcoreMesh(core_axis_name="c", subcore_axis_name="s")

_sc_call = pl.kernel(
    _body,
    out_type=jax.ShapeDtypeStruct((B, M, P, LE), jnp.float32),
    mesh=_mesh,
    compiler_params=pltpu.CompilerParams(needs_layout_passes=False),
    scratch_types=[
        pltpu.VMEM((L,), jnp.float32),
        pltpu.VMEM((LE,), jnp.float32),
        pltpu.VMEM((M, L), jnp.int32),
        pltpu.VMEM((M, L), jnp.float32),
        pltpu.VMEM((M, LE), jnp.float32),
        pltpu.VMEM((L,), jnp.float32),
        pltpu.VMEM((LE,), jnp.float32),
        pltpu.VMEM((M, L), jnp.int32),
        pltpu.VMEM((M, L), jnp.float32),
        pltpu.VMEM((M, LE), jnp.float32),
        pltpu.VMEM((LE,), jnp.int32),
        pltpu.VMEM((LE,), jnp.float32),
        pltpu.SemaphoreType.DMA,
        pltpu.SemaphoreType.DMA,
        pltpu.SemaphoreType.DMA,
        pltpu.SemaphoreType.DMA,
    ],
)


def kernel(event_times, mu, alpha, beta, query_times):
    mu_b = lax.bitcast_convert_type(mu.astype(jnp.bfloat16), jnp.uint16)
    df_b = lax.bitcast_convert_type((alpha - mu).astype(jnp.bfloat16),
                                    jnp.uint16)
    w = (mu_b.astype(jnp.uint32) << 16) | df_b.astype(jnp.uint32)
    mual = lax.bitcast_convert_type(w, jnp.int32)
    return _sc_call(event_times, mual, beta, query_times)

# --- scband reference (transcript-rebuilt; emitter-appended) ---
"""Pipeline reference for scband-piecewise-hawkes-intensity-18769007083726 (READ-ONLY COPY).

The authoritative reference and input builder live on the scoring server;
editing this copy changes nothing except your own understanding.
"""

import jax, jax.numpy as jnp
import numpy as np

B, M, P, L, LE = 64, 20, 32, 256, 512

def setup_inputs(seed: int = 0) -> dict:
    key = jax.random.key(seed)
    k1, k2, k3, k4, k5 = jax.random.split(key, 5)
    # event times must be sorted along the last axis for searchsorted
    event_times = jnp.sort(jax.random.uniform(k1, (B, P, L), dtype=jnp.float32) * 100.0, axis=-1)
    mu = jax.random.uniform(k2, (B, M, P, L), dtype=jnp.float32, minval=0.01, maxval=1.0)
    alpha = jax.random.uniform(k3, (B, M, P, L), dtype=jnp.float32, minval=0.01, maxval=2.0)
    beta = jax.random.uniform(k4, (B, M, P, L), dtype=jnp.float32, minval=0.1, maxval=3.0)
    query_times = jax.random.uniform(k5, (B, P, LE), dtype=jnp.float32) * 110.0
    return {"event_times": event_times, "mu": mu, "alpha": alpha, "beta": beta, "query_times": query_times}

def reference(event_times, mu, alpha, beta, query_times):
    # norm_constants is None, normalized_times=False -> no rescaling branch
    Bq, Pq, Le = query_times.shape
    Mm = mu.shape[1]
    # batched searchsorted over (B, P)
    ss = jax.vmap(jax.vmap(lambda a, v: jnp.searchsorted(a, v, side='left')))
    last_idx = ss(event_times, query_times) - 1          # [B, P, LE]
    lic = jnp.clip(last_idx, 0, None)                    # clamp(min=0)
    idx4 = jnp.broadcast_to(lic[:, None, :, :], (Bq, Mm, Pq, Le))
    mu_last = jnp.take_along_axis(mu, idx4, axis=3)
    alpha_last = jnp.take_along_axis(alpha, idx4, axis=3)
    beta_last = jnp.take_along_axis(beta, idx4, axis=3)
    t_last = jnp.take_along_axis(event_times, lic, axis=2)
    t_last = jnp.where(last_idx == -1, jnp.zeros_like(t_last), t_last)
    delta_t = (query_times - t_last)[:, None, :, :]
    exponent = jnp.exp(-beta_last * delta_t)
    intensity = mu_last + (alpha_last - mu_last) * exponent
    return intensity

if __name__ == "__main__":
    import jax
    _d = setup_inputs()
    print(jax.jit(kernel)(*tuple(_d.values())))

</pallas_src>

<mosaic_0001>
#map = affine_map<(d0, d1) -> (0, 0, 0)>
#map1 = affine_map<(d0, d1) -> (0, 0, 0, 0)>
module attributes {stable_mosaic.version = 14 : i64} {
  func.func @_body(%arg0: i32, %arg1: i32, %arg2: memref<64x32x256xf32, #tpu.memory_space<hbm>>, %arg3: memref<64x20x32x256xi32, #tpu.memory_space<hbm>>, %arg4: memref<64x20x32x256xf32, #tpu.memory_space<hbm>>, %arg5: memref<64x32x512xf32, #tpu.memory_space<hbm>>, %arg6: memref<64x20x32x512xf32, #tpu.memory_space<hbm>>, %arg7: memref<256xf32, #tpu.memory_space<vmem>>, %arg8: memref<512xf32, #tpu.memory_space<vmem>>, %arg9: memref<20x256xi32, #tpu.memory_space<vmem>>, %arg10: memref<20x256xf32, #tpu.memory_space<vmem>>, %arg11: memref<20x512xf32, #tpu.memory_space<vmem>>, %arg12: memref<256xf32, #tpu.memory_space<vmem>>, %arg13: memref<512xf32, #tpu.memory_space<vmem>>, %arg14: memref<20x256xi32, #tpu.memory_space<vmem>>, %arg15: memref<20x256xf32, #tpu.memory_space<vmem>>, %arg16: memref<20x512xf32, #tpu.memory_space<vmem>>, %arg17: memref<512xi32, #tpu.memory_space<vmem>>, %arg18: memref<512xf32, #tpu.memory_space<vmem>>, %arg19: memref<!tpu.dma_semaphore, #tpu.memory_space<semaphore_mem>>, %arg20: memref<!tpu.dma_semaphore, #tpu.memory_space<semaphore_mem>>, %arg21: memref<!tpu.dma_semaphore, #tpu.memory_space<semaphore_mem>>, %arg22: memref<!tpu.dma_semaphore, #tpu.memory_space<semaphore_mem>>) attributes {dimension_semantics = [#tpu.dimension_semantics<core_parallel>, #tpu.dimension_semantics<subcore_parallel>], iteration_bounds = array<i64: 2, 16>, scalar_prefetch = 0 : i64, scratch_operands = 16 : i64, tpu.core_type = #tpu.core_type<sc_vector_subcore>, window_params = [{transform_indices = #map}, {transform_indices = #map1}, {transform_indices = #map1}, {transform_indices = #map}, {transform_indices = #map1}]} {
    %mul3A = arith.constant 2 : i32
    %mul3A_0 = arith.muli %arg1, %mul3A : i32
    %add3A = arith.addi %mul3A_0, %arg0 : i32
    %mul3A_1 = arith.constant 64 : i32
    %mul3A_2 = arith.muli %add3A, %mul3A_1 : i32
    %add3A_3 = arith.constant 0 : i32
    %add3A_4 = arith.addi %mul3A_2, %add3A_3 : i32
    %jit3A = arith.constant 32 : i32
    %div3A = arith.divsi %add3A_4, %jit3A : i32
    %sign3A = arith.constant 0 : i32
    %sign3A_5 = arith.cmpi sgt, %add3A_4, %sign3A : i32
    %sign3A_6 = arith.extui %sign3A_5 : i1 to i32
    %sign3A_7 = arith.constant 0 : i32
    %sign3A_8 = arith.cmpi slt, %add3A_4, %sign3A_7 : i32
    %sign3A_9 = arith.extui %sign3A_8 : i1 to i32
    %sign3A_10 = arith.subi %sign3A_6, %sign3A_9 : i32
    %sign3A_11 = arith.constant 0 : i32
    %sign3A_12 = arith.cmpi sgt, %jit3A, %sign3A_11 : i32
    %sign3A_13 = arith.extui %sign3A_12 : i1 to i32
    %sign3A_14 = arith.constant 0 : i32
    %sign3A_15 = arith.cmpi slt, %jit3A, %sign3A_14 : i32
    %sign3A_16 = arith.extui %sign3A_15 : i1 to i32
    %sign3A_17 = arith.subi %sign3A_13, %sign3A_16 : i32
    %ne3A = arith.cmpi ne, %sign3A_10, %sign3A_17 : i32
    %rem3A = arith.remsi %add3A_4, %jit3A : i32
    %ne3A_18 = arith.constant 0 : i32
    %ne3A_19 = arith.cmpi ne, %rem3A, %ne3A_18 : i32
    %and3A = arith.andi %ne3A, %ne3A_19 : i1
    %sub3A = arith.constant 1 : i32
    %sub3A_20 = arith.subi %div3A, %sub3A : i32
    %select_n3A = arith.select %and3A, %sub3A_20, %div3A : i32
    %jit3A_21 = arith.constant 32 : i32
    %eq3A = arith.constant 0 : i32
    %eq3A_22 = arith.cmpi eq, %jit3A_21, %eq3A : i32
    %jit3A_23 = arith.constant 1 : i32
    %select_n3A_24 = arith.select %eq3A_22, %jit3A_23, %jit3A_21 : i32
    %rem3A_25 = arith.remsi %add3A_4, %select_n3A_24 : i32
    %ne3A_26 = arith.constant 0 : i32
    %ne3A_27 = arith.cmpi ne, %rem3A_25, %ne3A_26 : i32
    %lt3A = arith.constant 0 : i32
    %lt3A_28 = arith.cmpi slt, %rem3A_25, %lt3A : i32
    %lt3A_29 = arith.constant 0 : i32
    %lt3A_30 = arith.cmpi slt, %select_n3A_24, %lt3A_29 : i32
    %ne3A_31 = arith.xori %lt3A_28, %lt3A_30 : i1
    %and3A_32 = arith.andi %ne3A_31, %ne3A_27 : i1
    %add3A_33 = arith.addi %rem3A_25, %select_n3A_24 : i32
    %select_n3A_34 = arith.select %and3A_32, %add3A_33, %rem3A_25 : i32
    %dma_start3A = arith.constant 0 : i32
    %dma_start3A_35 = tpu.memref_slice %arg2[%select_n3A, %select_n3A_34, %dma_start3A] : memref<64x32x256xf32, #tpu.memory_space<hbm>> -> memref<1x1x256xf32, #tpu.memory_space<hbm>>
    %dma_start3A_36 = tpu.memref_squeeze %dma_start3A_35 : memref<1x1x256xf32, #tpu.memory_space<hbm>> -> memref<256xf32, #tpu.memory_space<hbm>>
    %dma_start3A_37 = arith.constant 0 : i32
    %dma_start3A_38 = tpu.memref_slice %arg2[%select_n3A, %select_n3A_34, %dma_start3A_37] : memref<64x32x256xf32, #tpu.memory_space<hbm>> -> memref<1x1x256xf32, #tpu.memory_space<hbm>>
    %dma_start3A_39 = tpu.memref_squeeze %dma_start3A_38 : memref<1x1x256xf32, #tpu.memory_space<hbm>> -> memref<256xf32, #tpu.memory_space<hbm>>
    tpu.enqueue_dma source(%dma_start3A_39 : memref<256xf32, #tpu.memory_space<hbm>>) target(%arg7 : memref<256xf32, #tpu.memory_space<vmem>>) target_semaphore(%arg19 : memref<!tpu.dma_semaphore, #tpu.memory_space<semaphore_mem>>)
    %dma_start3A_40 = arith.constant 0 : i32
    %dma_start3A_41 = tpu.memref_slice %arg5[%select_n3A, %select_n3A_34, %dma_start3A_40] : memref<64x32x512xf32, #tpu.memory_space<hbm>> -> memref<1x1x512xf32, #tpu.memory_space<hbm>>
    %dma_start3A_42 = tpu.memref_squeeze %dma_start3A_41 : memref<1x1x512xf32, #tpu.memory_space<hbm>> -> memref<512xf32, #tpu.memory_space<hbm>>
    %dma_start3A_43 = arith.constant 0 : i32
    %dma_start3A_44 = tpu.memref_slice %arg5[%select_n3A, %select_n3A_34, %dma_start3A_43] : memref<64x32x512xf32, #tpu.memory_space<hbm>> -> memref<1x1x512xf32, #tpu.memory_space<hbm>>
    %dma_start3A_45 = tpu.memref_squeeze %dma_start3A_44 : memref<1x1x512xf32, #tpu.memory_space<hbm>> -> memref<512xf32, #tpu.memory_space<hbm>>
    tpu.enqueue_dma source(%dma_start3A_45 : memref<512xf32, #tpu.memory_space<hbm>>) target(%arg8 : memref<512xf32, #tpu.memory_space<vmem>>) target_semaphore(%arg19 : memref<!tpu.dma_semaphore, #tpu.memory_space<semaphore_mem>>)
    %dma_start3A_46 = arith.constant 0 : i32
    %dma_start3A_47 = arith.constant 0 : i32
    %dma_start3A_48 = tpu.memref_slice %arg3[%select_n3A, %dma_start3A_46, %select_n3A_34, %dma_start3A_47] : memref<64x20x32x256xi32, #tpu.memory_space<hbm>> -> memref<1x20x1x256xi32, #tpu.memory_space<hbm>>
    %dma_start3A_49 = tpu.memref_squeeze %dma_start3A_48 : memref<1x20x1x256xi32, #tpu.memory_space<hbm>> -> memref<20x256xi32, #tpu.memory_space<hbm>>
    %dma_start3A_50 = arith.constant 0 : i32
    %dma_start3A_51 = arith.constant 0 : i32
    %dma_start3A_52 = tpu.memref_slice %arg3[%select_n3A, %dma_start3A_50, %select_n3A_34, %dma_start3A_51] : memref<64x20x32x256xi32, #tpu.memory_space<hbm>> -> memref<1x20x1x256xi32, #tpu.memory_space<hbm>>
    %dma_start3A_53 = tpu.memref_squeeze %dma_start3A_52 : memref<1x20x1x256xi32, #tpu.memory_space<hbm>> -> memref<20x256xi32, #tpu.memory_space<hbm>>
    tpu.enqueue_dma source(%dma_start3A_53 : memref<20x256xi32, #tpu.memory_space<hbm>>) target(%arg9 : memref<20x256xi32, #tpu.memory_space<vmem>>) target_semaphore(%arg19 : memref<!tpu.dma_semaphore, #tpu.memory_space<semaphore_mem>>)
    %dma_start3A_54 = arith.constant 0 : i32
    %dma_start3A_55 = arith.constant 0 : i32
    %dma_start3A_56 = tpu.memref_slice %arg4[%select_n3A, %dma_start3A_54, %select_n3A_34, %dma_start3A_55] : memref<64x20x32x256xf32, #tpu.memory_space<hbm>> -> memref<1x20x1x256xf32, #tpu.memory_space<hbm>>
    %dma_start3A_57 = tpu.memref_squeeze %dma_start3A_56 : memref<1x20x1x256xf32, #tpu.memory_space<hbm>> -> memref<20x256xf32, #tpu.memory_space<hbm>>
    %dma_start3A_58 = arith.constant 0 : i32
    %dma_start3A_59 = arith.constant 0 : i32
    %dma_start3A_60 = tpu.memref_slice %arg4[%select_n3A, %dma_start3A_58, %select_n3A_34, %dma_start3A_59] : memref<64x20x32x256xf32, #tpu.memory_space<hbm>> -> memref<1x20x1x256xf32, #tpu.memory_space<hbm>>
    %dma_start3A_61 = tpu.memref_squeeze %dma_start3A_60 : memref<1x20x1x256xf32, #tpu.memory_space<hbm>> -> memref<20x256xf32, #tpu.memory_space<hbm>>
    tpu.enqueue_dma source(%dma_start3A_61 : memref<20x256xf32, #tpu.memory_space<hbm>>) target(%arg10 : memref<20x256xf32, #tpu.memory_space<vmem>>) target_semaphore(%arg19 : memref<!tpu.dma_semaphore, #tpu.memory_space<semaphore_mem>>)
    %scan3A = arith.constant 0 : i32
    %scan3A_62 = arith.constant 0 : i32
    %scan3A_63 = arith.constant 32 : i32
    %scan3A_64 = arith.addi %scan3A_62, %scan3A_63 : i32
    %scan3A_65 = arith.constant 1 : i32
    scf.for %scan3A_170 = %scan3A_62 to %scan3A_64 step %scan3A_65  : i32 {
      %mul3A_171 = arith.constant 2 : i32
      %mul3A_172 = arith.muli %scan3A_170, %mul3A_171 : i32
      %add3A_173 = arith.constant 1 : i32
      %add3A_174 = arith.addi %mul3A_172, %add3A_173 : i32
      %mul3A_175 = arith.constant 64 : i32
      %mul3A_176 = arith.muli %add3A, %mul3A_175 : i32
      %add3A_177 = arith.addi %mul3A_176, %mul3A_172 : i32
      %jit3A_178 = arith.constant 32 : i32
      %div3A_179 = arith.divsi %add3A_177, %jit3A_178 : i32
      %sign3A_180 = arith.constant 0 : i32
      %sign3A_181 = arith.cmpi sgt, %add3A_177, %sign3A_180 : i32
      %sign3A_182 = arith.extui %sign3A_181 : i1 to i32
      %sign3A_183 = arith.constant 0 : i32
      %sign3A_184 = arith.cmpi slt, %add3A_177, %sign3A_183 : i32
      %sign3A_185 = arith.extui %sign3A_184 : i1 to i32
      %sign3A_186 = arith.subi %sign3A_182, %sign3A_185 : i32
      %sign3A_187 = arith.constant 0 : i32
      %sign3A_188 = arith.cmpi sgt, %jit3A_178, %sign3A_187 : i32
      %sign3A_189 = arith.extui %sign3A_188 : i1 to i32
      %sign3A_190 = arith.constant 0 : i32
      %sign3A_191 = arith.cmpi slt, %jit3A_178, %sign3A_190 : i32
      %sign3A_192 = arith.extui %sign3A_191 : i1 to i32
      %sign3A_193 = arith.subi %sign3A_189, %sign3A_192 : i32
      %ne3A_194 = arith.cmpi ne, %sign3A_186, %sign3A_193 : i32
      %rem3A_195 = arith.remsi %add3A_177, %jit3A_178 : i32
      %ne3A_196 = arith.constant 0 : i32
      %ne3A_197 = arith.cmpi ne, %rem3A_195, %ne3A_196 : i32
      %and3A_198 = arith.andi %ne3A_194, %ne3A_197 : i1
      %sub3A_199 = arith.constant 1 : i32
      %sub3A_200 = arith.subi %div3A_179, %sub3A_199 : i32
      %select_n3A_201 = arith.select %and3A_198, %sub3A_200, %div3A_179 : i32
      %jit3A_202 = arith.constant 32 : i32
      %eq3A_203 = arith.constant 0 : i32
      %eq3A_204 = arith.cmpi eq, %jit3A_202, %eq3A_203 : i32
      %jit3A_205 = arith.constant 1 : i32
      %select_n3A_206 = arith.select %eq3A_204, %jit3A_205, %jit3A_202 : i32
      %rem3A_207 = arith.remsi %add3A_177, %select_n3A_206 : i32
      %ne3A_208 = arith.constant 0 : i32
      %ne3A_209 = arith.cmpi ne, %rem3A_207, %ne3A_208 : i32
      %lt3A_210 = arith.constant 0 : i32
      %lt3A_211 = arith.cmpi slt, %rem3A_207, %lt3A_210 : i32
      %lt3A_212 = arith.constant 0 : i32
      %lt3A_213 = arith.cmpi slt, %select_n3A_206, %lt3A_212 : i32
      %ne3A_214 = arith.xori %lt3A_211, %lt3A_213 : i1
      %and3A_215 = arith.andi %ne3A_214, %ne3A_209 : i1
      %add3A_216 = arith.addi %rem3A_207, %select_n3A_206 : i32
      %select_n3A_217 = arith.select %and3A_215, %add3A_216, %rem3A_207 : i32
      %dma_wait3A_218 = arith.constant 0 : i32
      %dma_wait3A_219 = tpu.memref_slice %arg2[%select_n3A_201, %select_n3A_217, %dma_wait3A_218] : memref<64x32x256xf32, #tpu.memory_space<hbm>> -> memref<1x1x256xf32, #tpu.memory_space<hbm>>
      %dma_wait3A_220 = tpu.memref_squeeze %dma_wait3A_219 : memref<1x1x256xf32, #tpu.memory_space<hbm>> -> memref<256xf32, #tpu.memory_space<hbm>>
      %dma_wait3A_221 = arith.constant 0 : i32
      %dma_wait3A_222 = tpu.memref_slice %arg2[%select_n3A_201, %select_n3A_217, %dma_wait3A_221] : memref<64x32x256xf32, #tpu.memory_space<hbm>> -> memref<1x1x256xf32, #tpu.memory_space<hbm>>
      %dma_wait3A_223 = tpu.memref_squeeze %dma_wait3A_222 : memref<1x1x256xf32, #tpu.memory_space<hbm>> -> memref<256xf32, #tpu.memory_space<hbm>>
      tpu.wait_dma2 semaphore(%arg19 : memref<!tpu.dma_semaphore, #tpu.memory_space<semaphore_mem>>) src(%dma_wait3A_223 : memref<256xf32, #tpu.memory_space<hbm>>) dst(%arg7 : memref<256xf32, #tpu.memory_space<vmem>>)
      %dma_wait3A_224 = arith.constant 0 : i32
      %dma_wait3A_225 = tpu.memref_slice %arg5[%select_n3A_201, %select_n3A_217, %dma_wait3A_224] : memref<64x32x512xf32, #tpu.memory_space<hbm>> -> memref<1x1x512xf32, #tpu.memory_space<hbm>>
      %dma_wait3A_226 = tpu.memref_squeeze %dma_wait3A_225 : memref<1x1x512xf32, #tpu.memory_space<hbm>> -> memref<512xf32, #tpu.memory_space<hbm>>
      %dma_wait3A_227 = arith.constant 0 : i32
      %dma_wait3A_228 = tpu.memref_slice %arg5[%select_n3A_201, %select_n3A_217, %dma_wait3A_227] : memref<64x32x512xf32, #tpu.memory_space<hbm>> -> memref<1x1x512xf32, #tpu.memory_space<hbm>>
      %dma_wait3A_229 = tpu.memref_squeeze %dma_wait3A_228 : memref<1x1x512xf32, #tpu.memory_space<hbm>> -> memref<512xf32, #tpu.memory_space<hbm>>
      tpu.wait_dma2 semaphore(%arg19 : memref<!tpu.dma_semaphore, #tpu.memory_space<semaphore_mem>>) src(%dma_wait3A_229 : memref<512xf32, #tpu.memory_space<hbm>>) dst(%arg8 : memref<512xf32, #tpu.memory_space<vmem>>)
      %dma_wait3A_230 = arith.constant 0 : i32
      %dma_wait3A_231 = arith.constant 0 : i32
      %dma_wait3A_232 = tpu.memref_slice %arg3[%select_n3A_201, %dma_wait3A_230, %select_n3A_217, %dma_wait3A_231] : memref<64x20x32x256xi32, #tpu.memory_space<hbm>> -> memref<1x20x1x256xi32, #tpu.memory_space<hbm>>
      %dma_wait3A_233 = tpu.memref_squeeze %dma_wait3A_232 : memref<1x20x1x256xi32, #tpu.memory_space<hbm>> -> memref<20x256xi32, #tpu.memory_space<hbm>>
      %dma_wait3A_234 = arith.constant 0 : i32
      %dma_wait3A_235 = arith.constant 0 : i32
      %dma_wait3A_236 = tpu.memref_slice %arg3[%select_n3A_201, %dma_wait3A_234, %select_n3A_217, %dma_wait3A_235] : memref<64x20x32x256xi32, #tpu.memory_space<hbm>> -> memref<1x20x1x256xi32, #tpu.memory_space<hbm>>
      %dma_wait3A_237 = tpu.memref_squeeze %dma_wait3A_236 : memref<1x20x1x256xi32, #tpu.memory_space<hbm>> -> memref<20x256xi32, #tpu.memory_space<hbm>>
      tpu.wait_dma2 semaphore(%arg19 : memref<!tpu.dma_semaphore, #tpu.memory_space<semaphore_mem>>) src(%dma_wait3A_237 : memref<20x256xi32, #tpu.memory_space<hbm>>) dst(%arg9 : memref<20x256xi32, #tpu.memory_space<vmem>>)
      %dma_wait3A_238 = arith.constant 0 : i32
      %dma_wait3A_239 = arith.constant 0 : i32
      %dma_wait3A_240 = tpu.memref_slice %arg4[%select_n3A_201, %dma_wait3A_238, %select_n3A_217, %dma_wait3A_239] : memref<64x20x32x256xf32, #tpu.memory_space<hbm>> -> memref<1x20x1x256xf32, #tpu.memory_space<hbm>>
      %dma_wait3A_241 = tpu.memref_squeeze %dma_wait3A_240 : memref<1x20x1x256xf32, #tpu.memory_space<hbm>> -> memref<20x256xf32, #tpu.memory_space<hbm>>
      %dma_wait3A_242 = arith.constant 0 : i32
      %dma_wait3A_243 = arith.constant 0 : i32
      %dma_wait3A_244 = tpu.memref_slice %arg4[%select_n3A_201, %dma_wait3A_242, %select_n3A_217, %dma_wait3A_243] : memref<64x20x32x256xf32, #tpu.memory_space<hbm>> -> memref<1x20x1x256xf32, #tpu.memory_space<hbm>>
      %dma_wait3A_245 = tpu.memref_squeeze %dma_wait3A_244 : memref<1x20x1x256xf32, #tpu.memory_space<hbm>> -> memref<20x256xf32, #tpu.memory_space<hbm>>
      tpu.wait_dma2 semaphore(%arg19 : memref<!tpu.dma_semaphore, #tpu.memory_space<semaphore_mem>>) src(%dma_wait3A_245 : memref<20x256xf32, #tpu.memory_space<hbm>>) dst(%arg10 : memref<20x256xf32, #tpu.memory_space<vmem>>)
      %mul3A_246 = arith.constant 64 : i32
      %mul3A_247 = arith.muli %add3A, %mul3A_246 : i32
      %add3A_248 = arith.addi %mul3A_247, %add3A_174 : i32
      %jit3A_249 = arith.constant 32 : i32
      %div3A_250 = arith.divsi %add3A_248, %jit3A_249 : i32
      %sign3A_251 = arith.constant 0 : i32
      %sign3A_252 = arith.cmpi sgt, %add3A_248, %sign3A_251 : i32
      %sign3A_253 = arith.extui %sign3A_252 : i1 to i32
      %sign3A_254 = arith.constant 0 : i32
      %sign3A_255 = arith.cmpi slt, %add3A_248, %sign3A_254 : i32
      %sign3A_256 = arith.extui %sign3A_255 : i1 to i32
      %sign3A_257 = arith.subi %sign3A_253, %sign3A_256 : i32
      %sign3A_258 = arith.constant 0 : i32
      %sign3A_259 = arith.cmpi sgt, %jit3A_249, %sign3A_258 : i32
      %sign3A_260 = arith.extui %sign3A_259 : i1 to i32
      %sign3A_261 = arith.constant 0 : i32
      %sign3A_262 = arith.cmpi slt, %jit3A_249, %sign3A_261 : i32
      %sign3A_263 = arith.extui %sign3A_262 : i1 to i32
      %sign3A_264 = arith.subi %sign3A_260, %sign3A_263 : i32
      %ne3A_265 = arith.cmpi ne, %sign3A_257, %sign3A_264 : i32
      %rem3A_266 = arith.remsi %add3A_248, %jit3A_249 : i32
      %ne3A_267 = arith.constant 0 : i32
      %ne3A_268 = arith.cmpi ne, %rem3A_266, %ne3A_267 : i32
      %and3A_269 = arith.andi %ne3A_265, %ne3A_268 : i1
      %sub3A_270 = arith.constant 1 : i32
      %sub3A_271 = arith.subi %div3A_250, %sub3A_270 : i32
      %select_n3A_272 = arith.select %and3A_269, %sub3A_271, %div3A_250 : i32
      %jit3A_273 = arith.constant 32 : i32
      %eq3A_274 = arith.constant 0 : i32
      %eq3A_275 = arith.cmpi eq, %jit3A_273, %eq3A_274 : i32
      %jit3A_276 = arith.constant 1 : i32
      %select_n3A_277 = arith.select %eq3A_275, %jit3A_276, %jit3A_273 : i32
      %rem3A_278 = arith.remsi %add3A_248, %select_n3A_277 : i32
      %ne3A_279 = arith.constant 0 : i32
      %ne3A_280 = arith.cmpi ne, %rem3A_278, %ne3A_279 : i32
      %lt3A_281 = arith.constant 0 : i32
      %lt3A_282 = arith.cmpi slt, %rem3A_278, %lt3A_281 : i32
      %lt3A_283 = arith.constant 0 : i32
      %lt3A_284 = arith.cmpi slt, %select_n3A_277, %lt3A_283 : i32
      %ne3A_285 = arith.xori %lt3A_282, %lt3A_284 : i1
      %and3A_286 = arith.andi %ne3A_285, %ne3A_280 : i1
      %add3A_287 = arith.addi %rem3A_278, %select_n3A_277 : i32
      %select_n3A_288 = arith.select %and3A_286, %add3A_287, %rem3A_278 : i32
      %dma_start3A_289 = arith.constant 0 : i32
      %dma_start3A_290 = tpu.memref_slice %arg2[%select_n3A_272, %select_n3A_288, %dma_start3A_289] : memref<64x32x256xf32, #tpu.memory_space<hbm>> -> memref<1x1x256xf32, #tpu.memory_space<hbm>>
      %dma_start3A_291 = tpu.memref_squeeze %dma_start3A_290 : memref<1x1x256xf32, #tpu.memory_space<hbm>> -> memref<256xf32, #tpu.memory_space<hbm>>
      %dma_start3A_292 = arith.constant 0 : i32
      %dma_start3A_293 = tpu.memref_slice %arg2[%select_n3A_272, %select_n3A_288, %dma_start3A_292] : memref<64x32x256xf32, #tpu.memory_space<hbm>> -> memref<1x1x256xf32, #tpu.memory_space<hbm>>
      %dma_start3A_294 = tpu.memref_squeeze %dma_start3A_293 : memref<1x1x256xf32, #tpu.memory_space<hbm>> -> memref<256xf32, #tpu.memory_space<hbm>>
      tpu.enqueue_dma source(%dma_start3A_294 : memref<256xf32, #tpu.memory_space<hbm>>) target(%arg12 : memref<256xf32, #tpu.memory_space<vmem>>) target_semaphore(%arg20 : memref<!tpu.dma_semaphore, #tpu.memory_space<semaphore_mem>>)
      %dma_start3A_295 = arith.constant 0 : i32
      %dma_start3A_296 = tpu.memref_slice %arg5[%select_n3A_272, %select_n3A_288, %dma_start3A_295] : memref<64x32x512xf32, #tpu.memory_space<hbm>> -> memref<1x1x512xf32, #tpu.memory_space<hbm>>
      %dma_start3A_297 = tpu.memref_squeeze %dma_start3A_296 : memref<1x1x512xf32, #tpu.memory_space<hbm>> -> memref<512xf32, #tpu.memory_space<hbm>>
      %dma_start3A_298 = arith.constant 0 : i32
      %dma_start3A_299 = tpu.memref_slice %arg5[%select_n3A_272, %select_n3A_288, %dma_start3A_298] : memref<64x32x512xf32, #tpu.memory_space<hbm>> -> memref<1x1x512xf32, #tpu.memory_space<hbm>>
      %dma_start3A_300 = tpu.memref_squeeze %dma_start3A_299 : memref<1x1x512xf32, #tpu.memory_space<hbm>> -> memref<512xf32, #tpu.memory_space<hbm>>
      tpu.enqueue_dma source(%dma_start3A_300 : memref<512xf32, #tpu.memory_space<hbm>>) target(%arg13 : memref<512xf32, #tpu.memory_space<vmem>>) target_semaphore(%arg20 : memref<!tpu.dma_semaphore, #tpu.memory_space<semaphore_mem>>)
      %dma_start3A_301 = arith.constant 0 : i32
      %dma_start3A_302 = arith.constant 0 : i32
      %dma_start3A_303 = tpu.memref_slice %arg3[%select_n3A_272, %dma_start3A_301, %select_n3A_288, %dma_start3A_302] : memref<64x20x32x256xi32, #tpu.memory_space<hbm>> -> memref<1x20x1x256xi32, #tpu.memory_space<hbm>>
      %dma_start3A_304 = tpu.memref_squeeze %dma_start3A_303 : memref<1x20x1x256xi32, #tpu.memory_space<hbm>> -> memref<20x256xi32, #tpu.memory_space<hbm>>
      %dma_start3A_305 = arith.constant 0 : i32
      %dma_start3A_306 = arith.constant 0 : i32
      %dma_start3A_307 = tpu.memref_slice %arg3[%select_n3A_272, %dma_start3A_305, %select_n3A_288, %dma_start3A_306] : memref<64x20x32x256xi32, #tpu.memory_space<hbm>> -> memref<1x20x1x256xi32, #tpu.memory_space<hbm>>
      %dma_start3A_308 = tpu.memref_squeeze %dma_start3A_307 : memref<1x20x1x256xi32, #tpu.memory_space<hbm>> -> memref<20x256xi32, #tpu.memory_space<hbm>>
      tpu.enqueue_dma source(%dma_start3A_308 : memref<20x256xi32, #tpu.memory_space<hbm>>) target(%arg14 : memref<20x256xi32, #tpu.memory_space<vmem>>) target_semaphore(%arg20 : memref<!tpu.dma_semaphore, #tpu.memory_space<semaphore_mem>>)
      %dma_start3A_309 = arith.constant 0 : i32
      %dma_start3A_310 = arith.constant 0 : i32
      %dma_start3A_311 = tpu.memref_slice %arg4[%select_n3A_272, %dma_start3A_309, %select_n3A_288, %dma_start3A_310] : memref<64x20x32x256xf32, #tpu.memory_space<hbm>> -> memref<1x20x1x256xf32, #tpu.memory_space<hbm>>
      %dma_start3A_312 = tpu.memref_squeeze %dma_start3A_311 : memref<1x20x1x256xf32, #tpu.memory_space<hbm>> -> memref<20x256xf32, #tpu.memory_space<hbm>>
      %dma_start3A_313 = arith.constant 0 : i32
      %dma_start3A_314 = arith.constant 0 : i32
      %dma_start3A_315 = tpu.memref_slice %arg4[%select_n3A_272, %dma_start3A_313, %select_n3A_288, %dma_start3A_314] : memref<64x20x32x256xf32, #tpu.memory_space<hbm>> -> memref<1x20x1x256xf32, #tpu.memory_space<hbm>>
      %dma_start3A_316 = tpu.memref_squeeze %dma_start3A_315 : memref<1x20x1x256xf32, #tpu.memory_space<hbm>> -> memref<20x256xf32, #tpu.memory_space<hbm>>
      tpu.enqueue_dma source(%dma_start3A_316 : memref<20x256xf32, #tpu.memory_space<hbm>>) target(%arg15 : memref<20x256xf32, #tpu.memory_space<vmem>>) target_semaphore(%arg20 : memref<!tpu.dma_semaphore, #tpu.memory_space<semaphore_mem>>)
      %gt3A = arith.constant 0 : i32
      %gt3A_317 = arith.cmpi sgt, %scan3A_170, %gt3A : i32
      %convert_element_type3A = arith.extui %gt3A_317 : i1 to i32
      %cond3A = arith.constant 0 : i32
      %cond3A_318 = arith.cmpi ne, %convert_element_type3A, %cond3A : i32
      scf.if %cond3A_318 {
        %mul3A_534 = arith.constant 64 : i32
        %mul3A_535 = arith.muli %add3A, %mul3A_534 : i32
        %add3A_536 = arith.addi %mul3A_535, %mul3A_172 : i32
        %jit3A_537 = arith.constant 32 : i32
        %div3A_538 = arith.divsi %add3A_536, %jit3A_537 : i32
        %sign3A_539 = arith.constant 0 : i32
        %sign3A_540 = arith.cmpi sgt, %add3A_536, %sign3A_539 : i32
        %sign3A_541 = arith.extui %sign3A_540 : i1 to i32
        %sign3A_542 = arith.constant 0 : i32
        %sign3A_543 = arith.cmpi slt, %add3A_536, %sign3A_542 : i32
        %sign3A_544 = arith.extui %sign3A_543 : i1 to i32
        %sign3A_545 = arith.subi %sign3A_541, %sign3A_544 : i32
        %sign3A_546 = arith.constant 0 : i32
        %sign3A_547 = arith.cmpi sgt, %jit3A_537, %sign3A_546 : i32
        %sign3A_548 = arith.extui %sign3A_547 : i1 to i32
        %sign3A_549 = arith.constant 0 : i32
        %sign3A_550 = arith.cmpi slt, %jit3A_537, %sign3A_549 : i32
        %sign3A_551 = arith.extui %sign3A_550 : i1 to i32
        %sign3A_552 = arith.subi %sign3A_548, %sign3A_551 : i32
        %ne3A_553 = arith.cmpi ne, %sign3A_545, %sign3A_552 : i32
        %rem3A_554 = arith.remsi %add3A_536, %jit3A_537 : i32
        %ne3A_555 = arith.constant 0 : i32
        %ne3A_556 = arith.cmpi ne, %rem3A_554, %ne3A_555 : i32
        %and3A_557 = arith.andi %ne3A_553, %ne3A_556 : i1
        %sub3A_558 = arith.constant 1 : i32
        %sub3A_559 = arith.subi %div3A_538, %sub3A_558 : i32
        %select_n3A_560 = arith.select %and3A_557, %sub3A_559, %div3A_538 : i32
        %jit3A_561 = arith.constant 32 : i32
        %eq3A_562 = arith.constant 0 : i32
        %eq3A_563 = arith.cmpi eq, %jit3A_561, %eq3A_562 : i32
        %jit3A_564 = arith.constant 1 : i32
        %select_n3A_565 = arith.select %eq3A_563, %jit3A_564, %jit3A_561 : i32
        %rem3A_566 = arith.remsi %add3A_536, %select_n3A_565 : i32
        %ne3A_567 = arith.constant 0 : i32
        %ne3A_568 = arith.cmpi ne, %rem3A_566, %ne3A_567 : i32
        %lt3A_569 = arith.constant 0 : i32
        %lt3A_570 = arith.cmpi slt, %rem3A_566, %lt3A_569 : i32
        %lt3A_571 = arith.constant 0 : i32
        %lt3A_572 = arith.cmpi slt, %select_n3A_565, %lt3A_571 : i32
        %ne3A_573 = arith.xori %lt3A_570, %lt3A_572 : i1
        %and3A_574 = arith.andi %ne3A_573, %ne3A_568 : i1
        %add3A_575 = arith.addi %rem3A_566, %select_n3A_565 : i32
        %select_n3A_576 = arith.select %and3A_574, %add3A_575, %rem3A_566 : i32
        %dma_wait3A_577 = arith.constant 0 : i32
        %dma_wait3A_578 = arith.constant 0 : i32
        %dma_wait3A_579 = tpu.memref_slice %arg6[%select_n3A_560, %dma_wait3A_577, %select_n3A_576, %dma_wait3A_578] : memref<64x20x32x512xf32, #tpu.memory_space<hbm>> -> memref<1x20x1x512xf32, #tpu.memory_space<hbm>>
        %dma_wait3A_580 = tpu.memref_squeeze %dma_wait3A_579 : memref<1x20x1x512xf32, #tpu.memory_space<hbm>> -> memref<20x512xf32, #tpu.memory_space<hbm>>
        %dma_wait3A_581 = arith.constant 0 : i32
        %dma_wait3A_582 = arith.constant 0 : i32
        %dma_wait3A_583 = tpu.memref_slice %arg6[%select_n3A_560, %dma_wait3A_581, %select_n3A_576, %dma_wait3A_582] : memref<64x20x32x512xf32, #tpu.memory_space<hbm>> -> memref<1x20x1x512xf32, #tpu.memory_space<hbm>>
        %dma_wait3A_584 = tpu.memref_squeeze %dma_wait3A_583 : memref<1x20x1x512xf32, #tpu.memory_space<hbm>> -> memref<20x512xf32, #tpu.memory_space<hbm>>
        tpu.wait_dma2 semaphore(%arg21 : memref<!tpu.dma_semaphore, #tpu.memory_space<semaphore_mem>>) src(%arg11 : memref<20x512xf32, #tpu.memory_space<vmem>>) dst(%dma_wait3A_584 : memref<20x512xf32, #tpu.memory_space<hbm>>)
      } else {
      }
      %broadcast_in_dim3A = arith.constant 255 : i32
      %broadcast_in_dim3A_319 = vector.broadcast %broadcast_in_dim3A : i32 to vector<16xi32>
      %gather3A = tpu.vector_load_idx %arg7[%broadcast_in_dim3A_319] : memref<256xf32, #tpu.memory_space<vmem>>[vector<16xi32>], vector<16xf32>,
      %scan3A_320 = arith.constant 0 : i32
      %scan3A_321 = arith.constant 0 : i32
      %scan3A_322 = arith.constant 4 : i32
      %scan3A_323 = arith.addi %scan3A_321, %scan3A_322 : i32
      %scan3A_324 = arith.constant 1 : i32
      scf.for %scan3A_534 = %scan3A_321 to %scan3A_323 step %scan3A_324  : i32 {
        %mul3A_535 = arith.constant 8 : i32
        %mul3A_536 = arith.muli %scan3A_534, %mul3A_535 : i32
        %add3A_537 = arith.constant 0 : i32
        %add3A_538 = arith.addi %mul3A_536, %add3A_537 : i32
        %mul3A_539 = arith.constant 16 : i32
        %mul3A_540 = arith.muli %add3A_538, %mul3A_539 : i32
        %mul3A_541 = arith.constant 8 : i32
        %mul3A_542 = arith.muli %scan3A_534, %mul3A_541 : i32
        %add3A_543 = arith.constant 1 : i32
        %add3A_544 = arith.addi %mul3A_542, %add3A_543 : i32
        %mul3A_545 = arith.constant 16 : i32
        %mul3A_546 = arith.muli %add3A_544, %mul3A_545 : i32
        %mul3A_547 = arith.constant 8 : i32
        %mul3A_548 = arith.muli %scan3A_534, %mul3A_547 : i32
        %add3A_549 = arith.constant 2 : i32
        %add3A_550 = arith.addi %mul3A_548, %add3A_549 : i32
        %mul3A_551 = arith.constant 16 : i32
        %mul3A_552 = arith.muli %add3A_550, %mul3A_551 : i32
        %mul3A_553 = arith.constant 8 : i32
        %mul3A_554 = arith.muli %scan3A_534, %mul3A_553 : i32
        %add3A_555 = arith.constant 3 : i32
        %add3A_556 = arith.addi %mul3A_554, %add3A_555 : i32
        %mul3A_557 = arith.constant 16 : i32
        %mul3A_558 = arith.muli %add3A_556, %mul3A_557 : i32
        %mul3A_559 = arith.constant 8 : i32
        %mul3A_560 = arith.muli %scan3A_534, %mul3A_559 : i32
        %add3A_561 = arith.constant 4 : i32
        %add3A_562 = arith.addi %mul3A_560, %add3A_561 : i32
        %mul3A_563 = arith.constant 16 : i32
        %mul3A_564 = arith.muli %add3A_562, %mul3A_563 : i32
        %mul3A_565 = arith.constant 8 : i32
        %mul3A_566 = arith.muli %scan3A_534, %mul3A_565 : i32
        %add3A_567 = arith.constant 5 : i32
        %add3A_568 = arith.addi %mul3A_566, %add3A_567 : i32
        %mul3A_569 = arith.constant 16 : i32
        %mul3A_570 = arith.muli %add3A_568, %mul3A_569 : i32
        %mul3A_571 = arith.constant 8 : i32
        %mul3A_572 = arith.muli %scan3A_534, %mul3A_571 : i32
        %add3A_573 = arith.constant 6 : i32
        %add3A_574 = arith.addi %mul3A_572, %add3A_573 : i32
        %mul3A_575 = arith.constant 16 : i32
        %mul3A_576 = arith.muli %add3A_574, %mul3A_575 : i32
        %mul3A_577 = arith.constant 8 : i32
        %mul3A_578 = arith.muli %scan3A_534, %mul3A_577 : i32
        %add3A_579 = arith.constant 7 : i32
        %add3A_580 = arith.addi %mul3A_578, %add3A_579 : i32
        %mul3A_581 = arith.constant 16 : i32
        %mul3A_582 = arith.muli %add3A_580, %mul3A_581 : i32
        %get3A = arith.index_cast %mul3A_540 : i32 to index
        %get3A_583 = tpu.vector_load %arg8[%get3A] {strides = array<i32>} : memref<512xf32, #tpu.memory_space<vmem>>, vector<16xf32>,
        %get3A_584 = arith.index_cast %mul3A_546 : i32 to index
        %get3A_585 = tpu.vector_load %arg8[%get3A_584] {strides = array<i32>} : memref<512xf32, #tpu.memory_space<vmem>>, vector<16xf32>,
        %get3A_586 = arith.index_cast %mul3A_552 : i32 to index
        %get3A_587 = tpu.vector_load %arg8[%get3A_586] {strides = array<i32>} : memref<512xf32, #tpu.memory_space<vmem>>, vector<16xf32>,
        %get3A_588 = arith.index_cast %mul3A_558 : i32 to index
        %get3A_589 = tpu.vector_load %arg8[%get3A_588] {strides = array<i32>} : memref<512xf32, #tpu.memory_space<vmem>>, vector<16xf32>,
        %get3A_590 = arith.index_cast %mul3A_564 : i32 to index
        %get3A_591 = tpu.vector_load %arg8[%get3A_590] {strides = array<i32>} : memref<512xf32, #tpu.memory_space<vmem>>, vector<16xf32>,
        %get3A_592 = arith.index_cast %mul3A_570 : i32 to index
        %get3A_593 = tpu.vector_load %arg8[%get3A_592] {strides = array<i32>} : memref<512xf32, #tpu.memory_space<vmem>>, vector<16xf32>,
        %get3A_594 = arith.index_cast %mul3A_576 : i32 to index
        %get3A_595 = tpu.vector_load %arg8[%get3A_594] {strides = array<i32>} : memref<512xf32, #tpu.memory_space<vmem>>, vector<16xf32>,
        %get3A_596 = arith.index_cast %mul3A_582 : i32 to index
        %get3A_597 = tpu.vector_load %arg8[%get3A_596] {strides = array<i32>} : memref<512xf32, #tpu.memory_space<vmem>>, vector<16xf32>,
        %broadcast_in_dim3A_598 = arith.constant 256 : i32
        %broadcast_in_dim3A_599 = vector.broadcast %broadcast_in_dim3A_598 : i32 to vector<16xi32>
        %broadcast_in_dim3A_600 = arith.constant 0 : i32
        %broadcast_in_dim3A_601 = vector.broadcast %broadcast_in_dim3A_600 : i32 to vector<16xi32>
        %lt3A_602 = arith.cmpf olt, %gather3A, %get3A_583 : vector<16xf32>
        %select_n3A_603 = arith.select %lt3A_602, %broadcast_in_dim3A_599, %broadcast_in_dim3A_601 : vector<16xi1>, vector<16xi32>
        %lt3A_604 = arith.cmpf olt, %gather3A, %get3A_585 : vector<16xf32>
        %select_n3A_605 = arith.select %lt3A_604, %broadcast_in_dim3A_599, %broadcast_in_dim3A_601 : vector<16xi1>, vector<16xi32>
        %lt3A_606 = arith.cmpf olt, %gather3A, %get3A_587 : vector<16xf32>
        %select_n3A_607 = arith.select %lt3A_606, %broadcast_in_dim3A_599, %broadcast_in_dim3A_601 : vector<16xi1>, vector<16xi32>
        %lt3A_608 = arith.cmpf olt, %gather3A, %get3A_589 : vector<16xf32>
        %select_n3A_609 = arith.select %lt3A_608, %broadcast_in_dim3A_599, %broadcast_in_dim3A_601 : vector<16xi1>, vector<16xi32>
        %lt3A_610 = arith.cmpf olt, %gather3A, %get3A_591 : vector<16xf32>
        %select_n3A_611 = arith.select %lt3A_610, %broadcast_in_dim3A_599, %broadcast_in_dim3A_601 : vector<16xi1>, vector<16xi32>
        %lt3A_612 = arith.cmpf olt, %gather3A, %get3A_593 : vector<16xf32>
        %select_n3A_613 = arith.select %lt3A_612, %broadcast_in_dim3A_599, %broadcast_in_dim3A_601 : vector<16xi1>, vector<16xi32>
        %lt3A_614 = arith.cmpf olt, %gather3A, %get3A_595 : vector<16xf32>
        %select_n3A_615 = arith.select %lt3A_614, %broadcast_in_dim3A_599, %broadcast_in_dim3A_601 : vector<16xi1>, vector<16xi32>
        %lt3A_616 = arith.cmpf olt, %gather3A, %get3A_597 : vector<16xf32>
        %select_n3A_617 = arith.select %lt3A_616, %broadcast_in_dim3A_599, %broadcast_in_dim3A_601 : vector<16xi1>, vector<16xi32>
        %add3A_618 = arith.constant 128 : i32
        %add3A_619 = vector.broadcast %add3A_618 : i32 to vector<16xi32>
        %add3A_620 = arith.addi %select_n3A_603, %add3A_619 : vector<16xi32>
        %min3A = arith.constant 256 : i32
        %min3A_621 = vector.broadcast %min3A : i32 to vector<16xi32>
        %min3A_622 = arith.minsi %add3A_620, %min3A_621 : vector<16xi32>
        %add3A_623 = arith.constant 128 : i32
        %add3A_624 = vector.broadcast %add3A_623 : i32 to vector<16xi32>
        %add3A_625 = arith.addi %select_n3A_605, %add3A_624 : vector<16xi32>
        %min3A_626 = arith.constant 256 : i32
        %min3A_627 = vector.broadcast %min3A_626 : i32 to vector<16xi32>
        %min3A_628 = arith.minsi %add3A_625, %min3A_627 : vector<16xi32>
        %add3A_629 = arith.constant 128 : i32
        %add3A_630 = vector.broadcast %add3A_629 : i32 to vector<16xi32>
        %add3A_631 = arith.addi %select_n3A_607, %add3A_630 : vector<16xi32>
        %min3A_632 = arith.constant 256 : i32
        %min3A_633 = vector.broadcast %min3A_632 : i32 to vector<16xi32>
        %min3A_634 = arith.minsi %add3A_631, %min3A_633 : vector<16xi32>
        %add3A_635 = arith.constant 128 : i32
        %add3A_636 = vector.broadcast %add3A_635 : i32 to vector<16xi32>
        %add3A_637 = arith.addi %select_n3A_609, %add3A_636 : vector<16xi32>
        %min3A_638 = arith.constant 256 : i32
        %min3A_639 = vector.broadcast %min3A_638 : i32 to vector<16xi32>
        %min3A_640 = arith.minsi %add3A_637, %min3A_639 : vector<16xi32>
        %add3A_641 = arith.constant 128 : i32
        %add3A_642 = vector.broadcast %add3A_641 : i32 to vector<16xi32>
        %add3A_643 = arith.addi %select_n3A_611, %add3A_642 : vector<16xi32>
        %min3A_644 = arith.constant 256 : i32
        %min3A_645 = vector.broadcast %min3A_644 : i32 to vector<16xi32>
        %min3A_646 = arith.minsi %add3A_643, %min3A_645 : vector<16xi32>
        %add3A_647 = arith.constant 128 : i32
        %add3A_648 = vector.broadcast %add3A_647 : i32 to vector<16xi32>
        %add3A_649 = arith.addi %select_n3A_613, %add3A_648 : vector<16xi32>
        %min3A_650 = arith.constant 256 : i32
        %min3A_651 = vector.broadcast %min3A_650 : i32 to vector<16xi32>
        %min3A_652 = arith.minsi %add3A_649, %min3A_651 : vector<16xi32>
        %add3A_653 = arith.constant 128 : i32
        %add3A_654 = vector.broadcast %add3A_653 : i32 to vector<16xi32>
        %add3A_655 = arith.addi %select_n3A_615, %add3A_654 : vector<16xi32>
        %min3A_656 = arith.constant 256 : i32
        %min3A_657 = vector.broadcast %min3A_656 : i32 to vector<16xi32>
        %min3A_658 = arith.minsi %add3A_655, %min3A_657 : vector<16xi32>
        %add3A_659 = arith.constant 128 : i32
        %add3A_660 = vector.broadcast %add3A_659 : i32 to vector<16xi32>
        %add3A_661 = arith.addi %select_n3A_617, %add3A_660 : vector<16xi32>
        %min3A_662 = arith.constant 256 : i32
        %min3A_663 = vector.broadcast %min3A_662 : i32 to vector<16xi32>
        %min3A_664 = arith.minsi %add3A_661, %min3A_663 : vector<16xi32>
        %sub3A_665 = arith.constant 1 : i32
        %sub3A_666 = vector.broadcast %sub3A_665 : i32 to vector<16xi32>
        %sub3A_667 = arith.subi %min3A_622, %sub3A_666 : vector<16xi32>
        %gather3A_668 = tpu.vector_load_idx %arg7[%sub3A_667] : memref<256xf32, #tpu.memory_space<vmem>>[vector<16xi32>], vector<16xf32>,
        %sub3A_669 = arith.constant 1 : i32
        %sub3A_670 = vector.broadcast %sub3A_669 : i32 to vector<16xi32>
        %sub3A_671 = arith.subi %min3A_628, %sub3A_670 : vector<16xi32>
        %gather3A_672 = tpu.vector_load_idx %arg7[%sub3A_671] : memref<256xf32, #tpu.memory_space<vmem>>[vector<16xi32>], vector<16xf32>,
        %sub3A_673 = arith.constant 1 : i32
        %sub3A_674 = vector.broadcast %sub3A_673 : i32 to vector<16xi32>
        %sub3A_675 = arith.subi %min3A_634, %sub3A_674 : vector<16xi32>
        %gather3A_676 = tpu.vector_load_idx %arg7[%sub3A_675] : memref<256xf32, #tpu.memory_space<vmem>>[vector<16xi32>], vector<16xf32>,
        %sub3A_677 = arith.constant 1 : i32
        %sub3A_678 = vector.broadcast %sub3A_677 : i32 to vector<16xi32>
        %sub3A_679 = arith.subi %min3A_640, %sub3A_678 : vector<16xi32>
        %gather3A_680 = tpu.vector_load_idx %arg7[%sub3A_679] : memref<256xf32, #tpu.memory_space<vmem>>[vector<16xi32>], vector<16xf32>,
        %sub3A_681 = arith.constant 1 : i32
        %sub3A_682 = vector.broadcast %sub3A_681 : i32 to vector<16xi32>
        %sub3A_683 = arith.subi %min3A_646, %sub3A_682 : vector<16xi32>
        %gather3A_684 = tpu.vector_load_idx %arg7[%sub3A_683] : memref<256xf32, #tpu.memory_space<vmem>>[vector<16xi32>], vector<16xf32>,
        %sub3A_685 = arith.constant 1 : i32
        %sub3A_686 = vector.broadcast %sub3A_685 : i32 to vector<16xi32>
        %sub3A_687 = arith.subi %min3A_652, %sub3A_686 : vector<16xi32>
        %gather3A_688 = tpu.vector_load_idx %arg7[%sub3A_687] : memref<256xf32, #tpu.memory_space<vmem>>[vector<16xi32>], vector<16xf32>,
        %sub3A_689 = arith.constant 1 : i32
        %sub3A_690 = vector.broadcast %sub3A_689 : i32 to vector<16xi32>
        %sub3A_691 = arith.subi %min3A_658, %sub3A_690 : vector<16xi32>
        %gather3A_692 = tpu.vector_load_idx %arg7[%sub3A_691] : memref<256xf32, #tpu.memory_space<vmem>>[vector<16xi32>], vector<16xf32>,
        %sub3A_693 = arith.constant 1 : i32
        %sub3A_694 = vector.broadcast %sub3A_693 : i32 to vector<16xi32>
        %sub3A_695 = arith.subi %min3A_664, %sub3A_694 : vector<16xi32>
        %gather3A_696 = tpu.vector_load_idx %arg7[%sub3A_695] : memref<256xf32, #tpu.memory_space<vmem>>[vector<16xi32>], vector<16xf32>,
        %lt3A_697 = arith.cmpf olt, %gather3A_668, %get3A_583 : vector<16xf32>
        %select_n3A_698 = arith.select %lt3A_697, %min3A_622, %select_n3A_603 : vector<16xi1>, vector<16xi32>
        %lt3A_699 = arith.cmpf olt, %gather3A_672, %get3A_585 : vector<16xf32>
        %select_n3A_700 = arith.select %lt3A_699, %min3A_628, %select_n3A_605 : vector<16xi1>, vector<16xi32>
        %lt3A_701 = arith.cmpf olt, %gather3A_676, %get3A_587 : vector<16xf32>
        %select_n3A_702 = arith.select %lt3A_701, %min3A_634, %select_n3A_607 : vector<16xi1>, vector<16xi32>
        %lt3A_703 = arith.cmpf olt, %gather3A_680, %get3A_589 : vector<16xf32>
        %select_n3A_704 = arith.select %lt3A_703, %min3A_640, %select_n3A_609 : vector<16xi1>, vector<16xi32>
        %lt3A_705 = arith.cmpf olt, %gather3A_684, %get3A_591 : vector<16xf32>
        %select_n3A_706 = arith.select %lt3A_705, %min3A_646, %select_n3A_611 : vector<16xi1>, vector<16xi32>
        %lt3A_707 = arith.cmpf olt, %gather3A_688, %get3A_593 : vector<16xf32>
        %select_n3A_708 = arith.select %lt3A_707, %min3A_652, %select_n3A_613 : vector<16xi1>, vector<16xi32>
        %lt3A_709 = arith.cmpf olt, %gather3A_692, %get3A_595 : vector<16xf32>
        %select_n3A_710 = arith.select %lt3A_709, %min3A_658, %select_n3A_615 : vector<16xi1>, vector<16xi32>
        %lt3A_711 = arith.cmpf olt, %gather3A_696, %get3A_597 : vector<16xf32>
        %select_n3A_712 = arith.select %lt3A_711, %min3A_664, %select_n3A_617 : vector<16xi1>, vector<16xi32>
        %add3A_713 = arith.constant 64 : i32
        %add3A_714 = vector.broadcast %add3A_713 : i32 to vector<16xi32>
        %add3A_715 = arith.addi %select_n3A_698, %add3A_714 : vector<16xi32>
        %min3A_716 = arith.constant 256 : i32
        %min3A_717 = vector.broadcast %min3A_716 : i32 to vector<16xi32>
        %min3A_718 = arith.minsi %add3A_715, %min3A_717 : vector<16xi32>
        %add3A_719 = arith.constant 64 : i32
        %add3A_720 = vector.broadcast %add3A_719 : i32 to vector<16xi32>
        %add3A_721 = arith.addi %select_n3A_700, %add3A_720 : vector<16xi32>
        %min3A_722 = arith.constant 256 : i32
        %min3A_723 = vector.broadcast %min3A_722 : i32 to vector<16xi32>
        %min3A_724 = arith.minsi %add3A_721, %min3A_723 : vector<16xi32>
        %add3A_725 = arith.constant 64 : i32
        %add3A_726 = vector.broadcast %add3A_725 : i32 to vector<16xi32>
        %add3A_727 = arith.addi %select_n3A_702, %add3A_726 : vector<16xi32>
        %min3A_728 = arith.constant 256 : i32
        %min3A_729 = vector.broadcast %min3A_728 : i32 to vector<16xi32>
        %min3A_730 = arith.minsi %add3A_727, %min3A_729 : vector<16xi32>
        %add3A_731 = arith.constant 64 : i32
        %add3A_732 = vector.broadcast %add3A_731 : i32 to vector<16xi32>
        %add3A_733 = arith.addi %select_n3A_704, %add3A_732 : vector<16xi32>
        %min3A_734 = arith.constant 256 : i32
        %min3A_735 = vector.broadcast %min3A_734 : i32 to vector<16xi32>
        %min3A_736 = arith.minsi %add3A_733, %min3A_735 : vector<16xi32>
        %add3A_737 = arith.constant 64 : i32
        %add3A_738 = vector.broadcast %add3A_737 : i32 to vector<16xi32>
        %add3A_739 = arith.addi %select_n3A_706, %add3A_738 : vector<16xi32>
        %min3A_740 = arith.constant 256 : i32
        %min3A_741 = vector.broadcast %min3A_740 : i32 to vector<16xi32>
        %min3A_742 = arith.minsi %add3A_739, %min3A_741 : vector<16xi32>
        %add3A_743 = arith.constant 64 : i32
        %add3A_744 = vector.broadcast %add3A_743 : i32 to vector<16xi32>
        %add3A_745 = arith.addi %select_n3A_708, %add3A_744 : vector<16xi32>
        %min3A_746 = arith.constant 256 : i32
        %min3A_747 = vector.broadcast %min3A_746 : i32 to vector<16xi32>
        %min3A_748 = arith.minsi %add3A_745, %min3A_747 : vector<16xi32>
        %add3A_749 = arith.constant 64 : i32
        %add3A_750 = vector.broadcast %add3A_749 : i32 to vector<16xi32>
        %add3A_751 = arith.addi %select_n3A_710, %add3A_750 : vector<16xi32>
        %min3A_752 = arith.constant 256 : i32
        %min3A_753 = vector.broadcast %min3A_752 : i32 to vector<16xi32>
        %min3A_754 = arith.minsi %add3A_751, %min3A_753 : vector<16xi32>
        %add3A_755 = arith.constant 64 : i32
        %add3A_756 = vector.broadcast %add3A_755 : i32 to vector<16xi32>
        %add3A_757 = arith.addi %select_n3A_712, %add3A_756 : vector<16xi32>
        %min3A_758 = arith.constant 256 : i32
        %min3A_759 = vector.broadcast %min3A_758 : i32 to vector<16xi32>
        %min3A_760 = arith.minsi %add3A_757, %min3A_759 : vector<16xi32>
        %sub3A_761 = arith.constant 1 : i32
        %sub3A_762 = vector.broadcast %sub3A_761 : i32 to vector<16xi32>
        %sub3A_763 = arith.subi %min3A_718, %sub3A_762 : vector<16xi32>
        %gather3A_764 = tpu.vector_load_idx %arg7[%sub3A_763] : memref<256xf32, #tpu.memory_space<vmem>>[vector<16xi32>], vector<16xf32>,
        %sub3A_765 = arith.constant 1 : i32
        %sub3A_766 = vector.broadcast %sub3A_765 : i32 to vector<16xi32>
        %sub3A_767 = arith.subi %min3A_724, %sub3A_766 : vector<16xi32>
        %gather3A_768 = tpu.vector_load_idx %arg7[%sub3A_767] : memref<256xf32, #tpu.memory_space<vmem>>[vector<16xi32>], vector<16xf32>,
        %sub3A_769 = arith.constant 1 : i32
        %sub3A_770 = vector.broadcast %sub3A_769 : i32 to vector<16xi32>
        %sub3A_771 = arith.subi %min3A_730, %sub3A_770 : vector<16xi32>
        %gather3A_772 = tpu.vector_load_idx %arg7[%sub3A_771] : memref<256xf32, #tpu.memory_space<vmem>>[vector<16xi32>], vector<16xf32>,
        %sub3A_773 = arith.constant 1 : i32
        %sub3A_774 = vector.broadcast %sub3A_773 : i32 to vector<16xi32>
        %sub3A_775 = arith.subi %min3A_736, %sub3A_774 : vector<16xi32>
        %gather3A_776 = tpu.vector_load_idx %arg7[%sub3A_775] : memref<256xf32, #tpu.memory_space<vmem>>[vector<16xi32>], vector<16xf32>,
        %sub3A_777 = arith.constant 1 : i32
        %sub3A_778 = vector.broadcast %sub3A_777 : i32 to vector<16xi32>
        %sub3A_779 = arith.subi %min3A_742, %sub3A_778 : vector<16xi32>
        %gather3A_780 = tpu.vector_load_idx %arg7[%sub3A_779] : memref<256xf32, #tpu.memory_space<vmem>>[vector<16xi32>], vector<16xf32>,
        %sub3A_781 = arith.constant 1 : i32
        %sub3A_782 = vector.broadcast %sub3A_781 : i32 to vector<16xi32>
        %sub3A_783 = arith.subi %min3A_748, %sub3A_782 : vector<16xi32>
        %gather3A_784 = tpu.vector_load_idx %arg7[%sub3A_783] : memref<256xf32, #tpu.memory_space<vmem>>[vector<16xi32>], vector<16xf32>,
        %sub3A_785 = arith.constant 1 : i32
        %sub3A_786 = vector.broadcast %sub3A_785 : i32 to vector<16xi32>
        %sub3A_787 = arith.subi %min3A_754, %sub3A_786 : vector<16xi32>
        %gather3A_788 = tpu.vector_load_idx %arg7[%sub3A_787] : memref<256xf32, #tpu.memory_space<vmem>>[vector<16xi32>], vector<16xf32>,
        %sub3A_789 = arith.constant 1 : i32
        %sub3A_790 = vector.broadcast %sub3A_789 : i32 to vector<16xi32>
        %sub3A_791 = arith.subi %min3A_760, %sub3A_790 : vector<16xi32>
        %gather3A_792 = tpu.vector_load_idx %arg7[%sub3A_791] : memref<256xf32, #tpu.memory_space<vmem>>[vector<16xi32>], vector<16xf32>,
        %lt3A_793 = arith.cmpf olt, %gather3A_764, %get3A_583 : vector<16xf32>
        %select_n3A_794 = arith.select %lt3A_793, %min3A_718, %select_n3A_698 : vector<16xi1>, vector<16xi32>
        %lt3A_795 = arith.cmpf olt, %gather3A_768, %get3A_585 : vector<16xf32>
        %select_n3A_796 = arith.select %lt3A_795, %min3A_724, %select_n3A_700 : vector<16xi1>, vector<16xi32>
        %lt3A_797 = arith.cmpf olt, %gather3A_772, %get3A_587 : vector<16xf32>
        %select_n3A_798 = arith.select %lt3A_797, %min3A_730, %select_n3A_702 : vector<16xi1>, vector<16xi32>
        %lt3A_799 = arith.cmpf olt, %gather3A_776, %get3A_589 : vector<16xf32>
        %select_n3A_800 = arith.select %lt3A_799, %min3A_736, %select_n3A_704 : vector<16xi1>, vector<16xi32>
        %lt3A_801 = arith.cmpf olt, %gather3A_780, %get3A_591 : vector<16xf32>
        %select_n3A_802 = arith.select %lt3A_801, %min3A_742, %select_n3A_706 : vector<16xi1>, vector<16xi32>
        %lt3A_803 = arith.cmpf olt, %gather3A_784, %get3A_593 : vector<16xf32>
        %select_n3A_804 = arith.select %lt3A_803, %min3A_748, %select_n3A_708 : vector<16xi1>, vector<16xi32>
        %lt3A_805 = arith.cmpf olt, %gather3A_788, %get3A_595 : vector<16xf32>
        %select_n3A_806 = arith.select %lt3A_805, %min3A_754, %select_n3A_710 : vector<16xi1>, vector<16xi32>
        %lt3A_807 = arith.cmpf olt, %gather3A_792, %get3A_597 : vector<16xf32>
        %select_n3A_808 = arith.select %lt3A_807, %min3A_760, %select_n3A_712 : vector<16xi1>, vector<16xi32>
        %add3A_809 = arith.constant 32 : i32
        %add3A_810 = vector.broadcast %add3A_809 : i32 to vector<16xi32>
        %add3A_811 = arith.addi %select_n3A_794, %add3A_810 : vector<16xi32>
        %min3A_812 = arith.constant 256 : i32
        %min3A_813 = vector.broadcast %min3A_812 : i32 to vector<16xi32>
        %min3A_814 = arith.minsi %add3A_811, %min3A_813 : vector<16xi32>
        %add3A_815 = arith.constant 32 : i32
        %add3A_816 = vector.broadcast %add3A_815 : i32 to vector<16xi32>
        %add3A_817 = arith.addi %select_n3A_796, %add3A_816 : vector<16xi32>
        %min3A_818 = arith.constant 256 : i32
        %min3A_819 = vector.broadcast %min3A_818 : i32 to vector<16xi32>
        %min3A_820 = arith.minsi %add3A_817, %min3A_819 : vector<16xi32>
        %add3A_821 = arith.constant 32 : i32
        %add3A_822 = vector.broadcast %add3A_821 : i32 to vector<16xi32>
        %add3A_823 = arith.addi %select_n3A_798, %add3A_822 : vector<16xi32>
        %min3A_824 = arith.constant 256 : i32
        %min3A_825 = vector.broadcast %min3A_824 : i32 to vector<16xi32>
        %min3A_826 = arith.minsi %add3A_823, %min3A_825 : vector<16xi32>
        %add3A_827 = arith.constant 32 : i32
        %add3A_828 = vector.broadcast %add3A_827 : i32 to vector<16xi32>
        %add3A_829 = arith.addi %select_n3A_800, %add3A_828 : vector<16xi32>
        %min3A_830 = arith.constant 256 : i32
        %min3A_831 = vector.broadcast %min3A_830 : i32 to vector<16xi32>
        %min3A_832 = arith.minsi %add3A_829, %min3A_831 : vector<16xi32>
        %add3A_833 = arith.constant 32 : i32
        %add3A_834 = vector.broadcast %add3A_833 : i32 to vector<16xi32>
        %add3A_835 = arith.addi %select_n3A_802, %add3A_834 : vector<16xi32>
        %min3A_836 = arith.constant 256 : i32
        %min3A_837 = vector.broadcast %min3A_836 : i32 to vector<16xi32>
        %min3A_838 = arith.minsi %add3A_835, %min3A_837 : vector<16xi32>
        %add3A_839 = arith.constant 32 : i32
        %add3A_840 = vector.broadcast %add3A_839 : i32 to vector<16xi32>
        %add3A_841 = arith.addi %select_n3A_804, %add3A_840 : vector<16xi32>
        %min3A_842 = arith.constant 256 : i32
        %min3A_843 = vector.broadcast %min3A_842 : i32 to vector<16xi32>
        %min3A_844 = arith.minsi %add3A_841, %min3A_843 : vector<16xi32>
        %add3A_845 = arith.constant 32 : i32
        %add3A_846 = vector.broadcast %add3A_845 : i32 to vector<16xi32>
        %add3A_847 = arith.addi %select_n3A_806, %add3A_846 : vector<16xi32>
        %min3A_848 = arith.constant 256 : i32
        %min3A_849 = vector.broadcast %min3A_848 : i32 to vector<16xi32>
        %min3A_850 = arith.minsi %add3A_847, %min3A_849 : vector<16xi32>
        %add3A_851 = arith.constant 32 : i32
        %add3A_852 = vector.broadcast %add3A_851 : i32 to vector<16xi32>
        %add3A_853 = arith.addi %select_n3A_808, %add3A_852 : vector<16xi32>
        %min3A_854 = arith.constant 256 : i32
        %min3A_855 = vector.broadcast %min3A_854 : i32 to vector<16xi32>
        %min3A_856 = arith.minsi %add3A_853, %min3A_855 : vector<16xi32>
        %sub3A_857 = arith.constant 1 : i32
        %sub3A_858 = vector.broadcast %sub3A_857 : i32 to vector<16xi32>
        %sub3A_859 = arith.subi %min3A_814, %sub3A_858 : vector<16xi32>
        %gather3A_860 = tpu.vector_load_idx %arg7[%sub3A_859] : memref<256xf32, #tpu.memory_space<vmem>>[vector<16xi32>], vector<16xf32>,
        %sub3A_861 = arith.constant 1 : i32
        %sub3A_862 = vector.broadcast %sub3A_861 : i32 to vector<16xi32>
        %sub3A_863 = arith.subi %min3A_820, %sub3A_862 : vector<16xi32>
        %gather3A_864 = tpu.vector_load_idx %arg7[%sub3A_863] : memref<256xf32, #tpu.memory_space<vmem>>[vector<16xi32>], vector<16xf32>,
        %sub3A_865 = arith.constant 1 : i32
        %sub3A_866 = vector.broadcast %sub3A_865 : i32 to vector<16xi32>
        %sub3A_867 = arith.subi %min3A_826, %sub3A_866 : vector<16xi32>
        %gather3A_868 = tpu.vector_load_idx %arg7[%sub3A_867] : memref<256xf32, #tpu.memory_space<vmem>>[vector<16xi32>], vector<16xf32>,
        %sub3A_869 = arith.constant 1 : i32
        %sub3A_870 = vector.broadcast %sub3A_869 : i32 to vector<16xi32>
        %sub3A_871 = arith.subi %min3A_832, %sub3A_870 : vector<16xi32>
        %gather3A_872 = tpu.vector_load_idx %arg7[%sub3A_871] : memref<256xf32, #tpu.memory_space<vmem>>[vector<16xi32>], vector<16xf32>,
        %sub3A_873 = arith.constant 1 : i32
        %sub3A_874 = vector.broadcast %sub3A_873 : i32 to vector<16xi32>
        %sub3A_875 = arith.subi %min3A_838, %sub3A_874 : vector<16xi32>
        %gather3A_876 = tpu.vector_load_idx %arg7[%sub3A_875] : memref<256xf32, #tpu.memory_space<vmem>>[vector<16xi32>], vector<16xf32>,
        %sub3A_877 = arith.constant 1 : i32
        %sub3A_878 = vector.broadcast %sub3A_877 : i32 to vector<16xi32>
        %sub3A_879 = arith.subi %min3A_844, %sub3A_878 : vector<16xi32>
        %gather3A_880 = tpu.vector_load_idx %arg7[%sub3A_879] : memref<256xf32, #tpu.memory_space<vmem>>[vector<16xi32>], vector<16xf32>,
        %sub3A_881 = arith.constant 1 : i32
        %sub3A_882 = vector.broadcast %sub3A_881 : i32 to vector<16xi32>
        %sub3A_883 = arith.subi %min3A_850, %sub3A_882 : vector<16xi32>
        %gather3A_884 = tpu.vector_load_idx %arg7[%sub3A_883] : memref<256xf32, #tpu.memory_space<vmem>>[vector<16xi32>], vector<16xf32>,
        %sub3A_885 = arith.constant 1 : i32
        %sub3A_886 = vector.broadcast %sub3A_885 : i32 to vector<16xi32>
        %sub3A_887 = arith.subi %min3A_856, %sub3A_886 : vector<16xi32>
        %gather3A_888 = tpu.vector_load_idx %arg7[%sub3A_887] : memref<256xf32, #tpu.memory_space<vmem>>[vector<16xi32>], vector<16xf32>,
        %lt3A_889 = arith.cmpf olt, %gather3A_860, %get3A_583 : vector<16xf32>
        %select_n3A_890 = arith.select %lt3A_889, %min3A_814, %select_n3A_794 : vector<16xi1>, vector<16xi32>
        %lt3A_891 = arith.cmpf olt, %gather3A_864, %get3A_585 : vector<16xf32>
        %select_n3A_892 = arith.select %lt3A_891, %min3A_820, %select_n3A_796 : vector<16xi1>, vector<16xi32>
        %lt3A_893 = arith.cmpf olt, %gather3A_868, %get3A_587 : vector<16xf32>
        %select_n3A_894 = arith.select %lt3A_893, %min3A_826, %select_n3A_798 : vector<16xi1>, vector<16xi32>
        %lt3A_895 = arith.cmpf olt, %gather3A_872, %get3A_589 : vector<16xf32>
        %select_n3A_896 = arith.select %lt3A_895, %min3A_832, %select_n3A_800 : vector<16xi1>, vector<16xi32>
        %lt3A_897 = arith.cmpf olt, %gather3A_876, %get3A_591 : vector<16xf32>
        %select_n3A_898 = arith.select %lt3A_897, %min3A_838, %select_n3A_802 : vector<16xi1>, vector<16xi32>
        %lt3A_899 = arith.cmpf olt, %gather3A_880, %get3A_593 : vector<16xf32>
        %select_n3A_900 = arith.select %lt3A_899, %min3A_844, %select_n3A_804 : vector<16xi1>, vector<16xi32>
        %lt3A_901 = arith.cmpf olt, %gather3A_884, %get3A_595 : vector<16xf32>
        %select_n3A_902 = arith.select %lt3A_901, %min3A_850, %select_n3A_806 : vector<16xi1>, vector<16xi32>
        %lt3A_903 = arith.cmpf olt, %gather3A_888, %get3A_597 : vector<16xf32>
        %select_n3A_904 = arith.select %lt3A_903, %min3A_856, %select_n3A_808 : vector<16xi1>, vector<16xi32>
        %add3A_905 = arith.constant 16 : i32
        %add3A_906 = vector.broadcast %add3A_905 : i32 to vector<16xi32>
        %add3A_907 = arith.addi %select_n3A_890, %add3A_906 : vector<16xi32>
        %min3A_908 = arith.constant 256 : i32
        %min3A_909 = vector.broadcast %min3A_908 : i32 to vector<16xi32>
        %min3A_910 = arith.minsi %add3A_907, %min3A_909 : vector<16xi32>
        %add3A_911 = arith.constant 16 : i32
        %add3A_912 = vector.broadcast %add3A_911 : i32 to vector<16xi32>
        %add3A_913 = arith.addi %select_n3A_892, %add3A_912 : vector<16xi32>
        %min3A_914 = arith.constant 256 : i32
        %min3A_915 = vector.broadcast %min3A_914 : i32 to vector<16xi32>
        %min3A_916 = arith.minsi %add3A_913, %min3A_915 : vector<16xi32>
        %add3A_917 = arith.constant 16 : i32
        %add3A_918 = vector.broadcast %add3A_917 : i32 to vector<16xi32>
        %add3A_919 = arith.addi %select_n3A_894, %add3A_918 : vector<16xi32>
        %min3A_920 = arith.constant 256 : i32
        %min3A_921 = vector.broadcast %min3A_920 : i32 to vector<16xi32>
        %min3A_922 = arith.minsi %add3A_919, %min3A_921 : vector<16xi32>
        %add3A_923 = arith.constant 16 : i32
        %add3A_924 = vector.broadcast %add3A_923 : i32 to vector<16xi32>
        %add3A_925 = arith.addi %select_n3A_896, %add3A_924 : vector<16xi32>
        %min3A_926 = arith.constant 256 : i32
        %min3A_927 = vector.broadcast %min3A_926 : i32 to vector<16xi32>
        %min3A_928 = arith.minsi %add3A_925, %min3A_927 : vector<16xi32>
        %add3A_929 = arith.constant 16 : i32
        %add3A_930 = vector.broadcast %add3A_929 : i32 to vector<16xi32>
        %add3A_931 = arith.addi %select_n3A_898, %add3A_930 : vector<16xi32>
        %min3A_932 = arith.constant 256 : i32
        %min3A_933 = vector.broadcast %min3A_932 : i32 to vector<16xi32>
        %min3A_934 = arith.minsi %add3A_931, %min3A_933 : vector<16xi32>
        %add3A_935 = arith.constant 16 : i32
        %add3A_936 = vector.broadcast %add3A_935 : i32 to vector<16xi32>
        %add3A_937 = arith.addi %select_n3A_900, %add3A_936 : vector<16xi32>
        %min3A_938 = arith.constant 256 : i32
        %min3A_939 = vector.broadcast %min3A_938 : i32 to vector<16xi32>
        %min3A_940 = arith.minsi %add3A_937, %min3A_939 : vector<16xi32>
        %add3A_941 = arith.constant 16 : i32
        %add3A_942 = vector.broadcast %add3A_941 : i32 to vector<16xi32>
        %add3A_943 = arith.addi %select_n3A_902, %add3A_942 : vector<16xi32>
        %min3A_944 = arith.constant 256 : i32
        %min3A_945 = vector.broadcast %min3A_944 : i32 to vector<16xi32>
        %min3A_946 = arith.minsi %add3A_943, %min3A_945 : vector<16xi32>
        %add3A_947 = arith.constant 16 : i32
        %add3A_948 = vector.broadcast %add3A_947 : i32 to vector<16xi32>
        %add3A_949 = arith.addi %select_n3A_904, %add3A_948 : vector<16xi32>
        %min3A_950 = arith.constant 256 : i32
        %min3A_951 = vector.broadcast %min3A_950 : i32 to vector<16xi32>
        %min3A_952 = arith.minsi %add3A_949, %min3A_951 : vector<16xi32>
        %sub3A_953 = arith.constant 1 : i32
        %sub3A_954 = vector.broadcast %sub3A_953 : i32 to vector<16xi32>
        %sub3A_955 = arith.subi %min3A_910, %sub3A_954 : vector<16xi32>
        %gather3A_956 = tpu.vector_load_idx %arg7[%sub3A_955] : memref<256xf32, #tpu.memory_space<vmem>>[vector<16xi32>], vector<16xf32>,
        %sub3A_957 = arith.constant 1 : i32
        %sub3A_958 = vector.broadcast %sub3A_957 : i32 to vector<16xi32>
        %sub3A_959 = arith.subi %min3A_916, %sub3A_958 : vector<16xi32>
        %gather3A_960 = tpu.vector_load_idx %arg7[%sub3A_959] : memref<256xf32, #tpu.memory_space<vmem>>[vector<16xi32>], vector<16xf32>,
        %sub3A_961 = arith.constant 1 : i32
        %sub3A_962 = vector.broadcast %sub3A_961 : i32 to vector<16xi32>
        %sub3A_963 = arith.subi %min3A_922, %sub3A_962 : vector<16xi32>
        %gather3A_964 = tpu.vector_load_idx %arg7[%sub3A_963] : memref<256xf32, #tpu.memory_space<vmem>>[vector<16xi32>], vector<16xf32>,
        %sub3A_965 = arith.constant 1 : i32
        %sub3A_966 = vector.broadcast %sub3A_965 : i32 to vector<16xi32>
        %sub3A_967 = arith.subi %min3A_928, %sub3A_966 : vector<16xi32>
        %gather3A_968 = tpu.vector_load_idx %arg7[%sub3A_967] : memref<256xf32, #tpu.memory_space<vmem>>[vector<16xi32>], vector<16xf32>,
        %sub3A_969 = arith.constant 1 : i32
        %sub3A_970 = vector.broadcast %sub3A_969 : i32 to vector<16xi32>
        %sub3A_971 = arith.subi %min3A_934, %sub3A_970 : vector<16xi32>
        %gather3A_972 = tpu.vector_load_idx %arg7[%sub3A_971] : memref<256xf32, #tpu.memory_space<vmem>>[vector<16xi32>], vector<16xf32>,
        %sub3A_973 = arith.constant 1 : i32
        %sub3A_974 = vector.broadcast %sub3A_973 : i32 to vector<16xi32>
        %sub3A_975 = arith.subi %min3A_940, %sub3A_974 : vector<16xi32>
        %gather3A_976 = tpu.vector_load_idx %arg7[%sub3A_975] : memref<256xf32, #tpu.memory_space<vmem>>[vector<16xi32>], vector<16xf32>,
        %sub3A_977 = arith.constant 1 : i32
        %sub3A_978 = vector.broadcast %sub3A_977 : i32 to vector<16xi32>
        %sub3A_979 = arith.subi %min3A_946, %sub3A_978 : vector<16xi32>
        %gather3A_980 = tpu.vector_load_idx %arg7[%sub3A_979] : memref<256xf32, #tpu.memory_space<vmem>>[vector<16xi32>], vector<16xf32>,
        %sub3A_981 = arith.constant 1 : i32
        %sub3A_982 = vector.broadcast %sub3A_981 : i32 to vector<16xi32>
        %sub3A_983 = arith.subi %min3A_952, %sub3A_982 : vector<16xi32>
        %gather3A_984 = tpu.vector_load_idx %arg7[%sub3A_983] : memref<256xf32, #tpu.memory_space<vmem>>[vector<16xi32>], vector<16xf32>,
        %lt3A_985 = arith.cmpf olt, %gather3A_956, %get3A_583 : vector<16xf32>
        %select_n3A_986 = arith.select %lt3A_985, %min3A_910, %select_n3A_890 : vector<16xi1>, vector<16xi32>
        %lt3A_987 = arith.cmpf olt, %gather3A_960, %get3A_585 : vector<16xf32>
        %select_n3A_988 = arith.select %lt3A_987, %min3A_916, %select_n3A_892 : vector<16xi1>, vector<16xi32>
        %lt3A_989 = arith.cmpf olt, %gather3A_964, %get3A_587 : vector<16xf32>
        %select_n3A_990 = arith.select %lt3A_989, %min3A_922, %select_n3A_894 : vector<16xi1>, vector<16xi32>
        %lt3A_991 = arith.cmpf olt, %gather3A_968, %get3A_589 : vector<16xf32>
        %select_n3A_992 = arith.select %lt3A_991, %min3A_928, %select_n3A_896 : vector<16xi1>, vector<16xi32>
        %lt3A_993 = arith.cmpf olt, %gather3A_972, %get3A_591 : vector<16xf32>
        %select_n3A_994 = arith.select %lt3A_993, %min3A_934, %select_n3A_898 : vector<16xi1>, vector<16xi32>
        %lt3A_995 = arith.cmpf olt, %gather3A_976, %get3A_593 : vector<16xf32>
        %select_n3A_996 = arith.select %lt3A_995, %min3A_940, %select_n3A_900 : vector<16xi1>, vector<16xi32>
        %lt3A_997 = arith.cmpf olt, %gather3A_980, %get3A_595 : vector<16xf32>
        %select_n3A_998 = arith.select %lt3A_997, %min3A_946, %select_n3A_902 : vector<16xi1>, vector<16xi32>
        %lt3A_999 = arith.cmpf olt, %gather3A_984, %get3A_597 : vector<16xf32>
        %select_n3A_1000 = arith.select %lt3A_999, %min3A_952, %select_n3A_904 : vector<16xi1>, vector<16xi32>
        %add3A_1001 = arith.constant 8 : i32
        %add3A_1002 = vector.broadcast %add3A_1001 : i32 to vector<16xi32>
        %add3A_1003 = arith.addi %select_n3A_986, %add3A_1002 : vector<16xi32>
        %min3A_1004 = arith.constant 256 : i32
        %min3A_1005 = vector.broadcast %min3A_1004 : i32 to vector<16xi32>
        %min3A_1006 = arith.minsi %add3A_1003, %min3A_1005 : vector<16xi32>
        %add3A_1007 = arith.constant 8 : i32
        %add3A_1008 = vector.broadcast %add3A_1007 : i32 to vector<16xi32>
        %add3A_1009 = arith.addi %select_n3A_988, %add3A_1008 : vector<16xi32>
        %min3A_1010 = arith.constant 256 : i32
        %min3A_1011 = vector.broadcast %min3A_1010 : i32 to vector<16xi32>
        %min3A_1012 = arith.minsi %add3A_1009, %min3A_1011 : vector<16xi32>
        %add3A_1013 = arith.constant 8 : i32
        %add3A_1014 = vector.broadcast %add3A_1013 : i32 to vector<16xi32>
        %add3A_1015 = arith.addi %select_n3A_990, %add3A_1014 : vector<16xi32>
        %min3A_1016 = arith.constant 256 : i32
        %min3A_1017 = vector.broadcast %min3A_1016 : i32 to vector<16xi32>
        %min3A_1018 = arith.minsi %add3A_1015, %min3A_1017 : vector<16xi32>
        %add3A_1019 = arith.constant 8 : i32
        %add3A_1020 = vector.broadcast %add3A_1019 : i32 to vector<16xi32>
        %add3A_1021 = arith.addi %select_n3A_992, %add3A_1020 : vector<16xi32>
        %min3A_1022 = arith.constant 256 : i32
        %min3A_1023 = vector.broadcast %min3A_1022 : i32 to vector<16xi32>
        %min3A_1024 = arith.minsi %add3A_1021, %min3A_1023 : vector<16xi32>
        %add3A_1025 = arith.constant 8 : i32
        %add3A_1026 = vector.broadcast %add3A_1025 : i32 to vector<16xi32>
        %add3A_1027 = arith.addi %select_n3A_994, %add3A_1026 : vector<16xi32>
        %min3A_1028 = arith.constant 256 : i32
        %min3A_1029 = vector.broadcast %min3A_1028 : i32 to vector<16xi32>
        %min3A_1030 = arith.minsi %add3A_1027, %min3A_1029 : vector<16xi32>
        %add3A_1031 = arith.constant 8 : i32
        %add3A_1032 = vector.broadcast %add3A_1031 : i32 to vector<16xi32>
        %add3A_1033 = arith.addi %select_n3A_996, %add3A_1032 : vector<16xi32>
        %min3A_1034 = arith.constant 256 : i32
        %min3A_1035 = vector.broadcast %min3A_1034 : i32 to vector<16xi32>
        %min3A_1036 = arith.minsi %add3A_1033, %min3A_1035 : vector<16xi32>
        %add3A_1037 = arith.constant 8 : i32
        %add3A_1038 = vector.broadcast %add3A_1037 : i32 to vector<16xi32>
        %add3A_1039 = arith.addi %select_n3A_998, %add3A_1038 : vector<16xi32>
        %min3A_1040 = arith.constant 256 : i32
        %min3A_1041 = vector.broadcast %min3A_1040 : i32 to vector<16xi32>
        %min3A_1042 = arith.minsi %add3A_1039, %min3A_1041 : vector<16xi32>
        %add3A_1043 = arith.constant 8 : i32
        %add3A_1044 = vector.broadcast %add3A_1043 : i32 to vector<16xi32>
        %add3A_1045 = arith.addi %select_n3A_1000, %add3A_1044 : vector<16xi32>
        %min3A_1046 = arith.constant 256 : i32
        %min3A_1047 = vector.broadcast %min3A_1046 : i32 to vector<16xi32>
        %min3A_1048 = arith.minsi %add3A_1045, %min3A_1047 : vector<16xi32>
        %sub3A_1049 = arith.constant 1 : i32
        %sub3A_1050 = vector.broadcast %sub3A_1049 : i32 to vector<16xi32>
        %sub3A_1051 = arith.subi %min3A_1006, %sub3A_1050 : vector<16xi32>
        %gather3A_1052 = tpu.vector_load_idx %arg7[%sub3A_1051] : memref<256xf32, #tpu.memory_space<vmem>>[vector<16xi32>], vector<16xf32>,
        %sub3A_1053 = arith.constant 1 : i32
        %sub3A_1054 = vector.broadcast %sub3A_1053 : i32 to vector<16xi32>
        %sub3A_1055 = arith.subi %min3A_1012, %sub3A_1054 : vector<16xi32>
        %gather3A_1056 = tpu.vector_load_idx %arg7[%sub3A_1055] : memref<256xf32, #tpu.memory_space<vmem>>[vector<16xi32>], vector<16xf32>,
        %sub3A_1057 = arith.constant 1 : i32
        %sub3A_1058 = vector.broadcast %sub3A_1057 : i32 to vector<16xi32>
        %sub3A_1059 = arith.subi %min3A_1018, %sub3A_1058 : vector<16xi32>
        %gather3A_1060 = tpu.vector_load_idx %arg7[%sub3A_1059] : memref<256xf32, #tpu.memory_space<vmem>>[vector<16xi32>], vector<16xf32>,
        %sub3A_1061 = arith.constant 1 : i32
        %sub3A_1062 = vector.broadcast %sub3A_1061 : i32 to vector<16xi32>
        %sub3A_1063 = arith.subi %min3A_1024, %sub3A_1062 : vector<16xi32>
        %gather3A_1064 = tpu.vector_load_idx %arg7[%sub3A_1063] : memref<256xf32, #tpu.memory_space<vmem>>[vector<16xi32>], vector<16xf32>,
        %sub3A_1065 = arith.constant 1 : i32
        %sub3A_1066 = vector.broadcast %sub3A_1065 : i32 to vector<16xi32>
        %sub3A_1067 = arith.subi %min3A_1030, %sub3A_1066 : vector<16xi32>
        %gather3A_1068 = tpu.vector_load_idx %arg7[%sub3A_1067] : memref<256xf32, #tpu.memory_space<vmem>>[vector<16xi32>], vector<16xf32>,
        %sub3A_1069 = arith.constant 1 : i32
        %sub3A_1070 = vector.broadcast %sub3A_1069 : i32 to vector<16xi32>
        %sub3A_1071 = arith.subi %min3A_1036, %sub3A_1070 : vector<16xi32>
        %gather3A_1072 = tpu.vector_load_idx %arg7[%sub3A_1071] : memref<256xf32, #tpu.memory_space<vmem>>[vector<16xi32>], vector<16xf32>,
        %sub3A_1073 = arith.constant 1 : i32
        %sub3A_1074 = vector.broadcast %sub3A_1073 : i32 to vector<16xi32>
        %sub3A_1075 = arith.subi %min3A_1042, %sub3A_1074 : vector<16xi32>
        %gather3A_1076 = tpu.vector_load_idx %arg7[%sub3A_1075] : memref<256xf32, #tpu.memory_space<vmem>>[vector<16xi32>], vector<16xf32>,
        %sub3A_1077 = arith.constant 1 : i32
        %sub3A_1078 = vector.broadcast %sub3A_1077 : i32 to vector<16xi32>
        %sub3A_1079 = arith.subi %min3A_1048, %sub3A_1078 : vector<16xi32>
        %gather3A_1080 = tpu.vector_load_idx %arg7[%sub3A_1079] : memref<256xf32, #tpu.memory_space<vmem>>[vector<16xi32>], vector<16xf32>,
        %lt3A_1081 = arith.cmpf olt, %gather3A_1052, %get3A_583 : vector<16xf32>
        %select_n3A_1082 = arith.select %lt3A_1081, %min3A_1006, %select_n3A_986 : vector<16xi1>, vector<16xi32>
        %lt3A_1083 = arith.cmpf olt, %gather3A_1056, %get3A_585 : vector<16xf32>
        %select_n3A_1084 = arith.select %lt3A_1083, %min3A_1012, %select_n3A_988 : vector<16xi1>, vector<16xi32>
        %lt3A_1085 = arith.cmpf olt, %gather3A_1060, %get3A_587 : vector<16xf32>
        %select_n3A_1086 = arith.select %lt3A_1085, %min3A_1018, %select_n3A_990 : vector<16xi1>, vector<16xi32>
        %lt3A_1087 = arith.cmpf olt, %gather3A_1064, %get3A_589 : vector<16xf32>
        %select_n3A_1088 = arith.select %lt3A_1087, %min3A_1024, %select_n3A_992 : vector<16xi1>, vector<16xi32>
        %lt3A_1089 = arith.cmpf olt, %gather3A_1068, %get3A_591 : vector<16xf32>
        %select_n3A_1090 = arith.select %lt3A_1089, %min3A_1030, %select_n3A_994 : vector<16xi1>, vector<16xi32>
        %lt3A_1091 = arith.cmpf olt, %gather3A_1072, %get3A_593 : vector<16xf32>
        %select_n3A_1092 = arith.select %lt3A_1091, %min3A_1036, %select_n3A_996 : vector<16xi1>, vector<16xi32>
        %lt3A_1093 = arith.cmpf olt, %gather3A_1076, %get3A_595 : vector<16xf32>
        %select_n3A_1094 = arith.select %lt3A_1093, %min3A_1042, %select_n3A_998 : vector<16xi1>, vector<16xi32>
        %lt3A_1095 = arith.cmpf olt, %gather3A_1080, %get3A_597 : vector<16xf32>
        %select_n3A_1096 = arith.select %lt3A_1095, %min3A_1048, %select_n3A_1000 : vector<16xi1>, vector<16xi32>
        %add3A_1097 = arith.constant 4 : i32
        %add3A_1098 = vector.broadcast %add3A_1097 : i32 to vector<16xi32>
        %add3A_1099 = arith.addi %select_n3A_1082, %add3A_1098 : vector<16xi32>
        %min3A_1100 = arith.constant 256 : i32
        %min3A_1101 = vector.broadcast %min3A_1100 : i32 to vector<16xi32>
        %min3A_1102 = arith.minsi %add3A_1099, %min3A_1101 : vector<16xi32>
        %add3A_1103 = arith.constant 4 : i32
        %add3A_1104 = vector.broadcast %add3A_1103 : i32 to vector<16xi32>
        %add3A_1105 = arith.addi %select_n3A_1084, %add3A_1104 : vector<16xi32>
        %min3A_1106 = arith.constant 256 : i32
        %min3A_1107 = vector.broadcast %min3A_1106 : i32 to vector<16xi32>
        %min3A_1108 = arith.minsi %add3A_1105, %min3A_1107 : vector<16xi32>
        %add3A_1109 = arith.constant 4 : i32
        %add3A_1110 = vector.broadcast %add3A_1109 : i32 to vector<16xi32>
        %add3A_1111 = arith.addi %select_n3A_1086, %add3A_1110 : vector<16xi32>
        %min3A_1112 = arith.constant 256 : i32
        %min3A_1113 = vector.broadcast %min3A_1112 : i32 to vector<16xi32>
        %min3A_1114 = arith.minsi %add3A_1111, %min3A_1113 : vector<16xi32>
        %add3A_1115 = arith.constant 4 : i32
        %add3A_1116 = vector.broadcast %add3A_1115 : i32 to vector<16xi32>
        %add3A_1117 = arith.addi %select_n3A_1088, %add3A_1116 : vector<16xi32>
        %min3A_1118 = arith.constant 256 : i32
        %min3A_1119 = vector.broadcast %min3A_1118 : i32 to vector<16xi32>
        %min3A_1120 = arith.minsi %add3A_1117, %min3A_1119 : vector<16xi32>
        %add3A_1121 = arith.constant 4 : i32
        %add3A_1122 = vector.broadcast %add3A_1121 : i32 to vector<16xi32>
        %add3A_1123 = arith.addi %select_n3A_1090, %add3A_1122 : vector<16xi32>
        %min3A_1124 = arith.constant 256 : i32
        %min3A_1125 = vector.broadcast %min3A_1124 : i32 to vector<16xi32>
        %min3A_1126 = arith.minsi %add3A_1123, %min3A_1125 : vector<16xi32>
        %add3A_1127 = arith.constant 4 : i32
        %add3A_1128 = vector.broadcast %add3A_1127 : i32 to vector<16xi32>
        %add3A_1129 = arith.addi %select_n3A_1092, %add3A_1128 : vector<16xi32>
        %min3A_1130 = arith.constant 256 : i32
        %min3A_1131 = vector.broadcast %min3A_1130 : i32 to vector<16xi32>
        %min3A_1132 = arith.minsi %add3A_1129, %min3A_1131 : vector<16xi32>
        %add3A_1133 = arith.constant 4 : i32
        %add3A_1134 = vector.broadcast %add3A_1133 : i32 to vector<16xi32>
        %add3A_1135 = arith.addi %select_n3A_1094, %add3A_1134 : vector<16xi32>
        %min3A_1136 = arith.constant 256 : i32
        %min3A_1137 = vector.broadcast %min3A_1136 : i32 to vector<16xi32>
        %min3A_1138 = arith.minsi %add3A_1135, %min3A_1137 : vector<16xi32>
        %add3A_1139 = arith.constant 4 : i32
        %add3A_1140 = vector.broadcast %add3A_1139 : i32 to vector<16xi32>
        %add3A_1141 = arith.addi %select_n3A_1096, %add3A_1140 : vector<16xi32>
        %min3A_1142 = arith.constant 256 : i32
        %min3A_1143 = vector.broadcast %min3A_1142 : i32 to vector<16xi32>
        %min3A_1144 = arith.minsi %add3A_1141, %min3A_1143 : vector<16xi32>
        %sub3A_1145 = arith.constant 1 : i32
        %sub3A_1146 = vector.broadcast %sub3A_1145 : i32 to vector<16xi32>
        %sub3A_1147 = arith.subi %min3A_1102, %sub3A_1146 : vector<16xi32>
        %gather3A_1148 = tpu.vector_load_idx %arg7[%sub3A_1147] : memref<256xf32, #tpu.memory_space<vmem>>[vector<16xi32>], vector<16xf32>,
        %sub3A_1149 = arith.constant 1 : i32
        %sub3A_1150 = vector.broadcast %sub3A_1149 : i32 to vector<16xi32>
        %sub3A_1151 = arith.subi %min3A_1108, %sub3A_1150 : vector<16xi32>
        %gather3A_1152 = tpu.vector_load_idx %arg7[%sub3A_1151] : memref<256xf32, #tpu.memory_space<vmem>>[vector<16xi32>], vector<16xf32>,
        %sub3A_1153 = arith.constant 1 : i32
        %sub3A_1154 = vector.broadcast %sub3A_1153 : i32 to vector<16xi32>
        %sub3A_1155 = arith.subi %min3A_1114, %sub3A_1154 : vector<16xi32>
        %gather3A_1156 = tpu.vector_load_idx %arg7[%sub3A_1155] : memref<256xf32, #tpu.memory_space<vmem>>[vector<16xi32>], vector<16xf32>,
        %sub3A_1157 = arith.constant 1 : i32
        %sub3A_1158 = vector.broadcast %sub3A_1157 : i32 to vector<16xi32>
        %sub3A_1159 = arith.subi %min3A_1120, %sub3A_1158 : vector<16xi32>
        %gather3A_1160 = tpu.vector_load_idx %arg7[%sub3A_1159] : memref<256xf32, #tpu.memory_space<vmem>>[vector<16xi32>], vector<16xf32>,
        %sub3A_1161 = arith.constant 1 : i32
        %sub3A_1162 = vector.broadcast %sub3A_1161 : i32 to vector<16xi32>
        %sub3A_1163 = arith.subi %min3A_1126, %sub3A_1162 : vector<16xi32>
        %gather3A_1164 = tpu.vector_load_idx %arg7[%sub3A_1163] : memref<256xf32, #tpu.memory_space<vmem>>[vector<16xi32>], vector<16xf32>,
        %sub3A_1165 = arith.constant 1 : i32
        %sub3A_1166 = vector.broadcast %sub3A_1165 : i32 to vector<16xi32>
        %sub3A_1167 = arith.subi %min3A_1132, %sub3A_1166 : vector<16xi32>
        %gather3A_1168 = tpu.vector_load_idx %arg7[%sub3A_1167] : memref<256xf32, #tpu.memory_space<vmem>>[vector<16xi32>], vector<16xf32>,
        %sub3A_1169 = arith.constant 1 : i32
        %sub3A_1170 = vector.broadcast %sub3A_1169 : i32 to vector<16xi32>
        %sub3A_1171 = arith.subi %min3A_1138, %sub3A_1170 : vector<16xi32>
        %gather3A_1172 = tpu.vector_load_idx %arg7[%sub3A_1171] : memref<256xf32, #tpu.memory_space<vmem>>[vector<16xi32>], vector<16xf32>,
        %sub3A_1173 = arith.constant 1 : i32
        %sub3A_1174 = vector.broadcast %sub3A_1173 : i32 to vector<16xi32>
        %sub3A_1175 = arith.subi %min3A_1144, %sub3A_1174 : vector<16xi32>
        %gather3A_1176 = tpu.vector_load_idx %arg7[%sub3A_1175] : memref<256xf32, #tpu.memory_space<vmem>>[vector<16xi32>], vector<16xf32>,
        %lt3A_1177 = arith.cmpf olt, %gather3A_1148, %get3A_583 : vector<16xf32>
        %select_n3A_1178 = arith.select %lt3A_1177, %min3A_1102, %select_n3A_1082 : vector<16xi1>, vector<16xi32>
        %lt3A_1179 = arith.cmpf olt, %gather3A_1152, %get3A_585 : vector<16xf32>
        %select_n3A_1180 = arith.select %lt3A_1179, %min3A_1108, %select_n3A_1084 : vector<16xi1>, vector<16xi32>
        %lt3A_1181 = arith.cmpf olt, %gather3A_1156, %get3A_587 : vector<16xf32>
        %select_n3A_1182 = arith.select %lt3A_1181, %min3A_1114, %select_n3A_1086 : vector<16xi1>, vector<16xi32>
        %lt3A_1183 = arith.cmpf olt, %gather3A_1160, %get3A_589 : vector<16xf32>
        %select_n3A_1184 = arith.select %lt3A_1183, %min3A_1120, %select_n3A_1088 : vector<16xi1>, vector<16xi32>
        %lt3A_1185 = arith.cmpf olt, %gather3A_1164, %get3A_591 : vector<16xf32>
        %select_n3A_1186 = arith.select %lt3A_1185, %min3A_1126, %select_n3A_1090 : vector<16xi1>, vector<16xi32>
        %lt3A_1187 = arith.cmpf olt, %gather3A_1168, %get3A_593 : vector<16xf32>
        %select_n3A_1188 = arith.select %lt3A_1187, %min3A_1132, %select_n3A_1092 : vector<16xi1>, vector<16xi32>
        %lt3A_1189 = arith.cmpf olt, %gather3A_1172, %get3A_595 : vector<16xf32>
        %select_n3A_1190 = arith.select %lt3A_1189, %min3A_1138, %select_n3A_1094 : vector<16xi1>, vector<16xi32>
        %lt3A_1191 = arith.cmpf olt, %gather3A_1176, %get3A_597 : vector<16xf32>
        %select_n3A_1192 = arith.select %lt3A_1191, %min3A_1144, %select_n3A_1096 : vector<16xi1>, vector<16xi32>
        %add3A_1193 = arith.constant 2 : i32
        %add3A_1194 = vector.broadcast %add3A_1193 : i32 to vector<16xi32>
        %add3A_1195 = arith.addi %select_n3A_1178, %add3A_1194 : vector<16xi32>
        %min3A_1196 = arith.constant 256 : i32
        %min3A_1197 = vector.broadcast %min3A_1196 : i32 to vector<16xi32>
        %min3A_1198 = arith.minsi %add3A_1195, %min3A_1197 : vector<16xi32>
        %add3A_1199 = arith.constant 2 : i32
        %add3A_1200 = vector.broadcast %add3A_1199 : i32 to vector<16xi32>
        %add3A_1201 = arith.addi %select_n3A_1180, %add3A_1200 : vector<16xi32>
        %min3A_1202 = arith.constant 256 : i32
        %min3A_1203 = vector.broadcast %min3A_1202 : i32 to vector<16xi32>
        %min3A_1204 = arith.minsi %add3A_1201, %min3A_1203 : vector<16xi32>
        %add3A_1205 = arith.constant 2 : i32
        %add3A_1206 = vector.broadcast %add3A_1205 : i32 to vector<16xi32>
        %add3A_1207 = arith.addi %select_n3A_1182, %add3A_1206 : vector<16xi32>
        %min3A_1208 = arith.constant 256 : i32
        %min3A_1209 = vector.broadcast %min3A_1208 : i32 to vector<16xi32>
        %min3A_1210 = arith.minsi %add3A_1207, %min3A_1209 : vector<16xi32>
        %add3A_1211 = arith.constant 2 : i32
        %add3A_1212 = vector.broadcast %add3A_1211 : i32 to vector<16xi32>
        %add3A_1213 = arith.addi %select_n3A_1184, %add3A_1212 : vector<16xi32>
        %min3A_1214 = arith.constant 256 : i32
        %min3A_1215 = vector.broadcast %min3A_1214 : i32 to vector<16xi32>
        %min3A_1216 = arith.minsi %add3A_1213, %min3A_1215 : vector<16xi32>
        %add3A_1217 = arith.constant 2 : i32
        %add3A_1218 = vector.broadcast %add3A_1217 : i32 to vector<16xi32>
        %add3A_1219 = arith.addi %select_n3A_1186, %add3A_1218 : vector<16xi32>
        %min3A_1220 = arith.constant 256 : i32
        %min3A_1221 = vector.broadcast %min3A_1220 : i32 to vector<16xi32>
        %min3A_1222 = arith.minsi %add3A_1219, %min3A_1221 : vector<16xi32>
        %add3A_1223 = arith.constant 2 : i32
        %add3A_1224 = vector.broadcast %add3A_1223 : i32 to vector<16xi32>
        %add3A_1225 = arith.addi %select_n3A_1188, %add3A_1224 : vector<16xi32>
        %min3A_1226 = arith.constant 256 : i32
        %min3A_1227 = vector.broadcast %min3A_1226 : i32 to vector<16xi32>
        %min3A_1228 = arith.minsi %add3A_1225, %min3A_1227 : vector<16xi32>
        %add3A_1229 = arith.constant 2 : i32
        %add3A_1230 = vector.broadcast %add3A_1229 : i32 to vector<16xi32>
        %add3A_1231 = arith.addi %select_n3A_1190, %add3A_1230 : vector<16xi32>
        %min3A_1232 = arith.constant 256 : i32
        %min3A_1233 = vector.broadcast %min3A_1232 : i32 to vector<16xi32>
        %min3A_1234 = arith.minsi %add3A_1231, %min3A_1233 : vector<16xi32>
        %add3A_1235 = arith.constant 2 : i32
        %add3A_1236 = vector.broadcast %add3A_1235 : i32 to vector<16xi32>
        %add3A_1237 = arith.addi %select_n3A_1192, %add3A_1236 : vector<16xi32>
        %min3A_1238 = arith.constant 256 : i32
        %min3A_1239 = vector.broadcast %min3A_1238 : i32 to vector<16xi32>
        %min3A_1240 = arith.minsi %add3A_1237, %min3A_1239 : vector<16xi32>
        %sub3A_1241 = arith.constant 1 : i32
        %sub3A_1242 = vector.broadcast %sub3A_1241 : i32 to vector<16xi32>
        %sub3A_1243 = arith.subi %min3A_1198, %sub3A_1242 : vector<16xi32>
        %gather3A_1244 = tpu.vector_load_idx %arg7[%sub3A_1243] : memref<256xf32, #tpu.memory_space<vmem>>[vector<16xi32>], vector<16xf32>,
        %sub3A_1245 = arith.constant 1 : i32
        %sub3A_1246 = vector.broadcast %sub3A_1245 : i32 to vector<16xi32>
        %sub3A_1247 = arith.subi %min3A_1204, %sub3A_1246 : vector<16xi32>
        %gather3A_1248 = tpu.vector_load_idx %arg7[%sub3A_1247] : memref<256xf32, #tpu.memory_space<vmem>>[vector<16xi32>], vector<16xf32>,
        %sub3A_1249 = arith.constant 1 : i32
        %sub3A_1250 = vector.broadcast %sub3A_1249 : i32 to vector<16xi32>
        %sub3A_1251 = arith.subi %min3A_1210, %sub3A_1250 : vector<16xi32>
        %gather3A_1252 = tpu.vector_load_idx %arg7[%sub3A_1251] : memref<256xf32, #tpu.memory_space<vmem>>[vector<16xi32>], vector<16xf32>,
        %sub3A_1253 = arith.constant 1 : i32
        %sub3A_1254 = vector.broadcast %sub3A_1253 : i32 to vector<16xi32>
        %sub3A_1255 = arith.subi %min3A_1216, %sub3A_1254 : vector<16xi32>
        %gather3A_1256 = tpu.vector_load_idx %arg7[%sub3A_1255] : memref<256xf32, #tpu.memory_space<vmem>>[vector<16xi32>], vector<16xf32>,
        %sub3A_1257 = arith.constant 1 : i32
        %sub3A_1258 = vector.broadcast %sub3A_1257 : i32 to vector<16xi32>
        %sub3A_1259 = arith.subi %min3A_1222, %sub3A_1258 : vector<16xi32>
        %gather3A_1260 = tpu.vector_load_idx %arg7[%sub3A_1259] : memref<256xf32, #tpu.memory_space<vmem>>[vector<16xi32>], vector<16xf32>,
        %sub3A_1261 = arith.constant 1 : i32
        %sub3A_1262 = vector.broadcast %sub3A_1261 : i32 to vector<16xi32>
        %sub3A_1263 = arith.subi %min3A_1228, %sub3A_1262 : vector<16xi32>
        %gather3A_1264 = tpu.vector_load_idx %arg7[%sub3A_1263] : memref<256xf32, #tpu.memory_space<vmem>>[vector<16xi32>], vector<16xf32>,
        %sub3A_1265 = arith.constant 1 : i32
        %sub3A_1266 = vector.broadcast %sub3A_1265 : i32 to vector<16xi32>
        %sub3A_1267 = arith.subi %min3A_1234, %sub3A_1266 : vector<16xi32>
        %gather3A_1268 = tpu.vector_load_idx %arg7[%sub3A_1267] : memref<256xf32, #tpu.memory_space<vmem>>[vector<16xi32>], vector<16xf32>,
        %sub3A_1269 = arith.constant 1 : i32
        %sub3A_1270 = vector.broadcast %sub3A_1269 : i32 to vector<16xi32>
        %sub3A_1271 = arith.subi %min3A_1240, %sub3A_1270 : vector<16xi32>
        %gather3A_1272 = tpu.vector_load_idx %arg7[%sub3A_1271] : memref<256xf32, #tpu.memory_space<vmem>>[vector<16xi32>], vector<16xf32>,
        %lt3A_1273 = arith.cmpf olt, %gather3A_1244, %get3A_583 : vector<16xf32>
        %select_n3A_1274 = arith.select %lt3A_1273, %min3A_1198, %select_n3A_1178 : vector<16xi1>, vector<16xi32>
        %lt3A_1275 = arith.cmpf olt, %gather3A_1248, %get3A_585 : vector<16xf32>
        %select_n3A_1276 = arith.select %lt3A_1275, %min3A_1204, %select_n3A_1180 : vector<16xi1>, vector<16xi32>
        %lt3A_1277 = arith.cmpf olt, %gather3A_1252, %get3A_587 : vector<16xf32>
        %select_n3A_1278 = arith.select %lt3A_1277, %min3A_1210, %select_n3A_1182 : vector<16xi1>, vector<16xi32>
        %lt3A_1279 = arith.cmpf olt, %gather3A_1256, %get3A_589 : vector<16xf32>
        %select_n3A_1280 = arith.select %lt3A_1279, %min3A_1216, %select_n3A_1184 : vector<16xi1>, vector<16xi32>
        %lt3A_1281 = arith.cmpf olt, %gather3A_1260, %get3A_591 : vector<16xf32>
        %select_n3A_1282 = arith.select %lt3A_1281, %min3A_1222, %select_n3A_1186 : vector<16xi1>, vector<16xi32>
        %lt3A_1283 = arith.cmpf olt, %gather3A_1264, %get3A_593 : vector<16xf32>
        %select_n3A_1284 = arith.select %lt3A_1283, %min3A_1228, %select_n3A_1188 : vector<16xi1>, vector<16xi32>
        %lt3A_1285 = arith.cmpf olt, %gather3A_1268, %get3A_595 : vector<16xf32>
        %select_n3A_1286 = arith.select %lt3A_1285, %min3A_1234, %select_n3A_1190 : vector<16xi1>, vector<16xi32>
        %lt3A_1287 = arith.cmpf olt, %gather3A_1272, %get3A_597 : vector<16xf32>
        %select_n3A_1288 = arith.select %lt3A_1287, %min3A_1240, %select_n3A_1192 : vector<16xi1>, vector<16xi32>
        %add3A_1289 = arith.constant 1 : i32
        %add3A_1290 = vector.broadcast %add3A_1289 : i32 to vector<16xi32>
        %add3A_1291 = arith.addi %select_n3A_1274, %add3A_1290 : vector<16xi32>
        %min3A_1292 = arith.constant 256 : i32
        %min3A_1293 = vector.broadcast %min3A_1292 : i32 to vector<16xi32>
        %min3A_1294 = arith.minsi %add3A_1291, %min3A_1293 : vector<16xi32>
        %add3A_1295 = arith.constant 1 : i32
        %add3A_1296 = vector.broadcast %add3A_1295 : i32 to vector<16xi32>
        %add3A_1297 = arith.addi %select_n3A_1276, %add3A_1296 : vector<16xi32>
        %min3A_1298 = arith.constant 256 : i32
        %min3A_1299 = vector.broadcast %min3A_1298 : i32 to vector<16xi32>
        %min3A_1300 = arith.minsi %add3A_1297, %min3A_1299 : vector<16xi32>
        %add3A_1301 = arith.constant 1 : i32
        %add3A_1302 = vector.broadcast %add3A_1301 : i32 to vector<16xi32>
        %add3A_1303 = arith.addi %select_n3A_1278, %add3A_1302 : vector<16xi32>
        %min3A_1304 = arith.constant 256 : i32
        %min3A_1305 = vector.broadcast %min3A_1304 : i32 to vector<16xi32>
        %min3A_1306 = arith.minsi %add3A_1303, %min3A_1305 : vector<16xi32>
        %add3A_1307 = arith.constant 1 : i32
        %add3A_1308 = vector.broadcast %add3A_1307 : i32 to vector<16xi32>
        %add3A_1309 = arith.addi %select_n3A_1280, %add3A_1308 : vector<16xi32>
        %min3A_1310 = arith.constant 256 : i32
        %min3A_1311 = vector.broadcast %min3A_1310 : i32 to vector<16xi32>
        %min3A_1312 = arith.minsi %add3A_1309, %min3A_1311 : vector<16xi32>
        %add3A_1313 = arith.constant 1 : i32
        %add3A_1314 = vector.broadcast %add3A_1313 : i32 to vector<16xi32>
        %add3A_1315 = arith.addi %select_n3A_1282, %add3A_1314 : vector<16xi32>
        %min3A_1316 = arith.constant 256 : i32
        %min3A_1317 = vector.broadcast %min3A_1316 : i32 to vector<16xi32>
        %min3A_1318 = arith.minsi %add3A_1315, %min3A_1317 : vector<16xi32>
        %add3A_1319 = arith.constant 1 : i32
        %add3A_1320 = vector.broadcast %add3A_1319 : i32 to vector<16xi32>
        %add3A_1321 = arith.addi %select_n3A_1284, %add3A_1320 : vector<16xi32>
        %min3A_1322 = arith.constant 256 : i32
        %min3A_1323 = vector.broadcast %min3A_1322 : i32 to vector<16xi32>
        %min3A_1324 = arith.minsi %add3A_1321, %min3A_1323 : vector<16xi32>
        %add3A_1325 = arith.constant 1 : i32
        %add3A_1326 = vector.broadcast %add3A_1325 : i32 to vector<16xi32>
        %add3A_1327 = arith.addi %select_n3A_1286, %add3A_1326 : vector<16xi32>
        %min3A_1328 = arith.constant 256 : i32
        %min3A_1329 = vector.broadcast %min3A_1328 : i32 to vector<16xi32>
        %min3A_1330 = arith.minsi %add3A_1327, %min3A_1329 : vector<16xi32>
        %add3A_1331 = arith.constant 1 : i32
        %add3A_1332 = vector.broadcast %add3A_1331 : i32 to vector<16xi32>
        %add3A_1333 = arith.addi %select_n3A_1288, %add3A_1332 : vector<16xi32>
        %min3A_1334 = arith.constant 256 : i32
        %min3A_1335 = vector.broadcast %min3A_1334 : i32 to vector<16xi32>
        %min3A_1336 = arith.minsi %add3A_1333, %min3A_1335 : vector<16xi32>
        %sub3A_1337 = arith.constant 1 : i32
        %sub3A_1338 = vector.broadcast %sub3A_1337 : i32 to vector<16xi32>
        %sub3A_1339 = arith.subi %min3A_1294, %sub3A_1338 : vector<16xi32>
        %gather3A_1340 = tpu.vector_load_idx %arg7[%sub3A_1339] : memref<256xf32, #tpu.memory_space<vmem>>[vector<16xi32>], vector<16xf32>,
        %sub3A_1341 = arith.constant 1 : i32
        %sub3A_1342 = vector.broadcast %sub3A_1341 : i32 to vector<16xi32>
        %sub3A_1343 = arith.subi %min3A_1300, %sub3A_1342 : vector<16xi32>
        %gather3A_1344 = tpu.vector_load_idx %arg7[%sub3A_1343] : memref<256xf32, #tpu.memory_space<vmem>>[vector<16xi32>], vector<16xf32>,
        %sub3A_1345 = arith.constant 1 : i32
        %sub3A_1346 = vector.broadcast %sub3A_1345 : i32 to vector<16xi32>
        %sub3A_1347 = arith.subi %min3A_1306, %sub3A_1346 : vector<16xi32>
        %gather3A_1348 = tpu.vector_load_idx %arg7[%sub3A_1347] : memref<256xf32, #tpu.memory_space<vmem>>[vector<16xi32>], vector<16xf32>,
        %sub3A_1349 = arith.constant 1 : i32
        %sub3A_1350 = vector.broadcast %sub3A_1349 : i32 to vector<16xi32>
        %sub3A_1351 = arith.subi %min3A_1312, %sub3A_1350 : vector<16xi32>
        %gather3A_1352 = tpu.vector_load_idx %arg7[%sub3A_1351] : memref<256xf32, #tpu.memory_space<vmem>>[vector<16xi32>], vector<16xf32>,
        %sub3A_1353 = arith.constant 1 : i32
        %sub3A_1354 = vector.broadcast %sub3A_1353 : i32 to vector<16xi32>
        %sub3A_1355 = arith.subi %min3A_1318, %sub3A_1354 : vector<16xi32>
        %gather3A_1356 = tpu.vector_load_idx %arg7[%sub3A_1355] : memref<256xf32, #tpu.memory_space<vmem>>[vector<16xi32>], vector<16xf32>,
        %sub3A_1357 = arith.constant 1 : i32
        %sub3A_1358 = vector.broadcast %sub3A_1357 : i32 to vector<16xi32>
        %sub3A_1359 = arith.subi %min3A_1324, %sub3A_1358 : vector<16xi32>
        %gather3A_1360 = tpu.vector_load_idx %arg7[%sub3A_1359] : memref<256xf32, #tpu.memory_space<vmem>>[vector<16xi32>], vector<16xf32>,
        %sub3A_1361 = arith.constant 1 : i32
        %sub3A_1362 = vector.broadcast %sub3A_1361 : i32 to vector<16xi32>
        %sub3A_1363 = arith.subi %min3A_1330, %sub3A_1362 : vector<16xi32>
        %gather3A_1364 = tpu.vector_load_idx %arg7[%sub3A_1363] : memref<256xf32, #tpu.memory_space<vmem>>[vector<16xi32>], vector<16xf32>,
        %sub3A_1365 = arith.constant 1 : i32
        %sub3A_1366 = vector.broadcast %sub3A_1365 : i32 to vector<16xi32>
        %sub3A_1367 = arith.subi %min3A_1336, %sub3A_1366 : vector<16xi32>
        %gather3A_1368 = tpu.vector_load_idx %arg7[%sub3A_1367] : memref<256xf32, #tpu.memory_space<vmem>>[vector<16xi32>], vector<16xf32>,
        %lt3A_1369 = arith.cmpf olt, %gather3A_1340, %get3A_583 : vector<16xf32>
        %select_n3A_1370 = arith.select %lt3A_1369, %min3A_1294, %select_n3A_1274 : vector<16xi1>, vector<16xi32>
        %lt3A_1371 = arith.cmpf olt, %gather3A_1344, %get3A_585 : vector<16xf32>
        %select_n3A_1372 = arith.select %lt3A_1371, %min3A_1300, %select_n3A_1276 : vector<16xi1>, vector<16xi32>
        %lt3A_1373 = arith.cmpf olt, %gather3A_1348, %get3A_587 : vector<16xf32>
        %select_n3A_1374 = arith.select %lt3A_1373, %min3A_1306, %select_n3A_1278 : vector<16xi1>, vector<16xi32>
        %lt3A_1375 = arith.cmpf olt, %gather3A_1352, %get3A_589 : vector<16xf32>
        %select_n3A_1376 = arith.select %lt3A_1375, %min3A_1312, %select_n3A_1280 : vector<16xi1>, vector<16xi32>
        %lt3A_1377 = arith.cmpf olt, %gather3A_1356, %get3A_591 : vector<16xf32>
        %select_n3A_1378 = arith.select %lt3A_1377, %min3A_1318, %select_n3A_1282 : vector<16xi1>, vector<16xi32>
        %lt3A_1379 = arith.cmpf olt, %gather3A_1360, %get3A_593 : vector<16xf32>
        %select_n3A_1380 = arith.select %lt3A_1379, %min3A_1324, %select_n3A_1284 : vector<16xi1>, vector<16xi32>
        %lt3A_1381 = arith.cmpf olt, %gather3A_1364, %get3A_595 : vector<16xf32>
        %select_n3A_1382 = arith.select %lt3A_1381, %min3A_1330, %select_n3A_1286 : vector<16xi1>, vector<16xi32>
        %lt3A_1383 = arith.cmpf olt, %gather3A_1368, %get3A_597 : vector<16xf32>
        %select_n3A_1384 = arith.select %lt3A_1383, %min3A_1336, %select_n3A_1288 : vector<16xi1>, vector<16xi32>
        %sub3A_1385 = arith.constant 1 : i32
        %sub3A_1386 = vector.broadcast %sub3A_1385 : i32 to vector<16xi32>
        %sub3A_1387 = arith.subi %select_n3A_1370, %sub3A_1386 : vector<16xi32>
        %max3A = arith.constant 0 : i32
        %max3A_1388 = vector.broadcast %max3A : i32 to vector<16xi32>
        %max3A_1389 = arith.maxsi %sub3A_1387, %max3A_1388 : vector<16xi32>
        %sub3A_1390 = arith.constant 1 : i32
        %sub3A_1391 = vector.broadcast %sub3A_1390 : i32 to vector<16xi32>
        %sub3A_1392 = arith.subi %select_n3A_1372, %sub3A_1391 : vector<16xi32>
        %max3A_1393 = arith.constant 0 : i32
        %max3A_1394 = vector.broadcast %max3A_1393 : i32 to vector<16xi32>
        %max3A_1395 = arith.maxsi %sub3A_1392, %max3A_1394 : vector<16xi32>
        %sub3A_1396 = arith.constant 1 : i32
        %sub3A_1397 = vector.broadcast %sub3A_1396 : i32 to vector<16xi32>
        %sub3A_1398 = arith.subi %select_n3A_1374, %sub3A_1397 : vector<16xi32>
        %max3A_1399 = arith.constant 0 : i32
        %max3A_1400 = vector.broadcast %max3A_1399 : i32 to vector<16xi32>
        %max3A_1401 = arith.maxsi %sub3A_1398, %max3A_1400 : vector<16xi32>
        %sub3A_1402 = arith.constant 1 : i32
        %sub3A_1403 = vector.broadcast %sub3A_1402 : i32 to vector<16xi32>
        %sub3A_1404 = arith.subi %select_n3A_1376, %sub3A_1403 : vector<16xi32>
        %max3A_1405 = arith.constant 0 : i32
        %max3A_1406 = vector.broadcast %max3A_1405 : i32 to vector<16xi32>
        %max3A_1407 = arith.maxsi %sub3A_1404, %max3A_1406 : vector<16xi32>
        %sub3A_1408 = arith.constant 1 : i32
        %sub3A_1409 = vector.broadcast %sub3A_1408 : i32 to vector<16xi32>
        %sub3A_1410 = arith.subi %select_n3A_1378, %sub3A_1409 : vector<16xi32>
        %max3A_1411 = arith.constant 0 : i32
        %max3A_1412 = vector.broadcast %max3A_1411 : i32 to vector<16xi32>
        %max3A_1413 = arith.maxsi %sub3A_1410, %max3A_1412 : vector<16xi32>
        %sub3A_1414 = arith.constant 1 : i32
        %sub3A_1415 = vector.broadcast %sub3A_1414 : i32 to vector<16xi32>
        %sub3A_1416 = arith.subi %select_n3A_1380, %sub3A_1415 : vector<16xi32>
        %max3A_1417 = arith.constant 0 : i32
        %max3A_1418 = vector.broadcast %max3A_1417 : i32 to vector<16xi32>
        %max3A_1419 = arith.maxsi %sub3A_1416, %max3A_1418 : vector<16xi32>
        %sub3A_1420 = arith.constant 1 : i32
        %sub3A_1421 = vector.broadcast %sub3A_1420 : i32 to vector<16xi32>
        %sub3A_1422 = arith.subi %select_n3A_1382, %sub3A_1421 : vector<16xi32>
        %max3A_1423 = arith.constant 0 : i32
        %max3A_1424 = vector.broadcast %max3A_1423 : i32 to vector<16xi32>
        %max3A_1425 = arith.maxsi %sub3A_1422, %max3A_1424 : vector<16xi32>
        %sub3A_1426 = arith.constant 1 : i32
        %sub3A_1427 = vector.broadcast %sub3A_1426 : i32 to vector<16xi32>
        %sub3A_1428 = arith.subi %select_n3A_1384, %sub3A_1427 : vector<16xi32>
        %max3A_1429 = arith.constant 0 : i32
        %max3A_1430 = vector.broadcast %max3A_1429 : i32 to vector<16xi32>
        %max3A_1431 = arith.maxsi %sub3A_1428, %max3A_1430 : vector<16xi32>
        %gather3A_1432 = tpu.vector_load_idx %arg7[%max3A_1389] : memref<256xf32, #tpu.memory_space<vmem>>[vector<16xi32>], vector<16xf32>,
        %gather3A_1433 = tpu.vector_load_idx %arg7[%max3A_1395] : memref<256xf32, #tpu.memory_space<vmem>>[vector<16xi32>], vector<16xf32>,
        %gather3A_1434 = tpu.vector_load_idx %arg7[%max3A_1401] : memref<256xf32, #tpu.memory_space<vmem>>[vector<16xi32>], vector<16xf32>,
        %gather3A_1435 = tpu.vector_load_idx %arg7[%max3A_1407] : memref<256xf32, #tpu.memory_space<vmem>>[vector<16xi32>], vector<16xf32>,
        %gather3A_1436 = tpu.vector_load_idx %arg7[%max3A_1413] : memref<256xf32, #tpu.memory_space<vmem>>[vector<16xi32>], vector<16xf32>,
        %gather3A_1437 = tpu.vector_load_idx %arg7[%max3A_1419] : memref<256xf32, #tpu.memory_space<vmem>>[vector<16xi32>], vector<16xf32>,
        %gather3A_1438 = tpu.vector_load_idx %arg7[%max3A_1425] : memref<256xf32, #tpu.memory_space<vmem>>[vector<16xi32>], vector<16xf32>,
        %gather3A_1439 = tpu.vector_load_idx %arg7[%max3A_1431] : memref<256xf32, #tpu.memory_space<vmem>>[vector<16xi32>], vector<16xf32>,
        %broadcast_in_dim3A_1440 = arith.constant 0.000000e+00 : f32
        %broadcast_in_dim3A_1441 = vector.broadcast %broadcast_in_dim3A_1440 : f32 to vector<16xf32>
        %eq3A_1442 = arith.constant 0 : i32
        %eq3A_1443 = vector.broadcast %eq3A_1442 : i32 to vector<16xi32>
        %eq3A_1444 = arith.cmpi eq, %select_n3A_1370, %eq3A_1443 : vector<16xi32>
        %select_n3A_1445 = arith.select %eq3A_1444, %broadcast_in_dim3A_1441, %gather3A_1432 : vector<16xi1>, vector<16xf32>
        %eq3A_1446 = arith.constant 0 : i32
        %eq3A_1447 = vector.broadcast %eq3A_1446 : i32 to vector<16xi32>
        %eq3A_1448 = arith.cmpi eq, %select_n3A_1372, %eq3A_1447 : vector<16xi32>
        %select_n3A_1449 = arith.select %eq3A_1448, %broadcast_in_dim3A_1441, %gather3A_1433 : vector<16xi1>, vector<16xf32>
        %eq3A_1450 = arith.constant 0 : i32
        %eq3A_1451 = vector.broadcast %eq3A_1450 : i32 to vector<16xi32>
        %eq3A_1452 = arith.cmpi eq, %select_n3A_1374, %eq3A_1451 : vector<16xi32>
        %select_n3A_1453 = arith.select %eq3A_1452, %broadcast_in_dim3A_1441, %gather3A_1434 : vector<16xi1>, vector<16xf32>
        %eq3A_1454 = arith.constant 0 : i32
        %eq3A_1455 = vector.broadcast %eq3A_1454 : i32 to vector<16xi32>
        %eq3A_1456 = arith.cmpi eq, %select_n3A_1376, %eq3A_1455 : vector<16xi32>
        %select_n3A_1457 = arith.select %eq3A_1456, %broadcast_in_dim3A_1441, %gather3A_1435 : vector<16xi1>, vector<16xf32>
        %eq3A_1458 = arith.constant 0 : i32
        %eq3A_1459 = vector.broadcast %eq3A_1458 : i32 to vector<16xi32>
        %eq3A_1460 = arith.cmpi eq, %select_n3A_1378, %eq3A_1459 : vector<16xi32>
        %select_n3A_1461 = arith.select %eq3A_1460, %broadcast_in_dim3A_1441, %gather3A_1436 : vector<16xi1>, vector<16xf32>
        %eq3A_1462 = arith.constant 0 : i32
        %eq3A_1463 = vector.broadcast %eq3A_1462 : i32 to vector<16xi32>
        %eq3A_1464 = arith.cmpi eq, %select_n3A_1380, %eq3A_1463 : vector<16xi32>
        %select_n3A_1465 = arith.select %eq3A_1464, %broadcast_in_dim3A_1441, %gather3A_1437 : vector<16xi1>, vector<16xf32>
        %eq3A_1466 = arith.constant 0 : i32
        %eq3A_1467 = vector.broadcast %eq3A_1466 : i32 to vector<16xi32>
        %eq3A_1468 = arith.cmpi eq, %select_n3A_1382, %eq3A_1467 : vector<16xi32>
        %select_n3A_1469 = arith.select %eq3A_1468, %broadcast_in_dim3A_1441, %gather3A_1438 : vector<16xi1>, vector<16xf32>
        %eq3A_1470 = arith.constant 0 : i32
        %eq3A_1471 = vector.broadcast %eq3A_1470 : i32 to vector<16xi32>
        %eq3A_1472 = arith.cmpi eq, %select_n3A_1384, %eq3A_1471 : vector<16xi32>
        %select_n3A_1473 = arith.select %eq3A_1472, %broadcast_in_dim3A_1441, %gather3A_1439 : vector<16xi1>, vector<16xf32>
        %swap3A = arith.index_cast %mul3A_540 : i32 to index
        %swap3A_1474 = tpu.vector_load %arg17[%swap3A] {strides = array<i32>} : memref<512xi32, #tpu.memory_space<vmem>>, vector<16xi32>,
        tpu.vector_store %arg17[%swap3A], %max3A_1389 {strides = array<i32>} : memref<512xi32, #tpu.memory_space<vmem>>, vector<16xi32>,
        %sub3A_1475 = arith.subf %select_n3A_1445, %get3A_583 : vector<16xf32>
        %swap3A_1476 = arith.index_cast %mul3A_540 : i32 to index
        %swap3A_1477 = tpu.vector_load %arg18[%swap3A_1476] {strides = array<i32>} : memref<512xf32, #tpu.memory_space<vmem>>, vector<16xf32>,
        tpu.vector_store %arg18[%swap3A_1476], %sub3A_1475 {strides = array<i32>} : memref<512xf32, #tpu.memory_space<vmem>>, vector<16xf32>,
        %swap3A_1478 = arith.index_cast %mul3A_546 : i32 to index
        %swap3A_1479 = tpu.vector_load %arg17[%swap3A_1478] {strides = array<i32>} : memref<512xi32, #tpu.memory_space<vmem>>, vector<16xi32>,
        tpu.vector_store %arg17[%swap3A_1478], %max3A_1395 {strides = array<i32>} : memref<512xi32, #tpu.memory_space<vmem>>, vector<16xi32>,
        %sub3A_1480 = arith.subf %select_n3A_1449, %get3A_585 : vector<16xf32>
        %swap3A_1481 = arith.index_cast %mul3A_546 : i32 to index
        %swap3A_1482 = tpu.vector_load %arg18[%swap3A_1481] {strides = array<i32>} : memref<512xf32, #tpu.memory_space<vmem>>, vector<16xf32>,
        tpu.vector_store %arg18[%swap3A_1481], %sub3A_1480 {strides = array<i32>} : memref<512xf32, #tpu.memory_space<vmem>>, vector<16xf32>,
        %swap3A_1483 = arith.index_cast %mul3A_552 : i32 to index
        %swap3A_1484 = tpu.vector_load %arg17[%swap3A_1483] {strides = array<i32>} : memref<512xi32, #tpu.memory_space<vmem>>, vector<16xi32>,
        tpu.vector_store %arg17[%swap3A_1483], %max3A_1401 {strides = array<i32>} : memref<512xi32, #tpu.memory_space<vmem>>, vector<16xi32>,
        %sub3A_1485 = arith.subf %select_n3A_1453, %get3A_587 : vector<16xf32>
        %swap3A_1486 = arith.index_cast %mul3A_552 : i32 to index
        %swap3A_1487 = tpu.vector_load %arg18[%swap3A_1486] {strides = array<i32>} : memref<512xf32, #tpu.memory_space<vmem>>, vector<16xf32>,
        tpu.vector_store %arg18[%swap3A_1486], %sub3A_1485 {strides = array<i32>} : memref<512xf32, #tpu.memory_space<vmem>>, vector<16xf32>,
        %swap3A_1488 = arith.index_cast %mul3A_558 : i32 to index
        %swap3A_1489 = tpu.vector_load %arg17[%swap3A_1488] {strides = array<i32>} : memref<512xi32, #tpu.memory_space<vmem>>, vector<16xi32>,
        tpu.vector_store %arg17[%swap3A_1488], %max3A_1407 {strides = array<i32>} : memref<512xi32, #tpu.memory_space<vmem>>, vector<16xi32>,
        %sub3A_1490 = arith.subf %select_n3A_1457, %get3A_589 : vector<16xf32>
        %swap3A_1491 = arith.index_cast %mul3A_558 : i32 to index
        %swap3A_1492 = tpu.vector_load %arg18[%swap3A_1491] {strides = array<i32>} : memref<512xf32, #tpu.memory_space<vmem>>, vector<16xf32>,
        tpu.vector_store %arg18[%swap3A_1491], %sub3A_1490 {strides = array<i32>} : memref<512xf32, #tpu.memory_space<vmem>>, vector<16xf32>,
        %swap3A_1493 = arith.index_cast %mul3A_564 : i32 to index
        %swap3A_1494 = tpu.vector_load %arg17[%swap3A_1493] {strides = array<i32>} : memref<512xi32, #tpu.memory_space<vmem>>, vector<16xi32>,
        tpu.vector_store %arg17[%swap3A_1493], %max3A_1413 {strides = array<i32>} : memref<512xi32, #tpu.memory_space<vmem>>, vector<16xi32>,
        %sub3A_1495 = arith.subf %select_n3A_1461, %get3A_591 : vector<16xf32>
        %swap3A_1496 = arith.index_cast %mul3A_564 : i32 to index
        %swap3A_1497 = tpu.vector_load %arg18[%swap3A_1496] {strides = array<i32>} : memref<512xf32, #tpu.memory_space<vmem>>, vector<16xf32>,
        tpu.vector_store %arg18[%swap3A_1496], %sub3A_1495 {strides = array<i32>} : memref<512xf32, #tpu.memory_space<vmem>>, vector<16xf32>,
        %swap3A_1498 = arith.index_cast %mul3A_570 : i32 to index
        %swap3A_1499 = tpu.vector_load %arg17[%swap3A_1498] {strides = array<i32>} : memref<512xi32, #tpu.memory_space<vmem>>, vector<16xi32>,
        tpu.vector_store %arg17[%swap3A_1498], %max3A_1419 {strides = array<i32>} : memref<512xi32, #tpu.memory_space<vmem>>, vector<16xi32>,
        %sub3A_1500 = arith.subf %select_n3A_1465, %get3A_593 : vector<16xf32>
        %swap3A_1501 = arith.index_cast %mul3A_570 : i32 to index
        %swap3A_1502 = tpu.vector_load %arg18[%swap3A_1501] {strides = array<i32>} : memref<512xf32, #tpu.memory_space<vmem>>, vector<16xf32>,
        tpu.vector_store %arg18[%swap3A_1501], %sub3A_1500 {strides = array<i32>} : memref<512xf32, #tpu.memory_space<vmem>>, vector<16xf32>,
        %swap3A_1503 = arith.index_cast %mul3A_576 : i32 to index
        %swap3A_1504 = tpu.vector_load %arg17[%swap3A_1503] {strides = array<i32>} : memref<512xi32, #tpu.memory_space<vmem>>, vector<16xi32>,
        tpu.vector_store %arg17[%swap3A_1503], %max3A_1425 {strides = array<i32>} : memref<512xi32, #tpu.memory_space<vmem>>, vector<16xi32>,
        %sub3A_1505 = arith.subf %select_n3A_1469, %get3A_595 : vector<16xf32>
        %swap3A_1506 = arith.index_cast %mul3A_576 : i32 to index
        %swap3A_1507 = tpu.vector_load %arg18[%swap3A_1506] {strides = array<i32>} : memref<512xf32, #tpu.memory_space<vmem>>, vector<16xf32>,
        tpu.vector_store %arg18[%swap3A_1506], %sub3A_1505 {strides = array<i32>} : memref<512xf32, #tpu.memory_space<vmem>>, vector<16xf32>,
        %swap3A_1508 = arith.index_cast %mul3A_582 : i32 to index
        %swap3A_1509 = tpu.vector_load %arg17[%swap3A_1508] {strides = array<i32>} : memref<512xi32, #tpu.memory_space<vmem>>, vector<16xi32>,
        tpu.vector_store %arg17[%swap3A_1508], %max3A_1431 {strides = array<i32>} : memref<512xi32, #tpu.memory_space<vmem>>, vector<16xi32>,
        %sub3A_1510 = arith.subf %select_n3A_1473, %get3A_597 : vector<16xf32>
        %swap3A_1511 = arith.index_cast %mul3A_582 : i32 to index
        %swap3A_1512 = tpu.vector_load %arg18[%swap3A_1511] {strides = array<i32>} : memref<512xf32, #tpu.memory_space<vmem>>, vector<16xf32>,
        tpu.vector_store %arg18[%swap3A_1511], %sub3A_1510 {strides = array<i32>} : memref<512xf32, #tpu.memory_space<vmem>>, vector<16xf32>,
      }
      %scan3A_325 = arith.constant 4 : i32
      %broadcast_in_dim3A_326 = arith.constant 16 : i32
      %broadcast_in_dim3A_327 = vector.broadcast %broadcast_in_dim3A_326 : i32 to vector<16xi32>
      %scan3A_328 = arith.constant 0 : i32
      %scan3A_329 = arith.constant 0 : i32
      %scan3A_330 = arith.constant 16 : i32
      %scan3A_331 = arith.addi %scan3A_329, %scan3A_330 : i32
      %scan3A_332 = arith.constant 1 : i32
      scf.for %scan3A_534 = %scan3A_329 to %scan3A_331 step %scan3A_332  : i32 {
        %mul3A_535 = arith.constant 2 : i32
        %mul3A_536 = arith.muli %scan3A_534, %mul3A_535 : i32
        %add3A_537 = arith.constant 0 : i32
        %add3A_538 = arith.addi %mul3A_536, %add3A_537 : i32
        %mul3A_539 = arith.constant 16 : i32
        %mul3A_540 = arith.muli %add3A_538, %mul3A_539 : i32
        %mul3A_541 = arith.constant 2 : i32
        %mul3A_542 = arith.muli %scan3A_534, %mul3A_541 : i32
        %add3A_543 = arith.constant 1 : i32
        %add3A_544 = arith.addi %mul3A_542, %add3A_543 : i32
        %mul3A_545 = arith.constant 16 : i32
        %mul3A_546 = arith.muli %add3A_544, %mul3A_545 : i32
        %get3A = arith.index_cast %mul3A_540 : i32 to index
        %get3A_547 = tpu.vector_load %arg17[%get3A] {strides = array<i32>} : memref<512xi32, #tpu.memory_space<vmem>>, vector<16xi32>,
        %get3A_548 = arith.index_cast %mul3A_546 : i32 to index
        %get3A_549 = tpu.vector_load %arg17[%get3A_548] {strides = array<i32>} : memref<512xi32, #tpu.memory_space<vmem>>, vector<16xi32>,
        %get3A_550 = arith.index_cast %mul3A_540 : i32 to index
        %get3A_551 = tpu.vector_load %arg18[%get3A_550] {strides = array<i32>} : memref<512xf32, #tpu.memory_space<vmem>>, vector<16xf32>,
        %get3A_552 = arith.index_cast %mul3A_546 : i32 to index
        %get3A_553 = tpu.vector_load %arg18[%get3A_552] {strides = array<i32>} : memref<512xf32, #tpu.memory_space<vmem>>, vector<16xf32>,
        %broadcast_in_dim3A_554 = arith.constant 0 : i32
        %broadcast_in_dim3A_555 = vector.broadcast %broadcast_in_dim3A_554 : i32 to vector<16xi32>
        %gather3A_556 = tpu.vector_load_idx %arg9[%broadcast_in_dim3A_555, %get3A_547] : memref<20x256xi32, #tpu.memory_space<vmem>>[vector<16xi32>, vector<16xi32>], vector<16xi32>,
        %gather3A_557 = tpu.vector_load_idx %arg10[%broadcast_in_dim3A_555, %get3A_547] : memref<20x256xf32, #tpu.memory_space<vmem>>[vector<16xi32>, vector<16xi32>], vector<16xf32>,
        %gather3A_558 = tpu.vector_load_idx %arg9[%broadcast_in_dim3A_555, %get3A_549] : memref<20x256xi32, #tpu.memory_space<vmem>>[vector<16xi32>, vector<16xi32>], vector<16xi32>,
        %gather3A_559 = tpu.vector_load_idx %arg10[%broadcast_in_dim3A_555, %get3A_549] : memref<20x256xf32, #tpu.memory_space<vmem>>[vector<16xi32>, vector<16xi32>], vector<16xf32>,
        %broadcast_in_dim3A_560 = arith.constant 1 : i32
        %broadcast_in_dim3A_561 = vector.broadcast %broadcast_in_dim3A_560 : i32 to vector<16xi32>
        %gather3A_562 = tpu.vector_load_idx %arg9[%broadcast_in_dim3A_561, %get3A_547] : memref<20x256xi32, #tpu.memory_space<vmem>>[vector<16xi32>, vector<16xi32>], vector<16xi32>,
        %gather3A_563 = tpu.vector_load_idx %arg10[%broadcast_in_dim3A_561, %get3A_547] : memref<20x256xf32, #tpu.memory_space<vmem>>[vector<16xi32>, vector<16xi32>], vector<16xf32>,
        %gather3A_564 = tpu.vector_load_idx %arg9[%broadcast_in_dim3A_561, %get3A_549] : memref<20x256xi32, #tpu.memory_space<vmem>>[vector<16xi32>, vector<16xi32>], vector<16xi32>,
        %gather3A_565 = tpu.vector_load_idx %arg10[%broadcast_in_dim3A_561, %get3A_549] : memref<20x256xf32, #tpu.memory_space<vmem>>[vector<16xi32>, vector<16xi32>], vector<16xf32>,
        %broadcast_in_dim3A_566 = arith.constant 2 : i32
        %broadcast_in_dim3A_567 = vector.broadcast %broadcast_in_dim3A_566 : i32 to vector<16xi32>
        %gather3A_568 = tpu.vector_load_idx %arg9[%broadcast_in_dim3A_567, %get3A_547] : memref<20x256xi32, #tpu.memory_space<vmem>>[vector<16xi32>, vector<16xi32>], vector<16xi32>,
        %gather3A_569 = tpu.vector_load_idx %arg10[%broadcast_in_dim3A_567, %get3A_547] : memref<20x256xf32, #tpu.memory_space<vmem>>[vector<16xi32>, vector<16xi32>], vector<16xf32>,
        %gather3A_570 = tpu.vector_load_idx %arg9[%broadcast_in_dim3A_567, %get3A_549] : memref<20x256xi32, #tpu.memory_space<vmem>>[vector<16xi32>, vector<16xi32>], vector<16xi32>,
        %gather3A_571 = tpu.vector_load_idx %arg10[%broadcast_in_dim3A_567, %get3A_549] : memref<20x256xf32, #tpu.memory_space<vmem>>[vector<16xi32>, vector<16xi32>], vector<16xf32>,
        %broadcast_in_dim3A_572 = arith.constant 3 : i32
        %broadcast_in_dim3A_573 = vector.broadcast %broadcast_in_dim3A_572 : i32 to vector<16xi32>
        %gather3A_574 = tpu.vector_load_idx %arg9[%broadcast_in_dim3A_573, %get3A_547] : memref<20x256xi32, #tpu.memory_space<vmem>>[vector<16xi32>, vector<16xi32>], vector<16xi32>,
        %gather3A_575 = tpu.vector_load_idx %arg10[%broadcast_in_dim3A_573, %get3A_547] : memref<20x256xf32, #tpu.memory_space<vmem>>[vector<16xi32>, vector<16xi32>], vector<16xf32>,
        %gather3A_576 = tpu.vector_load_idx %arg9[%broadcast_in_dim3A_573, %get3A_549] : memref<20x256xi32, #tpu.memory_space<vmem>>[vector<16xi32>, vector<16xi32>], vector<16xi32>,
        %gather3A_577 = tpu.vector_load_idx %arg10[%broadcast_in_dim3A_573, %get3A_549] : memref<20x256xf32, #tpu.memory_space<vmem>>[vector<16xi32>, vector<16xi32>], vector<16xf32>,
        %broadcast_in_dim3A_578 = arith.constant 4 : i32
        %broadcast_in_dim3A_579 = vector.broadcast %broadcast_in_dim3A_578 : i32 to vector<16xi32>
        %gather3A_580 = tpu.vector_load_idx %arg9[%broadcast_in_dim3A_579, %get3A_547] : memref<20x256xi32, #tpu.memory_space<vmem>>[vector<16xi32>, vector<16xi32>], vector<16xi32>,
        %gather3A_581 = tpu.vector_load_idx %arg10[%broadcast_in_dim3A_579, %get3A_547] : memref<20x256xf32, #tpu.memory_space<vmem>>[vector<16xi32>, vector<16xi32>], vector<16xf32>,
        %gather3A_582 = tpu.vector_load_idx %arg9[%broadcast_in_dim3A_579, %get3A_549] : memref<20x256xi32, #tpu.memory_space<vmem>>[vector<16xi32>, vector<16xi32>], vector<16xi32>,
        %gather3A_583 = tpu.vector_load_idx %arg10[%broadcast_in_dim3A_579, %get3A_549] : memref<20x256xf32, #tpu.memory_space<vmem>>[vector<16xi32>, vector<16xi32>], vector<16xf32>,
        %broadcast_in_dim3A_584 = arith.constant 5 : i32
        %broadcast_in_dim3A_585 = vector.broadcast %broadcast_in_dim3A_584 : i32 to vector<16xi32>
        %gather3A_586 = tpu.vector_load_idx %arg9[%broadcast_in_dim3A_585, %get3A_547] : memref<20x256xi32, #tpu.memory_space<vmem>>[vector<16xi32>, vector<16xi32>], vector<16xi32>,
        %gather3A_587 = tpu.vector_load_idx %arg10[%broadcast_in_dim3A_585, %get3A_547] : memref<20x256xf32, #tpu.memory_space<vmem>>[vector<16xi32>, vector<16xi32>], vector<16xf32>,
        %gather3A_588 = tpu.vector_load_idx %arg9[%broadcast_in_dim3A_585, %get3A_549] : memref<20x256xi32, #tpu.memory_space<vmem>>[vector<16xi32>, vector<16xi32>], vector<16xi32>,
        %gather3A_589 = tpu.vector_load_idx %arg10[%broadcast_in_dim3A_585, %get3A_549] : memref<20x256xf32, #tpu.memory_space<vmem>>[vector<16xi32>, vector<16xi32>], vector<16xf32>,
        %broadcast_in_dim3A_590 = arith.constant 6 : i32
        %broadcast_in_dim3A_591 = vector.broadcast %broadcast_in_dim3A_590 : i32 to vector<16xi32>
        %gather3A_592 = tpu.vector_load_idx %arg9[%broadcast_in_dim3A_591, %get3A_547] : memref<20x256xi32, #tpu.memory_space<vmem>>[vector<16xi32>, vector<16xi32>], vector<16xi32>,
        %gather3A_593 = tpu.vector_load_idx %arg10[%broadcast_in_dim3A_591, %get3A_547] : memref<20x256xf32, #tpu.memory_space<vmem>>[vector<16xi32>, vector<16xi32>], vector<16xf32>,
        %gather3A_594 = tpu.vector_load_idx %arg9[%broadcast_in_dim3A_591, %get3A_549] : memref<20x256xi32, #tpu.memory_space<vmem>>[vector<16xi32>, vector<16xi32>], vector<16xi32>,
        %gather3A_595 = tpu.vector_load_idx %arg10[%broadcast_in_dim3A_591, %get3A_549] : memref<20x256xf32, #tpu.memory_space<vmem>>[vector<16xi32>, vector<16xi32>], vector<16xf32>,
        %broadcast_in_dim3A_596 = arith.constant 7 : i32
        %broadcast_in_dim3A_597 = vector.broadcast %broadcast_in_dim3A_596 : i32 to vector<16xi32>
        %gather3A_598 = tpu.vector_load_idx %arg9[%broadcast_in_dim3A_597, %get3A_547] : memref<20x256xi32, #tpu.memory_space<vmem>>[vector<16xi32>, vector<16xi32>], vector<16xi32>,
        %gather3A_599 = tpu.vector_load_idx %arg10[%broadcast_in_dim3A_597, %get3A_547] : memref<20x256xf32, #tpu.memory_space<vmem>>[vector<16xi32>, vector<16xi32>], vector<16xf32>,
        %gather3A_600 = tpu.vector_load_idx %arg9[%broadcast_in_dim3A_597, %get3A_549] : memref<20x256xi32, #tpu.memory_space<vmem>>[vector<16xi32>, vector<16xi32>], vector<16xi32>,
        %gather3A_601 = tpu.vector_load_idx %arg10[%broadcast_in_dim3A_597, %get3A_549] : memref<20x256xf32, #tpu.memory_space<vmem>>[vector<16xi32>, vector<16xi32>], vector<16xf32>,
        %broadcast_in_dim3A_602 = arith.constant 8 : i32
        %broadcast_in_dim3A_603 = vector.broadcast %broadcast_in_dim3A_602 : i32 to vector<16xi32>
        %gather3A_604 = tpu.vector_load_idx %arg9[%broadcast_in_dim3A_603, %get3A_547] : memref<20x256xi32, #tpu.memory_space<vmem>>[vector<16xi32>, vector<16xi32>], vector<16xi32>,
        %gather3A_605 = tpu.vector_load_idx %arg10[%broadcast_in_dim3A_603, %get3A_547] : memref<20x256xf32, #tpu.memory_space<vmem>>[vector<16xi32>, vector<16xi32>], vector<16xf32>,
        %gather3A_606 = tpu.vector_load_idx %arg9[%broadcast_in_dim3A_603, %get3A_549] : memref<20x256xi32, #tpu.memory_space<vmem>>[vector<16xi32>, vector<16xi32>], vector<16xi32>,
        %gather3A_607 = tpu.vector_load_idx %arg10[%broadcast_in_dim3A_603, %get3A_549] : memref<20x256xf32, #tpu.memory_space<vmem>>[vector<16xi32>, vector<16xi32>], vector<16xf32>,
        %broadcast_in_dim3A_608 = arith.constant 9 : i32
        %broadcast_in_dim3A_609 = vector.broadcast %broadcast_in_dim3A_608 : i32 to vector<16xi32>
        %gather3A_610 = tpu.vector_load_idx %arg9[%broadcast_in_dim3A_609, %get3A_547] : memref<20x256xi32, #tpu.memory_space<vmem>>[vector<16xi32>, vector<16xi32>], vector<16xi32>,
        %gather3A_611 = tpu.vector_load_idx %arg10[%broadcast_in_dim3A_609, %get3A_547] : memref<20x256xf32, #tpu.memory_space<vmem>>[vector<16xi32>, vector<16xi32>], vector<16xf32>,
        %gather3A_612 = tpu.vector_load_idx %arg9[%broadcast_in_dim3A_609, %get3A_549] : memref<20x256xi32, #tpu.memory_space<vmem>>[vector<16xi32>, vector<16xi32>], vector<16xi32>,
        %gather3A_613 = tpu.vector_load_idx %arg10[%broadcast_in_dim3A_609, %get3A_549] : memref<20x256xf32, #tpu.memory_space<vmem>>[vector<16xi32>, vector<16xi32>], vector<16xf32>,
        %mul3A_614 = arith.mulf %gather3A_557, %get3A_551 : vector<16xf32>
        %exp3A = math.exp %mul3A_614 : vector<16xf32>
        %mul3A_615 = arith.mulf %gather3A_563, %get3A_551 : vector<16xf32>
        %exp3A_616 = math.exp %mul3A_615 : vector<16xf32>
        %mul3A_617 = arith.mulf %gather3A_569, %get3A_551 : vector<16xf32>
        %exp3A_618 = math.exp %mul3A_617 : vector<16xf32>
        %mul3A_619 = arith.mulf %gather3A_575, %get3A_551 : vector<16xf32>
        %exp3A_620 = math.exp %mul3A_619 : vector<16xf32>
        %mul3A_621 = arith.mulf %gather3A_581, %get3A_551 : vector<16xf32>
        %exp3A_622 = math.exp %mul3A_621 : vector<16xf32>
        %mul3A_623 = arith.mulf %gather3A_587, %get3A_551 : vector<16xf32>
        %exp3A_624 = math.exp %mul3A_623 : vector<16xf32>
        %mul3A_625 = arith.mulf %gather3A_593, %get3A_551 : vector<16xf32>
        %exp3A_626 = math.exp %mul3A_625 : vector<16xf32>
        %mul3A_627 = arith.mulf %gather3A_599, %get3A_551 : vector<16xf32>
        %exp3A_628 = math.exp %mul3A_627 : vector<16xf32>
        %mul3A_629 = arith.mulf %gather3A_605, %get3A_551 : vector<16xf32>
        %exp3A_630 = math.exp %mul3A_629 : vector<16xf32>
        %mul3A_631 = arith.mulf %gather3A_611, %get3A_551 : vector<16xf32>
        %exp3A_632 = math.exp %mul3A_631 : vector<16xf32>
        %mul3A_633 = arith.mulf %gather3A_559, %get3A_553 : vector<16xf32>
        %exp3A_634 = math.exp %mul3A_633 : vector<16xf32>
        %mul3A_635 = arith.mulf %gather3A_565, %get3A_553 : vector<16xf32>
        %exp3A_636 = math.exp %mul3A_635 : vector<16xf32>
        %mul3A_637 = arith.mulf %gather3A_571, %get3A_553 : vector<16xf32>
        %exp3A_638 = math.exp %mul3A_637 : vector<16xf32>
        %mul3A_639 = arith.mulf %gather3A_577, %get3A_553 : vector<16xf32>
        %exp3A_640 = math.exp %mul3A_639 : vector<16xf32>
        %mul3A_641 = arith.mulf %gather3A_583, %get3A_553 : vector<16xf32>
        %exp3A_642 = math.exp %mul3A_641 : vector<16xf32>
        %mul3A_643 = arith.mulf %gather3A_589, %get3A_553 : vector<16xf32>
        %exp3A_644 = math.exp %mul3A_643 : vector<16xf32>
        %mul3A_645 = arith.mulf %gather3A_595, %get3A_553 : vector<16xf32>
        %exp3A_646 = math.exp %mul3A_645 : vector<16xf32>
        %mul3A_647 = arith.mulf %gather3A_601, %get3A_553 : vector<16xf32>
        %exp3A_648 = math.exp %mul3A_647 : vector<16xf32>
        %mul3A_649 = arith.mulf %gather3A_607, %get3A_553 : vector<16xf32>
        %exp3A_650 = math.exp %mul3A_649 : vector<16xf32>
        %mul3A_651 = arith.mulf %gather3A_613, %get3A_553 : vector<16xf32>
        %exp3A_652 = math.exp %mul3A_651 : vector<16xf32>
        %bitcast3A = vector.bitcast %gather3A_556 : vector<16xi32> to vector<16xf32>
        %shift_left3A = arith.shli %gather3A_556, %broadcast_in_dim3A_327 : vector<16xi32>
        %bitcast3A_653 = vector.bitcast %shift_left3A : vector<16xi32> to vector<16xf32>
        %mul3A_654 = arith.mulf %bitcast3A_653, %exp3A : vector<16xf32>
        %add3A_655 = arith.addf %bitcast3A, %mul3A_654 : vector<16xf32>
        %swap3A = arith.constant 0 : i32
        %swap3A_656 = arith.index_cast %swap3A : i32 to index
        %swap3A_657 = arith.index_cast %mul3A_540 : i32 to index
        %swap3A_658 = tpu.vector_load %arg11[%swap3A_656, %swap3A_657] {strides = array<i32>} : memref<20x512xf32, #tpu.memory_space<vmem>>, vector<16xf32>,
        tpu.vector_store %arg11[%swap3A_656, %swap3A_657], %add3A_655 {strides = array<i32>} : memref<20x512xf32, #tpu.memory_space<vmem>>, vector<16xf32>,
        %bitcast3A_659 = vector.bitcast %gather3A_558 : vector<16xi32> to vector<16xf32>
        %shift_left3A_660 = arith.shli %gather3A_558, %broadcast_in_dim3A_327 : vector<16xi32>
        %bitcast3A_661 = vector.bitcast %shift_left3A_660 : vector<16xi32> to vector<16xf32>
        %mul3A_662 = arith.mulf %bitcast3A_661, %exp3A_634 : vector<16xf32>
        %add3A_663 = arith.addf %bitcast3A_659, %mul3A_662 : vector<16xf32>
        %swap3A_664 = arith.constant 0 : i32
        %swap3A_665 = arith.index_cast %swap3A_664 : i32 to index
        %swap3A_666 = arith.index_cast %mul3A_546 : i32 to index
        %swap3A_667 = tpu.vector_load %arg11[%swap3A_665, %swap3A_666] {strides = array<i32>} : memref<20x512xf32, #tpu.memory_space<vmem>>, vector<16xf32>,
        tpu.vector_store %arg11[%swap3A_665, %swap3A_666], %add3A_663 {strides = array<i32>} : memref<20x512xf32, #tpu.memory_space<vmem>>, vector<16xf32>,
        %bitcast3A_668 = vector.bitcast %gather3A_562 : vector<16xi32> to vector<16xf32>
        %shift_left3A_669 = arith.shli %gather3A_562, %broadcast_in_dim3A_327 : vector<16xi32>
        %bitcast3A_670 = vector.bitcast %shift_left3A_669 : vector<16xi32> to vector<16xf32>
        %mul3A_671 = arith.mulf %bitcast3A_670, %exp3A_616 : vector<16xf32>
        %add3A_672 = arith.addf %bitcast3A_668, %mul3A_671 : vector<16xf32>
        %swap3A_673 = arith.constant 1 : i32
        %swap3A_674 = arith.index_cast %swap3A_673 : i32 to index
        %swap3A_675 = arith.index_cast %mul3A_540 : i32 to index
        %swap3A_676 = tpu.vector_load %arg11[%swap3A_674, %swap3A_675] {strides = array<i32>} : memref<20x512xf32, #tpu.memory_space<vmem>>, vector<16xf32>,
        tpu.vector_store %arg11[%swap3A_674, %swap3A_675], %add3A_672 {strides = array<i32>} : memref<20x512xf32, #tpu.memory_space<vmem>>, vector<16xf32>,
        %bitcast3A_677 = vector.bitcast %gather3A_564 : vector<16xi32> to vector<16xf32>
        %shift_left3A_678 = arith.shli %gather3A_564, %broadcast_in_dim3A_327 : vector<16xi32>
        %bitcast3A_679 = vector.bitcast %shift_left3A_678 : vector<16xi32> to vector<16xf32>
        %mul3A_680 = arith.mulf %bitcast3A_679, %exp3A_636 : vector<16xf32>
        %add3A_681 = arith.addf %bitcast3A_677, %mul3A_680 : vector<16xf32>
        %swap3A_682 = arith.constant 1 : i32
        %swap3A_683 = arith.index_cast %swap3A_682 : i32 to index
        %swap3A_684 = arith.index_cast %mul3A_546 : i32 to index
        %swap3A_685 = tpu.vector_load %arg11[%swap3A_683, %swap3A_684] {strides = array<i32>} : memref<20x512xf32, #tpu.memory_space<vmem>>, vector<16xf32>,
        tpu.vector_store %arg11[%swap3A_683, %swap3A_684], %add3A_681 {strides = array<i32>} : memref<20x512xf32, #tpu.memory_space<vmem>>, vector<16xf32>,
        %bitcast3A_686 = vector.bitcast %gather3A_568 : vector<16xi32> to vector<16xf32>
        %shift_left3A_687 = arith.shli %gather3A_568, %broadcast_in_dim3A_327 : vector<16xi32>
        %bitcast3A_688 = vector.bitcast %shift_left3A_687 : vector<16xi32> to vector<16xf32>
        %mul3A_689 = arith.mulf %bitcast3A_688, %exp3A_618 : vector<16xf32>
        %add3A_690 = arith.addf %bitcast3A_686, %mul3A_689 : vector<16xf32>
        %swap3A_691 = arith.constant 2 : i32
        %swap3A_692 = arith.index_cast %swap3A_691 : i32 to index
        %swap3A_693 = arith.index_cast %mul3A_540 : i32 to index
        %swap3A_694 = tpu.vector_load %arg11[%swap3A_692, %swap3A_693] {strides = array<i32>} : memref<20x512xf32, #tpu.memory_space<vmem>>, vector<16xf32>,
        tpu.vector_store %arg11[%swap3A_692, %swap3A_693], %add3A_690 {strides = array<i32>} : memref<20x512xf32, #tpu.memory_space<vmem>>, vector<16xf32>,
        %bitcast3A_695 = vector.bitcast %gather3A_570 : vector<16xi32> to vector<16xf32>
        %shift_left3A_696 = arith.shli %gather3A_570, %broadcast_in_dim3A_327 : vector<16xi32>
        %bitcast3A_697 = vector.bitcast %shift_left3A_696 : vector<16xi32> to vector<16xf32>
        %mul3A_698 = arith.mulf %bitcast3A_697, %exp3A_638 : vector<16xf32>
        %add3A_699 = arith.addf %bitcast3A_695, %mul3A_698 : vector<16xf32>
        %swap3A_700 = arith.constant 2 : i32
        %swap3A_701 = arith.index_cast %swap3A_700 : i32 to index
        %swap3A_702 = arith.index_cast %mul3A_546 : i32 to index
        %swap3A_703 = tpu.vector_load %arg11[%swap3A_701, %swap3A_702] {strides = array<i32>} : memref<20x512xf32, #tpu.memory_space<vmem>>, vector<16xf32>,
        tpu.vector_store %arg11[%swap3A_701, %swap3A_702], %add3A_699 {strides = array<i32>} : memref<20x512xf32, #tpu.memory_space<vmem>>, vector<16xf32>,
        %bitcast3A_704 = vector.bitcast %gather3A_574 : vector<16xi32> to vector<16xf32>
        %shift_left3A_705 = arith.shli %gather3A_574, %broadcast_in_dim3A_327 : vector<16xi32>
        %bitcast3A_706 = vector.bitcast %shift_left3A_705 : vector<16xi32> to vector<16xf32>
        %mul3A_707 = arith.mulf %bitcast3A_706, %exp3A_620 : vector<16xf32>
        %add3A_708 = arith.addf %bitcast3A_704, %mul3A_707 : vector<16xf32>
        %swap3A_709 = arith.constant 3 : i32
        %swap3A_710 = arith.index_cast %swap3A_709 : i32 to index
        %swap3A_711 = arith.index_cast %mul3A_540 : i32 to index
        %swap3A_712 = tpu.vector_load %arg11[%swap3A_710, %swap3A_711] {strides = array<i32>} : memref<20x512xf32, #tpu.memory_space<vmem>>, vector<16xf32>,
        tpu.vector_store %arg11[%swap3A_710, %swap3A_711], %add3A_708 {strides = array<i32>} : memref<20x512xf32, #tpu.memory_space<vmem>>, vector<16xf32>,
        %bitcast3A_713 = vector.bitcast %gather3A_576 : vector<16xi32> to vector<16xf32>
        %shift_left3A_714 = arith.shli %gather3A_576, %broadcast_in_dim3A_327 : vector<16xi32>
        %bitcast3A_715 = vector.bitcast %shift_left3A_714 : vector<16xi32> to vector<16xf32>
        %mul3A_716 = arith.mulf %bitcast3A_715, %exp3A_640 : vector<16xf32>
        %add3A_717 = arith.addf %bitcast3A_713, %mul3A_716 : vector<16xf32>
        %swap3A_718 = arith.constant 3 : i32
        %swap3A_719 = arith.index_cast %swap3A_718 : i32 to index
        %swap3A_720 = arith.index_cast %mul3A_546 : i32 to index
        %swap3A_721 = tpu.vector_load %arg11[%swap3A_719, %swap3A_720] {strides = array<i32>} : memref<20x512xf32, #tpu.memory_space<vmem>>, vector<16xf32>,
        tpu.vector_store %arg11[%swap3A_719, %swap3A_720], %add3A_717 {strides = array<i32>} : memref<20x512xf32, #tpu.memory_space<vmem>>, vector<16xf32>,
        %bitcast3A_722 = vector.bitcast %gather3A_580 : vector<16xi32> to vector<16xf32>
        %shift_left3A_723 = arith.shli %gather3A_580, %broadcast_in_dim3A_327 : vector<16xi32>
        %bitcast3A_724 = vector.bitcast %shift_left3A_723 : vector<16xi32> to vector<16xf32>
        %mul3A_725 = arith.mulf %bitcast3A_724, %exp3A_622 : vector<16xf32>
        %add3A_726 = arith.addf %bitcast3A_722, %mul3A_725 : vector<16xf32>
        %swap3A_727 = arith.constant 4 : i32
        %swap3A_728 = arith.index_cast %swap3A_727 : i32 to index
        %swap3A_729 = arith.index_cast %mul3A_540 : i32 to index
        %swap3A_730 = tpu.vector_load %arg11[%swap3A_728, %swap3A_729] {strides = array<i32>} : memref<20x512xf32, #tpu.memory_space<vmem>>, vector<16xf32>,
        tpu.vector_store %arg11[%swap3A_728, %swap3A_729], %add3A_726 {strides = array<i32>} : memref<20x512xf32, #tpu.memory_space<vmem>>, vector<16xf32>,
        %bitcast3A_731 = vector.bitcast %gather3A_582 : vector<16xi32> to vector<16xf32>
        %shift_left3A_732 = arith.shli %gather3A_582, %broadcast_in_dim3A_327 : vector<16xi32>
        %bitcast3A_733 = vector.bitcast %shift_left3A_732 : vector<16xi32> to vector<16xf32>
        %mul3A_734 = arith.mulf %bitcast3A_733, %exp3A_642 : vector<16xf32>
        %add3A_735 = arith.addf %bitcast3A_731, %mul3A_734 : vector<16xf32>
        %swap3A_736 = arith.constant 4 : i32
        %swap3A_737 = arith.index_cast %swap3A_736 : i32 to index
        %swap3A_738 = arith.index_cast %mul3A_546 : i32 to index
        %swap3A_739 = tpu.vector_load %arg11[%swap3A_737, %swap3A_738] {strides = array<i32>} : memref<20x512xf32, #tpu.memory_space<vmem>>, vector<16xf32>,
        tpu.vector_store %arg11[%swap3A_737, %swap3A_738], %add3A_735 {strides = array<i32>} : memref<20x512xf32, #tpu.memory_space<vmem>>, vector<16xf32>,
        %bitcast3A_740 = vector.bitcast %gather3A_586 : vector<16xi32> to vector<16xf32>
        %shift_left3A_741 = arith.shli %gather3A_586, %broadcast_in_dim3A_327 : vector<16xi32>
        %bitcast3A_742 = vector.bitcast %shift_left3A_741 : vector<16xi32> to vector<16xf32>
        %mul3A_743 = arith.mulf %bitcast3A_742, %exp3A_624 : vector<16xf32>
        %add3A_744 = arith.addf %bitcast3A_740, %mul3A_743 : vector<16xf32>
        %swap3A_745 = arith.constant 5 : i32
        %swap3A_746 = arith.index_cast %swap3A_745 : i32 to index
        %swap3A_747 = arith.index_cast %mul3A_540 : i32 to index
        %swap3A_748 = tpu.vector_load %arg11[%swap3A_746, %swap3A_747] {strides = array<i32>} : memref<20x512xf32, #tpu.memory_space<vmem>>, vector<16xf32>,
        tpu.vector_store %arg11[%swap3A_746, %swap3A_747], %add3A_744 {strides = array<i32>} : memref<20x512xf32, #tpu.memory_space<vmem>>, vector<16xf32>,
        %bitcast3A_749 = vector.bitcast %gather3A_588 : vector<16xi32> to vector<16xf32>
        %shift_left3A_750 = arith.shli %gather3A_588, %broadcast_in_dim3A_327 : vector<16xi32>
        %bitcast3A_751 = vector.bitcast %shift_left3A_750 : vector<16xi32> to vector<16xf32>
        %mul3A_752 = arith.mulf %bitcast3A_751, %exp3A_644 : vector<16xf32>
        %add3A_753 = arith.addf %bitcast3A_749, %mul3A_752 : vector<16xf32>
        %swap3A_754 = arith.constant 5 : i32
        %swap3A_755 = arith.index_cast %swap3A_754 : i32 to index
        %swap3A_756 = arith.index_cast %mul3A_546 : i32 to index
        %swap3A_757 = tpu.vector_load %arg11[%swap3A_755, %swap3A_756] {strides = array<i32>} : memref<20x512xf32, #tpu.memory_space<vmem>>, vector<16xf32>,
        tpu.vector_store %arg11[%swap3A_755, %swap3A_756], %add3A_753 {strides = array<i32>} : memref<20x512xf32, #tpu.memory_space<vmem>>, vector<16xf32>,
        %bitcast3A_758 = vector.bitcast %gather3A_592 : vector<16xi32> to vector<16xf32>
        %shift_left3A_759 = arith.shli %gather3A_592, %broadcast_in_dim3A_327 : vector<16xi32>
        %bitcast3A_760 = vector.bitcast %shift_left3A_759 : vector<16xi32> to vector<16xf32>
        %mul3A_761 = arith.mulf %bitcast3A_760, %exp3A_626 : vector<16xf32>
        %add3A_762 = arith.addf %bitcast3A_758, %mul3A_761 : vector<16xf32>
        %swap3A_763 = arith.constant 6 : i32
        %swap3A_764 = arith.index_cast %swap3A_763 : i32 to index
        %swap3A_765 = arith.index_cast %mul3A_540 : i32 to index
        %swap3A_766 = tpu.vector_load %arg11[%swap3A_764, %swap3A_765] {strides = array<i32>} : memref<20x512xf32, #tpu.memory_space<vmem>>, vector<16xf32>,
        tpu.vector_store %arg11[%swap3A_764, %swap3A_765], %add3A_762 {strides = array<i32>} : memref<20x512xf32, #tpu.memory_space<vmem>>, vector<16xf32>,
        %bitcast3A_767 = vector.bitcast %gather3A_594 : vector<16xi32> to vector<16xf32>
        %shift_left3A_768 = arith.shli %gather3A_594, %broadcast_in_dim3A_327 : vector<16xi32>
        %bitcast3A_769 = vector.bitcast %shift_left3A_768 : vector<16xi32> to vector<16xf32>
        %mul3A_770 = arith.mulf %bitcast3A_769, %exp3A_646 : vector<16xf32>
        %add3A_771 = arith.addf %bitcast3A_767, %mul3A_770 : vector<16xf32>
        %swap3A_772 = arith.constant 6 : i32
        %swap3A_773 = arith.index_cast %swap3A_772 : i32 to index
        %swap3A_774 = arith.index_cast %mul3A_546 : i32 to index
        %swap3A_775 = tpu.vector_load %arg11[%swap3A_773, %swap3A_774] {strides = array<i32>} : memref<20x512xf32, #tpu.memory_space<vmem>>, vector<16xf32>,
        tpu.vector_store %arg11[%swap3A_773, %swap3A_774], %add3A_771 {strides = array<i32>} : memref<20x512xf32, #tpu.memory_space<vmem>>, vector<16xf32>,
        %bitcast3A_776 = vector.bitcast %gather3A_598 : vector<16xi32> to vector<16xf32>
        %shift_left3A_777 = arith.shli %gather3A_598, %broadcast_in_dim3A_327 : vector<16xi32>
        %bitcast3A_778 = vector.bitcast %shift_left3A_777 : vector<16xi32> to vector<16xf32>
        %mul3A_779 = arith.mulf %bitcast3A_778, %exp3A_628 : vector<16xf32>
        %add3A_780 = arith.addf %bitcast3A_776, %mul3A_779 : vector<16xf32>
        %swap3A_781 = arith.constant 7 : i32
        %swap3A_782 = arith.index_cast %swap3A_781 : i32 to index
        %swap3A_783 = arith.index_cast %mul3A_540 : i32 to index
        %swap3A_784 = tpu.vector_load %arg11[%swap3A_782, %swap3A_783] {strides = array<i32>} : memref<20x512xf32, #tpu.memory_space<vmem>>, vector<16xf32>,
        tpu.vector_store %arg11[%swap3A_782, %swap3A_783], %add3A_780 {strides = array<i32>} : memref<20x512xf32, #tpu.memory_space<vmem>>, vector<16xf32>,
        %bitcast3A_785 = vector.bitcast %gather3A_600 : vector<16xi32> to vector<16xf32>
        %shift_left3A_786 = arith.shli %gather3A_600, %broadcast_in_dim3A_327 : vector<16xi32>
        %bitcast3A_787 = vector.bitcast %shift_left3A_786 : vector<16xi32> to vector<16xf32>
        %mul3A_788 = arith.mulf %bitcast3A_787, %exp3A_648 : vector<16xf32>
        %add3A_789 = arith.addf %bitcast3A_785, %mul3A_788 : vector<16xf32>
        %swap3A_790 = arith.constant 7 : i32
        %swap3A_791 = arith.index_cast %swap3A_790 : i32 to index
        %swap3A_792 = arith.index_cast %mul3A_546 : i32 to index
        %swap3A_793 = tpu.vector_load %arg11[%swap3A_791, %swap3A_792] {strides = array<i32>} : memref<20x512xf32, #tpu.memory_space<vmem>>, vector<16xf32>,
        tpu.vector_store %arg11[%swap3A_791, %swap3A_792], %add3A_789 {strides = array<i32>} : memref<20x512xf32, #tpu.memory_space<vmem>>, vector<16xf32>,
        %bitcast3A_794 = vector.bitcast %gather3A_604 : vector<16xi32> to vector<16xf32>
        %shift_left3A_795 = arith.shli %gather3A_604, %broadcast_in_dim3A_327 : vector<16xi32>
        %bitcast3A_796 = vector.bitcast %shift_left3A_795 : vector<16xi32> to vector<16xf32>
        %mul3A_797 = arith.mulf %bitcast3A_796, %exp3A_630 : vector<16xf32>
        %add3A_798 = arith.addf %bitcast3A_794, %mul3A_797 : vector<16xf32>
        %swap3A_799 = arith.constant 8 : i32
        %swap3A_800 = arith.index_cast %swap3A_799 : i32 to index
        %swap3A_801 = arith.index_cast %mul3A_540 : i32 to index
        %swap3A_802 = tpu.vector_load %arg11[%swap3A_800, %swap3A_801] {strides = array<i32>} : memref<20x512xf32, #tpu.memory_space<vmem>>, vector<16xf32>,
        tpu.vector_store %arg11[%swap3A_800, %swap3A_801], %add3A_798 {strides = array<i32>} : memref<20x512xf32, #tpu.memory_space<vmem>>, vector<16xf32>,
        %bitcast3A_803 = vector.bitcast %gather3A_606 : vector<16xi32> to vector<16xf32>
        %shift_left3A_804 = arith.shli %gather3A_606, %broadcast_in_dim3A_327 : vector<16xi32>
        %bitcast3A_805 = vector.bitcast %shift_left3A_804 : vector<16xi32> to vector<16xf32>
        %mul3A_806 = arith.mulf %bitcast3A_805, %exp3A_650 : vector<16xf32>
        %add3A_807 = arith.addf %bitcast3A_803, %mul3A_806 : vector<16xf32>
        %swap3A_808 = arith.constant 8 : i32
        %swap3A_809 = arith.index_cast %swap3A_808 : i32 to index
        %swap3A_810 = arith.index_cast %mul3A_546 : i32 to index
        %swap3A_811 = tpu.vector_load %arg11[%swap3A_809, %swap3A_810] {strides = array<i32>} : memref<20x512xf32, #tpu.memory_space<vmem>>, vector<16xf32>,
        tpu.vector_store %arg11[%swap3A_809, %swap3A_810], %add3A_807 {strides = array<i32>} : memref<20x512xf32, #tpu.memory_space<vmem>>, vector<16xf32>,
        %bitcast3A_812 = vector.bitcast %gather3A_610 : vector<16xi32> to vector<16xf32>
        %shift_left3A_813 = arith.shli %gather3A_610, %broadcast_in_dim3A_327 : vector<16xi32>
        %bitcast3A_814 = vector.bitcast %shift_left3A_813 : vector<16xi32> to vector<16xf32>
        %mul3A_815 = arith.mulf %bitcast3A_814, %exp3A_632 : vector<16xf32>
        %add3A_816 = arith.addf %bitcast3A_812, %mul3A_815 : vector<16xf32>
        %swap3A_817 = arith.constant 9 : i32
        %swap3A_818 = arith.index_cast %swap3A_817 : i32 to index
        %swap3A_819 = arith.index_cast %mul3A_540 : i32 to index
        %swap3A_820 = tpu.vector_load %arg11[%swap3A_818, %swap3A_819] {strides = array<i32>} : memref<20x512xf32, #tpu.memory_space<vmem>>, vector<16xf32>,
        tpu.vector_store %arg11[%swap3A_818, %swap3A_819], %add3A_816 {strides = array<i32>} : memref<20x512xf32, #tpu.memory_space<vmem>>, vector<16xf32>,
        %bitcast3A_821 = vector.bitcast %gather3A_612 : vector<16xi32> to vector<16xf32>
        %shift_left3A_822 = arith.shli %gather3A_612, %broadcast_in_dim3A_327 : vector<16xi32>
        %bitcast3A_823 = vector.bitcast %shift_left3A_822 : vector<16xi32> to vector<16xf32>
        %mul3A_824 = arith.mulf %bitcast3A_823, %exp3A_652 : vector<16xf32>
        %add3A_825 = arith.addf %bitcast3A_821, %mul3A_824 : vector<16xf32>
        %swap3A_826 = arith.constant 9 : i32
        %swap3A_827 = arith.index_cast %swap3A_826 : i32 to index
        %swap3A_828 = arith.index_cast %mul3A_546 : i32 to index
        %swap3A_829 = tpu.vector_load %arg11[%swap3A_827, %swap3A_828] {strides = array<i32>} : memref<20x512xf32, #tpu.memory_space<vmem>>, vector<16xf32>,
        tpu.vector_store %arg11[%swap3A_827, %swap3A_828], %add3A_825 {strides = array<i32>} : memref<20x512xf32, #tpu.memory_space<vmem>>, vector<16xf32>,
        %broadcast_in_dim3A_830 = arith.constant 10 : i32
        %broadcast_in_dim3A_831 = vector.broadcast %broadcast_in_dim3A_830 : i32 to vector<16xi32>
        %gather3A_832 = tpu.vector_load_idx %arg9[%broadcast_in_dim3A_831, %get3A_547] : memref<20x256xi32, #tpu.memory_space<vmem>>[vector<16xi32>, vector<16xi32>], vector<16xi32>,
        %gather3A_833 = tpu.vector_load_idx %arg10[%broadcast_in_dim3A_831, %get3A_547] : memref<20x256xf32, #tpu.memory_space<vmem>>[vector<16xi32>, vector<16xi32>], vector<16xf32>,
        %gather3A_834 = tpu.vector_load_idx %arg9[%broadcast_in_dim3A_831, %get3A_549] : memref<20x256xi32, #tpu.memory_space<vmem>>[vector<16xi32>, vector<16xi32>], vector<16xi32>,
        %gather3A_835 = tpu.vector_load_idx %arg10[%broadcast_in_dim3A_831, %get3A_549] : memref<20x256xf32, #tpu.memory_space<vmem>>[vector<16xi32>, vector<16xi32>], vector<16xf32>,
        %broadcast_in_dim3A_836 = arith.constant 11 : i32
        %broadcast_in_dim3A_837 = vector.broadcast %broadcast_in_dim3A_836 : i32 to vector<16xi32>
        %gather3A_838 = tpu.vector_load_idx %arg9[%broadcast_in_dim3A_837, %get3A_547] : memref<20x256xi32, #tpu.memory_space<vmem>>[vector<16xi32>, vector<16xi32>], vector<16xi32>,
        %gather3A_839 = tpu.vector_load_idx %arg10[%broadcast_in_dim3A_837, %get3A_547] : memref<20x256xf32, #tpu.memory_space<vmem>>[vector<16xi32>, vector<16xi32>], vector<16xf32>,
        %gather3A_840 = tpu.vector_load_idx %arg9[%broadcast_in_dim3A_837, %get3A_549] : memref<20x256xi32, #tpu.memory_space<vmem>>[vector<16xi32>, vector<16xi32>], vector<16xi32>,
        %gather3A_841 = tpu.vector_load_idx %arg10[%broadcast_in_dim3A_837, %get3A_549] : memref<20x256xf32, #tpu.memory_space<vmem>>[vector<16xi32>, vector<16xi32>], vector<16xf32>,
        %broadcast_in_dim3A_842 = arith.constant 12 : i32
        %broadcast_in_dim3A_843 = vector.broadcast %broadcast_in_dim3A_842 : i32 to vector<16xi32>
        %gather3A_844 = tpu.vector_load_idx %arg9[%broadcast_in_dim3A_843, %get3A_547] : memref<20x256xi32, #tpu.memory_space<vmem>>[vector<16xi32>, vector<16xi32>], vector<16xi32>,
        %gather3A_845 = tpu.vector_load_idx %arg10[%broadcast_in_dim3A_843, %get3A_547] : memref<20x256xf32, #tpu.memory_space<vmem>>[vector<16xi32>, vector<16xi32>], vector<16xf32>,
        %gather3A_846 = tpu.vector_load_idx %arg9[%broadcast_in_dim3A_843, %get3A_549] : memref<20x256xi32, #tpu.memory_space<vmem>>[vector<16xi32>, vector<16xi32>], vector<16xi32>,
        %gather3A_847 = tpu.vector_load_idx %arg10[%broadcast_in_dim3A_843, %get3A_549] : memref<20x256xf32, #tpu.memory_space<vmem>>[vector<16xi32>, vector<16xi32>], vector<16xf32>,
        %broadcast_in_dim3A_848 = arith.constant 13 : i32
        %broadcast_in_dim3A_849 = vector.broadcast %broadcast_in_dim3A_848 : i32 to vector<16xi32>
        %gather3A_850 = tpu.vector_load_idx %arg9[%broadcast_in_dim3A_849, %get3A_547] : memref<20x256xi32, #tpu.memory_space<vmem>>[vector<16xi32>, vector<16xi32>], vector<16xi32>,
        %gather3A_851 = tpu.vector_load_idx %arg10[%broadcast_in_dim3A_849, %get3A_547] : memref<20x256xf32, #tpu.memory_space<vmem>>[vector<16xi32>, vector<16xi32>], vector<16xf32>,
        %gather3A_852 = tpu.vector_load_idx %arg9[%broadcast_in_dim3A_849, %get3A_549] : memref<20x256xi32, #tpu.memory_space<vmem>>[vector<16xi32>, vector<16xi32>], vector<16xi32>,
        %gather3A_853 = tpu.vector_load_idx %arg10[%broadcast_in_dim3A_849, %get3A_549] : memref<20x256xf32, #tpu.memory_space<vmem>>[vector<16xi32>, vector<16xi32>], vector<16xf32>,
        %broadcast_in_dim3A_854 = arith.constant 14 : i32
        %broadcast_in_dim3A_855 = vector.broadcast %broadcast_in_dim3A_854 : i32 to vector<16xi32>
        %gather3A_856 = tpu.vector_load_idx %arg9[%broadcast_in_dim3A_855, %get3A_547] : memref<20x256xi32, #tpu.memory_space<vmem>>[vector<16xi32>, vector<16xi32>], vector<16xi32>,
        %gather3A_857 = tpu.vector_load_idx %arg10[%broadcast_in_dim3A_855, %get3A_547] : memref<20x256xf32, #tpu.memory_space<vmem>>[vector<16xi32>, vector<16xi32>], vector<16xf32>,
        %gather3A_858 = tpu.vector_load_idx %arg9[%broadcast_in_dim3A_855, %get3A_549] : memref<20x256xi32, #tpu.memory_space<vmem>>[vector<16xi32>, vector<16xi32>], vector<16xi32>,
        %gather3A_859 = tpu.vector_load_idx %arg10[%broadcast_in_dim3A_855, %get3A_549] : memref<20x256xf32, #tpu.memory_space<vmem>>[vector<16xi32>, vector<16xi32>], vector<16xf32>,
        %broadcast_in_dim3A_860 = arith.constant 15 : i32
        %broadcast_in_dim3A_861 = vector.broadcast %broadcast_in_dim3A_860 : i32 to vector<16xi32>
        %gather3A_862 = tpu.vector_load_idx %arg9[%broadcast_in_dim3A_861, %get3A_547] : memref<20x256xi32, #tpu.memory_space<vmem>>[vector<16xi32>, vector<16xi32>], vector<16xi32>,
        %gather3A_863 = tpu.vector_load_idx %arg10[%broadcast_in_dim3A_861, %get3A_547] : memref<20x256xf32, #tpu.memory_space<vmem>>[vector<16xi32>, vector<16xi32>], vector<16xf32>,
        %gather3A_864 = tpu.vector_load_idx %arg9[%broadcast_in_dim3A_861, %get3A_549] : memref<20x256xi32, #tpu.memory_space<vmem>>[vector<16xi32>, vector<16xi32>], vector<16xi32>,
        %gather3A_865 = tpu.vector_load_idx %arg10[%broadcast_in_dim3A_861, %get3A_549] : memref<20x256xf32, #tpu.memory_space<vmem>>[vector<16xi32>, vector<16xi32>], vector<16xf32>,
        %broadcast_in_dim3A_866 = arith.constant 16 : i32
        %broadcast_in_dim3A_867 = vector.broadcast %broadcast_in_dim3A_866 : i32 to vector<16xi32>
        %gather3A_868 = tpu.vector_load_idx %arg9[%broadcast_in_dim3A_867, %get3A_547] : memref<20x256xi32, #tpu.memory_space<vmem>>[vector<16xi32>, vector<16xi32>], vector<16xi32>,
        %gather3A_869 = tpu.vector_load_idx %arg10[%broadcast_in_dim3A_867, %get3A_547] : memref<20x256xf32, #tpu.memory_space<vmem>>[vector<16xi32>, vector<16xi32>], vector<16xf32>,
        %gather3A_870 = tpu.vector_load_idx %arg9[%broadcast_in_dim3A_867, %get3A_549] : memref<20x256xi32, #tpu.memory_space<vmem>>[vector<16xi32>, vector<16xi32>], vector<16xi32>,
        %gather3A_871 = tpu.vector_load_idx %arg10[%broadcast_in_dim3A_867, %get3A_549] : memref<20x256xf32, #tpu.memory_space<vmem>>[vector<16xi32>, vector<16xi32>], vector<16xf32>,
        %broadcast_in_dim3A_872 = arith.constant 17 : i32
        %broadcast_in_dim3A_873 = vector.broadcast %broadcast_in_dim3A_872 : i32 to vector<16xi32>
        %gather3A_874 = tpu.vector_load_idx %arg9[%broadcast_in_dim3A_873, %get3A_547] : memref<20x256xi32, #tpu.memory_space<vmem>>[vector<16xi32>, vector<16xi32>], vector<16xi32>,
        %gather3A_875 = tpu.vector_load_idx %arg10[%broadcast_in_dim3A_873, %get3A_547] : memref<20x256xf32, #tpu.memory_space<vmem>>[vector<16xi32>, vector<16xi32>], vector<16xf32>,
        %gather3A_876 = tpu.vector_load_idx %arg9[%broadcast_in_dim3A_873, %get3A_549] : memref<20x256xi32, #tpu.memory_space<vmem>>[vector<16xi32>, vector<16xi32>], vector<16xi32>,
        %gather3A_877 = tpu.vector_load_idx %arg10[%broadcast_in_dim3A_873, %get3A_549] : memref<20x256xf32, #tpu.memory_space<vmem>>[vector<16xi32>, vector<16xi32>], vector<16xf32>,
        %broadcast_in_dim3A_878 = arith.constant 18 : i32
        %broadcast_in_dim3A_879 = vector.broadcast %broadcast_in_dim3A_878 : i32 to vector<16xi32>
        %gather3A_880 = tpu.vector_load_idx %arg9[%broadcast_in_dim3A_879, %get3A_547] : memref<20x256xi32, #tpu.memory_space<vmem>>[vector<16xi32>, vector<16xi32>], vector<16xi32>,
        %gather3A_881 = tpu.vector_load_idx %arg10[%broadcast_in_dim3A_879, %get3A_547] : memref<20x256xf32, #tpu.memory_space<vmem>>[vector<16xi32>, vector<16xi32>], vector<16xf32>,
        %gather3A_882 = tpu.vector_load_idx %arg9[%broadcast_in_dim3A_879, %get3A_549] : memref<20x256xi32, #tpu.memory_space<vmem>>[vector<16xi32>, vector<16xi32>], vector<16xi32>,
        %gather3A_883 = tpu.vector_load_idx %arg10[%broadcast_in_dim3A_879, %get3A_549] : memref<20x256xf32, #tpu.memory_space<vmem>>[vector<16xi32>, vector<16xi32>], vector<16xf32>,
        %broadcast_in_dim3A_884 = arith.constant 19 : i32
        %broadcast_in_dim3A_885 = vector.broadcast %broadcast_in_dim3A_884 : i32 to vector<16xi32>
        %gather3A_886 = tpu.vector_load_idx %arg9[%broadcast_in_dim3A_885, %get3A_547] : memref<20x256xi32, #tpu.memory_space<vmem>>[vector<16xi32>, vector<16xi32>], vector<16xi32>,
        %gather3A_887 = tpu.vector_load_idx %arg10[%broadcast_in_dim3A_885, %get3A_547] : memref<20x256xf32, #tpu.memory_space<vmem>>[vector<16xi32>, vector<16xi32>], vector<16xf32>,
        %gather3A_888 = tpu.vector_load_idx %arg9[%broadcast_in_dim3A_885, %get3A_549] : memref<20x256xi32, #tpu.memory_space<vmem>>[vector<16xi32>, vector<16xi32>], vector<16xi32>,
        %gather3A_889 = tpu.vector_load_idx %arg10[%broadcast_in_dim3A_885, %get3A_549] : memref<20x256xf32, #tpu.memory_space<vmem>>[vector<16xi32>, vector<16xi32>], vector<16xf32>,
        %mul3A_890 = arith.mulf %gather3A_833, %get3A_551 : vector<16xf32>
        %exp3A_891 = math.exp %mul3A_890 : vector<16xf32>
        %mul3A_892 = arith.mulf %gather3A_839, %get3A_551 : vector<16xf32>
        %exp3A_893 = math.exp %mul3A_892 : vector<16xf32>
        %mul3A_894 = arith.mulf %gather3A_845, %get3A_551 : vector<16xf32>
        %exp3A_895 = math.exp %mul3A_894 : vector<16xf32>
        %mul3A_896 = arith.mulf %gather3A_851, %get3A_551 : vector<16xf32>
        %exp3A_897 = math.exp %mul3A_896 : vector<16xf32>
        %mul3A_898 = arith.mulf %gather3A_857, %get3A_551 : vector<16xf32>
        %exp3A_899 = math.exp %mul3A_898 : vector<16xf32>
        %mul3A_900 = arith.mulf %gather3A_863, %get3A_551 : vector<16xf32>
        %exp3A_901 = math.exp %mul3A_900 : vector<16xf32>
        %mul3A_902 = arith.mulf %gather3A_869, %get3A_551 : vector<16xf32>
        %exp3A_903 = math.exp %mul3A_902 : vector<16xf32>
        %mul3A_904 = arith.mulf %gather3A_875, %get3A_551 : vector<16xf32>
        %exp3A_905 = math.exp %mul3A_904 : vector<16xf32>
        %mul3A_906 = arith.mulf %gather3A_881, %get3A_551 : vector<16xf32>
        %exp3A_907 = math.exp %mul3A_906 : vector<16xf32>
        %mul3A_908 = arith.mulf %gather3A_887, %get3A_551 : vector<16xf32>
        %exp3A_909 = math.exp %mul3A_908 : vector<16xf32>
        %mul3A_910 = arith.mulf %gather3A_835, %get3A_553 : vector<16xf32>
        %exp3A_911 = math.exp %mul3A_910 : vector<16xf32>
        %mul3A_912 = arith.mulf %gather3A_841, %get3A_553 : vector<16xf32>
        %exp3A_913 = math.exp %mul3A_912 : vector<16xf32>
        %mul3A_914 = arith.mulf %gather3A_847, %get3A_553 : vector<16xf32>
        %exp3A_915 = math.exp %mul3A_914 : vector<16xf32>
        %mul3A_916 = arith.mulf %gather3A_853, %get3A_553 : vector<16xf32>
        %exp3A_917 = math.exp %mul3A_916 : vector<16xf32>
        %mul3A_918 = arith.mulf %gather3A_859, %get3A_553 : vector<16xf32>
        %exp3A_919 = math.exp %mul3A_918 : vector<16xf32>
        %mul3A_920 = arith.mulf %gather3A_865, %get3A_553 : vector<16xf32>
        %exp3A_921 = math.exp %mul3A_920 : vector<16xf32>
        %mul3A_922 = arith.mulf %gather3A_871, %get3A_553 : vector<16xf32>
        %exp3A_923 = math.exp %mul3A_922 : vector<16xf32>
        %mul3A_924 = arith.mulf %gather3A_877, %get3A_553 : vector<16xf32>
        %exp3A_925 = math.exp %mul3A_924 : vector<16xf32>
        %mul3A_926 = arith.mulf %gather3A_883, %get3A_553 : vector<16xf32>
        %exp3A_927 = math.exp %mul3A_926 : vector<16xf32>
        %mul3A_928 = arith.mulf %gather3A_889, %get3A_553 : vector<16xf32>
        %exp3A_929 = math.exp %mul3A_928 : vector<16xf32>
        %bitcast3A_930 = vector.bitcast %gather3A_832 : vector<16xi32> to vector<16xf32>
        %shift_left3A_931 = arith.shli %gather3A_832, %broadcast_in_dim3A_327 : vector<16xi32>
        %bitcast3A_932 = vector.bitcast %shift_left3A_931 : vector<16xi32> to vector<16xf32>
        %mul3A_933 = arith.mulf %bitcast3A_932, %exp3A_891 : vector<16xf32>
        %add3A_934 = arith.addf %bitcast3A_930, %mul3A_933 : vector<16xf32>
        %swap3A_935 = arith.constant 10 : i32
        %swap3A_936 = arith.index_cast %swap3A_935 : i32 to index
        %swap3A_937 = arith.index_cast %mul3A_540 : i32 to index
        %swap3A_938 = tpu.vector_load %arg11[%swap3A_936, %swap3A_937] {strides = array<i32>} : memref<20x512xf32, #tpu.memory_space<vmem>>, vector<16xf32>,
        tpu.vector_store %arg11[%swap3A_936, %swap3A_937], %add3A_934 {strides = array<i32>} : memref<20x512xf32, #tpu.memory_space<vmem>>, vector<16xf32>,
        %bitcast3A_939 = vector.bitcast %gather3A_834 : vector<16xi32> to vector<16xf32>
        %shift_left3A_940 = arith.shli %gather3A_834, %broadcast_in_dim3A_327 : vector<16xi32>
        %bitcast3A_941 = vector.bitcast %shift_left3A_940 : vector<16xi32> to vector<16xf32>
        %mul3A_942 = arith.mulf %bitcast3A_941, %exp3A_911 : vector<16xf32>
        %add3A_943 = arith.addf %bitcast3A_939, %mul3A_942 : vector<16xf32>
        %swap3A_944 = arith.constant 10 : i32
        %swap3A_945 = arith.index_cast %swap3A_944 : i32 to index
        %swap3A_946 = arith.index_cast %mul3A_546 : i32 to index
        %swap3A_947 = tpu.vector_load %arg11[%swap3A_945, %swap3A_946] {strides = array<i32>} : memref<20x512xf32, #tpu.memory_space<vmem>>, vector<16xf32>,
        tpu.vector_store %arg11[%swap3A_945, %swap3A_946], %add3A_943 {strides = array<i32>} : memref<20x512xf32, #tpu.memory_space<vmem>>, vector<16xf32>,
        %bitcast3A_948 = vector.bitcast %gather3A_838 : vector<16xi32> to vector<16xf32>
        %shift_left3A_949 = arith.shli %gather3A_838, %broadcast_in_dim3A_327 : vector<16xi32>
        %bitcast3A_950 = vector.bitcast %shift_left3A_949 : vector<16xi32> to vector<16xf32>
        %mul3A_951 = arith.mulf %bitcast3A_950, %exp3A_893 : vector<16xf32>
        %add3A_952 = arith.addf %bitcast3A_948, %mul3A_951 : vector<16xf32>
        %swap3A_953 = arith.constant 11 : i32
        %swap3A_954 = arith.index_cast %swap3A_953 : i32 to index
        %swap3A_955 = arith.index_cast %mul3A_540 : i32 to index
        %swap3A_956 = tpu.vector_load %arg11[%swap3A_954, %swap3A_955] {strides = array<i32>} : memref<20x512xf32, #tpu.memory_space<vmem>>, vector<16xf32>,
        tpu.vector_store %arg11[%swap3A_954, %swap3A_955], %add3A_952 {strides = array<i32>} : memref<20x512xf32, #tpu.memory_space<vmem>>, vector<16xf32>,
        %bitcast3A_957 = vector.bitcast %gather3A_840 : vector<16xi32> to vector<16xf32>
        %shift_left3A_958 = arith.shli %gather3A_840, %broadcast_in_dim3A_327 : vector<16xi32>
        %bitcast3A_959 = vector.bitcast %shift_left3A_958 : vector<16xi32> to vector<16xf32>
        %mul3A_960 = arith.mulf %bitcast3A_959, %exp3A_913 : vector<16xf32>
        %add3A_961 = arith.addf %bitcast3A_957, %mul3A_960 : vector<16xf32>
        %swap3A_962 = arith.constant 11 : i32
        %swap3A_963 = arith.index_cast %swap3A_962 : i32 to index
        %swap3A_964 = arith.index_cast %mul3A_546 : i32 to index
        %swap3A_965 = tpu.vector_load %arg11[%swap3A_963, %swap3A_964] {strides = array<i32>} : memref<20x512xf32, #tpu.memory_space<vmem>>, vector<16xf32>,
        tpu.vector_store %arg11[%swap3A_963, %swap3A_964], %add3A_961 {strides = array<i32>} : memref<20x512xf32, #tpu.memory_space<vmem>>, vector<16xf32>,
        %bitcast3A_966 = vector.bitcast %gather3A_844 : vector<16xi32> to vector<16xf32>
        %shift_left3A_967 = arith.shli %gather3A_844, %broadcast_in_dim3A_327 : vector<16xi32>
        %bitcast3A_968 = vector.bitcast %shift_left3A_967 : vector<16xi32> to vector<16xf32>
        %mul3A_969 = arith.mulf %bitcast3A_968, %exp3A_895 : vector<16xf32>
        %add3A_970 = arith.addf %bitcast3A_966, %mul3A_969 : vector<16xf32>
        %swap3A_971 = arith.constant 12 : i32
        %swap3A_972 = arith.index_cast %swap3A_971 : i32 to index
        %swap3A_973 = arith.index_cast %mul3A_540 : i32 to index
        %swap3A_974 = tpu.vector_load %arg11[%swap3A_972, %swap3A_973] {strides = array<i32>} : memref<20x512xf32, #tpu.memory_space<vmem>>, vector<16xf32>,
        tpu.vector_store %arg11[%swap3A_972, %swap3A_973], %add3A_970 {strides = array<i32>} : memref<20x512xf32, #tpu.memory_space<vmem>>, vector<16xf32>,
        %bitcast3A_975 = vector.bitcast %gather3A_846 : vector<16xi32> to vector<16xf32>
        %shift_left3A_976 = arith.shli %gather3A_846, %broadcast_in_dim3A_327 : vector<16xi32>
        %bitcast3A_977 = vector.bitcast %shift_left3A_976 : vector<16xi32> to vector<16xf32>
        %mul3A_978 = arith.mulf %bitcast3A_977, %exp3A_915 : vector<16xf32>
        %add3A_979 = arith.addf %bitcast3A_975, %mul3A_978 : vector<16xf32>
        %swap3A_980 = arith.constant 12 : i32
        %swap3A_981 = arith.index_cast %swap3A_980 : i32 to index
        %swap3A_982 = arith.index_cast %mul3A_546 : i32 to index
        %swap3A_983 = tpu.vector_load %arg11[%swap3A_981, %swap3A_982] {strides = array<i32>} : memref<20x512xf32, #tpu.memory_space<vmem>>, vector<16xf32>,
        tpu.vector_store %arg11[%swap3A_981, %swap3A_982], %add3A_979 {strides = array<i32>} : memref<20x512xf32, #tpu.memory_space<vmem>>, vector<16xf32>,
        %bitcast3A_984 = vector.bitcast %gather3A_850 : vector<16xi32> to vector<16xf32>
        %shift_left3A_985 = arith.shli %gather3A_850, %broadcast_in_dim3A_327 : vector<16xi32>
        %bitcast3A_986 = vector.bitcast %shift_left3A_985 : vector<16xi32> to vector<16xf32>
        %mul3A_987 = arith.mulf %bitcast3A_986, %exp3A_897 : vector<16xf32>
        %add3A_988 = arith.addf %bitcast3A_984, %mul3A_987 : vector<16xf32>
        %swap3A_989 = arith.constant 13 : i32
        %swap3A_990 = arith.index_cast %swap3A_989 : i32 to index
        %swap3A_991 = arith.index_cast %mul3A_540 : i32 to index
        %swap3A_992 = tpu.vector_load %arg11[%swap3A_990, %swap3A_991] {strides = array<i32>} : memref<20x512xf32, #tpu.memory_space<vmem>>, vector<16xf32>,
        tpu.vector_store %arg11[%swap3A_990, %swap3A_991], %add3A_988 {strides = array<i32>} : memref<20x512xf32, #tpu.memory_space<vmem>>, vector<16xf32>,
        %bitcast3A_993 = vector.bitcast %gather3A_852 : vector<16xi32> to vector<16xf32>
        %shift_left3A_994 = arith.shli %gather3A_852, %broadcast_in_dim3A_327 : vector<16xi32>
        %bitcast3A_995 = vector.bitcast %shift_left3A_994 : vector<16xi32> to vector<16xf32>
        %mul3A_996 = arith.mulf %bitcast3A_995, %exp3A_917 : vector<16xf32>
        %add3A_997 = arith.addf %bitcast3A_993, %mul3A_996 : vector<16xf32>
        %swap3A_998 = arith.constant 13 : i32
        %swap3A_999 = arith.index_cast %swap3A_998 : i32 to index
        %swap3A_1000 = arith.index_cast %mul3A_546 : i32 to index
        %swap3A_1001 = tpu.vector_load %arg11[%swap3A_999, %swap3A_1000] {strides = array<i32>} : memref<20x512xf32, #tpu.memory_space<vmem>>, vector<16xf32>,
        tpu.vector_store %arg11[%swap3A_999, %swap3A_1000], %add3A_997 {strides = array<i32>} : memref<20x512xf32, #tpu.memory_space<vmem>>, vector<16xf32>,
        %bitcast3A_1002 = vector.bitcast %gather3A_856 : vector<16xi32> to vector<16xf32>
        %shift_left3A_1003 = arith.shli %gather3A_856, %broadcast_in_dim3A_327 : vector<16xi32>
        %bitcast3A_1004 = vector.bitcast %shift_left3A_1003 : vector<16xi32> to vector<16xf32>
        %mul3A_1005 = arith.mulf %bitcast3A_1004, %exp3A_899 : vector<16xf32>
        %add3A_1006 = arith.addf %bitcast3A_1002, %mul3A_1005 : vector<16xf32>
        %swap3A_1007 = arith.constant 14 : i32
        %swap3A_1008 = arith.index_cast %swap3A_1007 : i32 to index
        %swap3A_1009 = arith.index_cast %mul3A_540 : i32 to index
        %swap3A_1010 = tpu.vector_load %arg11[%swap3A_1008, %swap3A_1009] {strides = array<i32>} : memref<20x512xf32, #tpu.memory_space<vmem>>, vector<16xf32>,
        tpu.vector_store %arg11[%swap3A_1008, %swap3A_1009], %add3A_1006 {strides = array<i32>} : memref<20x512xf32, #tpu.memory_space<vmem>>, vector<16xf32>,
        %bitcast3A_1011 = vector.bitcast %gather3A_858 : vector<16xi32> to vector<16xf32>
        %shift_left3A_1012 = arith.shli %gather3A_858, %broadcast_in_dim3A_327 : vector<16xi32>
        %bitcast3A_1013 = vector.bitcast %shift_left3A_1012 : vector<16xi32> to vector<16xf32>
        %mul3A_1014 = arith.mulf %bitcast3A_1013, %exp3A_919 : vector<16xf32>
        %add3A_1015 = arith.addf %bitcast3A_1011, %mul3A_1014 : vector<16xf32>
        %swap3A_1016 = arith.constant 14 : i32
        %swap3A_1017 = arith.index_cast %swap3A_1016 : i32 to index
        %swap3A_1018 = arith.index_cast %mul3A_546 : i32 to index
        %swap3A_1019 = tpu.vector_load %arg11[%swap3A_1017, %swap3A_1018] {strides = array<i32>} : memref<20x512xf32, #tpu.memory_space<vmem>>, vector<16xf32>,
        tpu.vector_store %arg11[%swap3A_1017, %swap3A_1018], %add3A_1015 {strides = array<i32>} : memref<20x512xf32, #tpu.memory_space<vmem>>, vector<16xf32>,
        %bitcast3A_1020 = vector.bitcast %gather3A_862 : vector<16xi32> to vector<16xf32>
        %shift_left3A_1021 = arith.shli %gather3A_862, %broadcast_in_dim3A_327 : vector<16xi32>
        %bitcast3A_1022 = vector.bitcast %shift_left3A_1021 : vector<16xi32> to vector<16xf32>
        %mul3A_1023 = arith.mulf %bitcast3A_1022, %exp3A_901 : vector<16xf32>
        %add3A_1024 = arith.addf %bitcast3A_1020, %mul3A_1023 : vector<16xf32>
        %swap3A_1025 = arith.constant 15 : i32
        %swap3A_1026 = arith.index_cast %swap3A_1025 : i32 to index
        %swap3A_1027 = arith.index_cast %mul3A_540 : i32 to index
        %swap3A_1028 = tpu.vector_load %arg11[%swap3A_1026, %swap3A_1027] {strides = array<i32>} : memref<20x512xf32, #tpu.memory_space<vmem>>, vector<16xf32>,
        tpu.vector_store %arg11[%swap3A_1026, %swap3A_1027], %add3A_1024 {strides = array<i32>} : memref<20x512xf32, #tpu.memory_space<vmem>>, vector<16xf32>,
        %bitcast3A_1029 = vector.bitcast %gather3A_864 : vector<16xi32> to vector<16xf32>
        %shift_left3A_1030 = arith.shli %gather3A_864, %broadcast_in_dim3A_327 : vector<16xi32>
        %bitcast3A_1031 = vector.bitcast %shift_left3A_1030 : vector<16xi32> to vector<16xf32>
        %mul3A_1032 = arith.mulf %bitcast3A_1031, %exp3A_921 : vector<16xf32>
        %add3A_1033 = arith.addf %bitcast3A_1029, %mul3A_1032 : vector<16xf32>
        %swap3A_1034 = arith.constant 15 : i32
        %swap3A_1035 = arith.index_cast %swap3A_1034 : i32 to index
        %swap3A_1036 = arith.index_cast %mul3A_546 : i32 to index
        %swap3A_1037 = tpu.vector_load %arg11[%swap3A_1035, %swap3A_1036] {strides = array<i32>} : memref<20x512xf32, #tpu.memory_space<vmem>>, vector<16xf32>,
        tpu.vector_store %arg11[%swap3A_1035, %swap3A_1036], %add3A_1033 {strides = array<i32>} : memref<20x512xf32, #tpu.memory_space<vmem>>, vector<16xf32>,
        %bitcast3A_1038 = vector.bitcast %gather3A_868 : vector<16xi32> to vector<16xf32>
        %shift_left3A_1039 = arith.shli %gather3A_868, %broadcast_in_dim3A_327 : vector<16xi32>
        %bitcast3A_1040 = vector.bitcast %shift_left3A_1039 : vector<16xi32> to vector<16xf32>
        %mul3A_1041 = arith.mulf %bitcast3A_1040, %exp3A_903 : vector<16xf32>
        %add3A_1042 = arith.addf %bitcast3A_1038, %mul3A_1041 : vector<16xf32>
        %swap3A_1043 = arith.constant 16 : i32
        %swap3A_1044 = arith.index_cast %swap3A_1043 : i32 to index
        %swap3A_1045 = arith.index_cast %mul3A_540 : i32 to index
        %swap3A_1046 = tpu.vector_load %arg11[%swap3A_1044, %swap3A_1045] {strides = array<i32>} : memref<20x512xf32, #tpu.memory_space<vmem>>, vector<16xf32>,
        tpu.vector_store %arg11[%swap3A_1044, %swap3A_1045], %add3A_1042 {strides = array<i32>} : memref<20x512xf32, #tpu.memory_space<vmem>>, vector<16xf32>,
        %bitcast3A_1047 = vector.bitcast %gather3A_870 : vector<16xi32> to vector<16xf32>
        %shift_left3A_1048 = arith.shli %gather3A_870, %broadcast_in_dim3A_327 : vector<16xi32>
        %bitcast3A_1049 = vector.bitcast %shift_left3A_1048 : vector<16xi32> to vector<16xf32>
        %mul3A_1050 = arith.mulf %bitcast3A_1049, %exp3A_923 : vector<16xf32>
        %add3A_1051 = arith.addf %bitcast3A_1047, %mul3A_1050 : vector<16xf32>
        %swap3A_1052 = arith.constant 16 : i32
        %swap3A_1053 = arith.index_cast %swap3A_1052 : i32 to index
        %swap3A_1054 = arith.index_cast %mul3A_546 : i32 to index
        %swap3A_1055 = tpu.vector_load %arg11[%swap3A_1053, %swap3A_1054] {strides = array<i32>} : memref<20x512xf32, #tpu.memory_space<vmem>>, vector<16xf32>,
        tpu.vector_store %arg11[%swap3A_1053, %swap3A_1054], %add3A_1051 {strides = array<i32>} : memref<20x512xf32, #tpu.memory_space<vmem>>, vector<16xf32>,
        %bitcast3A_1056 = vector.bitcast %gather3A_874 : vector<16xi32> to vector<16xf32>
        %shift_left3A_1057 = arith.shli %gather3A_874, %broadcast_in_dim3A_327 : vector<16xi32>
        %bitcast3A_1058 = vector.bitcast %shift_left3A_1057 : vector<16xi32> to vector<16xf32>
        %mul3A_1059 = arith.mulf %bitcast3A_1058, %exp3A_905 : vector<16xf32>
        %add3A_1060 = arith.addf %bitcast3A_1056, %mul3A_1059 : vector<16xf32>
        %swap3A_1061 = arith.constant 17 : i32
        %swap3A_1062 = arith.index_cast %swap3A_1061 : i32 to index
        %swap3A_1063 = arith.index_cast %mul3A_540 : i32 to index
        %swap3A_1064 = tpu.vector_load %arg11[%swap3A_1062, %swap3A_1063] {strides = array<i32>} : memref<20x512xf32, #tpu.memory_space<vmem>>, vector<16xf32>,
        tpu.vector_store %arg11[%swap3A_1062, %swap3A_1063], %add3A_1060 {strides = array<i32>} : memref<20x512xf32, #tpu.memory_space<vmem>>, vector<16xf32>,
        %bitcast3A_1065 = vector.bitcast %gather3A_876 : vector<16xi32> to vector<16xf32>
        %shift_left3A_1066 = arith.shli %gather3A_876, %broadcast_in_dim3A_327 : vector<16xi32>
        %bitcast3A_1067 = vector.bitcast %shift_left3A_1066 : vector<16xi32> to vector<16xf32>
        %mul3A_1068 = arith.mulf %bitcast3A_1067, %exp3A_925 : vector<16xf32>
        %add3A_1069 = arith.addf %bitcast3A_1065, %mul3A_1068 : vector<16xf32>
        %swap3A_1070 = arith.constant 17 : i32
        %swap3A_1071 = arith.index_cast %swap3A_1070 : i32 to index
        %swap3A_1072 = arith.index_cast %mul3A_546 : i32 to index
        %swap3A_1073 = tpu.vector_load %arg11[%swap3A_1071, %swap3A_1072] {strides = array<i32>} : memref<20x512xf32, #tpu.memory_space<vmem>>, vector<16xf32>,
        tpu.vector_store %arg11[%swap3A_1071, %swap3A_1072], %add3A_1069 {strides = array<i32>} : memref<20x512xf32, #tpu.memory_space<vmem>>, vector<16xf32>,
        %bitcast3A_1074 = vector.bitcast %gather3A_880 : vector<16xi32> to vector<16xf32>
        %shift_left3A_1075 = arith.shli %gather3A_880, %broadcast_in_dim3A_327 : vector<16xi32>
        %bitcast3A_1076 = vector.bitcast %shift_left3A_1075 : vector<16xi32> to vector<16xf32>
        %mul3A_1077 = arith.mulf %bitcast3A_1076, %exp3A_907 : vector<16xf32>
        %add3A_1078 = arith.addf %bitcast3A_1074, %mul3A_1077 : vector<16xf32>
        %swap3A_1079 = arith.constant 18 : i32
        %swap3A_1080 = arith.index_cast %swap3A_1079 : i32 to index
        %swap3A_1081 = arith.index_cast %mul3A_540 : i32 to index
        %swap3A_1082 = tpu.vector_load %arg11[%swap3A_1080, %swap3A_1081] {strides = array<i32>} : memref<20x512xf32, #tpu.memory_space<vmem>>, vector<16xf32>,
        tpu.vector_store %arg11[%swap3A_1080, %swap3A_1081], %add3A_1078 {strides = array<i32>} : memref<20x512xf32, #tpu.memory_space<vmem>>, vector<16xf32>,
        %bitcast3A_1083 = vector.bitcast %gather3A_882 : vector<16xi32> to vector<16xf32>
        %shift_left3A_1084 = arith.shli %gather3A_882, %broadcast_in_dim3A_327 : vector<16xi32>
        %bitcast3A_1085 = vector.bitcast %shift_left3A_1084 : vector<16xi32> to vector<16xf32>
        %mul3A_1086 = arith.mulf %bitcast3A_1085, %exp3A_927 : vector<16xf32>
        %add3A_1087 = arith.addf %bitcast3A_1083, %mul3A_1086 : vector<16xf32>
        %swap3A_1088 = arith.constant 18 : i32
        %swap3A_1089 = arith.index_cast %swap3A_1088 : i32 to index
        %swap3A_1090 = arith.index_cast %mul3A_546 : i32 to index
        %swap3A_1091 = tpu.vector_load %arg11[%swap3A_1089, %swap3A_1090] {strides = array<i32>} : memref<20x512xf32, #tpu.memory_space<vmem>>, vector<16xf32>,
        tpu.vector_store %arg11[%swap3A_1089, %swap3A_1090], %add3A_1087 {strides = array<i32>} : memref<20x512xf32, #tpu.memory_space<vmem>>, vector<16xf32>,
        %bitcast3A_1092 = vector.bitcast %gather3A_886 : vector<16xi32> to vector<16xf32>
        %shift_left3A_1093 = arith.shli %gather3A_886, %broadcast_in_dim3A_327 : vector<16xi32>
        %bitcast3A_1094 = vector.bitcast %shift_left3A_1093 : vector<16xi32> to vector<16xf32>
        %mul3A_1095 = arith.mulf %bitcast3A_1094, %exp3A_909 : vector<16xf32>
        %add3A_1096 = arith.addf %bitcast3A_1092, %mul3A_1095 : vector<16xf32>
        %swap3A_1097 = arith.constant 19 : i32
        %swap3A_1098 = arith.index_cast %swap3A_1097 : i32 to index
        %swap3A_1099 = arith.index_cast %mul3A_540 : i32 to index
        %swap3A_1100 = tpu.vector_load %arg11[%swap3A_1098, %swap3A_1099] {strides = array<i32>} : memref<20x512xf32, #tpu.memory_space<vmem>>, vector<16xf32>,
        tpu.vector_store %arg11[%swap3A_1098, %swap3A_1099], %add3A_1096 {strides = array<i32>} : memref<20x512xf32, #tpu.memory_space<vmem>>, vector<16xf32>,
        %bitcast3A_1101 = vector.bitcast %gather3A_888 : vector<16xi32> to vector<16xf32>
        %shift_left3A_1102 = arith.shli %gather3A_888, %broadcast_in_dim3A_327 : vector<16xi32>
        %bitcast3A_1103 = vector.bitcast %shift_left3A_1102 : vector<16xi32> to vector<16xf32>
        %mul3A_1104 = arith.mulf %bitcast3A_1103, %exp3A_929 : vector<16xf32>
        %add3A_1105 = arith.addf %bitcast3A_1101, %mul3A_1104 : vector<16xf32>
        %swap3A_1106 = arith.constant 19 : i32
        %swap3A_1107 = arith.index_cast %swap3A_1106 : i32 to index
        %swap3A_1108 = arith.index_cast %mul3A_546 : i32 to index
        %swap3A_1109 = tpu.vector_load %arg11[%swap3A_1107, %swap3A_1108] {strides = array<i32>} : memref<20x512xf32, #tpu.memory_space<vmem>>, vector<16xf32>,
        tpu.vector_store %arg11[%swap3A_1107, %swap3A_1108], %add3A_1105 {strides = array<i32>} : memref<20x512xf32, #tpu.memory_space<vmem>>, vector<16xf32>,
      }
      %scan3A_333 = arith.constant 16 : i32
      %mul3A_334 = arith.constant 64 : i32
      %mul3A_335 = arith.muli %add3A, %mul3A_334 : i32
      %add3A_336 = arith.addi %mul3A_335, %mul3A_172 : i32
      %jit3A_337 = arith.constant 32 : i32
      %div3A_338 = arith.divsi %add3A_336, %jit3A_337 : i32
      %sign3A_339 = arith.constant 0 : i32
      %sign3A_340 = arith.cmpi sgt, %add3A_336, %sign3A_339 : i32
      %sign3A_341 = arith.extui %sign3A_340 : i1 to i32
      %sign3A_342 = arith.constant 0 : i32
      %sign3A_343 = arith.cmpi slt, %add3A_336, %sign3A_342 : i32
      %sign3A_344 = arith.extui %sign3A_343 : i1 to i32
      %sign3A_345 = arith.subi %sign3A_341, %sign3A_344 : i32
      %sign3A_346 = arith.constant 0 : i32
      %sign3A_347 = arith.cmpi sgt, %jit3A_337, %sign3A_346 : i32
      %sign3A_348 = arith.extui %sign3A_347 : i1 to i32
      %sign3A_349 = arith.constant 0 : i32
      %sign3A_350 = arith.cmpi slt, %jit3A_337, %sign3A_349 : i32
      %sign3A_351 = arith.extui %sign3A_350 : i1 to i32
      %sign3A_352 = arith.subi %sign3A_348, %sign3A_351 : i32
      %ne3A_353 = arith.cmpi ne, %sign3A_345, %sign3A_352 : i32
      %rem3A_354 = arith.remsi %add3A_336, %jit3A_337 : i32
      %ne3A_355 = arith.constant 0 : i32
      %ne3A_356 = arith.cmpi ne, %rem3A_354, %ne3A_355 : i32
      %and3A_357 = arith.andi %ne3A_353, %ne3A_356 : i1
      %sub3A_358 = arith.constant 1 : i32
      %sub3A_359 = arith.subi %div3A_338, %sub3A_358 : i32
      %select_n3A_360 = arith.select %and3A_357, %sub3A_359, %div3A_338 : i32
      %jit3A_361 = arith.constant 32 : i32
      %eq3A_362 = arith.constant 0 : i32
      %eq3A_363 = arith.cmpi eq, %jit3A_361, %eq3A_362 : i32
      %jit3A_364 = arith.constant 1 : i32
      %select_n3A_365 = arith.select %eq3A_363, %jit3A_364, %jit3A_361 : i32
      %rem3A_366 = arith.remsi %add3A_336, %select_n3A_365 : i32
      %ne3A_367 = arith.constant 0 : i32
      %ne3A_368 = arith.cmpi ne, %rem3A_366, %ne3A_367 : i32
      %lt3A_369 = arith.constant 0 : i32
      %lt3A_370 = arith.cmpi slt, %rem3A_366, %lt3A_369 : i32
      %lt3A_371 = arith.constant 0 : i32
      %lt3A_372 = arith.cmpi slt, %select_n3A_365, %lt3A_371 : i32
      %ne3A_373 = arith.xori %lt3A_370, %lt3A_372 : i1
      %and3A_374 = arith.andi %ne3A_373, %ne3A_368 : i1
      %add3A_375 = arith.addi %rem3A_366, %select_n3A_365 : i32
      %select_n3A_376 = arith.select %and3A_374, %add3A_375, %rem3A_366 : i32
      %dma_start3A_377 = arith.constant 0 : i32
      %dma_start3A_378 = arith.constant 0 : i32
      %dma_start3A_379 = tpu.memref_slice %arg6[%select_n3A_360, %dma_start3A_377, %select_n3A_376, %dma_start3A_378] : memref<64x20x32x512xf32, #tpu.memory_space<hbm>> -> memref<1x20x1x512xf32, #tpu.memory_space<hbm>>
      %dma_start3A_380 = tpu.memref_squeeze %dma_start3A_379 : memref<1x20x1x512xf32, #tpu.memory_space<hbm>> -> memref<20x512xf32, #tpu.memory_space<hbm>>
      %dma_start3A_381 = arith.constant 0 : i32
      %dma_start3A_382 = arith.constant 0 : i32
      %dma_start3A_383 = tpu.memref_slice %arg6[%select_n3A_360, %dma_start3A_381, %select_n3A_376, %dma_start3A_382] : memref<64x20x32x512xf32, #tpu.memory_space<hbm>> -> memref<1x20x1x512xf32, #tpu.memory_space<hbm>>
      %dma_start3A_384 = tpu.memref_squeeze %dma_start3A_383 : memref<1x20x1x512xf32, #tpu.memory_space<hbm>> -> memref<20x512xf32, #tpu.memory_space<hbm>>
      tpu.enqueue_dma source(%arg11 : memref<20x512xf32, #tpu.memory_space<vmem>>) target(%dma_start3A_384 : memref<20x512xf32, #tpu.memory_space<hbm>>) target_semaphore(%arg21 : memref<!tpu.dma_semaphore, #tpu.memory_space<semaphore_mem>>)
      %mul3A_385 = arith.constant 64 : i32
      %mul3A_386 = arith.muli %add3A, %mul3A_385 : i32
      %add3A_387 = arith.addi %mul3A_386, %add3A_174 : i32
      %jit3A_388 = arith.constant 32 : i32
      %div3A_389 = arith.divsi %add3A_387, %jit3A_388 : i32
      %sign3A_390 = arith.constant 0 : i32
      %sign3A_391 = arith.cmpi sgt, %add3A_387, %sign3A_390 : i32
      %sign3A_392 = arith.extui %sign3A_391 : i1 to i32
      %sign3A_393 = arith.constant 0 : i32
      %sign3A_394 = arith.cmpi slt, %add3A_387, %sign3A_393 : i32
      %sign3A_395 = arith.extui %sign3A_394 : i1 to i32
      %sign3A_396 = arith.subi %sign3A_392, %sign3A_395 : i32
      %sign3A_397 = arith.constant 0 : i32
      %sign3A_398 = arith.cmpi sgt, %jit3A_388, %sign3A_397 : i32
      %sign3A_399 = arith.extui %sign3A_398 : i1 to i32
      %sign3A_400 = arith.constant 0 : i32
      %sign3A_401 = arith.cmpi slt, %jit3A_388, %sign3A_400 : i32
      %sign3A_402 = arith.extui %sign3A_401 : i1 to i32
      %sign3A_403 = arith.subi %sign3A_399, %sign3A_402 : i32
      %ne3A_404 = arith.cmpi ne, %sign3A_396, %sign3A_403 : i32
      %rem3A_405 = arith.remsi %add3A_387, %jit3A_388 : i32
      %ne3A_406 = arith.constant 0 : i32
      %ne3A_407 = arith.cmpi ne, %rem3A_405, %ne3A_406 : i32
      %and3A_408 = arith.andi %ne3A_404, %ne3A_407 : i1
      %sub3A_409 = arith.constant 1 : i32
      %sub3A_410 = arith.subi %div3A_389, %sub3A_409 : i32
      %select_n3A_411 = arith.select %and3A_408, %sub3A_410, %div3A_389 : i32
      %jit3A_412 = arith.constant 32 : i32
      %eq3A_413 = arith.constant 0 : i32
      %eq3A_414 = arith.cmpi eq, %jit3A_412, %eq3A_413 : i32
      %jit3A_415 = arith.constant 1 : i32
      %select_n3A_416 = arith.select %eq3A_414, %jit3A_415, %jit3A_412 : i32
      %rem3A_417 = arith.remsi %add3A_387, %select_n3A_416 : i32
      %ne3A_418 = arith.constant 0 : i32
      %ne3A_419 = arith.cmpi ne, %rem3A_417, %ne3A_418 : i32
      %lt3A_420 = arith.constant 0 : i32
      %lt3A_421 = arith.cmpi slt, %rem3A_417, %lt3A_420 : i32
      %lt3A_422 = arith.constant 0 : i32
      %lt3A_423 = arith.cmpi slt, %select_n3A_416, %lt3A_422 : i32
      %ne3A_424 = arith.xori %lt3A_421, %lt3A_423 : i1
      %and3A_425 = arith.andi %ne3A_424, %ne3A_419 : i1
      %add3A_426 = arith.addi %rem3A_417, %select_n3A_416 : i32
      %select_n3A_427 = arith.select %and3A_425, %add3A_426, %rem3A_417 : i32
      %dma_wait3A_428 = arith.constant 0 : i32
      %dma_wait3A_429 = tpu.memref_slice %arg2[%select_n3A_411, %select_n3A_427, %dma_wait3A_428] : memref<64x32x256xf32, #tpu.memory_space<hbm>> -> memref<1x1x256xf32, #tpu.memory_space<hbm>>
      %dma_wait3A_430 = tpu.memref_squeeze %dma_wait3A_429 : memref<1x1x256xf32, #tpu.memory_space<hbm>> -> memref<256xf32, #tpu.memory_space<hbm>>
      %dma_wait3A_431 = arith.constant 0 : i32
      %dma_wait3A_432 = tpu.memref_slice %arg2[%select_n3A_411, %select_n3A_427, %dma_wait3A_431] : memref<64x32x256xf32, #tpu.memory_space<hbm>> -> memref<1x1x256xf32, #tpu.memory_space<hbm>>
      %dma_wait3A_433 = tpu.memref_squeeze %dma_wait3A_432 : memref<1x1x256xf32, #tpu.memory_space<hbm>> -> memref<256xf32, #tpu.memory_space<hbm>>
      tpu.wait_dma2 semaphore(%arg20 : memref<!tpu.dma_semaphore, #tpu.memory_space<semaphore_mem>>) src(%dma_wait3A_433 : memref<256xf32, #tpu.memory_space<hbm>>) dst(%arg12 : memref<256xf32, #tpu.memory_space<vmem>>)
      %dma_wait3A_434 = arith.constant 0 : i32
      %dma_wait3A_435 = tpu.memref_slice %arg5[%select_n3A_411, %select_n3A_427, %dma_wait3A_434] : memref<64x32x512xf32, #tpu.memory_space<hbm>> -> memref<1x1x512xf32, #tpu.memory_space<hbm>>
      %dma_wait3A_436 = tpu.memref_squeeze %dma_wait3A_435 : memref<1x1x512xf32, #tpu.memory_space<hbm>> -> memref<512xf32, #tpu.memory_space<hbm>>
      %dma_wait3A_437 = arith.constant 0 : i32
      %dma_wait3A_438 = tpu.memref_slice %arg5[%select_n3A_411, %select_n3A_427, %dma_wait3A_437] : memref<64x32x512xf32, #tpu.memory_space<hbm>> -> memref<1x1x512xf32, #tpu.memory_space<hbm>>
      %dma_wait3A_439 = tpu.memref_squeeze %dma_wait3A_438 : memref<1x1x512xf32, #tpu.memory_space<hbm>> -> memref<512xf32, #tpu.memory_space<hbm>>
      tpu.wait_dma2 semaphore(%arg20 : memref<!tpu.dma_semaphore, #tpu.memory_space<semaphore_mem>>) src(%dma_wait3A_439 : memref<512xf32, #tpu.memory_space<hbm>>) dst(%arg13 : memref<512xf32, #tpu.memory_space<vmem>>)
      %dma_wait3A_440 = arith.constant 0 : i32
      %dma_wait3A_441 = arith.constant 0 : i32
      %dma_wait3A_442 = tpu.memref_slice %arg3[%select_n3A_411, %dma_wait3A_440, %select_n3A_427, %dma_wait3A_441] : memref<64x20x32x256xi32, #tpu.memory_space<hbm>> -> memref<1x20x1x256xi32, #tpu.memory_space<hbm>>
      %dma_wait3A_443 = tpu.memref_squeeze %dma_wait3A_442 : memref<1x20x1x256xi32, #tpu.memory_space<hbm>> -> memref<20x256xi32, #tpu.memory_space<hbm>>
      %dma_wait3A_444 = arith.constant 0 : i32
      %dma_wait3A_445 = arith.constant 0 : i32
      %dma_wait3A_446 = tpu.memref_slice %arg3[%select_n3A_411, %dma_wait3A_444, %select_n3A_427, %dma_wait3A_445] : memref<64x20x32x256xi32, #tpu.memory_space<hbm>> -> memref<1x20x1x256xi32, #tpu.memory_space<hbm>>
      %dma_wait3A_447 = tpu.memref_squeeze %dma_wait3A_446 : memref<1x20x1x256xi32, #tpu.memory_space<hbm>> -> memref<20x256xi32, #tpu.memory_space<hbm>>
      tpu.wait_dma2 semaphore(%arg20 : memref<!tpu.dma_semaphore, #tpu.memory_space<semaphore_mem>>) src(%dma_wait3A_447 : memref<20x256xi32, #tpu.memory_space<hbm>>) dst(%arg14 : memref<20x256xi32, #tpu.memory_space<vmem>>)
      %dma_wait3A_448 = arith.constant 0 : i32
      %dma_wait3A_449 = arith.constant 0 : i32
      %dma_wait3A_450 = tpu.memref_slice %arg4[%select_n3A_411, %dma_wait3A_448, %select_n3A_427, %dma_wait3A_449] : memref<64x20x32x256xf32, #tpu.memory_space<hbm>> -> memref<1x20x1x256xf32, #tpu.memory_space<hbm>>
      %dma_wait3A_451 = tpu.memref_squeeze %dma_wait3A_450 : memref<1x20x1x256xf32, #tpu.memory_space<hbm>> -> memref<20x256xf32, #tpu.memory_space<hbm>>
      %dma_wait3A_452 = arith.constant 0 : i32
      %dma_wait3A_453 = arith.constant 0 : i32
      %dma_wait3A_454 = tpu.memref_slice %arg4[%select_n3A_411, %dma_wait3A_452, %select_n3A_427, %dma_wait3A_453] : memref<64x20x32x256xf32, #tpu.memory_space<hbm>> -> memref<1x20x1x256xf32, #tpu.memory_space<hbm>>
      %dma_wait3A_455 = tpu.memref_squeeze %dma_wait3A_454 : memref<1x20x1x256xf32, #tpu.memory_space<hbm>> -> memref<20x256xf32, #tpu.memory_space<hbm>>
      tpu.wait_dma2 semaphore(%arg20 : memref<!tpu.dma_semaphore, #tpu.memory_space<semaphore_mem>>) src(%dma_wait3A_455 : memref<20x256xf32, #tpu.memory_space<hbm>>) dst(%arg15 : memref<20x256xf32, #tpu.memory_space<vmem>>)
      %lt3A_456 = arith.constant 31 : i32
      %lt3A_457 = arith.cmpi slt, %scan3A_170, %lt3A_456 : i32
      %convert_element_type3A_458 = arith.extui %lt3A_457 : i1 to i32
      %cond3A_459 = arith.constant 0 : i32
      %cond3A_460 = arith.cmpi ne, %convert_element_type3A_458, %cond3A_459 : i32
      scf.if %cond3A_460 {
        %add3A_534 = arith.constant 2 : i32
        %add3A_535 = arith.addi %mul3A_172, %add3A_534 : i32
        %mul3A_536 = arith.constant 64 : i32
        %mul3A_537 = arith.muli %add3A, %mul3A_536 : i32
        %add3A_538 = arith.addi %mul3A_537, %add3A_535 : i32
        %jit3A_539 = arith.constant 32 : i32
        %div3A_540 = arith.divsi %add3A_538, %jit3A_539 : i32
        %sign3A_541 = arith.constant 0 : i32
        %sign3A_542 = arith.cmpi sgt, %add3A_538, %sign3A_541 : i32
        %sign3A_543 = arith.extui %sign3A_542 : i1 to i32
        %sign3A_544 = arith.constant 0 : i32
        %sign3A_545 = arith.cmpi slt, %add3A_538, %sign3A_544 : i32
        %sign3A_546 = arith.extui %sign3A_545 : i1 to i32
        %sign3A_547 = arith.subi %sign3A_543, %sign3A_546 : i32
        %sign3A_548 = arith.constant 0 : i32
        %sign3A_549 = arith.cmpi sgt, %jit3A_539, %sign3A_548 : i32
        %sign3A_550 = arith.extui %sign3A_549 : i1 to i32
        %sign3A_551 = arith.constant 0 : i32
        %sign3A_552 = arith.cmpi slt, %jit3A_539, %sign3A_551 : i32
        %sign3A_553 = arith.extui %sign3A_552 : i1 to i32
        %sign3A_554 = arith.subi %sign3A_550, %sign3A_553 : i32
        %ne3A_555 = arith.cmpi ne, %sign3A_547, %sign3A_554 : i32
        %rem3A_556 = arith.remsi %add3A_538, %jit3A_539 : i32
        %ne3A_557 = arith.constant 0 : i32
        %ne3A_558 = arith.cmpi ne, %rem3A_556, %ne3A_557 : i32
        %and3A_559 = arith.andi %ne3A_555, %ne3A_558 : i1
        %sub3A_560 = arith.constant 1 : i32
        %sub3A_561 = arith.subi %div3A_540, %sub3A_560 : i32
        %select_n3A_562 = arith.select %and3A_559, %sub3A_561, %div3A_540 : i32
        %jit3A_563 = arith.constant 32 : i32
        %eq3A_564 = arith.constant 0 : i32
        %eq3A_565 = arith.cmpi eq, %jit3A_563, %eq3A_564 : i32
        %jit3A_566 = arith.constant 1 : i32
        %select_n3A_567 = arith.select %eq3A_565, %jit3A_566, %jit3A_563 : i32
        %rem3A_568 = arith.remsi %add3A_538, %select_n3A_567 : i32
        %ne3A_569 = arith.constant 0 : i32
        %ne3A_570 = arith.cmpi ne, %rem3A_568, %ne3A_569 : i32
        %lt3A_571 = arith.constant 0 : i32
        %lt3A_572 = arith.cmpi slt, %rem3A_568, %lt3A_571 : i32
        %lt3A_573 = arith.constant 0 : i32
        %lt3A_574 = arith.cmpi slt, %select_n3A_567, %lt3A_573 : i32
        %ne3A_575 = arith.xori %lt3A_572, %lt3A_574 : i1
        %and3A_576 = arith.andi %ne3A_575, %ne3A_570 : i1
        %add3A_577 = arith.addi %rem3A_568, %select_n3A_567 : i32
        %select_n3A_578 = arith.select %and3A_576, %add3A_577, %rem3A_568 : i32
        %dma_start3A_579 = arith.constant 0 : i32
        %dma_start3A_580 = tpu.memref_slice %arg2[%select_n3A_562, %select_n3A_578, %dma_start3A_579] : memref<64x32x256xf32, #tpu.memory_space<hbm>> -> memref<1x1x256xf32, #tpu.memory_space<hbm>>
        %dma_start3A_581 = tpu.memref_squeeze %dma_start3A_580 : memref<1x1x256xf32, #tpu.memory_space<hbm>> -> memref<256xf32, #tpu.memory_space<hbm>>
        %dma_start3A_582 = arith.constant 0 : i32
        %dma_start3A_583 = tpu.memref_slice %arg2[%select_n3A_562, %select_n3A_578, %dma_start3A_582] : memref<64x32x256xf32, #tpu.memory_space<hbm>> -> memref<1x1x256xf32, #tpu.memory_space<hbm>>
        %dma_start3A_584 = tpu.memref_squeeze %dma_start3A_583 : memref<1x1x256xf32, #tpu.memory_space<hbm>> -> memref<256xf32, #tpu.memory_space<hbm>>
        tpu.enqueue_dma source(%dma_start3A_584 : memref<256xf32, #tpu.memory_space<hbm>>) target(%arg7 : memref<256xf32, #tpu.memory_space<vmem>>) target_semaphore(%arg19 : memref<!tpu.dma_semaphore, #tpu.memory_space<semaphore_mem>>)
        %dma_start3A_585 = arith.constant 0 : i32
        %dma_start3A_586 = tpu.memref_slice %arg5[%select_n3A_562, %select_n3A_578, %dma_start3A_585] : memref<64x32x512xf32, #tpu.memory_space<hbm>> -> memref<1x1x512xf32, #tpu.memory_space<hbm>>
        %dma_start3A_587 = tpu.memref_squeeze %dma_start3A_586 : memref<1x1x512xf32, #tpu.memory_space<hbm>> -> memref<512xf32, #tpu.memory_space<hbm>>
        %dma_start3A_588 = arith.constant 0 : i32
        %dma_start3A_589 = tpu.memref_slice %arg5[%select_n3A_562, %select_n3A_578, %dma_start3A_588] : memref<64x32x512xf32, #tpu.memory_space<hbm>> -> memref<1x1x512xf32, #tpu.memory_space<hbm>>
        %dma_start3A_590 = tpu.memref_squeeze %dma_start3A_589 : memref<1x1x512xf32, #tpu.memory_space<hbm>> -> memref<512xf32, #tpu.memory_space<hbm>>
        tpu.enqueue_dma source(%dma_start3A_590 : memref<512xf32, #tpu.memory_space<hbm>>) target(%arg8 : memref<512xf32, #tpu.memory_space<vmem>>) target_semaphore(%arg19 : memref<!tpu.dma_semaphore, #tpu.memory_space<semaphore_mem>>)
        %dma_start3A_591 = arith.constant 0 : i32
        %dma_start3A_592 = arith.constant 0 : i32
        %dma_start3A_593 = tpu.memref_slice %arg3[%select_n3A_562, %dma_start3A_591, %select_n3A_578, %dma_start3A_592] : memref<64x20x32x256xi32, #tpu.memory_space<hbm>> -> memref<1x20x1x256xi32, #tpu.memory_space<hbm>>
        %dma_start3A_594 = tpu.memref_squeeze %dma_start3A_593 : memref<1x20x1x256xi32, #tpu.memory_space<hbm>> -> memref<20x256xi32, #tpu.memory_space<hbm>>
        %dma_start3A_595 = arith.constant 0 : i32
        %dma_start3A_596 = arith.constant 0 : i32
        %dma_start3A_597 = tpu.memref_slice %arg3[%select_n3A_562, %dma_start3A_595, %select_n3A_578, %dma_start3A_596] : memref<64x20x32x256xi32, #tpu.memory_space<hbm>> -> memref<1x20x1x256xi32, #tpu.memory_space<hbm>>
        %dma_start3A_598 = tpu.memref_squeeze %dma_start3A_597 : memref<1x20x1x256xi32, #tpu.memory_space<hbm>> -> memref<20x256xi32, #tpu.memory_space<hbm>>
        tpu.enqueue_dma source(%dma_start3A_598 : memref<20x256xi32, #tpu.memory_space<hbm>>) target(%arg9 : memref<20x256xi32, #tpu.memory_space<vmem>>) target_semaphore(%arg19 : memref<!tpu.dma_semaphore, #tpu.memory_space<semaphore_mem>>)
        %dma_start3A_599 = arith.constant 0 : i32
        %dma_start3A_600 = arith.constant 0 : i32
        %dma_start3A_601 = tpu.memref_slice %arg4[%select_n3A_562, %dma_start3A_599, %select_n3A_578, %dma_start3A_600] : memref<64x20x32x256xf32, #tpu.memory_space<hbm>> -> memref<1x20x1x256xf32, #tpu.memory_space<hbm>>
        %dma_start3A_602 = tpu.memref_squeeze %dma_start3A_601 : memref<1x20x1x256xf32, #tpu.memory_space<hbm>> -> memref<20x256xf32, #tpu.memory_space<hbm>>
        %dma_start3A_603 = arith.constant 0 : i32
        %dma_start3A_604 = arith.constant 0 : i32
        %dma_start3A_605 = tpu.memref_slice %arg4[%select_n3A_562, %dma_start3A_603, %select_n3A_578, %dma_start3A_604] : memref<64x20x32x256xf32, #tpu.memory_space<hbm>> -> memref<1x20x1x256xf32, #tpu.memory_space<hbm>>
        %dma_start3A_606 = tpu.memref_squeeze %dma_start3A_605 : memref<1x20x1x256xf32, #tpu.memory_space<hbm>> -> memref<20x256xf32, #tpu.memory_space<hbm>>
        tpu.enqueue_dma source(%dma_start3A_606 : memref<20x256xf32, #tpu.memory_space<hbm>>) target(%arg10 : memref<20x256xf32, #tpu.memory_space<vmem>>) target_semaphore(%arg19 : memref<!tpu.dma_semaphore, #tpu.memory_space<semaphore_mem>>)
      } else {
      }
      %gt3A_461 = arith.constant 0 : i32
      %gt3A_462 = arith.cmpi sgt, %scan3A_170, %gt3A_461 : i32
      %convert_element_type3A_463 = arith.extui %gt3A_462 : i1 to i32
      %cond3A_464 = arith.constant 0 : i32
      %cond3A_465 = arith.cmpi ne, %convert_element_type3A_463, %cond3A_464 : i32
      scf.if %cond3A_465 {
        %mul3A_534 = arith.constant 64 : i32
        %mul3A_535 = arith.muli %add3A, %mul3A_534 : i32
        %add3A_536 = arith.addi %mul3A_535, %add3A_174 : i32
        %jit3A_537 = arith.constant 32 : i32
        %div3A_538 = arith.divsi %add3A_536, %jit3A_537 : i32
        %sign3A_539 = arith.constant 0 : i32
        %sign3A_540 = arith.cmpi sgt, %add3A_536, %sign3A_539 : i32
        %sign3A_541 = arith.extui %sign3A_540 : i1 to i32
        %sign3A_542 = arith.constant 0 : i32
        %sign3A_543 = arith.cmpi slt, %add3A_536, %sign3A_542 : i32
        %sign3A_544 = arith.extui %sign3A_543 : i1 to i32
        %sign3A_545 = arith.subi %sign3A_541, %sign3A_544 : i32
        %sign3A_546 = arith.constant 0 : i32
        %sign3A_547 = arith.cmpi sgt, %jit3A_537, %sign3A_546 : i32
        %sign3A_548 = arith.extui %sign3A_547 : i1 to i32
        %sign3A_549 = arith.constant 0 : i32
        %sign3A_550 = arith.cmpi slt, %jit3A_537, %sign3A_549 : i32
        %sign3A_551 = arith.extui %sign3A_550 : i1 to i32
        %sign3A_552 = arith.subi %sign3A_548, %sign3A_551 : i32
        %ne3A_553 = arith.cmpi ne, %sign3A_545, %sign3A_552 : i32
        %rem3A_554 = arith.remsi %add3A_536, %jit3A_537 : i32
        %ne3A_555 = arith.constant 0 : i32
        %ne3A_556 = arith.cmpi ne, %rem3A_554, %ne3A_555 : i32
        %and3A_557 = arith.andi %ne3A_553, %ne3A_556 : i1
        %sub3A_558 = arith.constant 1 : i32
        %sub3A_559 = arith.subi %div3A_538, %sub3A_558 : i32
        %select_n3A_560 = arith.select %and3A_557, %sub3A_559, %div3A_538 : i32
        %jit3A_561 = arith.constant 32 : i32
        %eq3A_562 = arith.constant 0 : i32
        %eq3A_563 = arith.cmpi eq, %jit3A_561, %eq3A_562 : i32
        %jit3A_564 = arith.constant 1 : i32
        %select_n3A_565 = arith.select %eq3A_563, %jit3A_564, %jit3A_561 : i32
        %rem3A_566 = arith.remsi %add3A_536, %select_n3A_565 : i32
        %ne3A_567 = arith.constant 0 : i32
        %ne3A_568 = arith.cmpi ne, %rem3A_566, %ne3A_567 : i32
        %lt3A_569 = arith.constant 0 : i32
        %lt3A_570 = arith.cmpi slt, %rem3A_566, %lt3A_569 : i32
        %lt3A_571 = arith.constant 0 : i32
        %lt3A_572 = arith.cmpi slt, %select_n3A_565, %lt3A_571 : i32
        %ne3A_573 = arith.xori %lt3A_570, %lt3A_572 : i1
        %and3A_574 = arith.andi %ne3A_573, %ne3A_568 : i1
        %add3A_575 = arith.addi %rem3A_566, %select_n3A_565 : i32
        %select_n3A_576 = arith.select %and3A_574, %add3A_575, %rem3A_566 : i32
        %dma_wait3A_577 = arith.constant 0 : i32
        %dma_wait3A_578 = arith.constant 0 : i32
        %dma_wait3A_579 = tpu.memref_slice %arg6[%select_n3A_560, %dma_wait3A_577, %select_n3A_576, %dma_wait3A_578] : memref<64x20x32x512xf32, #tpu.memory_space<hbm>> -> memref<1x20x1x512xf32, #tpu.memory_space<hbm>>
        %dma_wait3A_580 = tpu.memref_squeeze %dma_wait3A_579 : memref<1x20x1x512xf32, #tpu.memory_space<hbm>> -> memref<20x512xf32, #tpu.memory_space<hbm>>
        %dma_wait3A_581 = arith.constant 0 : i32
        %dma_wait3A_582 = arith.constant 0 : i32
        %dma_wait3A_583 = tpu.memref_slice %arg6[%select_n3A_560, %dma_wait3A_581, %select_n3A_576, %dma_wait3A_582] : memref<64x20x32x512xf32, #tpu.memory_space<hbm>> -> memref<1x20x1x512xf32, #tpu.memory_space<hbm>>
        %dma_wait3A_584 = tpu.memref_squeeze %dma_wait3A_583 : memref<1x20x1x512xf32, #tpu.memory_space<hbm>> -> memref<20x512xf32, #tpu.memory_space<hbm>>
        tpu.wait_dma2 semaphore(%arg22 : memref<!tpu.dma_semaphore, #tpu.memory_space<semaphore_mem>>) src(%arg16 : memref<20x512xf32, #tpu.memory_space<vmem>>) dst(%dma_wait3A_584 : memref<20x512xf32, #tpu.memory_space<hbm>>)
      } else {
      }
      %broadcast_in_dim3A_466 = arith.constant 255 : i32
      %broadcast_in_dim3A_467 = vector.broadcast %broadcast_in_dim3A_466 : i32 to vector<16xi32>
      %gather3A_468 = tpu.vector_load_idx %arg12[%broadcast_in_dim3A_467] : memref<256xf32, #tpu.memory_space<vmem>>[vector<16xi32>], vector<16xf32>,
      %scan3A_469 = arith.constant 0 : i32
      %scan3A_470 = arith.constant 0 : i32
      %scan3A_471 = arith.constant 4 : i32
      %scan3A_472 = arith.addi %scan3A_470, %scan3A_471 : i32
      %scan3A_473 = arith.constant 1 : i32
      scf.for %scan3A_534 = %scan3A_470 to %scan3A_472 step %scan3A_473  : i32 {
        %mul3A_535 = arith.constant 8 : i32
        %mul3A_536 = arith.muli %scan3A_534, %mul3A_535 : i32
        %add3A_537 = arith.constant 0 : i32
        %add3A_538 = arith.addi %mul3A_536, %add3A_537 : i32
        %mul3A_539 = arith.constant 16 : i32
        %mul3A_540 = arith.muli %add3A_538, %mul3A_539 : i32
        %mul3A_541 = arith.constant 8 : i32
        %mul3A_542 = arith.muli %scan3A_534, %mul3A_541 : i32
        %add3A_543 = arith.constant 1 : i32
        %add3A_544 = arith.addi %mul3A_542, %add3A_543 : i32
        %mul3A_545 = arith.constant 16 : i32
        %mul3A_546 = arith.muli %add3A_544, %mul3A_545 : i32
        %mul3A_547 = arith.constant 8 : i32
        %mul3A_548 = arith.muli %scan3A_534, %mul3A_547 : i32
        %add3A_549 = arith.constant 2 : i32
        %add3A_550 = arith.addi %mul3A_548, %add3A_549 : i32
        %mul3A_551 = arith.constant 16 : i32
        %mul3A_552 = arith.muli %add3A_550, %mul3A_551 : i32
        %mul3A_553 = arith.constant 8 : i32
        %mul3A_554 = arith.muli %scan3A_534, %mul3A_553 : i32
        %add3A_555 = arith.constant 3 : i32
        %add3A_556 = arith.addi %mul3A_554, %add3A_555 : i32
        %mul3A_557 = arith.constant 16 : i32
        %mul3A_558 = arith.muli %add3A_556, %mul3A_557 : i32
        %mul3A_559 = arith.constant 8 : i32
        %mul3A_560 = arith.muli %scan3A_534, %mul3A_559 : i32
        %add3A_561 = arith.constant 4 : i32
        %add3A_562 = arith.addi %mul3A_560, %add3A_561 : i32
        %mul3A_563 = arith.constant 16 : i32
        %mul3A_564 = arith.muli %add3A_562, %mul3A_563 : i32
        %mul3A_565 = arith.constant 8 : i32
        %mul3A_566 = arith.muli %scan3A_534, %mul3A_565 : i32
        %add3A_567 = arith.constant 5 : i32
        %add3A_568 = arith.addi %mul3A_566, %add3A_567 : i32
        %mul3A_569 = arith.constant 16 : i32
        %mul3A_570 = arith.muli %add3A_568, %mul3A_569 : i32
        %mul3A_571 = arith.constant 8 : i32
        %mul3A_572 = arith.muli %scan3A_534, %mul3A_571 : i32
        %add3A_573 = arith.constant 6 : i32
        %add3A_574 = arith.addi %mul3A_572, %add3A_573 : i32
        %mul3A_575 = arith.constant 16 : i32
        %mul3A_576 = arith.muli %add3A_574, %mul3A_575 : i32
        %mul3A_577 = arith.constant 8 : i32
        %mul3A_578 = arith.muli %scan3A_534, %mul3A_577 : i32
        %add3A_579 = arith.constant 7 : i32
        %add3A_580 = arith.addi %mul3A_578, %add3A_579 : i32
        %mul3A_581 = arith.constant 16 : i32
        %mul3A_582 = arith.muli %add3A_580, %mul3A_581 : i32
        %get3A = arith.index_cast %mul3A_540 : i32 to index
        %get3A_583 = tpu.vector_load %arg13[%get3A] {strides = array<i32>} : memref<512xf32, #tpu.memory_space<vmem>>, vector<16xf32>,
        %get3A_584 = arith.index_cast %mul3A_546 : i32 to index
        %get3A_585 = tpu.vector_load %arg13[%get3A_584] {strides = array<i32>} : memref<512xf32, #tpu.memory_space<vmem>>, vector<16xf32>,
        %get3A_586 = arith.index_cast %mul3A_552 : i32 to index
        %get3A_587 = tpu.vector_load %arg13[%get3A_586] {strides = array<i32>} : memref<512xf32, #tpu.memory_space<vmem>>, vector<16xf32>,
        %get3A_588 = arith.index_cast %mul3A_558 : i32 to index
        %get3A_589 = tpu.vector_load %arg13[%get3A_588] {strides = array<i32>} : memref<512xf32, #tpu.memory_space<vmem>>, vector<16xf32>,
        %get3A_590 = arith.index_cast %mul3A_564 : i32 to index
        %get3A_591 = tpu.vector_load %arg13[%get3A_590] {strides = array<i32>} : memref<512xf32, #tpu.memory_space<vmem>>, vector<16xf32>,
        %get3A_592 = arith.index_cast %mul3A_570 : i32 to index
        %get3A_593 = tpu.vector_load %arg13[%get3A_592] {strides = array<i32>} : memref<512xf32, #tpu.memory_space<vmem>>, vector<16xf32>,
        %get3A_594 = arith.index_cast %mul3A_576 : i32 to index
        %get3A_595 = tpu.vector_load %arg13[%get3A_594] {strides = array<i32>} : memref<512xf32, #tpu.memory_space<vmem>>, vector<16xf32>,
        %get3A_596 = arith.index_cast %mul3A_582 : i32 to index
        %get3A_597 = tpu.vector_load %arg13[%get3A_596] {strides = array<i32>} : memref<512xf32, #tpu.memory_space<vmem>>, vector<16xf32>,
        %broadcast_in_dim3A_598 = arith.constant 256 : i32
        %broadcast_in_dim3A_599 = vector.broadcast %broadcast_in_dim3A_598 : i32 to vector<16xi32>
        %broadcast_in_dim3A_600 = arith.constant 0 : i32
        %broadcast_in_dim3A_601 = vector.broadcast %broadcast_in_dim3A_600 : i32 to vector<16xi32>
        %lt3A_602 = arith.cmpf olt, %gather3A_468, %get3A_583 : vector<16xf32>
        %select_n3A_603 = arith.select %lt3A_602, %broadcast_in_dim3A_599, %broadcast_in_dim3A_601 : vector<16xi1>, vector<16xi32>
        %lt3A_604 = arith.cmpf olt, %gather3A_468, %get3A_585 : vector<16xf32>
        %select_n3A_605 = arith.select %lt3A_604, %broadcast_in_dim3A_599, %broadcast_in_dim3A_601 : vector<16xi1>, vector<16xi32>
        %lt3A_606 = arith.cmpf olt, %gather3A_468, %get3A_587 : vector<16xf32>
        %select_n3A_607 = arith.select %lt3A_606, %broadcast_in_dim3A_599, %broadcast_in_dim3A_601 : vector<16xi1>, vector<16xi32>
        %lt3A_608 = arith.cmpf olt, %gather3A_468, %get3A_589 : vector<16xf32>
        %select_n3A_609 = arith.select %lt3A_608, %broadcast_in_dim3A_599, %broadcast_in_dim3A_601 : vector<16xi1>, vector<16xi32>
        %lt3A_610 = arith.cmpf olt, %gather3A_468, %get3A_591 : vector<16xf32>
        %select_n3A_611 = arith.select %lt3A_610, %broadcast_in_dim3A_599, %broadcast_in_dim3A_601 : vector<16xi1>, vector<16xi32>
        %lt3A_612 = arith.cmpf olt, %gather3A_468, %get3A_593 : vector<16xf32>
        %select_n3A_613 = arith.select %lt3A_612, %broadcast_in_dim3A_599, %broadcast_in_dim3A_601 : vector<16xi1>, vector<16xi32>
        %lt3A_614 = arith.cmpf olt, %gather3A_468, %get3A_595 : vector<16xf32>
        %select_n3A_615 = arith.select %lt3A_614, %broadcast_in_dim3A_599, %broadcast_in_dim3A_601 : vector<16xi1>, vector<16xi32>
        %lt3A_616 = arith.cmpf olt, %gather3A_468, %get3A_597 : vector<16xf32>
        %select_n3A_617 = arith.select %lt3A_616, %broadcast_in_dim3A_599, %broadcast_in_dim3A_601 : vector<16xi1>, vector<16xi32>
        %add3A_618 = arith.constant 128 : i32
        %add3A_619 = vector.broadcast %add3A_618 : i32 to vector<16xi32>
        %add3A_620 = arith.addi %select_n3A_603, %add3A_619 : vector<16xi32>
        %min3A = arith.constant 256 : i32
        %min3A_621 = vector.broadcast %min3A : i32 to vector<16xi32>
        %min3A_622 = arith.minsi %add3A_620, %min3A_621 : vector<16xi32>
        %add3A_623 = arith.constant 128 : i32
        %add3A_624 = vector.broadcast %add3A_623 : i32 to vector<16xi32>
        %add3A_625 = arith.addi %select_n3A_605, %add3A_624 : vector<16xi32>
        %min3A_626 = arith.constant 256 : i32
        %min3A_627 = vector.broadcast %min3A_626 : i32 to vector<16xi32>
        %min3A_628 = arith.minsi %add3A_625, %min3A_627 : vector<16xi32>
        %add3A_629 = arith.constant 128 : i32
        %add3A_630 = vector.broadcast %add3A_629 : i32 to vector<16xi32>
        %add3A_631 = arith.addi %select_n3A_607, %add3A_630 : vector<16xi32>
        %min3A_632 = arith.constant 256 : i32
        %min3A_633 = vector.broadcast %min3A_632 : i32 to vector<16xi32>
        %min3A_634 = arith.minsi %add3A_631, %min3A_633 : vector<16xi32>
        %add3A_635 = arith.constant 128 : i32
        %add3A_636 = vector.broadcast %add3A_635 : i32 to vector<16xi32>
        %add3A_637 = arith.addi %select_n3A_609, %add3A_636 : vector<16xi32>
        %min3A_638 = arith.constant 256 : i32
        %min3A_639 = vector.broadcast %min3A_638 : i32 to vector<16xi32>
        %min3A_640 = arith.minsi %add3A_637, %min3A_639 : vector<16xi32>
        %add3A_641 = arith.constant 128 : i32
        %add3A_642 = vector.broadcast %add3A_641 : i32 to vector<16xi32>
        %add3A_643 = arith.addi %select_n3A_611, %add3A_642 : vector<16xi32>
        %min3A_644 = arith.constant 256 : i32
        %min3A_645 = vector.broadcast %min3A_644 : i32 to vector<16xi32>
        %min3A_646 = arith.minsi %add3A_643, %min3A_645 : vector<16xi32>
        %add3A_647 = arith.constant 128 : i32
        %add3A_648 = vector.broadcast %add3A_647 : i32 to vector<16xi32>
        %add3A_649 = arith.addi %select_n3A_613, %add3A_648 : vector<16xi32>
        %min3A_650 = arith.constant 256 : i32
        %min3A_651 = vector.broadcast %min3A_650 : i32 to vector<16xi32>
        %min3A_652 = arith.minsi %add3A_649, %min3A_651 : vector<16xi32>
        %add3A_653 = arith.constant 128 : i32
        %add3A_654 = vector.broadcast %add3A_653 : i32 to vector<16xi32>
        %add3A_655 = arith.addi %select_n3A_615, %add3A_654 : vector<16xi32>
        %min3A_656 = arith.constant 256 : i32
        %min3A_657 = vector.broadcast %min3A_656 : i32 to vector<16xi32>
        %min3A_658 = arith.minsi %add3A_655, %min3A_657 : vector<16xi32>
        %add3A_659 = arith.constant 128 : i32
        %add3A_660 = vector.broadcast %add3A_659 : i32 to vector<16xi32>
        %add3A_661 = arith.addi %select_n3A_617, %add3A_660 : vector<16xi32>
        %min3A_662 = arith.constant 256 : i32
        %min3A_663 = vector.broadcast %min3A_662 : i32 to vector<16xi32>
        %min3A_664 = arith.minsi %add3A_661, %min3A_663 : vector<16xi32>
        %sub3A_665 = arith.constant 1 : i32
        %sub3A_666 = vector.broadcast %sub3A_665 : i32 to vector<16xi32>
        %sub3A_667 = arith.subi %min3A_622, %sub3A_666 : vector<16xi32>
        %gather3A_668 = tpu.vector_load_idx %arg12[%sub3A_667] : memref<256xf32, #tpu.memory_space<vmem>>[vector<16xi32>], vector<16xf32>,
        %sub3A_669 = arith.constant 1 : i32
        %sub3A_670 = vector.broadcast %sub3A_669 : i32 to vector<16xi32>
        %sub3A_671 = arith.subi %min3A_628, %sub3A_670 : vector<16xi32>
        %gather3A_672 = tpu.vector_load_idx %arg12[%sub3A_671] : memref<256xf32, #tpu.memory_space<vmem>>[vector<16xi32>], vector<16xf32>,
        %sub3A_673 = arith.constant 1 : i32
        %sub3A_674 = vector.broadcast %sub3A_673 : i32 to vector<16xi32>
        %sub3A_675 = arith.subi %min3A_634, %sub3A_674 : vector<16xi32>
        %gather3A_676 = tpu.vector_load_idx %arg12[%sub3A_675] : memref<256xf32, #tpu.memory_space<vmem>>[vector<16xi32>], vector<16xf32>,
        %sub3A_677 = arith.constant 1 : i32
        %sub3A_678 = vector.broadcast %sub3A_677 : i32 to vector<16xi32>
        %sub3A_679 = arith.subi %min3A_640, %sub3A_678 : vector<16xi32>
        %gather3A_680 = tpu.vector_load_idx %arg12[%sub3A_679] : memref<256xf32, #tpu.memory_space<vmem>>[vector<16xi32>], vector<16xf32>,
        %sub3A_681 = arith.constant 1 : i32
        %sub3A_682 = vector.broadcast %sub3A_681 : i32 to vector<16xi32>
        %sub3A_683 = arith.subi %min3A_646, %sub3A_682 : vector<16xi32>
        %gather3A_684 = tpu.vector_load_idx %arg12[%sub3A_683] : memref<256xf32, #tpu.memory_space<vmem>>[vector<16xi32>], vector<16xf32>,
        %sub3A_685 = arith.constant 1 : i32
        %sub3A_686 = vector.broadcast %sub3A_685 : i32 to vector<16xi32>
        %sub3A_687 = arith.subi %min3A_652, %sub3A_686 : vector<16xi32>
        %gather3A_688 = tpu.vector_load_idx %arg12[%sub3A_687] : memref<256xf32, #tpu.memory_space<vmem>>[vector<16xi32>], vector<16xf32>,
        %sub3A_689 = arith.constant 1 : i32
        %sub3A_690 = vector.broadcast %sub3A_689 : i32 to vector<16xi32>
        %sub3A_691 = arith.subi %min3A_658, %sub3A_690 : vector<16xi32>
        %gather3A_692 = tpu.vector_load_idx %arg12[%sub3A_691] : memref<256xf32, #tpu.memory_space<vmem>>[vector<16xi32>], vector<16xf32>,
        %sub3A_693 = arith.constant 1 : i32
        %sub3A_694 = vector.broadcast %sub3A_693 : i32 to vector<16xi32>
        %sub3A_695 = arith.subi %min3A_664, %sub3A_694 : vector<16xi32>
        %gather3A_696 = tpu.vector_load_idx %arg12[%sub3A_695] : memref<256xf32, #tpu.memory_space<vmem>>[vector<16xi32>], vector<16xf32>,
        %lt3A_697 = arith.cmpf olt, %gather3A_668, %get3A_583 : vector<16xf32>
        %select_n3A_698 = arith.select %lt3A_697, %min3A_622, %select_n3A_603 : vector<16xi1>, vector<16xi32>
        %lt3A_699 = arith.cmpf olt, %gather3A_672, %get3A_585 : vector<16xf32>
        %select_n3A_700 = arith.select %lt3A_699, %min3A_628, %select_n3A_605 : vector<16xi1>, vector<16xi32>
        %lt3A_701 = arith.cmpf olt, %gather3A_676, %get3A_587 : vector<16xf32>
        %select_n3A_702 = arith.select %lt3A_701, %min3A_634, %select_n3A_607 : vector<16xi1>, vector<16xi32>
        %lt3A_703 = arith.cmpf olt, %gather3A_680, %get3A_589 : vector<16xf32>
        %select_n3A_704 = arith.select %lt3A_703, %min3A_640, %select_n3A_609 : vector<16xi1>, vector<16xi32>
        %lt3A_705 = arith.cmpf olt, %gather3A_684, %get3A_591 : vector<16xf32>
        %select_n3A_706 = arith.select %lt3A_705, %min3A_646, %select_n3A_611 : vector<16xi1>, vector<16xi32>
        %lt3A_707 = arith.cmpf olt, %gather3A_688, %get3A_593 : vector<16xf32>
        %select_n3A_708 = arith.select %lt3A_707, %min3A_652, %select_n3A_613 : vector<16xi1>, vector<16xi32>
        %lt3A_709 = arith.cmpf olt, %gather3A_692, %get3A_595 : vector<16xf32>
        %select_n3A_710 = arith.select %lt3A_709, %min3A_658, %select_n3A_615 : vector<16xi1>, vector<16xi32>
        %lt3A_711 = arith.cmpf olt, %gather3A_696, %get3A_597 : vector<16xf32>
        %select_n3A_712 = arith.select %lt3A_711, %min3A_664, %select_n3A_617 : vector<16xi1>, vector<16xi32>
        %add3A_713 = arith.constant 64 : i32
        %add3A_714 = vector.broadcast %add3A_713 : i32 to vector<16xi32>
        %add3A_715 = arith.addi %select_n3A_698, %add3A_714 : vector<16xi32>
        %min3A_716 = arith.constant 256 : i32
        %min3A_717 = vector.broadcast %min3A_716 : i32 to vector<16xi32>
        %min3A_718 = arith.minsi %add3A_715, %min3A_717 : vector<16xi32>
        %add3A_719 = arith.constant 64 : i32
        %add3A_720 = vector.broadcast %add3A_719 : i32 to vector<16xi32>
        %add3A_721 = arith.addi %select_n3A_700, %add3A_720 : vector<16xi32>
        %min3A_722 = arith.constant 256 : i32
        %min3A_723 = vector.broadcast %min3A_722 : i32 to vector<16xi32>
        %min3A_724 = arith.minsi %add3A_721, %min3A_723 : vector<16xi32>
        %add3A_725 = arith.constant 64 : i32
        %add3A_726 = vector.broadcast %add3A_725 : i32 to vector<16xi32>
        %add3A_727 = arith.addi %select_n3A_702, %add3A_726 : vector<16xi32>
        %min3A_728 = arith.constant 256 : i32
        %min3A_729 = vector.broadcast %min3A_728 : i32 to vector<16xi32>
        %min3A_730 = arith.minsi %add3A_727, %min3A_729 : vector<16xi32>
        %add3A_731 = arith.constant 64 : i32
        %add3A_732 = vector.broadcast %add3A_731 : i32 to vector<16xi32>
        %add3A_733 = arith.addi %select_n3A_704, %add3A_732 : vector<16xi32>
        %min3A_734 = arith.constant 256 : i32
        %min3A_735 = vector.broadcast %min3A_734 : i32 to vector<16xi32>
        %min3A_736 = arith.minsi %add3A_733, %min3A_735 : vector<16xi32>
        %add3A_737 = arith.constant 64 : i32
        %add3A_738 = vector.broadcast %add3A_737 : i32 to vector<16xi32>
        %add3A_739 = arith.addi %select_n3A_706, %add3A_738 : vector<16xi32>
        %min3A_740 = arith.constant 256 : i32
        %min3A_741 = vector.broadcast %min3A_740 : i32 to vector<16xi32>
        %min3A_742 = arith.minsi %add3A_739, %min3A_741 : vector<16xi32>
        %add3A_743 = arith.constant 64 : i32
        %add3A_744 = vector.broadcast %add3A_743 : i32 to vector<16xi32>
        %add3A_745 = arith.addi %select_n3A_708, %add3A_744 : vector<16xi32>
        %min3A_746 = arith.constant 256 : i32
        %min3A_747 = vector.broadcast %min3A_746 : i32 to vector<16xi32>
        %min3A_748 = arith.minsi %add3A_745, %min3A_747 : vector<16xi32>
        %add3A_749 = arith.constant 64 : i32
        %add3A_750 = vector.broadcast %add3A_749 : i32 to vector<16xi32>
        %add3A_751 = arith.addi %select_n3A_710, %add3A_750 : vector<16xi32>
        %min3A_752 = arith.constant 256 : i32
        %min3A_753 = vector.broadcast %min3A_752 : i32 to vector<16xi32>
        %min3A_754 = arith.minsi %add3A_751, %min3A_753 : vector<16xi32>
        %add3A_755 = arith.constant 64 : i32
        %add3A_756 = vector.broadcast %add3A_755 : i32 to vector<16xi32>
        %add3A_757 = arith.addi %select_n3A_712, %add3A_756 : vector<16xi32>
        %min3A_758 = arith.constant 256 : i32
        %min3A_759 = vector.broadcast %min3A_758 : i32 to vector<16xi32>
        %min3A_760 = arith.minsi %add3A_757, %min3A_759 : vector<16xi32>
        %sub3A_761 = arith.constant 1 : i32
        %sub3A_762 = vector.broadcast %sub3A_761 : i32 to vector<16xi32>
        %sub3A_763 = arith.subi %min3A_718, %sub3A_762 : vector<16xi32>
        %gather3A_764 = tpu.vector_load_idx %arg12[%sub3A_763] : memref<256xf32, #tpu.memory_space<vmem>>[vector<16xi32>], vector<16xf32>,
        %sub3A_765 = arith.constant 1 : i32
        %sub3A_766 = vector.broadcast %sub3A_765 : i32 to vector<16xi32>
        %sub3A_767 = arith.subi %min3A_724, %sub3A_766 : vector<16xi32>
        %gather3A_768 = tpu.vector_load_idx %arg12[%sub3A_767] : memref<256xf32, #tpu.memory_space<vmem>>[vector<16xi32>], vector<16xf32>,
        %sub3A_769 = arith.constant 1 : i32
        %sub3A_770 = vector.broadcast %sub3A_769 : i32 to vector<16xi32>
        %sub3A_771 = arith.subi %min3A_730, %sub3A_770 : vector<16xi32>
        %gather3A_772 = tpu.vector_load_idx %arg12[%sub3A_771] : memref<256xf32, #tpu.memory_space<vmem>>[vector<16xi32>], vector<16xf32>,
        %sub3A_773 = arith.constant 1 : i32
        %sub3A_774 = vector.broadcast %sub3A_773 : i32 to vector<16xi32>
        %sub3A_775 = arith.subi %min3A_736, %sub3A_774 : vector<16xi32>
        %gather3A_776 = tpu.vector_load_idx %arg12[%sub3A_775] : memref<256xf32, #tpu.memory_space<vmem>>[vector<16xi32>], vector<16xf32>,
        %sub3A_777 = arith.constant 1 : i32
        %sub3A_778 = vector.broadcast %sub3A_777 : i32 to vector<16xi32>
        %sub3A_779 = arith.subi %min3A_742, %sub3A_778 : vector<16xi32>
        %gather3A_780 = tpu.vector_load_idx %arg12[%sub3A_779] : memref<256xf32, #tpu.memory_space<vmem>>[vector<16xi32>], vector<16xf32>,
        %sub3A_781 = arith.constant 1 : i32
        %sub3A_782 = vector.broadcast %sub3A_781 : i32 to vector<16xi32>
        %sub3A_783 = arith.subi %min3A_748, %sub3A_782 : vector<16xi32>
        %gather3A_784 = tpu.vector_load_idx %arg12[%sub3A_783] : memref<256xf32, #tpu.memory_space<vmem>>[vector<16xi32>], vector<16xf32>,
        %sub3A_785 = arith.constant 1 : i32
        %sub3A_786 = vector.broadcast %sub3A_785 : i32 to vector<16xi32>
        %sub3A_787 = arith.subi %min3A_754, %sub3A_786 : vector<16xi32>
        %gather3A_788 = tpu.vector_load_idx %arg12[%sub3A_787] : memref<256xf32, #tpu.memory_space<vmem>>[vector<16xi32>], vector<16xf32>,
        %sub3A_789 = arith.constant 1 : i32
        %sub3A_790 = vector.broadcast %sub3A_789 : i32 to vector<16xi32>
        %sub3A_791 = arith.subi %min3A_760, %sub3A_790 : vector<16xi32>
        %gather3A_792 = tpu.vector_load_idx %arg12[%sub3A_791] : memref<256xf32, #tpu.memory_space<vmem>>[vector<16xi32>], vector<16xf32>,
        %lt3A_793 = arith.cmpf olt, %gather3A_764, %get3A_583 : vector<16xf32>
        %select_n3A_794 = arith.select %lt3A_793, %min3A_718, %select_n3A_698 : vector<16xi1>, vector<16xi32>
        %lt3A_795 = arith.cmpf olt, %gather3A_768, %get3A_585 : vector<16xf32>
        %select_n3A_796 = arith.select %lt3A_795, %min3A_724, %select_n3A_700 : vector<16xi1>, vector<16xi32>
        %lt3A_797 = arith.cmpf olt, %gather3A_772, %get3A_587 : vector<16xf32>
        %select_n3A_798 = arith.select %lt3A_797, %min3A_730, %select_n3A_702 : vector<16xi1>, vector<16xi32>
        %lt3A_799 = arith.cmpf olt, %gather3A_776, %get3A_589 : vector<16xf32>
        %select_n3A_800 = arith.select %lt3A_799, %min3A_736, %select_n3A_704 : vector<16xi1>, vector<16xi32>
        %lt3A_801 = arith.cmpf olt, %gather3A_780, %get3A_591 : vector<16xf32>
        %select_n3A_802 = arith.select %lt3A_801, %min3A_742, %select_n3A_706 : vector<16xi1>, vector<16xi32>
        %lt3A_803 = arith.cmpf olt, %gather3A_784, %get3A_593 : vector<16xf32>
        %select_n3A_804 = arith.select %lt3A_803, %min3A_748, %select_n3A_708 : vector<16xi1>, vector<16xi32>
        %lt3A_805 = arith.cmpf olt, %gather3A_788, %get3A_595 : vector<16xf32>
        %select_n3A_806 = arith.select %lt3A_805, %min3A_754, %select_n3A_710 : vector<16xi1>, vector<16xi32>
        %lt3A_807 = arith.cmpf olt, %gather3A_792, %get3A_597 : vector<16xf32>
        %select_n3A_808 = arith.select %lt3A_807, %min3A_760, %select_n3A_712 : vector<16xi1>, vector<16xi32>
        %add3A_809 = arith.constant 32 : i32
        %add3A_810 = vector.broadcast %add3A_809 : i32 to vector<16xi32>
        %add3A_811 = arith.addi %select_n3A_794, %add3A_810 : vector<16xi32>
        %min3A_812 = arith.constant 256 : i32
        %min3A_813 = vector.broadcast %min3A_812 : i32 to vector<16xi32>
        %min3A_814 = arith.minsi %add3A_811, %min3A_813 : vector<16xi32>
        %add3A_815 = arith.constant 32 : i32
        %add3A_816 = vector.broadcast %add3A_815 : i32 to vector<16xi32>
        %add3A_817 = arith.addi %select_n3A_796, %add3A_816 : vector<16xi32>
        %min3A_818 = arith.constant 256 : i32
        %min3A_819 = vector.broadcast %min3A_818 : i32 to vector<16xi32>
        %min3A_820 = arith.minsi %add3A_817, %min3A_819 : vector<16xi32>
        %add3A_821 = arith.constant 32 : i32
        %add3A_822 = vector.broadcast %add3A_821 : i32 to vector<16xi32>
        %add3A_823 = arith.addi %select_n3A_798, %add3A_822 : vector<16xi32>
        %min3A_824 = arith.constant 256 : i32
        %min3A_825 = vector.broadcast %min3A_824 : i32 to vector<16xi32>
        %min3A_826 = arith.minsi %add3A_823, %min3A_825 : vector<16xi32>
        %add3A_827 = arith.constant 32 : i32
        %add3A_828 = vector.broadcast %add3A_827 : i32 to vector<16xi32>
        %add3A_829 = arith.addi %select_n3A_800, %add3A_828 : vector<16xi32>
        %min3A_830 = arith.constant 256 : i32
        %min3A_831 = vector.broadcast %min3A_830 : i32 to vector<16xi32>
        %min3A_832 = arith.minsi %add3A_829, %min3A_831 : vector<16xi32>
        %add3A_833 = arith.constant 32 : i32
        %add3A_834 = vector.broadcast %add3A_833 : i32 to vector<16xi32>
        %add3A_835 = arith.addi %select_n3A_802, %add3A_834 : vector<16xi32>
        %min3A_836 = arith.constant 256 : i32
        %min3A_837 = vector.broadcast %min3A_836 : i32 to vector<16xi32>
        %min3A_838 = arith.minsi %add3A_835, %min3A_837 : vector<16xi32>
        %add3A_839 = arith.constant 32 : i32
        %add3A_840 = vector.broadcast %add3A_839 : i32 to vector<16xi32>
        %add3A_841 = arith.addi %select_n3A_804, %add3A_840 : vector<16xi32>
        %min3A_842 = arith.constant 256 : i32
        %min3A_843 = vector.broadcast %min3A_842 : i32 to vector<16xi32>
        %min3A_844 = arith.minsi %add3A_841, %min3A_843 : vector<16xi32>
        %add3A_845 = arith.constant 32 : i32
        %add3A_846 = vector.broadcast %add3A_845 : i32 to vector<16xi32>
        %add3A_847 = arith.addi %select_n3A_806, %add3A_846 : vector<16xi32>
        %min3A_848 = arith.constant 256 : i32
        %min3A_849 = vector.broadcast %min3A_848 : i32 to vector<16xi32>
        %min3A_850 = arith.minsi %add3A_847, %min3A_849 : vector<16xi32>
        %add3A_851 = arith.constant 32 : i32
        %add3A_852 = vector.broadcast %add3A_851 : i32 to vector<16xi32>
        %add3A_853 = arith.addi %select_n3A_808, %add3A_852 : vector<16xi32>
        %min3A_854 = arith.constant 256 : i32
        %min3A_855 = vector.broadcast %min3A_854 : i32 to vector<16xi32>
        %min3A_856 = arith.minsi %add3A_853, %min3A_855 : vector<16xi32>
        %sub3A_857 = arith.constant 1 : i32
        %sub3A_858 = vector.broadcast %sub3A_857 : i32 to vector<16xi32>
        %sub3A_859 = arith.subi %min3A_814, %sub3A_858 : vector<16xi32>
        %gather3A_860 = tpu.vector_load_idx %arg12[%sub3A_859] : memref<256xf32, #tpu.memory_space<vmem>>[vector<16xi32>], vector<16xf32>,
        %sub3A_861 = arith.constant 1 : i32
        %sub3A_862 = vector.broadcast %sub3A_861 : i32 to vector<16xi32>
        %sub3A_863 = arith.subi %min3A_820, %sub3A_862 : vector<16xi32>
        %gather3A_864 = tpu.vector_load_idx %arg12[%sub3A_863] : memref<256xf32, #tpu.memory_space<vmem>>[vector<16xi32>], vector<16xf32>,
        %sub3A_865 = arith.constant 1 : i32
        %sub3A_866 = vector.broadcast %sub3A_865 : i32 to vector<16xi32>
        %sub3A_867 = arith.subi %min3A_826, %sub3A_866 : vector<16xi32>
        %gather3A_868 = tpu.vector_load_idx %arg12[%sub3A_867] : memref<256xf32, #tpu.memory_space<vmem>>[vector<16xi32>], vector<16xf32>,
        %sub3A_869 = arith.constant 1 : i32
        %sub3A_870 = vector.broadcast %sub3A_869 : i32 to vector<16xi32>
        %sub3A_871 = arith.subi %min3A_832, %sub3A_870 : vector<16xi32>
        %gather3A_872 = tpu.vector_load_idx %arg12[%sub3A_871] : memref<256xf32, #tpu.memory_space<vmem>>[vector<16xi32>], vector<16xf32>,
        %sub3A_873 = arith.constant 1 : i32
        %sub3A_874 = vector.broadcast %sub3A_873 : i32 to vector<16xi32>
        %sub3A_875 = arith.subi %min3A_838, %sub3A_874 : vector<16xi32>
        %gather3A_876 = tpu.vector_load_idx %arg12[%sub3A_875] : memref<256xf32, #tpu.memory_space<vmem>>[vector<16xi32>], vector<16xf32>,
        %sub3A_877 = arith.constant 1 : i32
        %sub3A_878 = vector.broadcast %sub3A_877 : i32 to vector<16xi32>
        %sub3A_879 = arith.subi %min3A_844, %sub3A_878 : vector<16xi32>
        %gather3A_880 = tpu.vector_load_idx %arg12[%sub3A_879] : memref<256xf32, #tpu.memory_space<vmem>>[vector<16xi32>], vector<16xf32>,
        %sub3A_881 = arith.constant 1 : i32
        %sub3A_882 = vector.broadcast %sub3A_881 : i32 to vector<16xi32>
        %sub3A_883 = arith.subi %min3A_850, %sub3A_882 : vector<16xi32>
        %gather3A_884 = tpu.vector_load_idx %arg12[%sub3A_883] : memref<256xf32, #tpu.memory_space<vmem>>[vector<16xi32>], vector<16xf32>,
        %sub3A_885 = arith.constant 1 : i32
        %sub3A_886 = vector.broadcast %sub3A_885 : i32 to vector<16xi32>
        %sub3A_887 = arith.subi %min3A_856, %sub3A_886 : vector<16xi32>
        %gather3A_888 = tpu.vector_load_idx %arg12[%sub3A_887] : memref<256xf32, #tpu.memory_space<vmem>>[vector<16xi32>], vector<16xf32>,
        %lt3A_889 = arith.cmpf olt, %gather3A_860, %get3A_583 : vector<16xf32>
        %select_n3A_890 = arith.select %lt3A_889, %min3A_814, %select_n3A_794 : vector<16xi1>, vector<16xi32>
        %lt3A_891 = arith.cmpf olt, %gather3A_864, %get3A_585 : vector<16xf32>
        %select_n3A_892 = arith.select %lt3A_891, %min3A_820, %select_n3A_796 : vector<16xi1>, vector<16xi32>
        %lt3A_893 = arith.cmpf olt, %gather3A_868, %get3A_587 : vector<16xf32>
        %select_n3A_894 = arith.select %lt3A_893, %min3A_826, %select_n3A_798 : vector<16xi1>, vector<16xi32>
        %lt3A_895 = arith.cmpf olt, %gather3A_872, %get3A_589 : vector<16xf32>
        %select_n3A_896 = arith.select %lt3A_895, %min3A_832, %select_n3A_800 : vector<16xi1>, vector<16xi32>
        %lt3A_897 = arith.cmpf olt, %gather3A_876, %get3A_591 : vector<16xf32>
        %select_n3A_898 = arith.select %lt3A_897, %min3A_838, %select_n3A_802 : vector<16xi1>, vector<16xi32>
        %lt3A_899 = arith.cmpf olt, %gather3A_880, %get3A_593 : vector<16xf32>
        %select_n3A_900 = arith.select %lt3A_899, %min3A_844, %select_n3A_804 : vector<16xi1>, vector<16xi32>
        %lt3A_901 = arith.cmpf olt, %gather3A_884, %get3A_595 : vector<16xf32>
        %select_n3A_902 = arith.select %lt3A_901, %min3A_850, %select_n3A_806 : vector<16xi1>, vector<16xi32>
        %lt3A_903 = arith.cmpf olt, %gather3A_888, %get3A_597 : vector<16xf32>
        %select_n3A_904 = arith.select %lt3A_903, %min3A_856, %select_n3A_808 : vector<16xi1>, vector<16xi32>
        %add3A_905 = arith.constant 16 : i32
        %add3A_906 = vector.broadcast %add3A_905 : i32 to vector<16xi32>
        %add3A_907 = arith.addi %select_n3A_890, %add3A_906 : vector<16xi32>
        %min3A_908 = arith.constant 256 : i32
        %min3A_909 = vector.broadcast %min3A_908 : i32 to vector<16xi32>
        %min3A_910 = arith.minsi %add3A_907, %min3A_909 : vector<16xi32>
        %add3A_911 = arith.constant 16 : i32
        %add3A_912 = vector.broadcast %add3A_911 : i32 to vector<16xi32>
        %add3A_913 = arith.addi %select_n3A_892, %add3A_912 : vector<16xi32>
        %min3A_914 = arith.constant 256 : i32
        %min3A_915 = vector.broadcast %min3A_914 : i32 to vector<16xi32>
        %min3A_916 = arith.minsi %add3A_913, %min3A_915 : vector<16xi32>
        %add3A_917 = arith.constant 16 : i32
        %add3A_918 = vector.broadcast %add3A_917 : i32 to vector<16xi32>
        %add3A_919 = arith.addi %select_n3A_894, %add3A_918 : vector<16xi32>
        %min3A_920 = arith.constant 256 : i32
        %min3A_921 = vector.broadcast %min3A_920 : i32 to vector<16xi32>
        %min3A_922 = arith.minsi %add3A_919, %min3A_921 : vector<16xi32>
        %add3A_923 = arith.constant 16 : i32
        %add3A_924 = vector.broadcast %add3A_923 : i32 to vector<16xi32>
        %add3A_925 = arith.addi %select_n3A_896, %add3A_924 : vector<16xi32>
        %min3A_926 = arith.constant 256 : i32
        %min3A_927 = vector.broadcast %min3A_926 : i32 to vector<16xi32>
        %min3A_928 = arith.minsi %add3A_925, %min3A_927 : vector<16xi32>
        %add3A_929 = arith.constant 16 : i32
        %add3A_930 = vector.broadcast %add3A_929 : i32 to vector<16xi32>
        %add3A_931 = arith.addi %select_n3A_898, %add3A_930 : vector<16xi32>
        %min3A_932 = arith.constant 256 : i32
        %min3A_933 = vector.broadcast %min3A_932 : i32 to vector<16xi32>
        %min3A_934 = arith.minsi %add3A_931, %min3A_933 : vector<16xi32>
        %add3A_935 = arith.constant 16 : i32
        %add3A_936 = vector.broadcast %add3A_935 : i32 to vector<16xi32>
        %add3A_937 = arith.addi %select_n3A_900, %add3A_936 : vector<16xi32>
        %min3A_938 = arith.constant 256 : i32
        %min3A_939 = vector.broadcast %min3A_938 : i32 to vector<16xi32>
        %min3A_940 = arith.minsi %add3A_937, %min3A_939 : vector<16xi32>
        %add3A_941 = arith.constant 16 : i32
        %add3A_942 = vector.broadcast %add3A_941 : i32 to vector<16xi32>
        %add3A_943 = arith.addi %select_n3A_902, %add3A_942 : vector<16xi32>
        %min3A_944 = arith.constant 256 : i32
        %min3A_945 = vector.broadcast %min3A_944 : i32 to vector<16xi32>
        %min3A_946 = arith.minsi %add3A_943, %min3A_945 : vector<16xi32>
        %add3A_947 = arith.constant 16 : i32
        %add3A_948 = vector.broadcast %add3A_947 : i32 to vector<16xi32>
        %add3A_949 = arith.addi %select_n3A_904, %add3A_948 : vector<16xi32>
        %min3A_950 = arith.constant 256 : i32
        %min3A_951 = vector.broadcast %min3A_950 : i32 to vector<16xi32>
        %min3A_952 = arith.minsi %add3A_949, %min3A_951 : vector<16xi32>
        %sub3A_953 = arith.constant 1 : i32
        %sub3A_954 = vector.broadcast %sub3A_953 : i32 to vector<16xi32>
        %sub3A_955 = arith.subi %min3A_910, %sub3A_954 : vector<16xi32>
        %gather3A_956 = tpu.vector_load_idx %arg12[%sub3A_955] : memref<256xf32, #tpu.memory_space<vmem>>[vector<16xi32>], vector<16xf32>,
        %sub3A_957 = arith.constant 1 : i32
        %sub3A_958 = vector.broadcast %sub3A_957 : i32 to vector<16xi32>
        %sub3A_959 = arith.subi %min3A_916, %sub3A_958 : vector<16xi32>
        %gather3A_960 = tpu.vector_load_idx %arg12[%sub3A_959] : memref<256xf32, #tpu.memory_space<vmem>>[vector<16xi32>], vector<16xf32>,
        %sub3A_961 = arith.constant 1 : i32
        %sub3A_962 = vector.broadcast %sub3A_961 : i32 to vector<16xi32>
        %sub3A_963 = arith.subi %min3A_922, %sub3A_962 : vector<16xi32>
        %gather3A_964 = tpu.vector_load_idx %arg12[%sub3A_963] : memref<256xf32, #tpu.memory_space<vmem>>[vector<16xi32>], vector<16xf32>,
        %sub3A_965 = arith.constant 1 : i32
        %sub3A_966 = vector.broadcast %sub3A_965 : i32 to vector<16xi32>
        %sub3A_967 = arith.subi %min3A_928, %sub3A_966 : vector<16xi32>
        %gather3A_968 = tpu.vector_load_idx %arg12[%sub3A_967] : memref<256xf32, #tpu.memory_space<vmem>>[vector<16xi32>], vector<16xf32>,
        %sub3A_969 = arith.constant 1 : i32
        %sub3A_970 = vector.broadcast %sub3A_969 : i32 to vector<16xi32>
        %sub3A_971 = arith.subi %min3A_934, %sub3A_970 : vector<16xi32>
        %gather3A_972 = tpu.vector_load_idx %arg12[%sub3A_971] : memref<256xf32, #tpu.memory_space<vmem>>[vector<16xi32>], vector<16xf32>,
        %sub3A_973 = arith.constant 1 : i32
        %sub3A_974 = vector.broadcast %sub3A_973 : i32 to vector<16xi32>
        %sub3A_975 = arith.subi %min3A_940, %sub3A_974 : vector<16xi32>
        %gather3A_976 = tpu.vector_load_idx %arg12[%sub3A_975] : memref<256xf32, #tpu.memory_space<vmem>>[vector<16xi32>], vector<16xf32>,
        %sub3A_977 = arith.constant 1 : i32
        %sub3A_978 = vector.broadcast %sub3A_977 : i32 to vector<16xi32>
        %sub3A_979 = arith.subi %min3A_946, %sub3A_978 : vector<16xi32>
        %gather3A_980 = tpu.vector_load_idx %arg12[%sub3A_979] : memref<256xf32, #tpu.memory_space<vmem>>[vector<16xi32>], vector<16xf32>,
        %sub3A_981 = arith.constant 1 : i32
        %sub3A_982 = vector.broadcast %sub3A_981 : i32 to vector<16xi32>
        %sub3A_983 = arith.subi %min3A_952, %sub3A_982 : vector<16xi32>
        %gather3A_984 = tpu.vector_load_idx %arg12[%sub3A_983] : memref<256xf32, #tpu.memory_space<vmem>>[vector<16xi32>], vector<16xf32>,
        %lt3A_985 = arith.cmpf olt, %gather3A_956, %get3A_583 : vector<16xf32>
        %select_n3A_986 = arith.select %lt3A_985, %min3A_910, %select_n3A_890 : vector<16xi1>, vector<16xi32>
        %lt3A_987 = arith.cmpf olt, %gather3A_960, %get3A_585 : vector<16xf32>
        %select_n3A_988 = arith.select %lt3A_987, %min3A_916, %select_n3A_892 : vector<16xi1>, vector<16xi32>
        %lt3A_989 = arith.cmpf olt, %gather3A_964, %get3A_587 : vector<16xf32>
        %select_n3A_990 = arith.select %lt3A_989, %min3A_922, %select_n3A_894 : vector<16xi1>, vector<16xi32>
        %lt3A_991 = arith.cmpf olt, %gather3A_968, %get3A_589 : vector<16xf32>
        %select_n3A_992 = arith.select %lt3A_991, %min3A_928, %select_n3A_896 : vector<16xi1>, vector<16xi32>
        %lt3A_993 = arith.cmpf olt, %gather3A_972, %get3A_591 : vector<16xf32>
        %select_n3A_994 = arith.select %lt3A_993, %min3A_934, %select_n3A_898 : vector<16xi1>, vector<16xi32>
        %lt3A_995 = arith.cmpf olt, %gather3A_976, %get3A_593 : vector<16xf32>
        %select_n3A_996 = arith.select %lt3A_995, %min3A_940, %select_n3A_900 : vector<16xi1>, vector<16xi32>
        %lt3A_997 = arith.cmpf olt, %gather3A_980, %get3A_595 : vector<16xf32>
        %select_n3A_998 = arith.select %lt3A_997, %min3A_946, %select_n3A_902 : vector<16xi1>, vector<16xi32>
        %lt3A_999 = arith.cmpf olt, %gather3A_984, %get3A_597 : vector<16xf32>
        %select_n3A_1000 = arith.select %lt3A_999, %min3A_952, %select_n3A_904 : vector<16xi1>, vector<16xi32>
        %add3A_1001 = arith.constant 8 : i32
        %add3A_1002 = vector.broadcast %add3A_1001 : i32 to vector<16xi32>
        %add3A_1003 = arith.addi %select_n3A_986, %add3A_1002 : vector<16xi32>
        %min3A_1004 = arith.constant 256 : i32
        %min3A_1005 = vector.broadcast %min3A_1004 : i32 to vector<16xi32>
        %min3A_1006 = arith.minsi %add3A_1003, %min3A_1005 : vector<16xi32>
        %add3A_1007 = arith.constant 8 : i32
        %add3A_1008 = vector.broadcast %add3A_1007 : i32 to vector<16xi32>
        %add3A_1009 = arith.addi %select_n3A_988, %add3A_1008 : vector<16xi32>
        %min3A_1010 = arith.constant 256 : i32
        %min3A_1011 = vector.broadcast %min3A_1010 : i32 to vector<16xi32>
        %min3A_1012 = arith.minsi %add3A_1009, %min3A_1011 : vector<16xi32>
        %add3A_1013 = arith.constant 8 : i32
        %add3A_1014 = vector.broadcast %add3A_1013 : i32 to vector<16xi32>
        %add3A_1015 = arith.addi %select_n3A_990, %add3A_1014 : vector<16xi32>
        %min3A_1016 = arith.constant 256 : i32
        %min3A_1017 = vector.broadcast %min3A_1016 : i32 to vector<16xi32>
        %min3A_1018 = arith.minsi %add3A_1015, %min3A_1017 : vector<16xi32>
        %add3A_1019 = arith.constant 8 : i32
        %add3A_1020 = vector.broadcast %add3A_1019 : i32 to vector<16xi32>
        %add3A_1021 = arith.addi %select_n3A_992, %add3A_1020 : vector<16xi32>
        %min3A_1022 = arith.constant 256 : i32
        %min3A_1023 = vector.broadcast %min3A_1022 : i32 to vector<16xi32>
        %min3A_1024 = arith.minsi %add3A_1021, %min3A_1023 : vector<16xi32>
        %add3A_1025 = arith.constant 8 : i32
        %add3A_1026 = vector.broadcast %add3A_1025 : i32 to vector<16xi32>
        %add3A_1027 = arith.addi %select_n3A_994, %add3A_1026 : vector<16xi32>
        %min3A_1028 = arith.constant 256 : i32
        %min3A_1029 = vector.broadcast %min3A_1028 : i32 to vector<16xi32>
        %min3A_1030 = arith.minsi %add3A_1027, %min3A_1029 : vector<16xi32>
        %add3A_1031 = arith.constant 8 : i32
        %add3A_1032 = vector.broadcast %add3A_1031 : i32 to vector<16xi32>
        %add3A_1033 = arith.addi %select_n3A_996, %add3A_1032 : vector<16xi32>
        %min3A_1034 = arith.constant 256 : i32
        %min3A_1035 = vector.broadcast %min3A_1034 : i32 to vector<16xi32>
        %min3A_1036 = arith.minsi %add3A_1033, %min3A_1035 : vector<16xi32>
        %add3A_1037 = arith.constant 8 : i32
        %add3A_1038 = vector.broadcast %add3A_1037 : i32 to vector<16xi32>
        %add3A_1039 = arith.addi %select_n3A_998, %add3A_1038 : vector<16xi32>
        %min3A_1040 = arith.constant 256 : i32
        %min3A_1041 = vector.broadcast %min3A_1040 : i32 to vector<16xi32>
        %min3A_1042 = arith.minsi %add3A_1039, %min3A_1041 : vector<16xi32>
        %add3A_1043 = arith.constant 8 : i32
        %add3A_1044 = vector.broadcast %add3A_1043 : i32 to vector<16xi32>
        %add3A_1045 = arith.addi %select_n3A_1000, %add3A_1044 : vector<16xi32>
        %min3A_1046 = arith.constant 256 : i32
        %min3A_1047 = vector.broadcast %min3A_1046 : i32 to vector<16xi32>
        %min3A_1048 = arith.minsi %add3A_1045, %min3A_1047 : vector<16xi32>
        %sub3A_1049 = arith.constant 1 : i32
        %sub3A_1050 = vector.broadcast %sub3A_1049 : i32 to vector<16xi32>
        %sub3A_1051 = arith.subi %min3A_1006, %sub3A_1050 : vector<16xi32>
        %gather3A_1052 = tpu.vector_load_idx %arg12[%sub3A_1051] : memref<256xf32, #tpu.memory_space<vmem>>[vector<16xi32>], vector<16xf32>,
        %sub3A_1053 = arith.constant 1 : i32
        %sub3A_1054 = vector.broadcast %sub3A_1053 : i32 to vector<16xi32>
        %sub3A_1055 = arith.subi %min3A_1012, %sub3A_1054 : vector<16xi32>
        %gather3A_1056 = tpu.vector_load_idx %arg12[%sub3A_1055] : memref<256xf32, #tpu.memory_space<vmem>>[vector<16xi32>], vector<16xf32>,
        %sub3A_1057 = arith.constant 1 : i32
        %sub3A_1058 = vector.broadcast %sub3A_1057 : i32 to vector<16xi32>
        %sub3A_1059 = arith.subi %min3A_1018, %sub3A_1058 : vector<16xi32>
        %gather3A_1060 = tpu.vector_load_idx %arg12[%sub3A_1059] : memref<256xf32, #tpu.memory_space<vmem>>[vector<16xi32>], vector<16xf32>,
        %sub3A_1061 = arith.constant 1 : i32
        %sub3A_1062 = vector.broadcast %sub3A_1061 : i32 to vector<16xi32>
        %sub3A_1063 = arith.subi %min3A_1024, %sub3A_1062 : vector<16xi32>
        %gather3A_1064 = tpu.vector_load_idx %arg12[%sub3A_1063] : memref<256xf32, #tpu.memory_space<vmem>>[vector<16xi32>], vector<16xf32>,
        %sub3A_1065 = arith.constant 1 : i32
        %sub3A_1066 = vector.broadcast %sub3A_1065 : i32 to vector<16xi32>
        %sub3A_1067 = arith.subi %min3A_1030, %sub3A_1066 : vector<16xi32>
        %gather3A_1068 = tpu.vector_load_idx %arg12[%sub3A_1067] : memref<256xf32, #tpu.memory_space<vmem>>[vector<16xi32>], vector<16xf32>,
        %sub3A_1069 = arith.constant 1 : i32
        %sub3A_1070 = vector.broadcast %sub3A_1069 : i32 to vector<16xi32>
        %sub3A_1071 = arith.subi %min3A_1036, %sub3A_1070 : vector<16xi32>
        %gather3A_1072 = tpu.vector_load_idx %arg12[%sub3A_1071] : memref<256xf32, #tpu.memory_space<vmem>>[vector<16xi32>], vector<16xf32>,
        %sub3A_1073 = arith.constant 1 : i32
        %sub3A_1074 = vector.broadcast %sub3A_1073 : i32 to vector<16xi32>
        %sub3A_1075 = arith.subi %min3A_1042, %sub3A_1074 : vector<16xi32>
        %gather3A_1076 = tpu.vector_load_idx %arg12[%sub3A_1075] : memref<256xf32, #tpu.memory_space<vmem>>[vector<16xi32>], vector<16xf32>,
        %sub3A_1077 = arith.constant 1 : i32
        %sub3A_1078 = vector.broadcast %sub3A_1077 : i32 to vector<16xi32>
        %sub3A_1079 = arith.subi %min3A_1048, %sub3A_1078 : vector<16xi32>
        %gather3A_1080 = tpu.vector_load_idx %arg12[%sub3A_1079] : memref<256xf32, #tpu.memory_space<vmem>>[vector<16xi32>], vector<16xf32>,
        %lt3A_1081 = arith.cmpf olt, %gather3A_1052, %get3A_583 : vector<16xf32>
        %select_n3A_1082 = arith.select %lt3A_1081, %min3A_1006, %select_n3A_986 : vector<16xi1>, vector<16xi32>
        %lt3A_1083 = arith.cmpf olt, %gather3A_1056, %get3A_585 : vector<16xf32>
        %select_n3A_1084 = arith.select %lt3A_1083, %min3A_1012, %select_n3A_988 : vector<16xi1>, vector<16xi32>
        %lt3A_1085 = arith.cmpf olt, %gather3A_1060, %get3A_587 : vector<16xf32>
        %select_n3A_1086 = arith.select %lt3A_1085, %min3A_1018, %select_n3A_990 : vector<16xi1>, vector<16xi32>
        %lt3A_1087 = arith.cmpf olt, %gather3A_1064, %get3A_589 : vector<16xf32>
        %select_n3A_1088 = arith.select %lt3A_1087, %min3A_1024, %select_n3A_992 : vector<16xi1>, vector<16xi32>
        %lt3A_1089 = arith.cmpf olt, %gather3A_1068, %get3A_591 : vector<16xf32>
        %select_n3A_1090 = arith.select %lt3A_1089, %min3A_1030, %select_n3A_994 : vector<16xi1>, vector<16xi32>
        %lt3A_1091 = arith.cmpf olt, %gather3A_1072, %get3A_593 : vector<16xf32>
        %select_n3A_1092 = arith.select %lt3A_1091, %min3A_1036, %select_n3A_996 : vector<16xi1>, vector<16xi32>
        %lt3A_1093 = arith.cmpf olt, %gather3A_1076, %get3A_595 : vector<16xf32>
        %select_n3A_1094 = arith.select %lt3A_1093, %min3A_1042, %select_n3A_998 : vector<16xi1>, vector<16xi32>
        %lt3A_1095 = arith.cmpf olt, %gather3A_1080, %get3A_597 : vector<16xf32>
        %select_n3A_1096 = arith.select %lt3A_1095, %min3A_1048, %select_n3A_1000 : vector<16xi1>, vector<16xi32>
        %add3A_1097 = arith.constant 4 : i32
        %add3A_1098 = vector.broadcast %add3A_1097 : i32 to vector<16xi32>
        %add3A_1099 = arith.addi %select_n3A_1082, %add3A_1098 : vector<16xi32>
        %min3A_1100 = arith.constant 256 : i32
        %min3A_1101 = vector.broadcast %min3A_1100 : i32 to vector<16xi32>
        %min3A_1102 = arith.minsi %add3A_1099, %min3A_1101 : vector<16xi32>
        %add3A_1103 = arith.constant 4 : i32
        %add3A_1104 = vector.broadcast %add3A_1103 : i32 to vector<16xi32>
        %add3A_1105 = arith.addi %select_n3A_1084, %add3A_1104 : vector<16xi32>
        %min3A_1106 = arith.constant 256 : i32
        %min3A_1107 = vector.broadcast %min3A_1106 : i32 to vector<16xi32>
        %min3A_1108 = arith.minsi %add3A_1105, %min3A_1107 : vector<16xi32>
        %add3A_1109 = arith.constant 4 : i32
        %add3A_1110 = vector.broadcast %add3A_1109 : i32 to vector<16xi32>
        %add3A_1111 = arith.addi %select_n3A_1086, %add3A_1110 : vector<16xi32>
        %min3A_1112 = arith.constant 256 : i32
        %min3A_1113 = vector.broadcast %min3A_1112 : i32 to vector<16xi32>
        %min3A_1114 = arith.minsi %add3A_1111, %min3A_1113 : vector<16xi32>
        %add3A_1115 = arith.constant 4 : i32
        %add3A_1116 = vector.broadcast %add3A_1115 : i32 to vector<16xi32>
        %add3A_1117 = arith.addi %select_n3A_1088, %add3A_1116 : vector<16xi32>
        %min3A_1118 = arith.constant 256 : i32
        %min3A_1119 = vector.broadcast %min3A_1118 : i32 to vector<16xi32>
        %min3A_1120 = arith.minsi %add3A_1117, %min3A_1119 : vector<16xi32>
        %add3A_1121 = arith.constant 4 : i32
        %add3A_1122 = vector.broadcast %add3A_1121 : i32 to vector<16xi32>
        %add3A_1123 = arith.addi %select_n3A_1090, %add3A_1122 : vector<16xi32>
        %min3A_1124 = arith.constant 256 : i32
        %min3A_1125 = vector.broadcast %min3A_1124 : i32 to vector<16xi32>
        %min3A_1126 = arith.minsi %add3A_1123, %min3A_1125 : vector<16xi32>
        %add3A_1127 = arith.constant 4 : i32
        %add3A_1128 = vector.broadcast %add3A_1127 : i32 to vector<16xi32>
        %add3A_1129 = arith.addi %select_n3A_1092, %add3A_1128 : vector<16xi32>
        %min3A_1130 = arith.constant 256 : i32
        %min3A_1131 = vector.broadcast %min3A_1130 : i32 to vector<16xi32>
        %min3A_1132 = arith.minsi %add3A_1129, %min3A_1131 : vector<16xi32>
        %add3A_1133 = arith.constant 4 : i32
        %add3A_1134 = vector.broadcast %add3A_1133 : i32 to vector<16xi32>
        %add3A_1135 = arith.addi %select_n3A_1094, %add3A_1134 : vector<16xi32>
        %min3A_1136 = arith.constant 256 : i32
        %min3A_1137 = vector.broadcast %min3A_1136 : i32 to vector<16xi32>
        %min3A_1138 = arith.minsi %add3A_1135, %min3A_1137 : vector<16xi32>
        %add3A_1139 = arith.constant 4 : i32
        %add3A_1140 = vector.broadcast %add3A_1139 : i32 to vector<16xi32>
        %add3A_1141 = arith.addi %select_n3A_1096, %add3A_1140 : vector<16xi32>
        %min3A_1142 = arith.constant 256 : i32
        %min3A_1143 = vector.broadcast %min3A_1142 : i32 to vector<16xi32>
        %min3A_1144 = arith.minsi %add3A_1141, %min3A_1143 : vector<16xi32>
        %sub3A_1145 = arith.constant 1 : i32
        %sub3A_1146 = vector.broadcast %sub3A_1145 : i32 to vector<16xi32>
        %sub3A_1147 = arith.subi %min3A_1102, %sub3A_1146 : vector<16xi32>
        %gather3A_1148 = tpu.vector_load_idx %arg12[%sub3A_1147] : memref<256xf32, #tpu.memory_space<vmem>>[vector<16xi32>], vector<16xf32>,
        %sub3A_1149 = arith.constant 1 : i32
        %sub3A_1150 = vector.broadcast %sub3A_1149 : i32 to vector<16xi32>
        %sub3A_1151 = arith.subi %min3A_1108, %sub3A_1150 : vector<16xi32>
        %gather3A_1152 = tpu.vector_load_idx %arg12[%sub3A_1151] : memref<256xf32, #tpu.memory_space<vmem>>[vector<16xi32>], vector<16xf32>,
        %sub3A_1153 = arith.constant 1 : i32
        %sub3A_1154 = vector.broadcast %sub3A_1153 : i32 to vector<16xi32>
        %sub3A_1155 = arith.subi %min3A_1114, %sub3A_1154 : vector<16xi32>
        %gather3A_1156 = tpu.vector_load_idx %arg12[%sub3A_1155] : memref<256xf32, #tpu.memory_space<vmem>>[vector<16xi32>], vector<16xf32>,
        %sub3A_1157 = arith.constant 1 : i32
        %sub3A_1158 = vector.broadcast %sub3A_1157 : i32 to vector<16xi32>
        %sub3A_1159 = arith.subi %min3A_1120, %sub3A_1158 : vector<16xi32>
        %gather3A_1160 = tpu.vector_load_idx %arg12[%sub3A_1159] : memref<256xf32, #tpu.memory_space<vmem>>[vector<16xi32>], vector<16xf32>,
        %sub3A_1161 = arith.constant 1 : i32
        %sub3A_1162 = vector.broadcast %sub3A_1161 : i32 to vector<16xi32>
        %sub3A_1163 = arith.subi %min3A_1126, %sub3A_1162 : vector<16xi32>
        %gather3A_1164 = tpu.vector_load_idx %arg12[%sub3A_1163] : memref<256xf32, #tpu.memory_space<vmem>>[vector<16xi32>], vector<16xf32>,
        %sub3A_1165 = arith.constant 1 : i32
        %sub3A_1166 = vector.broadcast %sub3A_1165 : i32 to vector<16xi32>
        %sub3A_1167 = arith.subi %min3A_1132, %sub3A_1166 : vector<16xi32>
        %gather3A_1168 = tpu.vector_load_idx %arg12[%sub3A_1167] : memref<256xf32, #tpu.memory_space<vmem>>[vector<16xi32>], vector<16xf32>,
        %sub3A_1169 = arith.constant 1 : i32
        %sub3A_1170 = vector.broadcast %sub3A_1169 : i32 to vector<16xi32>
        %sub3A_1171 = arith.subi %min3A_1138, %sub3A_1170 : vector<16xi32>
        %gather3A_1172 = tpu.vector_load_idx %arg12[%sub3A_1171] : memref<256xf32, #tpu.memory_space<vmem>>[vector<16xi32>], vector<16xf32>,
        %sub3A_1173 = arith.constant 1 : i32
        %sub3A_1174 = vector.broadcast %sub3A_1173 : i32 to vector<16xi32>
        %sub3A_1175 = arith.subi %min3A_1144, %sub3A_1174 : vector<16xi32>
        %gather3A_1176 = tpu.vector_load_idx %arg12[%sub3A_1175] : memref<256xf32, #tpu.memory_space<vmem>>[vector<16xi32>], vector<16xf32>,
        %lt3A_1177 = arith.cmpf olt, %gather3A_1148, %get3A_583 : vector<16xf32>
        %select_n3A_1178 = arith.select %lt3A_1177, %min3A_1102, %select_n3A_1082 : vector<16xi1>, vector<16xi32>
        %lt3A_1179 = arith.cmpf olt, %gather3A_1152, %get3A_585 : vector<16xf32>
        %select_n3A_1180 = arith.select %lt3A_1179, %min3A_1108, %select_n3A_1084 : vector<16xi1>, vector<16xi32>
        %lt3A_1181 = arith.cmpf olt, %gather3A_1156, %get3A_587 : vector<16xf32>
        %select_n3A_1182 = arith.select %lt3A_1181, %min3A_1114, %select_n3A_1086 : vector<16xi1>, vector<16xi32>
        %lt3A_1183 = arith.cmpf olt, %gather3A_1160, %get3A_589 : vector<16xf32>
        %select_n3A_1184 = arith.select %lt3A_1183, %min3A_1120, %select_n3A_1088 : vector<16xi1>, vector<16xi32>
        %lt3A_1185 = arith.cmpf olt, %gather3A_1164, %get3A_591 : vector<16xf32>
        %select_n3A_1186 = arith.select %lt3A_1185, %min3A_1126, %select_n3A_1090 : vector<16xi1>, vector<16xi32>
        %lt3A_1187 = arith.cmpf olt, %gather3A_1168, %get3A_593 : vector<16xf32>
        %select_n3A_1188 = arith.select %lt3A_1187, %min3A_1132, %select_n3A_1092 : vector<16xi1>, vector<16xi32>
        %lt3A_1189 = arith.cmpf olt, %gather3A_1172, %get3A_595 : vector<16xf32>
        %select_n3A_1190 = arith.select %lt3A_1189, %min3A_1138, %select_n3A_1094 : vector<16xi1>, vector<16xi32>
        %lt3A_1191 = arith.cmpf olt, %gather3A_1176, %get3A_597 : vector<16xf32>
        %select_n3A_1192 = arith.select %lt3A_1191, %min3A_1144, %select_n3A_1096 : vector<16xi1>, vector<16xi32>
        %add3A_1193 = arith.constant 2 : i32
        %add3A_1194 = vector.broadcast %add3A_1193 : i32 to vector<16xi32>
        %add3A_1195 = arith.addi %select_n3A_1178, %add3A_1194 : vector<16xi32>
        %min3A_1196 = arith.constant 256 : i32
        %min3A_1197 = vector.broadcast %min3A_1196 : i32 to vector<16xi32>
        %min3A_1198 = arith.minsi %add3A_1195, %min3A_1197 : vector<16xi32>
        %add3A_1199 = arith.constant 2 : i32
        %add3A_1200 = vector.broadcast %add3A_1199 : i32 to vector<16xi32>
        %add3A_1201 = arith.addi %select_n3A_1180, %add3A_1200 : vector<16xi32>
        %min3A_1202 = arith.constant 256 : i32
        %min3A_1203 = vector.broadcast %min3A_1202 : i32 to vector<16xi32>
        %min3A_1204 = arith.minsi %add3A_1201, %min3A_1203 : vector<16xi32>
        %add3A_1205 = arith.constant 2 : i32
        %add3A_1206 = vector.broadcast %add3A_1205 : i32 to vector<16xi32>
        %add3A_1207 = arith.addi %select_n3A_1182, %add3A_1206 : vector<16xi32>
        %min3A_1208 = arith.constant 256 : i32
        %min3A_1209 = vector.broadcast %min3A_1208 : i32 to vector<16xi32>
        %min3A_1210 = arith.minsi %add3A_1207, %min3A_1209 : vector<16xi32>
        %add3A_1211 = arith.constant 2 : i32
        %add3A_1212 = vector.broadcast %add3A_1211 : i32 to vector<16xi32>
        %add3A_1213 = arith.addi %select_n3A_1184, %add3A_1212 : vector<16xi32>
        %min3A_1214 = arith.constant 256 : i32
        %min3A_1215 = vector.broadcast %min3A_1214 : i32 to vector<16xi32>
        %min3A_1216 = arith.minsi %add3A_1213, %min3A_1215 : vector<16xi32>
        %add3A_1217 = arith.constant 2 : i32
        %add3A_1218 = vector.broadcast %add3A_1217 : i32 to vector<16xi32>
        %add3A_1219 = arith.addi %select_n3A_1186, %add3A_1218 : vector<16xi32>
        %min3A_1220 = arith.constant 256 : i32
        %min3A_1221 = vector.broadcast %min3A_1220 : i32 to vector<16xi32>
        %min3A_1222 = arith.minsi %add3A_1219, %min3A_1221 : vector<16xi32>
        %add3A_1223 = arith.constant 2 : i32
        %add3A_1224 = vector.broadcast %add3A_1223 : i32 to vector<16xi32>
        %add3A_1225 = arith.addi %select_n3A_1188, %add3A_1224 : vector<16xi32>
        %min3A_1226 = arith.constant 256 : i32
        %min3A_1227 = vector.broadcast %min3A_1226 : i32 to vector<16xi32>
        %min3A_1228 = arith.minsi %add3A_1225, %min3A_1227 : vector<16xi32>
        %add3A_1229 = arith.constant 2 : i32
        %add3A_1230 = vector.broadcast %add3A_1229 : i32 to vector<16xi32>
        %add3A_1231 = arith.addi %select_n3A_1190, %add3A_1230 : vector<16xi32>
        %min3A_1232 = arith.constant 256 : i32
        %min3A_1233 = vector.broadcast %min3A_1232 : i32 to vector<16xi32>
        %min3A_1234 = arith.minsi %add3A_1231, %min3A_1233 : vector<16xi32>
        %add3A_1235 = arith.constant 2 : i32
        %add3A_1236 = vector.broadcast %add3A_1235 : i32 to vector<16xi32>
        %add3A_1237 = arith.addi %select_n3A_1192, %add3A_1236 : vector<16xi32>
        %min3A_1238 = arith.constant 256 : i32
        %min3A_1239 = vector.broadcast %min3A_1238 : i32 to vector<16xi32>
        %min3A_1240 = arith.minsi %add3A_1237, %min3A_1239 : vector<16xi32>
        %sub3A_1241 = arith.constant 1 : i32
        %sub3A_1242 = vector.broadcast %sub3A_1241 : i32 to vector<16xi32>
        %sub3A_1243 = arith.subi %min3A_1198, %sub3A_1242 : vector<16xi32>
        %gather3A_1244 = tpu.vector_load_idx %arg12[%sub3A_1243] : memref<256xf32, #tpu.memory_space<vmem>>[vector<16xi32>], vector<16xf32>,
        %sub3A_1245 = arith.constant 1 : i32
        %sub3A_1246 = vector.broadcast %sub3A_1245 : i32 to vector<16xi32>
        %sub3A_1247 = arith.subi %min3A_1204, %sub3A_1246 : vector<16xi32>
        %gather3A_1248 = tpu.vector_load_idx %arg12[%sub3A_1247] : memref<256xf32, #tpu.memory_space<vmem>>[vector<16xi32>], vector<16xf32>,
        %sub3A_1249 = arith.constant 1 : i32
        %sub3A_1250 = vector.broadcast %sub3A_1249 : i32 to vector<16xi32>
        %sub3A_1251 = arith.subi %min3A_1210, %sub3A_1250 : vector<16xi32>
        %gather3A_1252 = tpu.vector_load_idx %arg12[%sub3A_1251] : memref<256xf32, #tpu.memory_space<vmem>>[vector<16xi32>], vector<16xf32>,
        %sub3A_1253 = arith.constant 1 : i32
        %sub3A_1254 = vector.broadcast %sub3A_1253 : i32 to vector<16xi32>
        %sub3A_1255 = arith.subi %min3A_1216, %sub3A_1254 : vector<16xi32>
        %gather3A_1256 = tpu.vector_load_idx %arg12[%sub3A_1255] : memref<256xf32, #tpu.memory_space<vmem>>[vector<16xi32>], vector<16xf32>,
        %sub3A_1257 = arith.constant 1 : i32
        %sub3A_1258 = vector.broadcast %sub3A_1257 : i32 to vector<16xi32>
        %sub3A_1259 = arith.subi %min3A_1222, %sub3A_1258 : vector<16xi32>
        %gather3A_1260 = tpu.vector_load_idx %arg12[%sub3A_1259] : memref<256xf32, #tpu.memory_space<vmem>>[vector<16xi32>], vector<16xf32>,
        %sub3A_1261 = arith.constant 1 : i32
        %sub3A_1262 = vector.broadcast %sub3A_1261 : i32 to vector<16xi32>
        %sub3A_1263 = arith.subi %min3A_1228, %sub3A_1262 : vector<16xi32>
        %gather3A_1264 = tpu.vector_load_idx %arg12[%sub3A_1263] : memref<256xf32, #tpu.memory_space<vmem>>[vector<16xi32>], vector<16xf32>,
        %sub3A_1265 = arith.constant 1 : i32
        %sub3A_1266 = vector.broadcast %sub3A_1265 : i32 to vector<16xi32>
        %sub3A_1267 = arith.subi %min3A_1234, %sub3A_1266 : vector<16xi32>
        %gather3A_1268 = tpu.vector_load_idx %arg12[%sub3A_1267] : memref<256xf32, #tpu.memory_space<vmem>>[vector<16xi32>], vector<16xf32>,
        %sub3A_1269 = arith.constant 1 : i32
        %sub3A_1270 = vector.broadcast %sub3A_1269 : i32 to vector<16xi32>
        %sub3A_1271 = arith.subi %min3A_1240, %sub3A_1270 : vector<16xi32>
        %gather3A_1272 = tpu.vector_load_idx %arg12[%sub3A_1271] : memref<256xf32, #tpu.memory_space<vmem>>[vector<16xi32>], vector<16xf32>,
        %lt3A_1273 = arith.cmpf olt, %gather3A_1244, %get3A_583 : vector<16xf32>
        %select_n3A_1274 = arith.select %lt3A_1273, %min3A_1198, %select_n3A_1178 : vector<16xi1>, vector<16xi32>
        %lt3A_1275 = arith.cmpf olt, %gather3A_1248, %get3A_585 : vector<16xf32>
        %select_n3A_1276 = arith.select %lt3A_1275, %min3A_1204, %select_n3A_1180 : vector<16xi1>, vector<16xi32>
        %lt3A_1277 = arith.cmpf olt, %gather3A_1252, %get3A_587 : vector<16xf32>
        %select_n3A_1278 = arith.select %lt3A_1277, %min3A_1210, %select_n3A_1182 : vector<16xi1>, vector<16xi32>
        %lt3A_1279 = arith.cmpf olt, %gather3A_1256, %get3A_589 : vector<16xf32>
        %select_n3A_1280 = arith.select %lt3A_1279, %min3A_1216, %select_n3A_1184 : vector<16xi1>, vector<16xi32>
        %lt3A_1281 = arith.cmpf olt, %gather3A_1260, %get3A_591 : vector<16xf32>
        %select_n3A_1282 = arith.select %lt3A_1281, %min3A_1222, %select_n3A_1186 : vector<16xi1>, vector<16xi32>
        %lt3A_1283 = arith.cmpf olt, %gather3A_1264, %get3A_593 : vector<16xf32>
        %select_n3A_1284 = arith.select %lt3A_1283, %min3A_1228, %select_n3A_1188 : vector<16xi1>, vector<16xi32>
        %lt3A_1285 = arith.cmpf olt, %gather3A_1268, %get3A_595 : vector<16xf32>
        %select_n3A_1286 = arith.select %lt3A_1285, %min3A_1234, %select_n3A_1190 : vector<16xi1>, vector<16xi32>
        %lt3A_1287 = arith.cmpf olt, %gather3A_1272, %get3A_597 : vector<16xf32>
        %select_n3A_1288 = arith.select %lt3A_1287, %min3A_1240, %select_n3A_1192 : vector<16xi1>, vector<16xi32>
        %add3A_1289 = arith.constant 1 : i32
        %add3A_1290 = vector.broadcast %add3A_1289 : i32 to vector<16xi32>
        %add3A_1291 = arith.addi %select_n3A_1274, %add3A_1290 : vector<16xi32>
        %min3A_1292 = arith.constant 256 : i32
        %min3A_1293 = vector.broadcast %min3A_1292 : i32 to vector<16xi32>
        %min3A_1294 = arith.minsi %add3A_1291, %min3A_1293 : vector<16xi32>
        %add3A_1295 = arith.constant 1 : i32
        %add3A_1296 = vector.broadcast %add3A_1295 : i32 to vector<16xi32>
        %add3A_1297 = arith.addi %select_n3A_1276, %add3A_1296 : vector<16xi32>
        %min3A_1298 = arith.constant 256 : i32
        %min3A_1299 = vector.broadcast %min3A_1298 : i32 to vector<16xi32>
        %min3A_1300 = arith.minsi %add3A_1297, %min3A_1299 : vector<16xi32>
        %add3A_1301 = arith.constant 1 : i32
        %add3A_1302 = vector.broadcast %add3A_1301 : i32 to vector<16xi32>
        %add3A_1303 = arith.addi %select_n3A_1278, %add3A_1302 : vector<16xi32>
        %min3A_1304 = arith.constant 256 : i32
        %min3A_1305 = vector.broadcast %min3A_1304 : i32 to vector<16xi32>
        %min3A_1306 = arith.minsi %add3A_1303, %min3A_1305 : vector<16xi32>
        %add3A_1307 = arith.constant 1 : i32
        %add3A_1308 = vector.broadcast %add3A_1307 : i32 to vector<16xi32>
        %add3A_1309 = arith.addi %select_n3A_1280, %add3A_1308 : vector<16xi32>
        %min3A_1310 = arith.constant 256 : i32
        %min3A_1311 = vector.broadcast %min3A_1310 : i32 to vector<16xi32>
        %min3A_1312 = arith.minsi %add3A_1309, %min3A_1311 : vector<16xi32>
        %add3A_1313 = arith.constant 1 : i32
        %add3A_1314 = vector.broadcast %add3A_1313 : i32 to vector<16xi32>
        %add3A_1315 = arith.addi %select_n3A_1282, %add3A_1314 : vector<16xi32>
        %min3A_1316 = arith.constant 256 : i32
        %min3A_1317 = vector.broadcast %min3A_1316 : i32 to vector<16xi32>
        %min3A_1318 = arith.minsi %add3A_1315, %min3A_1317 : vector<16xi32>
        %add3A_1319 = arith.constant 1 : i32
        %add3A_1320 = vector.broadcast %add3A_1319 : i32 to vector<16xi32>
        %add3A_1321 = arith.addi %select_n3A_1284, %add3A_1320 : vector<16xi32>
        %min3A_1322 = arith.constant 256 : i32
        %min3A_1323 = vector.broadcast %min3A_1322 : i32 to vector<16xi32>
        %min3A_1324 = arith.minsi %add3A_1321, %min3A_1323 : vector<16xi32>
        %add3A_1325 = arith.constant 1 : i32
        %add3A_1326 = vector.broadcast %add3A_1325 : i32 to vector<16xi32>
        %add3A_1327 = arith.addi %select_n3A_1286, %add3A_1326 : vector<16xi32>
        %min3A_1328 = arith.constant 256 : i32
        %min3A_1329 = vector.broadcast %min3A_1328 : i32 to vector<16xi32>
        %min3A_1330 = arith.minsi %add3A_1327, %min3A_1329 : vector<16xi32>
        %add3A_1331 = arith.constant 1 : i32
        %add3A_1332 = vector.broadcast %add3A_1331 : i32 to vector<16xi32>
        %add3A_1333 = arith.addi %select_n3A_1288, %add3A_1332 : vector<16xi32>
        %min3A_1334 = arith.constant 256 : i32
        %min3A_1335 = vector.broadcast %min3A_1334 : i32 to vector<16xi32>
        %min3A_1336 = arith.minsi %add3A_1333, %min3A_1335 : vector<16xi32>
        %sub3A_1337 = arith.constant 1 : i32
        %sub3A_1338 = vector.broadcast %sub3A_1337 : i32 to vector<16xi32>
        %sub3A_1339 = arith.subi %min3A_1294, %sub3A_1338 : vector<16xi32>
        %gather3A_1340 = tpu.vector_load_idx %arg12[%sub3A_1339] : memref<256xf32, #tpu.memory_space<vmem>>[vector<16xi32>], vector<16xf32>,
        %sub3A_1341 = arith.constant 1 : i32
        %sub3A_1342 = vector.broadcast %sub3A_1341 : i32 to vector<16xi32>
        %sub3A_1343 = arith.subi %min3A_1300, %sub3A_1342 : vector<16xi32>
        %gather3A_1344 = tpu.vector_load_idx %arg12[%sub3A_1343] : memref<256xf32, #tpu.memory_space<vmem>>[vector<16xi32>], vector<16xf32>,
        %sub3A_1345 = arith.constant 1 : i32
        %sub3A_1346 = vector.broadcast %sub3A_1345 : i32 to vector<16xi32>
        %sub3A_1347 = arith.subi %min3A_1306, %sub3A_1346 : vector<16xi32>
        %gather3A_1348 = tpu.vector_load_idx %arg12[%sub3A_1347] : memref<256xf32, #tpu.memory_space<vmem>>[vector<16xi32>], vector<16xf32>,
        %sub3A_1349 = arith.constant 1 : i32
        %sub3A_1350 = vector.broadcast %sub3A_1349 : i32 to vector<16xi32>
        %sub3A_1351 = arith.subi %min3A_1312, %sub3A_1350 : vector<16xi32>
        %gather3A_1352 = tpu.vector_load_idx %arg12[%sub3A_1351] : memref<256xf32, #tpu.memory_space<vmem>>[vector<16xi32>], vector<16xf32>,
        %sub3A_1353 = arith.constant 1 : i32
        %sub3A_1354 = vector.broadcast %sub3A_1353 : i32 to vector<16xi32>
        %sub3A_1355 = arith.subi %min3A_1318, %sub3A_1354 : vector<16xi32>
        %gather3A_1356 = tpu.vector_load_idx %arg12[%sub3A_1355] : memref<256xf32, #tpu.memory_space<vmem>>[vector<16xi32>], vector<16xf32>,
        %sub3A_1357 = arith.constant 1 : i32
        %sub3A_1358 = vector.broadcast %sub3A_1357 : i32 to vector<16xi32>
        %sub3A_1359 = arith.subi %min3A_1324, %sub3A_1358 : vector<16xi32>
        %gather3A_1360 = tpu.vector_load_idx %arg12[%sub3A_1359] : memref<256xf32, #tpu.memory_space<vmem>>[vector<16xi32>], vector<16xf32>,
        %sub3A_1361 = arith.constant 1 : i32
        %sub3A_1362 = vector.broadcast %sub3A_1361 : i32 to vector<16xi32>
        %sub3A_1363 = arith.subi %min3A_1330, %sub3A_1362 : vector<16xi32>
        %gather3A_1364 = tpu.vector_load_idx %arg12[%sub3A_1363] : memref<256xf32, #tpu.memory_space<vmem>>[vector<16xi32>], vector<16xf32>,
        %sub3A_1365 = arith.constant 1 : i32
        %sub3A_1366 = vector.broadcast %sub3A_1365 : i32 to vector<16xi32>
        %sub3A_1367 = arith.subi %min3A_1336, %sub3A_1366 : vector<16xi32>
        %gather3A_1368 = tpu.vector_load_idx %arg12[%sub3A_1367] : memref<256xf32, #tpu.memory_space<vmem>>[vector<16xi32>], vector<16xf32>,
        %lt3A_1369 = arith.cmpf olt, %gather3A_1340, %get3A_583 : vector<16xf32>
        %select_n3A_1370 = arith.select %lt3A_1369, %min3A_1294, %select_n3A_1274 : vector<16xi1>, vector<16xi32>
        %lt3A_1371 = arith.cmpf olt, %gather3A_1344, %get3A_585 : vector<16xf32>
        %select_n3A_1372 = arith.select %lt3A_1371, %min3A_1300, %select_n3A_1276 : vector<16xi1>, vector<16xi32>
        %lt3A_1373 = arith.cmpf olt, %gather3A_1348, %get3A_587 : vector<16xf32>
        %select_n3A_1374 = arith.select %lt3A_1373, %min3A_1306, %select_n3A_1278 : vector<16xi1>, vector<16xi32>
        %lt3A_1375 = arith.cmpf olt, %gather3A_1352, %get3A_589 : vector<16xf32>
        %select_n3A_1376 = arith.select %lt3A_1375, %min3A_1312, %select_n3A_1280 : vector<16xi1>, vector<16xi32>
        %lt3A_1377 = arith.cmpf olt, %gather3A_1356, %get3A_591 : vector<16xf32>
        %select_n3A_1378 = arith.select %lt3A_1377, %min3A_1318, %select_n3A_1282 : vector<16xi1>, vector<16xi32>
        %lt3A_1379 = arith.cmpf olt, %gather3A_1360, %get3A_593 : vector<16xf32>
        %select_n3A_1380 = arith.select %lt3A_1379, %min3A_1324, %select_n3A_1284 : vector<16xi1>, vector<16xi32>
        %lt3A_1381 = arith.cmpf olt, %gather3A_1364, %get3A_595 : vector<16xf32>
        %select_n3A_1382 = arith.select %lt3A_1381, %min3A_1330, %select_n3A_1286 : vector<16xi1>, vector<16xi32>
        %lt3A_1383 = arith.cmpf olt, %gather3A_1368, %get3A_597 : vector<16xf32>
        %select_n3A_1384 = arith.select %lt3A_1383, %min3A_1336, %select_n3A_1288 : vector<16xi1>, vector<16xi32>
        %sub3A_1385 = arith.constant 1 : i32
        %sub3A_1386 = vector.broadcast %sub3A_1385 : i32 to vector<16xi32>
        %sub3A_1387 = arith.subi %select_n3A_1370, %sub3A_1386 : vector<16xi32>
        %max3A = arith.constant 0 : i32
        %max3A_1388 = vector.broadcast %max3A : i32 to vector<16xi32>
        %max3A_1389 = arith.maxsi %sub3A_1387, %max3A_1388 : vector<16xi32>
        %sub3A_1390 = arith.constant 1 : i32
        %sub3A_1391 = vector.broadcast %sub3A_1390 : i32 to vector<16xi32>
        %sub3A_1392 = arith.subi %select_n3A_1372, %sub3A_1391 : vector<16xi32>
        %max3A_1393 = arith.constant 0 : i32
        %max3A_1394 = vector.broadcast %max3A_1393 : i32 to vector<16xi32>
        %max3A_1395 = arith.maxsi %sub3A_1392, %max3A_1394 : vector<16xi32>
        %sub3A_1396 = arith.constant 1 : i32
        %sub3A_1397 = vector.broadcast %sub3A_1396 : i32 to vector<16xi32>
        %sub3A_1398 = arith.subi %select_n3A_1374, %sub3A_1397 : vector<16xi32>
        %max3A_1399 = arith.constant 0 : i32
        %max3A_1400 = vector.broadcast %max3A_1399 : i32 to vector<16xi32>
        %max3A_1401 = arith.maxsi %sub3A_1398, %max3A_1400 : vector<16xi32>
        %sub3A_1402 = arith.constant 1 : i32
        %sub3A_1403 = vector.broadcast %sub3A_1402 : i32 to vector<16xi32>
        %sub3A_1404 = arith.subi %select_n3A_1376, %sub3A_1403 : vector<16xi32>
        %max3A_1405 = arith.constant 0 : i32
        %max3A_1406 = vector.broadcast %max3A_1405 : i32 to vector<16xi32>
        %max3A_1407 = arith.maxsi %sub3A_1404, %max3A_1406 : vector<16xi32>
        %sub3A_1408 = arith.constant 1 : i32
        %sub3A_1409 = vector.broadcast %sub3A_1408 : i32 to vector<16xi32>
        %sub3A_1410 = arith.subi %select_n3A_1378, %sub3A_1409 : vector<16xi32>
        %max3A_1411 = arith.constant 0 : i32
        %max3A_1412 = vector.broadcast %max3A_1411 : i32 to vector<16xi32>
        %max3A_1413 = arith.maxsi %sub3A_1410, %max3A_1412 : vector<16xi32>
        %sub3A_1414 = arith.constant 1 : i32
        %sub3A_1415 = vector.broadcast %sub3A_1414 : i32 to vector<16xi32>
        %sub3A_1416 = arith.subi %select_n3A_1380, %sub3A_1415 : vector<16xi32>
        %max3A_1417 = arith.constant 0 : i32
        %max3A_1418 = vector.broadcast %max3A_1417 : i32 to vector<16xi32>
        %max3A_1419 = arith.maxsi %sub3A_1416, %max3A_1418 : vector<16xi32>
        %sub3A_1420 = arith.constant 1 : i32
        %sub3A_1421 = vector.broadcast %sub3A_1420 : i32 to vector<16xi32>
        %sub3A_1422 = arith.subi %select_n3A_1382, %sub3A_1421 : vector<16xi32>
        %max3A_1423 = arith.constant 0 : i32
        %max3A_1424 = vector.broadcast %max3A_1423 : i32 to vector<16xi32>
        %max3A_1425 = arith.maxsi %sub3A_1422, %max3A_1424 : vector<16xi32>
        %sub3A_1426 = arith.constant 1 : i32
        %sub3A_1427 = vector.broadcast %sub3A_1426 : i32 to vector<16xi32>
        %sub3A_1428 = arith.subi %select_n3A_1384, %sub3A_1427 : vector<16xi32>
        %max3A_1429 = arith.constant 0 : i32
        %max3A_1430 = vector.broadcast %max3A_1429 : i32 to vector<16xi32>
        %max3A_1431 = arith.maxsi %sub3A_1428, %max3A_1430 : vector<16xi32>
        %gather3A_1432 = tpu.vector_load_idx %arg12[%max3A_1389] : memref<256xf32, #tpu.memory_space<vmem>>[vector<16xi32>], vector<16xf32>,
        %gather3A_1433 = tpu.vector_load_idx %arg12[%max3A_1395] : memref<256xf32, #tpu.memory_space<vmem>>[vector<16xi32>], vector<16xf32>,
        %gather3A_1434 = tpu.vector_load_idx %arg12[%max3A_1401] : memref<256xf32, #tpu.memory_space<vmem>>[vector<16xi32>], vector<16xf32>,
        %gather3A_1435 = tpu.vector_load_idx %arg12[%max3A_1407] : memref<256xf32, #tpu.memory_space<vmem>>[vector<16xi32>], vector<16xf32>,
        %gather3A_1436 = tpu.vector_load_idx %arg12[%max3A_1413] : memref<256xf32, #tpu.memory_space<vmem>>[vector<16xi32>], vector<16xf32>,
        %gather3A_1437 = tpu.vector_load_idx %arg12[%max3A_1419] : memref<256xf32, #tpu.memory_space<vmem>>[vector<16xi32>], vector<16xf32>,
        %gather3A_1438 = tpu.vector_load_idx %arg12[%max3A_1425] : memref<256xf32, #tpu.memory_space<vmem>>[vector<16xi32>], vector<16xf32>,
        %gather3A_1439 = tpu.vector_load_idx %arg12[%max3A_1431] : memref<256xf32, #tpu.memory_space<vmem>>[vector<16xi32>], vector<16xf32>,
        %broadcast_in_dim3A_1440 = arith.constant 0.000000e+00 : f32
        %broadcast_in_dim3A_1441 = vector.broadcast %broadcast_in_dim3A_1440 : f32 to vector<16xf32>
        %eq3A_1442 = arith.constant 0 : i32
        %eq3A_1443 = vector.broadcast %eq3A_1442 : i32 to vector<16xi32>
        %eq3A_1444 = arith.cmpi eq, %select_n3A_1370, %eq3A_1443 : vector<16xi32>
        %select_n3A_1445 = arith.select %eq3A_1444, %broadcast_in_dim3A_1441, %gather3A_1432 : vector<16xi1>, vector<16xf32>
        %eq3A_1446 = arith.constant 0 : i32
        %eq3A_1447 = vector.broadcast %eq3A_1446 : i32 to vector<16xi32>
        %eq3A_1448 = arith.cmpi eq, %select_n3A_1372, %eq3A_1447 : vector<16xi32>
        %select_n3A_1449 = arith.select %eq3A_1448, %broadcast_in_dim3A_1441, %gather3A_1433 : vector<16xi1>, vector<16xf32>
        %eq3A_1450 = arith.constant 0 : i32
        %eq3A_1451 = vector.broadcast %eq3A_1450 : i32 to vector<16xi32>
        %eq3A_1452 = arith.cmpi eq, %select_n3A_1374, %eq3A_1451 : vector<16xi32>
        %select_n3A_1453 = arith.select %eq3A_1452, %broadcast_in_dim3A_1441, %gather3A_1434 : vector<16xi1>, vector<16xf32>
        %eq3A_1454 = arith.constant 0 : i32
        %eq3A_1455 = vector.broadcast %eq3A_1454 : i32 to vector<16xi32>
        %eq3A_1456 = arith.cmpi eq, %select_n3A_1376, %eq3A_1455 : vector<16xi32>
        %select_n3A_1457 = arith.select %eq3A_1456, %broadcast_in_dim3A_1441, %gather3A_1435 : vector<16xi1>, vector<16xf32>
        %eq3A_1458 = arith.constant 0 : i32
        %eq3A_1459 = vector.broadcast %eq3A_1458 : i32 to vector<16xi32>
        %eq3A_1460 = arith.cmpi eq, %select_n3A_1378, %eq3A_1459 : vector<16xi32>
        %select_n3A_1461 = arith.select %eq3A_1460, %broadcast_in_dim3A_1441, %gather3A_1436 : vector<16xi1>, vector<16xf32>
        %eq3A_1462 = arith.constant 0 : i32
        %eq3A_1463 = vector.broadcast %eq3A_1462 : i32 to vector<16xi32>
        %eq3A_1464 = arith.cmpi eq, %select_n3A_1380, %eq3A_1463 : vector<16xi32>
        %select_n3A_1465 = arith.select %eq3A_1464, %broadcast_in_dim3A_1441, %gather3A_1437 : vector<16xi1>, vector<16xf32>
        %eq3A_1466 = arith.constant 0 : i32
        %eq3A_1467 = vector.broadcast %eq3A_1466 : i32 to vector<16xi32>
        %eq3A_1468 = arith.cmpi eq, %select_n3A_1382, %eq3A_1467 : vector<16xi32>
        %select_n3A_1469 = arith.select %eq3A_1468, %broadcast_in_dim3A_1441, %gather3A_1438 : vector<16xi1>, vector<16xf32>
        %eq3A_1470 = arith.constant 0 : i32
        %eq3A_1471 = vector.broadcast %eq3A_1470 : i32 to vector<16xi32>
        %eq3A_1472 = arith.cmpi eq, %select_n3A_1384, %eq3A_1471 : vector<16xi32>
        %select_n3A_1473 = arith.select %eq3A_1472, %broadcast_in_dim3A_1441, %gather3A_1439 : vector<16xi1>, vector<16xf32>
        %swap3A = arith.index_cast %mul3A_540 : i32 to index
        %swap3A_1474 = tpu.vector_load %arg17[%swap3A] {strides = array<i32>} : memref<512xi32, #tpu.memory_space<vmem>>, vector<16xi32>,
        tpu.vector_store %arg17[%swap3A], %max3A_1389 {strides = array<i32>} : memref<512xi32, #tpu.memory_space<vmem>>, vector<16xi32>,
        %sub3A_1475 = arith.subf %select_n3A_1445, %get3A_583 : vector<16xf32>
        %swap3A_1476 = arith.index_cast %mul3A_540 : i32 to index
        %swap3A_1477 = tpu.vector_load %arg18[%swap3A_1476] {strides = array<i32>} : memref<512xf32, #tpu.memory_space<vmem>>, vector<16xf32>,
        tpu.vector_store %arg18[%swap3A_1476], %sub3A_1475 {strides = array<i32>} : memref<512xf32, #tpu.memory_space<vmem>>, vector<16xf32>,
        %swap3A_1478 = arith.index_cast %mul3A_546 : i32 to index
        %swap3A_1479 = tpu.vector_load %arg17[%swap3A_1478] {strides = array<i32>} : memref<512xi32, #tpu.memory_space<vmem>>, vector<16xi32>,
        tpu.vector_store %arg17[%swap3A_1478], %max3A_1395 {strides = array<i32>} : memref<512xi32, #tpu.memory_space<vmem>>, vector<16xi32>,
        %sub3A_1480 = arith.subf %select_n3A_1449, %get3A_585 : vector<16xf32>
        %swap3A_1481 = arith.index_cast %mul3A_546 : i32 to index
        %swap3A_1482 = tpu.vector_load %arg18[%swap3A_1481] {strides = array<i32>} : memref<512xf32, #tpu.memory_space<vmem>>, vector<16xf32>,
        tpu.vector_store %arg18[%swap3A_1481], %sub3A_1480 {strides = array<i32>} : memref<512xf32, #tpu.memory_space<vmem>>, vector<16xf32>,
        %swap3A_1483 = arith.index_cast %mul3A_552 : i32 to index
        %swap3A_1484 = tpu.vector_load %arg17[%swap3A_1483] {strides = array<i32>} : memref<512xi32, #tpu.memory_space<vmem>>, vector<16xi32>,
        tpu.vector_store %arg17[%swap3A_1483], %max3A_1401 {strides = array<i32>} : memref<512xi32, #tpu.memory_space<vmem>>, vector<16xi32>,
        %sub3A_1485 = arith.subf %select_n3A_1453, %get3A_587 : vector<16xf32>
        %swap3A_1486 = arith.index_cast %mul3A_552 : i32 to index
        %swap3A_1487 = tpu.vector_load %arg18[%swap3A_1486] {strides = array<i32>} : memref<512xf32, #tpu.memory_space<vmem>>, vector<16xf32>,
        tpu.vector_store %arg18[%swap3A_1486], %sub3A_1485 {strides = array<i32>} : memref<512xf32, #tpu.memory_space<vmem>>, vector<16xf32>,
        %swap3A_1488 = arith.index_cast %mul3A_558 : i32 to index
        %swap3A_1489 = tpu.vector_load %arg17[%swap3A_1488] {strides = array<i32>} : memref<512xi32, #tpu.memory_space<vmem>>, vector<16xi32>,
        tpu.vector_store %arg17[%swap3A_1488], %max3A_1407 {strides = array<i32>} : memref<512xi32, #tpu.memory_space<vmem>>, vector<16xi32>,
        %sub3A_1490 = arith.subf %select_n3A_1457, %get3A_589 : vector<16xf32>
        %swap3A_1491 = arith.index_cast %mul3A_558 : i32 to index
        %swap3A_1492 = tpu.vector_load %arg18[%swap3A_1491] {strides = array<i32>} : memref<512xf32, #tpu.memory_space<vmem>>, vector<16xf32>,
        tpu.vector_store %arg18[%swap3A_1491], %sub3A_1490 {strides = array<i32>} : memref<512xf32, #tpu.memory_space<vmem>>, vector<16xf32>,
        %swap3A_1493 = arith.index_cast %mul3A_564 : i32 to index
        %swap3A_1494 = tpu.vector_load %arg17[%swap3A_1493] {strides = array<i32>} : memref<512xi32, #tpu.memory_space<vmem>>, vector<16xi32>,
        tpu.vector_store %arg17[%swap3A_1493], %max3A_1413 {strides = array<i32>} : memref<512xi32, #tpu.memory_space<vmem>>, vector<16xi32>,
        %sub3A_1495 = arith.subf %select_n3A_1461, %get3A_591 : vector<16xf32>
        %swap3A_1496 = arith.index_cast %mul3A_564 : i32 to index
        %swap3A_1497 = tpu.vector_load %arg18[%swap3A_1496] {strides = array<i32>} : memref<512xf32, #tpu.memory_space<vmem>>, vector<16xf32>,
        tpu.vector_store %arg18[%swap3A_1496], %sub3A_1495 {strides = array<i32>} : memref<512xf32, #tpu.memory_space<vmem>>, vector<16xf32>,
        %swap3A_1498 = arith.index_cast %mul3A_570 : i32 to index
        %swap3A_1499 = tpu.vector_load %arg17[%swap3A_1498] {strides = array<i32>} : memref<512xi32, #tpu.memory_space<vmem>>, vector<16xi32>,
        tpu.vector_store %arg17[%swap3A_1498], %max3A_1419 {strides = array<i32>} : memref<512xi32, #tpu.memory_space<vmem>>, vector<16xi32>,
        %sub3A_1500 = arith.subf %select_n3A_1465, %get3A_593 : vector<16xf32>
        %swap3A_1501 = arith.index_cast %mul3A_570 : i32 to index
        %swap3A_1502 = tpu.vector_load %arg18[%swap3A_1501] {strides = array<i32>} : memref<512xf32, #tpu.memory_space<vmem>>, vector<16xf32>,
        tpu.vector_store %arg18[%swap3A_1501], %sub3A_1500 {strides = array<i32>} : memref<512xf32, #tpu.memory_space<vmem>>, vector<16xf32>,
        %swap3A_1503 = arith.index_cast %mul3A_576 : i32 to index
        %swap3A_1504 = tpu.vector_load %arg17[%swap3A_1503] {strides = array<i32>} : memref<512xi32, #tpu.memory_space<vmem>>, vector<16xi32>,
        tpu.vector_store %arg17[%swap3A_1503], %max3A_1425 {strides = array<i32>} : memref<512xi32, #tpu.memory_space<vmem>>, vector<16xi32>,
        %sub3A_1505 = arith.subf %select_n3A_1469, %get3A_595 : vector<16xf32>
        %swap3A_1506 = arith.index_cast %mul3A_576 : i32 to index
        %swap3A_1507 = tpu.vector_load %arg18[%swap3A_1506] {strides = array<i32>} : memref<512xf32, #tpu.memory_space<vmem>>, vector<16xf32>,
        tpu.vector_store %arg18[%swap3A_1506], %sub3A_1505 {strides = array<i32>} : memref<512xf32, #tpu.memory_space<vmem>>, vector<16xf32>,
        %swap3A_1508 = arith.index_cast %mul3A_582 : i32 to index
        %swap3A_1509 = tpu.vector_load %arg17[%swap3A_1508] {strides = array<i32>} : memref<512xi32, #tpu.memory_space<vmem>>, vector<16xi32>,
        tpu.vector_store %arg17[%swap3A_1508], %max3A_1431 {strides = array<i32>} : memref<512xi32, #tpu.memory_space<vmem>>, vector<16xi32>,
        %sub3A_1510 = arith.subf %select_n3A_1473, %get3A_597 : vector<16xf32>
        %swap3A_1511 = arith.index_cast %mul3A_582 : i32 to index
        %swap3A_1512 = tpu.vector_load %arg18[%swap3A_1511] {strides = array<i32>} : memref<512xf32, #tpu.memory_space<vmem>>, vector<16xf32>,
        tpu.vector_store %arg18[%swap3A_1511], %sub3A_1510 {strides = array<i32>} : memref<512xf32, #tpu.memory_space<vmem>>, vector<16xf32>,
      }
      %scan3A_474 = arith.constant 4 : i32
      %broadcast_in_dim3A_475 = arith.constant 16 : i32
      %broadcast_in_dim3A_476 = vector.broadcast %broadcast_in_dim3A_475 : i32 to vector<16xi32>
      %scan3A_477 = arith.constant 0 : i32
      %scan3A_478 = arith.constant 0 : i32
      %scan3A_479 = arith.constant 16 : i32
      %scan3A_480 = arith.addi %scan3A_478, %scan3A_479 : i32
      %scan3A_481 = arith.constant 1 : i32
      scf.for %scan3A_534 = %scan3A_478 to %scan3A_480 step %scan3A_481  : i32 {
        %mul3A_535 = arith.constant 2 : i32
        %mul3A_536 = arith.muli %scan3A_534, %mul3A_535 : i32
        %add3A_537 = arith.constant 0 : i32
        %add3A_538 = arith.addi %mul3A_536, %add3A_537 : i32
        %mul3A_539 = arith.constant 16 : i32
        %mul3A_540 = arith.muli %add3A_538, %mul3A_539 : i32
        %mul3A_541 = arith.constant 2 : i32
        %mul3A_542 = arith.muli %scan3A_534, %mul3A_541 : i32
        %add3A_543 = arith.constant 1 : i32
        %add3A_544 = arith.addi %mul3A_542, %add3A_543 : i32
        %mul3A_545 = arith.constant 16 : i32
        %mul3A_546 = arith.muli %add3A_544, %mul3A_545 : i32
        %get3A = arith.index_cast %mul3A_540 : i32 to index
        %get3A_547 = tpu.vector_load %arg17[%get3A] {strides = array<i32>} : memref<512xi32, #tpu.memory_space<vmem>>, vector<16xi32>,
        %get3A_548 = arith.index_cast %mul3A_546 : i32 to index
        %get3A_549 = tpu.vector_load %arg17[%get3A_548] {strides = array<i32>} : memref<512xi32, #tpu.memory_space<vmem>>, vector<16xi32>,
        %get3A_550 = arith.index_cast %mul3A_540 : i32 to index
        %get3A_551 = tpu.vector_load %arg18[%get3A_550] {strides = array<i32>} : memref<512xf32, #tpu.memory_space<vmem>>, vector<16xf32>,
        %get3A_552 = arith.index_cast %mul3A_546 : i32 to index
        %get3A_553 = tpu.vector_load %arg18[%get3A_552] {strides = array<i32>} : memref<512xf32, #tpu.memory_space<vmem>>, vector<16xf32>,
        %broadcast_in_dim3A_554 = arith.constant 0 : i32
        %broadcast_in_dim3A_555 = vector.broadcast %broadcast_in_dim3A_554 : i32 to vector<16xi32>
        %gather3A_556 = tpu.vector_load_idx %arg14[%broadcast_in_dim3A_555, %get3A_547] : memref<20x256xi32, #tpu.memory_space<vmem>>[vector<16xi32>, vector<16xi32>], vector<16xi32>,
        %gather3A_557 = tpu.vector_load_idx %arg15[%broadcast_in_dim3A_555, %get3A_547] : memref<20x256xf32, #tpu.memory_space<vmem>>[vector<16xi32>, vector<16xi32>], vector<16xf32>,
        %gather3A_558 = tpu.vector_load_idx %arg14[%broadcast_in_dim3A_555, %get3A_549] : memref<20x256xi32, #tpu.memory_space<vmem>>[vector<16xi32>, vector<16xi32>], vector<16xi32>,
        %gather3A_559 = tpu.vector_load_idx %arg15[%broadcast_in_dim3A_555, %get3A_549] : memref<20x256xf32, #tpu.memory_space<vmem>>[vector<16xi32>, vector<16xi32>], vector<16xf32>,
        %broadcast_in_dim3A_560 = arith.constant 1 : i32
        %broadcast_in_dim3A_561 = vector.broadcast %broadcast_in_dim3A_560 : i32 to vector<16xi32>
        %gather3A_562 = tpu.vector_load_idx %arg14[%broadcast_in_dim3A_561, %get3A_547] : memref<20x256xi32, #tpu.memory_space<vmem>>[vector<16xi32>, vector<16xi32>], vector<16xi32>,
        %gather3A_563 = tpu.vector_load_idx %arg15[%broadcast_in_dim3A_561, %get3A_547] : memref<20x256xf32, #tpu.memory_space<vmem>>[vector<16xi32>, vector<16xi32>], vector<16xf32>,
        %gather3A_564 = tpu.vector_load_idx %arg14[%broadcast_in_dim3A_561, %get3A_549] : memref<20x256xi32, #tpu.memory_space<vmem>>[vector<16xi32>, vector<16xi32>], vector<16xi32>,
        %gather3A_565 = tpu.vector_load_idx %arg15[%broadcast_in_dim3A_561, %get3A_549] : memref<20x256xf32, #tpu.memory_space<vmem>>[vector<16xi32>, vector<16xi32>], vector<16xf32>,
        %broadcast_in_dim3A_566 = arith.constant 2 : i32
        %broadcast_in_dim3A_567 = vector.broadcast %broadcast_in_dim3A_566 : i32 to vector<16xi32>
        %gather3A_568 = tpu.vector_load_idx %arg14[%broadcast_in_dim3A_567, %get3A_547] : memref<20x256xi32, #tpu.memory_space<vmem>>[vector<16xi32>, vector<16xi32>], vector<16xi32>,
        %gather3A_569 = tpu.vector_load_idx %arg15[%broadcast_in_dim3A_567, %get3A_547] : memref<20x256xf32, #tpu.memory_space<vmem>>[vector<16xi32>, vector<16xi32>], vector<16xf32>,
        %gather3A_570 = tpu.vector_load_idx %arg14[%broadcast_in_dim3A_567, %get3A_549] : memref<20x256xi32, #tpu.memory_space<vmem>>[vector<16xi32>, vector<16xi32>], vector<16xi32>,
        %gather3A_571 = tpu.vector_load_idx %arg15[%broadcast_in_dim3A_567, %get3A_549] : memref<20x256xf32, #tpu.memory_space<vmem>>[vector<16xi32>, vector<16xi32>], vector<16xf32>,
        %broadcast_in_dim3A_572 = arith.constant 3 : i32
        %broadcast_in_dim3A_573 = vector.broadcast %broadcast_in_dim3A_572 : i32 to vector<16xi32>
        %gather3A_574 = tpu.vector_load_idx %arg14[%broadcast_in_dim3A_573, %get3A_547] : memref<20x256xi32, #tpu.memory_space<vmem>>[vector<16xi32>, vector<16xi32>], vector<16xi32>,
        %gather3A_575 = tpu.vector_load_idx %arg15[%broadcast_in_dim3A_573, %get3A_547] : memref<20x256xf32, #tpu.memory_space<vmem>>[vector<16xi32>, vector<16xi32>], vector<16xf32>,
        %gather3A_576 = tpu.vector_load_idx %arg14[%broadcast_in_dim3A_573, %get3A_549] : memref<20x256xi32, #tpu.memory_space<vmem>>[vector<16xi32>, vector<16xi32>], vector<16xi32>,
        %gather3A_577 = tpu.vector_load_idx %arg15[%broadcast_in_dim3A_573, %get3A_549] : memref<20x256xf32, #tpu.memory_space<vmem>>[vector<16xi32>, vector<16xi32>], vector<16xf32>,
        %broadcast_in_dim3A_578 = arith.constant 4 : i32
        %broadcast_in_dim3A_579 = vector.broadcast %broadcast_in_dim3A_578 : i32 to vector<16xi32>
        %gather3A_580 = tpu.vector_load_idx %arg14[%broadcast_in_dim3A_579, %get3A_547] : memref<20x256xi32, #tpu.memory_space<vmem>>[vector<16xi32>, vector<16xi32>], vector<16xi32>,
        %gather3A_581 = tpu.vector_load_idx %arg15[%broadcast_in_dim3A_579, %get3A_547] : memref<20x256xf32, #tpu.memory_space<vmem>>[vector<16xi32>, vector<16xi32>], vector<16xf32>,
        %gather3A_582 = tpu.vector_load_idx %arg14[%broadcast_in_dim3A_579, %get3A_549] : memref<20x256xi32, #tpu.memory_space<vmem>>[vector<16xi32>, vector<16xi32>], vector<16xi32>,
        %gather3A_583 = tpu.vector_load_idx %arg15[%broadcast_in_dim3A_579, %get3A_549] : memref<20x256xf32, #tpu.memory_space<vmem>>[vector<16xi32>, vector<16xi32>], vector<16xf32>,
        %broadcast_in_dim3A_584 = arith.constant 5 : i32
        %broadcast_in_dim3A_585 = vector.broadcast %broadcast_in_dim3A_584 : i32 to vector<16xi32>
        %gather3A_586 = tpu.vector_load_idx %arg14[%broadcast_in_dim3A_585, %get3A_547] : memref<20x256xi32, #tpu.memory_space<vmem>>[vector<16xi32>, vector<16xi32>], vector<16xi32>,
        %gather3A_587 = tpu.vector_load_idx %arg15[%broadcast_in_dim3A_585, %get3A_547] : memref<20x256xf32, #tpu.memory_space<vmem>>[vector<16xi32>, vector<16xi32>], vector<16xf32>,
        %gather3A_588 = tpu.vector_load_idx %arg14[%broadcast_in_dim3A_585, %get3A_549] : memref<20x256xi32, #tpu.memory_space<vmem>>[vector<16xi32>, vector<16xi32>], vector<16xi32>,
        %gather3A_589 = tpu.vector_load_idx %arg15[%broadcast_in_dim3A_585, %get3A_549] : memref<20x256xf32, #tpu.memory_space<vmem>>[vector<16xi32>, vector<16xi32>], vector<16xf32>,
        %broadcast_in_dim3A_590 = arith.constant 6 : i32
        %broadcast_in_dim3A_591 = vector.broadcast %broadcast_in_dim3A_590 : i32 to vector<16xi32>
        %gather3A_592 = tpu.vector_load_idx %arg14[%broadcast_in_dim3A_591, %get3A_547] : memref<20x256xi32, #tpu.memory_space<vmem>>[vector<16xi32>, vector<16xi32>], vector<16xi32>,
        %gather3A_593 = tpu.vector_load_idx %arg15[%broadcast_in_dim3A_591, %get3A_547] : memref<20x256xf32, #tpu.memory_space<vmem>>[vector<16xi32>, vector<16xi32>], vector<16xf32>,
        %gather3A_594 = tpu.vector_load_idx %arg14[%broadcast_in_dim3A_591, %get3A_549] : memref<20x256xi32, #tpu.memory_space<vmem>>[vector<16xi32>, vector<16xi32>], vector<16xi32>,
        %gather3A_595 = tpu.vector_load_idx %arg15[%broadcast_in_dim3A_591, %get3A_549] : memref<20x256xf32, #tpu.memory_space<vmem>>[vector<16xi32>, vector<16xi32>], vector<16xf32>,
        %broadcast_in_dim3A_596 = arith.constant 7 : i32
        %broadcast_in_dim3A_597 = vector.broadcast %broadcast_in_dim3A_596 : i32 to vector<16xi32>
        %gather3A_598 = tpu.vector_load_idx %arg14[%broadcast_in_dim3A_597, %get3A_547] : memref<20x256xi32, #tpu.memory_space<vmem>>[vector<16xi32>, vector<16xi32>], vector<16xi32>,
        %gather3A_599 = tpu.vector_load_idx %arg15[%broadcast_in_dim3A_597, %get3A_547] : memref<20x256xf32, #tpu.memory_space<vmem>>[vector<16xi32>, vector<16xi32>], vector<16xf32>,
        %gather3A_600 = tpu.vector_load_idx %arg14[%broadcast_in_dim3A_597, %get3A_549] : memref<20x256xi32, #tpu.memory_space<vmem>>[vector<16xi32>, vector<16xi32>], vector<16xi32>,
        %gather3A_601 = tpu.vector_load_idx %arg15[%broadcast_in_dim3A_597, %get3A_549] : memref<20x256xf32, #tpu.memory_space<vmem>>[vector<16xi32>, vector<16xi32>], vector<16xf32>,
        %broadcast_in_dim3A_602 = arith.constant 8 : i32
        %broadcast_in_dim3A_603 = vector.broadcast %broadcast_in_dim3A_602 : i32 to vector<16xi32>
        %gather3A_604 = tpu.vector_load_idx %arg14[%broadcast_in_dim3A_603, %get3A_547] : memref<20x256xi32, #tpu.memory_space<vmem>>[vector<16xi32>, vector<16xi32>], vector<16xi32>,
        %gather3A_605 = tpu.vector_load_idx %arg15[%broadcast_in_dim3A_603, %get3A_547] : memref<20x256xf32, #tpu.memory_space<vmem>>[vector<16xi32>, vector<16xi32>], vector<16xf32>,
        %gather3A_606 = tpu.vector_load_idx %arg14[%broadcast_in_dim3A_603, %get3A_549] : memref<20x256xi32, #tpu.memory_space<vmem>>[vector<16xi32>, vector<16xi32>], vector<16xi32>,
        %gather3A_607 = tpu.vector_load_idx %arg15[%broadcast_in_dim3A_603, %get3A_549] : memref<20x256xf32, #tpu.memory_space<vmem>>[vector<16xi32>, vector<16xi32>], vector<16xf32>,
        %broadcast_in_dim3A_608 = arith.constant 9 : i32
        %broadcast_in_dim3A_609 = vector.broadcast %broadcast_in_dim3A_608 : i32 to vector<16xi32>
        %gather3A_610 = tpu.vector_load_idx %arg14[%broadcast_in_dim3A_609, %get3A_547] : memref<20x256xi32, #tpu.memory_space<vmem>>[vector<16xi32>, vector<16xi32>], vector<16xi32>,
        %gather3A_611 = tpu.vector_load_idx %arg15[%broadcast_in_dim3A_609, %get3A_547] : memref<20x256xf32, #tpu.memory_space<vmem>>[vector<16xi32>, vector<16xi32>], vector<16xf32>,
        %gather3A_612 = tpu.vector_load_idx %arg14[%broadcast_in_dim3A_609, %get3A_549] : memref<20x256xi32, #tpu.memory_space<vmem>>[vector<16xi32>, vector<16xi32>], vector<16xi32>,
        %gather3A_613 = tpu.vector_load_idx %arg15[%broadcast_in_dim3A_609, %get3A_549] : memref<20x256xf32, #tpu.memory_space<vmem>>[vector<16xi32>, vector<16xi32>], vector<16xf32>,
        %mul3A_614 = arith.mulf %gather3A_557, %get3A_551 : vector<16xf32>
        %exp3A = math.exp %mul3A_614 : vector<16xf32>
        %mul3A_615 = arith.mulf %gather3A_563, %get3A_551 : vector<16xf32>
        %exp3A_616 = math.exp %mul3A_615 : vector<16xf32>
        %mul3A_617 = arith.mulf %gather3A_569, %get3A_551 : vector<16xf32>
        %exp3A_618 = math.exp %mul3A_617 : vector<16xf32>
        %mul3A_619 = arith.mulf %gather3A_575, %get3A_551 : vector<16xf32>
        %exp3A_620 = math.exp %mul3A_619 : vector<16xf32>
        %mul3A_621 = arith.mulf %gather3A_581, %get3A_551 : vector<16xf32>
        %exp3A_622 = math.exp %mul3A_621 : vector<16xf32>
        %mul3A_623 = arith.mulf %gather3A_587, %get3A_551 : vector<16xf32>
        %exp3A_624 = math.exp %mul3A_623 : vector<16xf32>
        %mul3A_625 = arith.mulf %gather3A_593, %get3A_551 : vector<16xf32>
        %exp3A_626 = math.exp %mul3A_625 : vector<16xf32>
        %mul3A_627 = arith.mulf %gather3A_599, %get3A_551 : vector<16xf32>
        %exp3A_628 = math.exp %mul3A_627 : vector<16xf32>
        %mul3A_629 = arith.mulf %gather3A_605, %get3A_551 : vector<16xf32>
        %exp3A_630 = math.exp %mul3A_629 : vector<16xf32>
        %mul3A_631 = arith.mulf %gather3A_611, %get3A_551 : vector<16xf32>
        %exp3A_632 = math.exp %mul3A_631 : vector<16xf32>
        %mul3A_633 = arith.mulf %gather3A_559, %get3A_553 : vector<16xf32>
        %exp3A_634 = math.exp %mul3A_633 : vector<16xf32>
        %mul3A_635 = arith.mulf %gather3A_565, %get3A_553 : vector<16xf32>
        %exp3A_636 = math.exp %mul3A_635 : vector<16xf32>
        %mul3A_637 = arith.mulf %gather3A_571, %get3A_553 : vector<16xf32>
        %exp3A_638 = math.exp %mul3A_637 : vector<16xf32>
        %mul3A_639 = arith.mulf %gather3A_577, %get3A_553 : vector<16xf32>
        %exp3A_640 = math.exp %mul3A_639 : vector<16xf32>
        %mul3A_641 = arith.mulf %gather3A_583, %get3A_553 : vector<16xf32>
        %exp3A_642 = math.exp %mul3A_641 : vector<16xf32>
        %mul3A_643 = arith.mulf %gather3A_589, %get3A_553 : vector<16xf32>
        %exp3A_644 = math.exp %mul3A_643 : vector<16xf32>
        %mul3A_645 = arith.mulf %gather3A_595, %get3A_553 : vector<16xf32>
        %exp3A_646 = math.exp %mul3A_645 : vector<16xf32>
        %mul3A_647 = arith.mulf %gather3A_601, %get3A_553 : vector<16xf32>
        %exp3A_648 = math.exp %mul3A_647 : vector<16xf32>
        %mul3A_649 = arith.mulf %gather3A_607, %get3A_553 : vector<16xf32>
        %exp3A_650 = math.exp %mul3A_649 : vector<16xf32>
        %mul3A_651 = arith.mulf %gather3A_613, %get3A_553 : vector<16xf32>
        %exp3A_652 = math.exp %mul3A_651 : vector<16xf32>
        %bitcast3A = vector.bitcast %gather3A_556 : vector<16xi32> to vector<16xf32>
        %shift_left3A = arith.shli %gather3A_556, %broadcast_in_dim3A_476 : vector<16xi32>
        %bitcast3A_653 = vector.bitcast %shift_left3A : vector<16xi32> to vector<16xf32>
        %mul3A_654 = arith.mulf %bitcast3A_653, %exp3A : vector<16xf32>
        %add3A_655 = arith.addf %bitcast3A, %mul3A_654 : vector<16xf32>
        %swap3A = arith.constant 0 : i32
        %swap3A_656 = arith.index_cast %swap3A : i32 to index
        %swap3A_657 = arith.index_cast %mul3A_540 : i32 to index
        %swap3A_658 = tpu.vector_load %arg16[%swap3A_656, %swap3A_657] {strides = array<i32>} : memref<20x512xf32, #tpu.memory_space<vmem>>, vector<16xf32>,
        tpu.vector_store %arg16[%swap3A_656, %swap3A_657], %add3A_655 {strides = array<i32>} : memref<20x512xf32, #tpu.memory_space<vmem>>, vector<16xf32>,
        %bitcast3A_659 = vector.bitcast %gather3A_558 : vector<16xi32> to vector<16xf32>
        %shift_left3A_660 = arith.shli %gather3A_558, %broadcast_in_dim3A_476 : vector<16xi32>
        %bitcast3A_661 = vector.bitcast %shift_left3A_660 : vector<16xi32> to vector<16xf32>
        %mul3A_662 = arith.mulf %bitcast3A_661, %exp3A_634 : vector<16xf32>
        %add3A_663 = arith.addf %bitcast3A_659, %mul3A_662 : vector<16xf32>
        %swap3A_664 = arith.constant 0 : i32
        %swap3A_665 = arith.index_cast %swap3A_664 : i32 to index
        %swap3A_666 = arith.index_cast %mul3A_546 : i32 to index
        %swap3A_667 = tpu.vector_load %arg16[%swap3A_665, %swap3A_666] {strides = array<i32>} : memref<20x512xf32, #tpu.memory_space<vmem>>, vector<16xf32>,
        tpu.vector_store %arg16[%swap3A_665, %swap3A_666], %add3A_663 {strides = array<i32>} : memref<20x512xf32, #tpu.memory_space<vmem>>, vector<16xf32>,
        %bitcast3A_668 = vector.bitcast %gather3A_562 : vector<16xi32> to vector<16xf32>
        %shift_left3A_669 = arith.shli %gather3A_562, %broadcast_in_dim3A_476 : vector<16xi32>
        %bitcast3A_670 = vector.bitcast %shift_left3A_669 : vector<16xi32> to vector<16xf32>
        %mul3A_671 = arith.mulf %bitcast3A_670, %exp3A_616 : vector<16xf32>
        %add3A_672 = arith.addf %bitcast3A_668, %mul3A_671 : vector<16xf32>
        %swap3A_673 = arith.constant 1 : i32
        %swap3A_674 = arith.index_cast %swap3A_673 : i32 to index
        %swap3A_675 = arith.index_cast %mul3A_540 : i32 to index
        %swap3A_676 = tpu.vector_load %arg16[%swap3A_674, %swap3A_675] {strides = array<i32>} : memref<20x512xf32, #tpu.memory_space<vmem>>, vector<16xf32>,
        tpu.vector_store %arg16[%swap3A_674, %swap3A_675], %add3A_672 {strides = array<i32>} : memref<20x512xf32, #tpu.memory_space<vmem>>, vector<16xf32>,
        %bitcast3A_677 = vector.bitcast %gather3A_564 : vector<16xi32> to vector<16xf32>
        %shift_left3A_678 = arith.shli %gather3A_564, %broadcast_in_dim3A_476 : vector<16xi32>
        %bitcast3A_679 = vector.bitcast %shift_left3A_678 : vector<16xi32> to vector<16xf32>
        %mul3A_680 = arith.mulf %bitcast3A_679, %exp3A_636 : vector<16xf32>
        %add3A_681 = arith.addf %bitcast3A_677, %mul3A_680 : vector<16xf32>
        %swap3A_682 = arith.constant 1 : i32
        %swap3A_683 = arith.index_cast %swap3A_682 : i32 to index
        %swap3A_684 = arith.index_cast %mul3A_546 : i32 to index
        %swap3A_685 = tpu.vector_load %arg16[%swap3A_683, %swap3A_684] {strides = array<i32>} : memref<20x512xf32, #tpu.memory_space<vmem>>, vector<16xf32>,
        tpu.vector_store %arg16[%swap3A_683, %swap3A_684], %add3A_681 {strides = array<i32>} : memref<20x512xf32, #tpu.memory_space<vmem>>, vector<16xf32>,
        %bitcast3A_686 = vector.bitcast %gather3A_568 : vector<16xi32> to vector<16xf32>
        %shift_left3A_687 = arith.shli %gather3A_568, %broadcast_in_dim3A_476 : vector<16xi32>
        %bitcast3A_688 = vector.bitcast %shift_left3A_687 : vector<16xi32> to vector<16xf32>
        %mul3A_689 = arith.mulf %bitcast3A_688, %exp3A_618 : vector<16xf32>
        %add3A_690 = arith.addf %bitcast3A_686, %mul3A_689 : vector<16xf32>
        %swap3A_691 = arith.constant 2 : i32
        %swap3A_692 = arith.index_cast %swap3A_691 : i32 to index
        %swap3A_693 = arith.index_cast %mul3A_540 : i32 to index
        %swap3A_694 = tpu.vector_load %arg16[%swap3A_692, %swap3A_693] {strides = array<i32>} : memref<20x512xf32, #tpu.memory_space<vmem>>, vector<16xf32>,
        tpu.vector_store %arg16[%swap3A_692, %swap3A_693], %add3A_690 {strides = array<i32>} : memref<20x512xf32, #tpu.memory_space<vmem>>, vector<16xf32>,
        %bitcast3A_695 = vector.bitcast %gather3A_570 : vector<16xi32> to vector<16xf32>
        %shift_left3A_696 = arith.shli %gather3A_570, %broadcast_in_dim3A_476 : vector<16xi32>
        %bitcast3A_697 = vector.bitcast %shift_left3A_696 : vector<16xi32> to vector<16xf32>
        %mul3A_698 = arith.mulf %bitcast3A_697, %exp3A_638 : vector<16xf32>
        %add3A_699 = arith.addf %bitcast3A_695, %mul3A_698 : vector<16xf32>
        %swap3A_700 = arith.constant 2 : i32
        %swap3A_701 = arith.index_cast %swap3A_700 : i32 to index
        %swap3A_702 = arith.index_cast %mul3A_546 : i32 to index
        %swap3A_703 = tpu.vector_load %arg16[%swap3A_701, %swap3A_702] {strides = array<i32>} : memref<20x512xf32, #tpu.memory_space<vmem>>, vector<16xf32>,
        tpu.vector_store %arg16[%swap3A_701, %swap3A_702], %add3A_699 {strides = array<i32>} : memref<20x512xf32, #tpu.memory_space<vmem>>, vector<16xf32>,
        %bitcast3A_704 = vector.bitcast %gather3A_574 : vector<16xi32> to vector<16xf32>
        %shift_left3A_705 = arith.shli %gather3A_574, %broadcast_in_dim3A_476 : vector<16xi32>
        %bitcast3A_706 = vector.bitcast %shift_left3A_705 : vector<16xi32> to vector<16xf32>
        %mul3A_707 = arith.mulf %bitcast3A_706, %exp3A_620 : vector<16xf32>
        %add3A_708 = arith.addf %bitcast3A_704, %mul3A_707 : vector<16xf32>
        %swap3A_709 = arith.constant 3 : i32
        %swap3A_710 = arith.index_cast %swap3A_709 : i32 to index
        %swap3A_711 = arith.index_cast %mul3A_540 : i32 to index
        %swap3A_712 = tpu.vector_load %arg16[%swap3A_710, %swap3A_711] {strides = array<i32>} : memref<20x512xf32, #tpu.memory_space<vmem>>, vector<16xf32>,
        tpu.vector_store %arg16[%swap3A_710, %swap3A_711], %add3A_708 {strides = array<i32>} : memref<20x512xf32, #tpu.memory_space<vmem>>, vector<16xf32>,
        %bitcast3A_713 = vector.bitcast %gather3A_576 : vector<16xi32> to vector<16xf32>
        %shift_left3A_714 = arith.shli %gather3A_576, %broadcast_in_dim3A_476 : vector<16xi32>
        %bitcast3A_715 = vector.bitcast %shift_left3A_714 : vector<16xi32> to vector<16xf32>
        %mul3A_716 = arith.mulf %bitcast3A_715, %exp3A_640 : vector<16xf32>
        %add3A_717 = arith.addf %bitcast3A_713, %mul3A_716 : vector<16xf32>
        %swap3A_718 = arith.constant 3 : i32
        %swap3A_719 = arith.index_cast %swap3A_718 : i32 to index
        %swap3A_720 = arith.index_cast %mul3A_546 : i32 to index
        %swap3A_721 = tpu.vector_load %arg16[%swap3A_719, %swap3A_720] {strides = array<i32>} : memref<20x512xf32, #tpu.memory_space<vmem>>, vector<16xf32>,
        tpu.vector_store %arg16[%swap3A_719, %swap3A_720], %add3A_717 {strides = array<i32>} : memref<20x512xf32, #tpu.memory_space<vmem>>, vector<16xf32>,
        %bitcast3A_722 = vector.bitcast %gather3A_580 : vector<16xi32> to vector<16xf32>
        %shift_left3A_723 = arith.shli %gather3A_580, %broadcast_in_dim3A_476 : vector<16xi32>
        %bitcast3A_724 = vector.bitcast %shift_left3A_723 : vector<16xi32> to vector<16xf32>
        %mul3A_725 = arith.mulf %bitcast3A_724, %exp3A_622 : vector<16xf32>
        %add3A_726 = arith.addf %bitcast3A_722, %mul3A_725 : vector<16xf32>
        %swap3A_727 = arith.constant 4 : i32
        %swap3A_728 = arith.index_cast %swap3A_727 : i32 to index
        %swap3A_729 = arith.index_cast %mul3A_540 : i32 to index
        %swap3A_730 = tpu.vector_load %arg16[%swap3A_728, %swap3A_729] {strides = array<i32>} : memref<20x512xf32, #tpu.memory_space<vmem>>, vector<16xf32>,
        tpu.vector_store %arg16[%swap3A_728, %swap3A_729], %add3A_726 {strides = array<i32>} : memref<20x512xf32, #tpu.memory_space<vmem>>, vector<16xf32>,
        %bitcast3A_731 = vector.bitcast %gather3A_582 : vector<16xi32> to vector<16xf32>
        %shift_left3A_732 = arith.shli %gather3A_582, %broadcast_in_dim3A_476 : vector<16xi32>
        %bitcast3A_733 = vector.bitcast %shift_left3A_732 : vector<16xi32> to vector<16xf32>
        %mul3A_734 = arith.mulf %bitcast3A_733, %exp3A_642 : vector<16xf32>
        %add3A_735 = arith.addf %bitcast3A_731, %mul3A_734 : vector<16xf32>
        %swap3A_736 = arith.constant 4 : i32
        %swap3A_737 = arith.index_cast %swap3A_736 : i32 to index
        %swap3A_738 = arith.index_cast %mul3A_546 : i32 to index
        %swap3A_739 = tpu.vector_load %arg16[%swap3A_737, %swap3A_738] {strides = array<i32>} : memref<20x512xf32, #tpu.memory_space<vmem>>, vector<16xf32>,
        tpu.vector_store %arg16[%swap3A_737, %swap3A_738], %add3A_735 {strides = array<i32>} : memref<20x512xf32, #tpu.memory_space<vmem>>, vector<16xf32>,
        %bitcast3A_740 = vector.bitcast %gather3A_586 : vector<16xi32> to vector<16xf32>
        %shift_left3A_741 = arith.shli %gather3A_586, %broadcast_in_dim3A_476 : vector<16xi32>
        %bitcast3A_742 = vector.bitcast %shift_left3A_741 : vector<16xi32> to vector<16xf32>
        %mul3A_743 = arith.mulf %bitcast3A_742, %exp3A_624 : vector<16xf32>
        %add3A_744 = arith.addf %bitcast3A_740, %mul3A_743 : vector<16xf32>
        %swap3A_745 = arith.constant 5 : i32
        %swap3A_746 = arith.index_cast %swap3A_745 : i32 to index
        %swap3A_747 = arith.index_cast %mul3A_540 : i32 to index
        %swap3A_748 = tpu.vector_load %arg16[%swap3A_746, %swap3A_747] {strides = array<i32>} : memref<20x512xf32, #tpu.memory_space<vmem>>, vector<16xf32>,
        tpu.vector_store %arg16[%swap3A_746, %swap3A_747], %add3A_744 {strides = array<i32>} : memref<20x512xf32, #tpu.memory_space<vmem>>, vector<16xf32>,
        %bitcast3A_749 = vector.bitcast %gather3A_588 : vector<16xi32> to vector<16xf32>
        %shift_left3A_750 = arith.shli %gather3A_588, %broadcast_in_dim3A_476 : vector<16xi32>
        %bitcast3A_751 = vector.bitcast %shift_left3A_750 : vector<16xi32> to vector<16xf32>
        %mul3A_752 = arith.mulf %bitcast3A_751, %exp3A_644 : vector<16xf32>
        %add3A_753 = arith.addf %bitcast3A_749, %mul3A_752 : vector<16xf32>
        %swap3A_754 = arith.constant 5 : i32
        %swap3A_755 = arith.index_cast %swap3A_754 : i32 to index
        %swap3A_756 = arith.index_cast %mul3A_546 : i32 to index
        %swap3A_757 = tpu.vector_load %arg16[%swap3A_755, %swap3A_756] {strides = array<i32>} : memref<20x512xf32, #tpu.memory_space<vmem>>, vector<16xf32>,
        tpu.vector_store %arg16[%swap3A_755, %swap3A_756], %add3A_753 {strides = array<i32>} : memref<20x512xf32, #tpu.memory_space<vmem>>, vector<16xf32>,
        %bitcast3A_758 = vector.bitcast %gather3A_592 : vector<16xi32> to vector<16xf32>
        %shift_left3A_759 = arith.shli %gather3A_592, %broadcast_in_dim3A_476 : vector<16xi32>
        %bitcast3A_760 = vector.bitcast %shift_left3A_759 : vector<16xi32> to vector<16xf32>
        %mul3A_761 = arith.mulf %bitcast3A_760, %exp3A_626 : vector<16xf32>
        %add3A_762 = arith.addf %bitcast3A_758, %mul3A_761 : vector<16xf32>
        %swap3A_763 = arith.constant 6 : i32
        %swap3A_764 = arith.index_cast %swap3A_763 : i32 to index
        %swap3A_765 = arith.index_cast %mul3A_540 : i32 to index
        %swap3A_766 = tpu.vector_load %arg16[%swap3A_764, %swap3A_765] {strides = array<i32>} : memref<20x512xf32, #tpu.memory_space<vmem>>, vector<16xf32>,
        tpu.vector_store %arg16[%swap3A_764, %swap3A_765], %add3A_762 {strides = array<i32>} : memref<20x512xf32, #tpu.memory_space<vmem>>, vector<16xf32>,
        %bitcast3A_767 = vector.bitcast %gather3A_594 : vector<16xi32> to vector<16xf32>
        %shift_left3A_768 = arith.shli %gather3A_594, %broadcast_in_dim3A_476 : vector<16xi32>
        %bitcast3A_769 = vector.bitcast %shift_left3A_768 : vector<16xi32> to vector<16xf32>
        %mul3A_770 = arith.mulf %bitcast3A_769, %exp3A_646 : vector<16xf32>
        %add3A_771 = arith.addf %bitcast3A_767, %mul3A_770 : vector<16xf32>
        %swap3A_772 = arith.constant 6 : i32
        %swap3A_773 = arith.index_cast %swap3A_772 : i32 to index
        %swap3A_774 = arith.index_cast %mul3A_546 : i32 to index
        %swap3A_775 = tpu.vector_load %arg16[%swap3A_773, %swap3A_774] {strides = array<i32>} : memref<20x512xf32, #tpu.memory_space<vmem>>, vector<16xf32>,
        tpu.vector_store %arg16[%swap3A_773, %swap3A_774], %add3A_771 {strides = array<i32>} : memref<20x512xf32, #tpu.memory_space<vmem>>, vector<16xf32>,
        %bitcast3A_776 = vector.bitcast %gather3A_598 : vector<16xi32> to vector<16xf32>
        %shift_left3A_777 = arith.shli %gather3A_598, %broadcast_in_dim3A_476 : vector<16xi32>
        %bitcast3A_778 = vector.bitcast %shift_left3A_777 : vector<16xi32> to vector<16xf32>
        %mul3A_779 = arith.mulf %bitcast3A_778, %exp3A_628 : vector<16xf32>
        %add3A_780 = arith.addf %bitcast3A_776, %mul3A_779 : vector<16xf32>
        %swap3A_781 = arith.constant 7 : i32
        %swap3A_782 = arith.index_cast %swap3A_781 : i32 to index
        %swap3A_783 = arith.index_cast %mul3A_540 : i32 to index
        %swap3A_784 = tpu.vector_load %arg16[%swap3A_782, %swap3A_783] {strides = array<i32>} : memref<20x512xf32, #tpu.memory_space<vmem>>, vector<16xf32>,
        tpu.vector_store %arg16[%swap3A_782, %swap3A_783], %add3A_780 {strides = array<i32>} : memref<20x512xf32, #tpu.memory_space<vmem>>, vector<16xf32>,
        %bitcast3A_785 = vector.bitcast %gather3A_600 : vector<16xi32> to vector<16xf32>
        %shift_left3A_786 = arith.shli %gather3A_600, %broadcast_in_dim3A_476 : vector<16xi32>
        %bitcast3A_787 = vector.bitcast %shift_left3A_786 : vector<16xi32> to vector<16xf32>
        %mul3A_788 = arith.mulf %bitcast3A_787, %exp3A_648 : vector<16xf32>
        %add3A_789 = arith.addf %bitcast3A_785, %mul3A_788 : vector<16xf32>
        %swap3A_790 = arith.constant 7 : i32
        %swap3A_791 = arith.index_cast %swap3A_790 : i32 to index
        %swap3A_792 = arith.index_cast %mul3A_546 : i32 to index
        %swap3A_793 = tpu.vector_load %arg16[%swap3A_791, %swap3A_792] {strides = array<i32>} : memref<20x512xf32, #tpu.memory_space<vmem>>, vector<16xf32>,
        tpu.vector_store %arg16[%swap3A_791, %swap3A_792], %add3A_789 {strides = array<i32>} : memref<20x512xf32, #tpu.memory_space<vmem>>, vector<16xf32>,
        %bitcast3A_794 = vector.bitcast %gather3A_604 : vector<16xi32> to vector<16xf32>
        %shift_left3A_795 = arith.shli %gather3A_604, %broadcast_in_dim3A_476 : vector<16xi32>
        %bitcast3A_796 = vector.bitcast %shift_left3A_795 : vector<16xi32> to vector<16xf32>
        %mul3A_797 = arith.mulf %bitcast3A_796, %exp3A_630 : vector<16xf32>
        %add3A_798 = arith.addf %bitcast3A_794, %mul3A_797 : vector<16xf32>
        %swap3A_799 = arith.constant 8 : i32
        %swap3A_800 = arith.index_cast %swap3A_799 : i32 to index
        %swap3A_801 = arith.index_cast %mul3A_540 : i32 to index
        %swap3A_802 = tpu.vector_load %arg16[%swap3A_800, %swap3A_801] {strides = array<i32>} : memref<20x512xf32, #tpu.memory_space<vmem>>, vector<16xf32>,
        tpu.vector_store %arg16[%swap3A_800, %swap3A_801], %add3A_798 {strides = array<i32>} : memref<20x512xf32, #tpu.memory_space<vmem>>, vector<16xf32>,
        %bitcast3A_803 = vector.bitcast %gather3A_606 : vector<16xi32> to vector<16xf32>
        %shift_left3A_804 = arith.shli %gather3A_606, %broadcast_in_dim3A_476 : vector<16xi32>
        %bitcast3A_805 = vector.bitcast %shift_left3A_804 : vector<16xi32> to vector<16xf32>
        %mul3A_806 = arith.mulf %bitcast3A_805, %exp3A_650 : vector<16xf32>
        %add3A_807 = arith.addf %bitcast3A_803, %mul3A_806 : vector<16xf32>
        %swap3A_808 = arith.constant 8 : i32
        %swap3A_809 = arith.index_cast %swap3A_808 : i32 to index
        %swap3A_810 = arith.index_cast %mul3A_546 : i32 to index
        %swap3A_811 = tpu.vector_load %arg16[%swap3A_809, %swap3A_810] {strides = array<i32>} : memref<20x512xf32, #tpu.memory_space<vmem>>, vector<16xf32>,
        tpu.vector_store %arg16[%swap3A_809, %swap3A_810], %add3A_807 {strides = array<i32>} : memref<20x512xf32, #tpu.memory_space<vmem>>, vector<16xf32>,
        %bitcast3A_812 = vector.bitcast %gather3A_610 : vector<16xi32> to vector<16xf32>
        %shift_left3A_813 = arith.shli %gather3A_610, %broadcast_in_dim3A_476 : vector<16xi32>
        %bitcast3A_814 = vector.bitcast %shift_left3A_813 : vector<16xi32> to vector<16xf32>
        %mul3A_815 = arith.mulf %bitcast3A_814, %exp3A_632 : vector<16xf32>
        %add3A_816 = arith.addf %bitcast3A_812, %mul3A_815 : vector<16xf32>
        %swap3A_817 = arith.constant 9 : i32
        %swap3A_818 = arith.index_cast %swap3A_817 : i32 to index
        %swap3A_819 = arith.index_cast %mul3A_540 : i32 to index
        %swap3A_820 = tpu.vector_load %arg16[%swap3A_818, %swap3A_819] {strides = array<i32>} : memref<20x512xf32, #tpu.memory_space<vmem>>, vector<16xf32>,
        tpu.vector_store %arg16[%swap3A_818, %swap3A_819], %add3A_816 {strides = array<i32>} : memref<20x512xf32, #tpu.memory_space<vmem>>, vector<16xf32>,
        %bitcast3A_821 = vector.bitcast %gather3A_612 : vector<16xi32> to vector<16xf32>
        %shift_left3A_822 = arith.shli %gather3A_612, %broadcast_in_dim3A_476 : vector<16xi32>
        %bitcast3A_823 = vector.bitcast %shift_left3A_822 : vector<16xi32> to vector<16xf32>
        %mul3A_824 = arith.mulf %bitcast3A_823, %exp3A_652 : vector<16xf32>
        %add3A_825 = arith.addf %bitcast3A_821, %mul3A_824 : vector<16xf32>
        %swap3A_826 = arith.constant 9 : i32
        %swap3A_827 = arith.index_cast %swap3A_826 : i32 to index
        %swap3A_828 = arith.index_cast %mul3A_546 : i32 to index
        %swap3A_829 = tpu.vector_load %arg16[%swap3A_827, %swap3A_828] {strides = array<i32>} : memref<20x512xf32, #tpu.memory_space<vmem>>, vector<16xf32>,
        tpu.vector_store %arg16[%swap3A_827, %swap3A_828], %add3A_825 {strides = array<i32>} : memref<20x512xf32, #tpu.memory_space<vmem>>, vector<16xf32>,
        %broadcast_in_dim3A_830 = arith.constant 10 : i32
        %broadcast_in_dim3A_831 = vector.broadcast %broadcast_in_dim3A_830 : i32 to vector<16xi32>
        %gather3A_832 = tpu.vector_load_idx %arg14[%broadcast_in_dim3A_831, %get3A_547] : memref<20x256xi32, #tpu.memory_space<vmem>>[vector<16xi32>, vector<16xi32>], vector<16xi32>,
        %gather3A_833 = tpu.vector_load_idx %arg15[%broadcast_in_dim3A_831, %get3A_547] : memref<20x256xf32, #tpu.memory_space<vmem>>[vector<16xi32>, vector<16xi32>], vector<16xf32>,
        %gather3A_834 = tpu.vector_load_idx %arg14[%broadcast_in_dim3A_831, %get3A_549] : memref<20x256xi32, #tpu.memory_space<vmem>>[vector<16xi32>, vector<16xi32>], vector<16xi32>,
        %gather3A_835 = tpu.vector_load_idx %arg15[%broadcast_in_dim3A_831, %get3A_549] : memref<20x256xf32, #tpu.memory_space<vmem>>[vector<16xi32>, vector<16xi32>], vector<16xf32>,
        %broadcast_in_dim3A_836 = arith.constant 11 : i32
        %broadcast_in_dim3A_837 = vector.broadcast %broadcast_in_dim3A_836 : i32 to vector<16xi32>
        %gather3A_838 = tpu.vector_load_idx %arg14[%broadcast_in_dim3A_837, %get3A_547] : memref<20x256xi32, #tpu.memory_space<vmem>>[vector<16xi32>, vector<16xi32>], vector<16xi32>,
        %gather3A_839 = tpu.vector_load_idx %arg15[%broadcast_in_dim3A_837, %get3A_547] : memref<20x256xf32, #tpu.memory_space<vmem>>[vector<16xi32>, vector<16xi32>], vector<16xf32>,
        %gather3A_840 = tpu.vector_load_idx %arg14[%broadcast_in_dim3A_837, %get3A_549] : memref<20x256xi32, #tpu.memory_space<vmem>>[vector<16xi32>, vector<16xi32>], vector<16xi32>,
        %gather3A_841 = tpu.vector_load_idx %arg15[%broadcast_in_dim3A_837, %get3A_549] : memref<20x256xf32, #tpu.memory_space<vmem>>[vector<16xi32>, vector<16xi32>], vector<16xf32>,
        %broadcast_in_dim3A_842 = arith.constant 12 : i32
        %broadcast_in_dim3A_843 = vector.broadcast %broadcast_in_dim3A_842 : i32 to vector<16xi32>
        %gather3A_844 = tpu.vector_load_idx %arg14[%broadcast_in_dim3A_843, %get3A_547] : memref<20x256xi32, #tpu.memory_space<vmem>>[vector<16xi32>, vector<16xi32>], vector<16xi32>,
        %gather3A_845 = tpu.vector_load_idx %arg15[%broadcast_in_dim3A_843, %get3A_547] : memref<20x256xf32, #tpu.memory_space<vmem>>[vector<16xi32>, vector<16xi32>], vector<16xf32>,
        %gather3A_846 = tpu.vector_load_idx %arg14[%broadcast_in_dim3A_843, %get3A_549] : memref<20x256xi32, #tpu.memory_space<vmem>>[vector<16xi32>, vector<16xi32>], vector<16xi32>,
        %gather3A_847 = tpu.vector_load_idx %arg15[%broadcast_in_dim3A_843, %get3A_549] : memref<20x256xf32, #tpu.memory_space<vmem>>[vector<16xi32>, vector<16xi32>], vector<16xf32>,
        %broadcast_in_dim3A_848 = arith.constant 13 : i32
        %broadcast_in_dim3A_849 = vector.broadcast %broadcast_in_dim3A_848 : i32 to vector<16xi32>
        %gather3A_850 = tpu.vector_load_idx %arg14[%broadcast_in_dim3A_849, %get3A_547] : memref<20x256xi32, #tpu.memory_space<vmem>>[vector<16xi32>, vector<16xi32>], vector<16xi32>,
        %gather3A_851 = tpu.vector_load_idx %arg15[%broadcast_in_dim3A_849, %get3A_547] : memref<20x256xf32, #tpu.memory_space<vmem>>[vector<16xi32>, vector<16xi32>], vector<16xf32>,
        %gather3A_852 = tpu.vector_load_idx %arg14[%broadcast_in_dim3A_849, %get3A_549] : memref<20x256xi32, #tpu.memory_space<vmem>>[vector<16xi32>, vector<16xi32>], vector<16xi32>,
        %gather3A_853 = tpu.vector_load_idx %arg15[%broadcast_in_dim3A_849, %get3A_549] : memref<20x256xf32, #tpu.memory_space<vmem>>[vector<16xi32>, vector<16xi32>], vector<16xf32>,
        %broadcast_in_dim3A_854 = arith.constant 14 : i32
        %broadcast_in_dim3A_855 = vector.broadcast %broadcast_in_dim3A_854 : i32 to vector<16xi32>
        %gather3A_856 = tpu.vector_load_idx %arg14[%broadcast_in_dim3A_855, %get3A_547] : memref<20x256xi32, #tpu.memory_space<vmem>>[vector<16xi32>, vector<16xi32>], vector<16xi32>,
        %gather3A_857 = tpu.vector_load_idx %arg15[%broadcast_in_dim3A_855, %get3A_547] : memref<20x256xf32, #tpu.memory_space<vmem>>[vector<16xi32>, vector<16xi32>], vector<16xf32>,
        %gather3A_858 = tpu.vector_load_idx %arg14[%broadcast_in_dim3A_855, %get3A_549] : memref<20x256xi32, #tpu.memory_space<vmem>>[vector<16xi32>, vector<16xi32>], vector<16xi32>,
        %gather3A_859 = tpu.vector_load_idx %arg15[%broadcast_in_dim3A_855, %get3A_549] : memref<20x256xf32, #tpu.memory_space<vmem>>[vector<16xi32>, vector<16xi32>], vector<16xf32>,
        %broadcast_in_dim3A_860 = arith.constant 15 : i32
        %broadcast_in_dim3A_861 = vector.broadcast %broadcast_in_dim3A_860 : i32 to vector<16xi32>
        %gather3A_862 = tpu.vector_load_idx %arg14[%broadcast_in_dim3A_861, %get3A_547] : memref<20x256xi32, #tpu.memory_space<vmem>>[vector<16xi32>, vector<16xi32>], vector<16xi32>,
        %gather3A_863 = tpu.vector_load_idx %arg15[%broadcast_in_dim3A_861, %get3A_547] : memref<20x256xf32, #tpu.memory_space<vmem>>[vector<16xi32>, vector<16xi32>], vector<16xf32>,
        %gather3A_864 = tpu.vector_load_idx %arg14[%broadcast_in_dim3A_861, %get3A_549] : memref<20x256xi32, #tpu.memory_space<vmem>>[vector<16xi32>, vector<16xi32>], vector<16xi32>,
        %gather3A_865 = tpu.vector_load_idx %arg15[%broadcast_in_dim3A_861, %get3A_549] : memref<20x256xf32, #tpu.memory_space<vmem>>[vector<16xi32>, vector<16xi32>], vector<16xf32>,
        %broadcast_in_dim3A_866 = arith.constant 16 : i32
        %broadcast_in_dim3A_867 = vector.broadcast %broadcast_in_dim3A_866 : i32 to vector<16xi32>
        %gather3A_868 = tpu.vector_load_idx %arg14[%broadcast_in_dim3A_867, %get3A_547] : memref<20x256xi32, #tpu.memory_space<vmem>>[vector<16xi32>, vector<16xi32>], vector<16xi32>,
        %gather3A_869 = tpu.vector_load_idx %arg15[%broadcast_in_dim3A_867, %get3A_547] : memref<20x256xf32, #tpu.memory_space<vmem>>[vector<16xi32>, vector<16xi32>], vector<16xf32>,
        %gather3A_870 = tpu.vector_load_idx %arg14[%broadcast_in_dim3A_867, %get3A_549] : memref<20x256xi32, #tpu.memory_space<vmem>>[vector<16xi32>, vector<16xi32>], vector<16xi32>,
        %gather3A_871 = tpu.vector_load_idx %arg15[%broadcast_in_dim3A_867, %get3A_549] : memref<20x256xf32, #tpu.memory_space<vmem>>[vector<16xi32>, vector<16xi32>], vector<16xf32>,
        %broadcast_in_dim3A_872 = arith.constant 17 : i32
        %broadcast_in_dim3A_873 = vector.broadcast %broadcast_in_dim3A_872 : i32 to vector<16xi32>
        %gather3A_874 = tpu.vector_load_idx %arg14[%broadcast_in_dim3A_873, %get3A_547] : memref<20x256xi32, #tpu.memory_space<vmem>>[vector<16xi32>, vector<16xi32>], vector<16xi32>,
        %gather3A_875 = tpu.vector_load_idx %arg15[%broadcast_in_dim3A_873, %get3A_547] : memref<20x256xf32, #tpu.memory_space<vmem>>[vector<16xi32>, vector<16xi32>], vector<16xf32>,
        %gather3A_876 = tpu.vector_load_idx %arg14[%broadcast_in_dim3A_873, %get3A_549] : memref<20x256xi32, #tpu.memory_space<vmem>>[vector<16xi32>, vector<16xi32>], vector<16xi32>,
        %gather3A_877 = tpu.vector_load_idx %arg15[%broadcast_in_dim3A_873, %get3A_549] : memref<20x256xf32, #tpu.memory_space<vmem>>[vector<16xi32>, vector<16xi32>], vector<16xf32>,
        %broadcast_in_dim3A_878 = arith.constant 18 : i32
        %broadcast_in_dim3A_879 = vector.broadcast %broadcast_in_dim3A_878 : i32 to vector<16xi32>
        %gather3A_880 = tpu.vector_load_idx %arg14[%broadcast_in_dim3A_879, %get3A_547] : memref<20x256xi32, #tpu.memory_space<vmem>>[vector<16xi32>, vector<16xi32>], vector<16xi32>,
        %gather3A_881 = tpu.vector_load_idx %arg15[%broadcast_in_dim3A_879, %get3A_547] : memref<20x256xf32, #tpu.memory_space<vmem>>[vector<16xi32>, vector<16xi32>], vector<16xf32>,
        %gather3A_882 = tpu.vector_load_idx %arg14[%broadcast_in_dim3A_879, %get3A_549] : memref<20x256xi32, #tpu.memory_space<vmem>>[vector<16xi32>, vector<16xi32>], vector<16xi32>,
        %gather3A_883 = tpu.vector_load_idx %arg15[%broadcast_in_dim3A_879, %get3A_549] : memref<20x256xf32, #tpu.memory_space<vmem>>[vector<16xi32>, vector<16xi32>], vector<16xf32>,
        %broadcast_in_dim3A_884 = arith.constant 19 : i32
        %broadcast_in_dim3A_885 = vector.broadcast %broadcast_in_dim3A_884 : i32 to vector<16xi32>
        %gather3A_886 = tpu.vector_load_idx %arg14[%broadcast_in_dim3A_885, %get3A_547] : memref<20x256xi32, #tpu.memory_space<vmem>>[vector<16xi32>, vector<16xi32>], vector<16xi32>,
        %gather3A_887 = tpu.vector_load_idx %arg15[%broadcast_in_dim3A_885, %get3A_547] : memref<20x256xf32, #tpu.memory_space<vmem>>[vector<16xi32>, vector<16xi32>], vector<16xf32>,
        %gather3A_888 = tpu.vector_load_idx %arg14[%broadcast_in_dim3A_885, %get3A_549] : memref<20x256xi32, #tpu.memory_space<vmem>>[vector<16xi32>, vector<16xi32>], vector<16xi32>,
        %gather3A_889 = tpu.vector_load_idx %arg15[%broadcast_in_dim3A_885, %get3A_549] : memref<20x256xf32, #tpu.memory_space<vmem>>[vector<16xi32>, vector<16xi32>], vector<16xf32>,
        %mul3A_890 = arith.mulf %gather3A_833, %get3A_551 : vector<16xf32>
        %exp3A_891 = math.exp %mul3A_890 : vector<16xf32>
        %mul3A_892 = arith.mulf %gather3A_839, %get3A_551 : vector<16xf32>
        %exp3A_893 = math.exp %mul3A_892 : vector<16xf32>
        %mul3A_894 = arith.mulf %gather3A_845, %get3A_551 : vector<16xf32>
        %exp3A_895 = math.exp %mul3A_894 : vector<16xf32>
        %mul3A_896 = arith.mulf %gather3A_851, %get3A_551 : vector<16xf32>
        %exp3A_897 = math.exp %mul3A_896 : vector<16xf32>
        %mul3A_898 = arith.mulf %gather3A_857, %get3A_551 : vector<16xf32>
        %exp3A_899 = math.exp %mul3A_898 : vector<16xf32>
        %mul3A_900 = arith.mulf %gather3A_863, %get3A_551 : vector<16xf32>
        %exp3A_901 = math.exp %mul3A_900 : vector<16xf32>
        %mul3A_902 = arith.mulf %gather3A_869, %get3A_551 : vector<16xf32>
        %exp3A_903 = math.exp %mul3A_902 : vector<16xf32>
        %mul3A_904 = arith.mulf %gather3A_875, %get3A_551 : vector<16xf32>
        %exp3A_905 = math.exp %mul3A_904 : vector<16xf32>
        %mul3A_906 = arith.mulf %gather3A_881, %get3A_551 : vector<16xf32>
        %exp3A_907 = math.exp %mul3A_906 : vector<16xf32>
        %mul3A_908 = arith.mulf %gather3A_887, %get3A_551 : vector<16xf32>
        %exp3A_909 = math.exp %mul3A_908 : vector<16xf32>
        %mul3A_910 = arith.mulf %gather3A_835, %get3A_553 : vector<16xf32>
        %exp3A_911 = math.exp %mul3A_910 : vector<16xf32>
        %mul3A_912 = arith.mulf %gather3A_841, %get3A_553 : vector<16xf32>
        %exp3A_913 = math.exp %mul3A_912 : vector<16xf32>
        %mul3A_914 = arith.mulf %gather3A_847, %get3A_553 : vector<16xf32>
        %exp3A_915 = math.exp %mul3A_914 : vector<16xf32>
        %mul3A_916 = arith.mulf %gather3A_853, %get3A_553 : vector<16xf32>
        %exp3A_917 = math.exp %mul3A_916 : vector<16xf32>
        %mul3A_918 = arith.mulf %gather3A_859, %get3A_553 : vector<16xf32>
        %exp3A_919 = math.exp %mul3A_918 : vector<16xf32>
        %mul3A_920 = arith.mulf %gather3A_865, %get3A_553 : vector<16xf32>
        %exp3A_921 = math.exp %mul3A_920 : vector<16xf32>
        %mul3A_922 = arith.mulf %gather3A_871, %get3A_553 : vector<16xf32>
        %exp3A_923 = math.exp %mul3A_922 : vector<16xf32>
        %mul3A_924 = arith.mulf %gather3A_877, %get3A_553 : vector<16xf32>
        %exp3A_925 = math.exp %mul3A_924 : vector<16xf32>
        %mul3A_926 = arith.mulf %gather3A_883, %get3A_553 : vector<16xf32>
        %exp3A_927 = math.exp %mul3A_926 : vector<16xf32>
        %mul3A_928 = arith.mulf %gather3A_889, %get3A_553 : vector<16xf32>
        %exp3A_929 = math.exp %mul3A_928 : vector<16xf32>
        %bitcast3A_930 = vector.bitcast %gather3A_832 : vector<16xi32> to vector<16xf32>
        %shift_left3A_931 = arith.shli %gather3A_832, %broadcast_in_dim3A_476 : vector<16xi32>
        %bitcast3A_932 = vector.bitcast %shift_left3A_931 : vector<16xi32> to vector<16xf32>
        %mul3A_933 = arith.mulf %bitcast3A_932, %exp3A_891 : vector<16xf32>
        %add3A_934 = arith.addf %bitcast3A_930, %mul3A_933 : vector<16xf32>
        %swap3A_935 = arith.constant 10 : i32
        %swap3A_936 = arith.index_cast %swap3A_935 : i32 to index
        %swap3A_937 = arith.index_cast %mul3A_540 : i32 to index
        %swap3A_938 = tpu.vector_load %arg16[%swap3A_936, %swap3A_937] {strides = array<i32>} : memref<20x512xf32, #tpu.memory_space<vmem>>, vector<16xf32>,
        tpu.vector_store %arg16[%swap3A_936, %swap3A_937], %add3A_934 {strides = array<i32>} : memref<20x512xf32, #tpu.memory_space<vmem>>, vector<16xf32>,
        %bitcast3A_939 = vector.bitcast %gather3A_834 : vector<16xi32> to vector<16xf32>
        %shift_left3A_940 = arith.shli %gather3A_834, %broadcast_in_dim3A_476 : vector<16xi32>
        %bitcast3A_941 = vector.bitcast %shift_left3A_940 : vector<16xi32> to vector<16xf32>
        %mul3A_942 = arith.mulf %bitcast3A_941, %exp3A_911 : vector<16xf32>
        %add3A_943 = arith.addf %bitcast3A_939, %mul3A_942 : vector<16xf32>
        %swap3A_944 = arith.constant 10 : i32
        %swap3A_945 = arith.index_cast %swap3A_944 : i32 to index
        %swap3A_946 = arith.index_cast %mul3A_546 : i32 to index
        %swap3A_947 = tpu.vector_load %arg16[%swap3A_945, %swap3A_946] {strides = array<i32>} : memref<20x512xf32, #tpu.memory_space<vmem>>, vector<16xf32>,
        tpu.vector_store %arg16[%swap3A_945, %swap3A_946], %add3A_943 {strides = array<i32>} : memref<20x512xf32, #tpu.memory_space<vmem>>, vector<16xf32>,
        %bitcast3A_948 = vector.bitcast %gather3A_838 : vector<16xi32> to vector<16xf32>
        %shift_left3A_949 = arith.shli %gather3A_838, %broadcast_in_dim3A_476 : vector<16xi32>
        %bitcast3A_950 = vector.bitcast %shift_left3A_949 : vector<16xi32> to vector<16xf32>
        %mul3A_951 = arith.mulf %bitcast3A_950, %exp3A_893 : vector<16xf32>
        %add3A_952 = arith.addf %bitcast3A_948, %mul3A_951 : vector<16xf32>
        %swap3A_953 = arith.constant 11 : i32
        %swap3A_954 = arith.index_cast %swap3A_953 : i32 to index
        %swap3A_955 = arith.index_cast %mul3A_540 : i32 to index
        %swap3A_956 = tpu.vector_load %arg16[%swap3A_954, %swap3A_955] {strides = array<i32>} : memref<20x512xf32, #tpu.memory_space<vmem>>, vector<16xf32>,
        tpu.vector_store %arg16[%swap3A_954, %swap3A_955], %add3A_952 {strides = array<i32>} : memref<20x512xf32, #tpu.memory_space<vmem>>, vector<16xf32>,
        %bitcast3A_957 = vector.bitcast %gather3A_840 : vector<16xi32> to vector<16xf32>
        %shift_left3A_958 = arith.shli %gather3A_840, %broadcast_in_dim3A_476 : vector<16xi32>
        %bitcast3A_959 = vector.bitcast %shift_left3A_958 : vector<16xi32> to vector<16xf32>
        %mul3A_960 = arith.mulf %bitcast3A_959, %exp3A_913 : vector<16xf32>
        %add3A_961 = arith.addf %bitcast3A_957, %mul3A_960 : vector<16xf32>
        %swap3A_962 = arith.constant 11 : i32
        %swap3A_963 = arith.index_cast %swap3A_962 : i32 to index
        %swap3A_964 = arith.index_cast %mul3A_546 : i32 to index
        %swap3A_965 = tpu.vector_load %arg16[%swap3A_963, %swap3A_964] {strides = array<i32>} : memref<20x512xf32, #tpu.memory_space<vmem>>, vector<16xf32>,
        tpu.vector_store %arg16[%swap3A_963, %swap3A_964], %add3A_961 {strides = array<i32>} : memref<20x512xf32, #tpu.memory_space<vmem>>, vector<16xf32>,
        %bitcast3A_966 = vector.bitcast %gather3A_844 : vector<16xi32> to vector<16xf32>
        %shift_left3A_967 = arith.shli %gather3A_844, %broadcast_in_dim3A_476 : vector<16xi32>
        %bitcast3A_968 = vector.bitcast %shift_left3A_967 : vector<16xi32> to vector<16xf32>
        %mul3A_969 = arith.mulf %bitcast3A_968, %exp3A_895 : vector<16xf32>
        %add3A_970 = arith.addf %bitcast3A_966, %mul3A_969 : vector<16xf32>
        %swap3A_971 = arith.constant 12 : i32
        %swap3A_972 = arith.index_cast %swap3A_971 : i32 to index
        %swap3A_973 = arith.index_cast %mul3A_540 : i32 to index
        %swap3A_974 = tpu.vector_load %arg16[%swap3A_972, %swap3A_973] {strides = array<i32>} : memref<20x512xf32, #tpu.memory_space<vmem>>, vector<16xf32>,
        tpu.vector_store %arg16[%swap3A_972, %swap3A_973], %add3A_970 {strides = array<i32>} : memref<20x512xf32, #tpu.memory_space<vmem>>, vector<16xf32>,
        %bitcast3A_975 = vector.bitcast %gather3A_846 : vector<16xi32> to vector<16xf32>
        %shift_left3A_976 = arith.shli %gather3A_846, %broadcast_in_dim3A_476 : vector<16xi32>
        %bitcast3A_977 = vector.bitcast %shift_left3A_976 : vector<16xi32> to vector<16xf32>
        %mul3A_978 = arith.mulf %bitcast3A_977, %exp3A_915 : vector<16xf32>
        %add3A_979 = arith.addf %bitcast3A_975, %mul3A_978 : vector<16xf32>
        %swap3A_980 = arith.constant 12 : i32
        %swap3A_981 = arith.index_cast %swap3A_980 : i32 to index
        %swap3A_982 = arith.index_cast %mul3A_546 : i32 to index
        %swap3A_983 = tpu.vector_load %arg16[%swap3A_981, %swap3A_982] {strides = array<i32>} : memref<20x512xf32, #tpu.memory_space<vmem>>, vector<16xf32>,
        tpu.vector_store %arg16[%swap3A_981, %swap3A_982], %add3A_979 {strides = array<i32>} : memref<20x512xf32, #tpu.memory_space<vmem>>, vector<16xf32>,
        %bitcast3A_984 = vector.bitcast %gather3A_850 : vector<16xi32> to vector<16xf32>
        %shift_left3A_985 = arith.shli %gather3A_850, %broadcast_in_dim3A_476 : vector<16xi32>
        %bitcast3A_986 = vector.bitcast %shift_left3A_985 : vector<16xi32> to vector<16xf32>
        %mul3A_987 = arith.mulf %bitcast3A_986, %exp3A_897 : vector<16xf32>
        %add3A_988 = arith.addf %bitcast3A_984, %mul3A_987 : vector<16xf32>
        %swap3A_989 = arith.constant 13 : i32
        %swap3A_990 = arith.index_cast %swap3A_989 : i32 to index
        %swap3A_991 = arith.index_cast %mul3A_540 : i32 to index
        %swap3A_992 = tpu.vector_load %arg16[%swap3A_990, %swap3A_991] {strides = array<i32>} : memref<20x512xf32, #tpu.memory_space<vmem>>, vector<16xf32>,
        tpu.vector_store %arg16[%swap3A_990, %swap3A_991], %add3A_988 {strides = array<i32>} : memref<20x512xf32, #tpu.memory_space<vmem>>, vector<16xf32>,
        %bitcast3A_993 = vector.bitcast %gather3A_852 : vector<16xi32> to vector<16xf32>
        %shift_left3A_994 = arith.shli %gather3A_852, %broadcast_in_dim3A_476 : vector<16xi32>
        %bitcast3A_995 = vector.bitcast %shift_left3A_994 : vector<16xi32> to vector<16xf32>
        %mul3A_996 = arith.mulf %bitcast3A_995, %exp3A_917 : vector<16xf32>
        %add3A_997 = arith.addf %bitcast3A_993, %mul3A_996 : vector<16xf32>
        %swap3A_998 = arith.constant 13 : i32
        %swap3A_999 = arith.index_cast %swap3A_998 : i32 to index
        %swap3A_1000 = arith.index_cast %mul3A_546 : i32 to index
        %swap3A_1001 = tpu.vector_load %arg16[%swap3A_999, %swap3A_1000] {strides = array<i32>} : memref<20x512xf32, #tpu.memory_space<vmem>>, vector<16xf32>,
        tpu.vector_store %arg16[%swap3A_999, %swap3A_1000], %add3A_997 {strides = array<i32>} : memref<20x512xf32, #tpu.memory_space<vmem>>, vector<16xf32>,
        %bitcast3A_1002 = vector.bitcast %gather3A_856 : vector<16xi32> to vector<16xf32>
        %shift_left3A_1003 = arith.shli %gather3A_856, %broadcast_in_dim3A_476 : vector<16xi32>
        %bitcast3A_1004 = vector.bitcast %shift_left3A_1003 : vector<16xi32> to vector<16xf32>
        %mul3A_1005 = arith.mulf %bitcast3A_1004, %exp3A_899 : vector<16xf32>
        %add3A_1006 = arith.addf %bitcast3A_1002, %mul3A_1005 : vector<16xf32>
        %swap3A_1007 = arith.constant 14 : i32
        %swap3A_1008 = arith.index_cast %swap3A_1007 : i32 to index
        %swap3A_1009 = arith.index_cast %mul3A_540 : i32 to index
        %swap3A_1010 = tpu.vector_load %arg16[%swap3A_1008, %swap3A_1009] {strides = array<i32>} : memref<20x512xf32, #tpu.memory_space<vmem>>, vector<16xf32>,
        tpu.vector_store %arg16[%swap3A_1008, %swap3A_1009], %add3A_1006 {strides = array<i32>} : memref<20x512xf32, #tpu.memory_space<vmem>>, vector<16xf32>,
        %bitcast3A_1011 = vector.bitcast %gather3A_858 : vector<16xi32> to vector<16xf32>
        %shift_left3A_1012 = arith.shli %gather3A_858, %broadcast_in_dim3A_476 : vector<16xi32>
        %bitcast3A_1013 = vector.bitcast %shift_left3A_1012 : vector<16xi32> to vector<16xf32>
        %mul3A_1014 = arith.mulf %bitcast3A_1013, %exp3A_919 : vector<16xf32>
        %add3A_1015 = arith.addf %bitcast3A_1011, %mul3A_1014 : vector<16xf32>
        %swap3A_1016 = arith.constant 14 : i32
        %swap3A_1017 = arith.index_cast %swap3A_1016 : i32 to index
        %swap3A_1018 = arith.index_cast %mul3A_546 : i32 to index
        %swap3A_1019 = tpu.vector_load %arg16[%swap3A_1017, %swap3A_1018] {strides = array<i32>} : memref<20x512xf32, #tpu.memory_space<vmem>>, vector<16xf32>,
        tpu.vector_store %arg16[%swap3A_1017, %swap3A_1018], %add3A_1015 {strides = array<i32>} : memref<20x512xf32, #tpu.memory_space<vmem>>, vector<16xf32>,
        %bitcast3A_1020 = vector.bitcast %gather3A_862 : vector<16xi32> to vector<16xf32>
        %shift_left3A_1021 = arith.shli %gather3A_862, %broadcast_in_dim3A_476 : vector<16xi32>
        %bitcast3A_1022 = vector.bitcast %shift_left3A_1021 : vector<16xi32> to vector<16xf32>
        %mul3A_1023 = arith.mulf %bitcast3A_1022, %exp3A_901 : vector<16xf32>
        %add3A_1024 = arith.addf %bitcast3A_1020, %mul3A_1023 : vector<16xf32>
        %swap3A_1025 = arith.constant 15 : i32
        %swap3A_1026 = arith.index_cast %swap3A_1025 : i32 to index
        %swap3A_1027 = arith.index_cast %mul3A_540 : i32 to index
        %swap3A_1028 = tpu.vector_load %arg16[%swap3A_1026, %swap3A_1027] {strides = array<i32>} : memref<20x512xf32, #tpu.memory_space<vmem>>, vector<16xf32>,
        tpu.vector_store %arg16[%swap3A_1026, %swap3A_1027], %add3A_1024 {strides = array<i32>} : memref<20x512xf32, #tpu.memory_space<vmem>>, vector<16xf32>,
        %bitcast3A_1029 = vector.bitcast %gather3A_864 : vector<16xi32> to vector<16xf32>
        %shift_left3A_1030 = arith.shli %gather3A_864, %broadcast_in_dim3A_476 : vector<16xi32>
        %bitcast3A_1031 = vector.bitcast %shift_left3A_1030 : vector<16xi32> to vector<16xf32>
        %mul3A_1032 = arith.mulf %bitcast3A_1031, %exp3A_921 : vector<16xf32>
        %add3A_1033 = arith.addf %bitcast3A_1029, %mul3A_1032 : vector<16xf32>
        %swap3A_1034 = arith.constant 15 : i32
        %swap3A_1035 = arith.index_cast %swap3A_1034 : i32 to index
        %swap3A_1036 = arith.index_cast %mul3A_546 : i32 to index
        %swap3A_1037 = tpu.vector_load %arg16[%swap3A_1035, %swap3A_1036] {strides = array<i32>} : memref<20x512xf32, #tpu.memory_space<vmem>>, vector<16xf32>,
        tpu.vector_store %arg16[%swap3A_1035, %swap3A_1036], %add3A_1033 {strides = array<i32>} : memref<20x512xf32, #tpu.memory_space<vmem>>, vector<16xf32>,
        %bitcast3A_1038 = vector.bitcast %gather3A_868 : vector<16xi32> to vector<16xf32>
        %shift_left3A_1039 = arith.shli %gather3A_868, %broadcast_in_dim3A_476 : vector<16xi32>
        %bitcast3A_1040 = vector.bitcast %shift_left3A_1039 : vector<16xi32> to vector<16xf32>
        %mul3A_1041 = arith.mulf %bitcast3A_1040, %exp3A_903 : vector<16xf32>
        %add3A_1042 = arith.addf %bitcast3A_1038, %mul3A_1041 : vector<16xf32>
        %swap3A_1043 = arith.constant 16 : i32
        %swap3A_1044 = arith.index_cast %swap3A_1043 : i32 to index
        %swap3A_1045 = arith.index_cast %mul3A_540 : i32 to index
        %swap3A_1046 = tpu.vector_load %arg16[%swap3A_1044, %swap3A_1045] {strides = array<i32>} : memref<20x512xf32, #tpu.memory_space<vmem>>, vector<16xf32>,
        tpu.vector_store %arg16[%swap3A_1044, %swap3A_1045], %add3A_1042 {strides = array<i32>} : memref<20x512xf32, #tpu.memory_space<vmem>>, vector<16xf32>,
        %bitcast3A_1047 = vector.bitcast %gather3A_870 : vector<16xi32> to vector<16xf32>
        %shift_left3A_1048 = arith.shli %gather3A_870, %broadcast_in_dim3A_476 : vector<16xi32>
        %bitcast3A_1049 = vector.bitcast %shift_left3A_1048 : vector<16xi32> to vector<16xf32>
        %mul3A_1050 = arith.mulf %bitcast3A_1049, %exp3A_923 : vector<16xf32>
        %add3A_1051 = arith.addf %bitcast3A_1047, %mul3A_1050 : vector<16xf32>
        %swap3A_1052 = arith.constant 16 : i32
        %swap3A_1053 = arith.index_cast %swap3A_1052 : i32 to index
        %swap3A_1054 = arith.index_cast %mul3A_546 : i32 to index
        %swap3A_1055 = tpu.vector_load %arg16[%swap3A_1053, %swap3A_1054] {strides = array<i32>} : memref<20x512xf32, #tpu.memory_space<vmem>>, vector<16xf32>,
        tpu.vector_store %arg16[%swap3A_1053, %swap3A_1054], %add3A_1051 {strides = array<i32>} : memref<20x512xf32, #tpu.memory_space<vmem>>, vector<16xf32>,
        %bitcast3A_1056 = vector.bitcast %gather3A_874 : vector<16xi32> to vector<16xf32>
        %shift_left3A_1057 = arith.shli %gather3A_874, %broadcast_in_dim3A_476 : vector<16xi32>
        %bitcast3A_1058 = vector.bitcast %shift_left3A_1057 : vector<16xi32> to vector<16xf32>
        %mul3A_1059 = arith.mulf %bitcast3A_1058, %exp3A_905 : vector<16xf32>
        %add3A_1060 = arith.addf %bitcast3A_1056, %mul3A_1059 : vector<16xf32>
        %swap3A_1061 = arith.constant 17 : i32
        %swap3A_1062 = arith.index_cast %swap3A_1061 : i32 to index
        %swap3A_1063 = arith.index_cast %mul3A_540 : i32 to index
        %swap3A_1064 = tpu.vector_load %arg16[%swap3A_1062, %swap3A_1063] {strides = array<i32>} : memref<20x512xf32, #tpu.memory_space<vmem>>, vector<16xf32>,
        tpu.vector_store %arg16[%swap3A_1062, %swap3A_1063], %add3A_1060 {strides = array<i32>} : memref<20x512xf32, #tpu.memory_space<vmem>>, vector<16xf32>,
        %bitcast3A_1065 = vector.bitcast %gather3A_876 : vector<16xi32> to vector<16xf32>
        %shift_left3A_1066 = arith.shli %gather3A_876, %broadcast_in_dim3A_476 : vector<16xi32>
        %bitcast3A_1067 = vector.bitcast %shift_left3A_1066 : vector<16xi32> to vector<16xf32>
        %mul3A_1068 = arith.mulf %bitcast3A_1067, %exp3A_925 : vector<16xf32>
        %add3A_1069 = arith.addf %bitcast3A_1065, %mul3A_1068 : vector<16xf32>
        %swap3A_1070 = arith.constant 17 : i32
        %swap3A_1071 = arith.index_cast %swap3A_1070 : i32 to index
        %swap3A_1072 = arith.index_cast %mul3A_546 : i32 to index
        %swap3A_1073 = tpu.vector_load %arg16[%swap3A_1071, %swap3A_1072] {strides = array<i32>} : memref<20x512xf32, #tpu.memory_space<vmem>>, vector<16xf32>,
        tpu.vector_store %arg16[%swap3A_1071, %swap3A_1072], %add3A_1069 {strides = array<i32>} : memref<20x512xf32, #tpu.memory_space<vmem>>, vector<16xf32>,
        %bitcast3A_1074 = vector.bitcast %gather3A_880 : vector<16xi32> to vector<16xf32>
        %shift_left3A_1075 = arith.shli %gather3A_880, %broadcast_in_dim3A_476 : vector<16xi32>
        %bitcast3A_1076 = vector.bitcast %shift_left3A_1075 : vector<16xi32> to vector<16xf32>
        %mul3A_1077 = arith.mulf %bitcast3A_1076, %exp3A_907 : vector<16xf32>
        %add3A_1078 = arith.addf %bitcast3A_1074, %mul3A_1077 : vector<16xf32>
        %swap3A_1079 = arith.constant 18 : i32
        %swap3A_1080 = arith.index_cast %swap3A_1079 : i32 to index
        %swap3A_1081 = arith.index_cast %mul3A_540 : i32 to index
        %swap3A_1082 = tpu.vector_load %arg16[%swap3A_1080, %swap3A_1081] {strides = array<i32>} : memref<20x512xf32, #tpu.memory_space<vmem>>, vector<16xf32>,
        tpu.vector_store %arg16[%swap3A_1080, %swap3A_1081], %add3A_1078 {strides = array<i32>} : memref<20x512xf32, #tpu.memory_space<vmem>>, vector<16xf32>,
        %bitcast3A_1083 = vector.bitcast %gather3A_882 : vector<16xi32> to vector<16xf32>
        %shift_left3A_1084 = arith.shli %gather3A_882, %broadcast_in_dim3A_476 : vector<16xi32>
        %bitcast3A_1085 = vector.bitcast %shift_left3A_1084 : vector<16xi32> to vector<16xf32>
        %mul3A_1086 = arith.mulf %bitcast3A_1085, %exp3A_927 : vector<16xf32>
        %add3A_1087 = arith.addf %bitcast3A_1083, %mul3A_1086 : vector<16xf32>
        %swap3A_1088 = arith.constant 18 : i32
        %swap3A_1089 = arith.index_cast %swap3A_1088 : i32 to index
        %swap3A_1090 = arith.index_cast %mul3A_546 : i32 to index
        %swap3A_1091 = tpu.vector_load %arg16[%swap3A_1089, %swap3A_1090] {strides = array<i32>} : memref<20x512xf32, #tpu.memory_space<vmem>>, vector<16xf32>,
        tpu.vector_store %arg16[%swap3A_1089, %swap3A_1090], %add3A_1087 {strides = array<i32>} : memref<20x512xf32, #tpu.memory_space<vmem>>, vector<16xf32>,
        %bitcast3A_1092 = vector.bitcast %gather3A_886 : vector<16xi32> to vector<16xf32>
        %shift_left3A_1093 = arith.shli %gather3A_886, %broadcast_in_dim3A_476 : vector<16xi32>
        %bitcast3A_1094 = vector.bitcast %shift_left3A_1093 : vector<16xi32> to vector<16xf32>
        %mul3A_1095 = arith.mulf %bitcast3A_1094, %exp3A_909 : vector<16xf32>
        %add3A_1096 = arith.addf %bitcast3A_1092, %mul3A_1095 : vector<16xf32>
        %swap3A_1097 = arith.constant 19 : i32
        %swap3A_1098 = arith.index_cast %swap3A_1097 : i32 to index
        %swap3A_1099 = arith.index_cast %mul3A_540 : i32 to index
        %swap3A_1100 = tpu.vector_load %arg16[%swap3A_1098, %swap3A_1099] {strides = array<i32>} : memref<20x512xf32, #tpu.memory_space<vmem>>, vector<16xf32>,
        tpu.vector_store %arg16[%swap3A_1098, %swap3A_1099], %add3A_1096 {strides = array<i32>} : memref<20x512xf32, #tpu.memory_space<vmem>>, vector<16xf32>,
        %bitcast3A_1101 = vector.bitcast %gather3A_888 : vector<16xi32> to vector<16xf32>
        %shift_left3A_1102 = arith.shli %gather3A_888, %broadcast_in_dim3A_476 : vector<16xi32>
        %bitcast3A_1103 = vector.bitcast %shift_left3A_1102 : vector<16xi32> to vector<16xf32>
        %mul3A_1104 = arith.mulf %bitcast3A_1103, %exp3A_929 : vector<16xf32>
        %add3A_1105 = arith.addf %bitcast3A_1101, %mul3A_1104 : vector<16xf32>
        %swap3A_1106 = arith.constant 19 : i32
        %swap3A_1107 = arith.index_cast %swap3A_1106 : i32 to index
        %swap3A_1108 = arith.index_cast %mul3A_546 : i32 to index
        %swap3A_1109 = tpu.vector_load %arg16[%swap3A_1107, %swap3A_1108] {strides = array<i32>} : memref<20x512xf32, #tpu.memory_space<vmem>>, vector<16xf32>,
        tpu.vector_store %arg16[%swap3A_1107, %swap3A_1108], %add3A_1105 {strides = array<i32>} : memref<20x512xf32, #tpu.memory_space<vmem>>, vector<16xf32>,
      }
      %scan3A_482 = arith.constant 16 : i32
      %mul3A_483 = arith.constant 64 : i32
      %mul3A_484 = arith.muli %add3A, %mul3A_483 : i32
      %add3A_485 = arith.addi %mul3A_484, %add3A_174 : i32
      %jit3A_486 = arith.constant 32 : i32
      %div3A_487 = arith.divsi %add3A_485, %jit3A_486 : i32
      %sign3A_488 = arith.constant 0 : i32
      %sign3A_489 = arith.cmpi sgt, %add3A_485, %sign3A_488 : i32
      %sign3A_490 = arith.extui %sign3A_489 : i1 to i32
      %sign3A_491 = arith.constant 0 : i32
      %sign3A_492 = arith.cmpi slt, %add3A_485, %sign3A_491 : i32
      %sign3A_493 = arith.extui %sign3A_492 : i1 to i32
      %sign3A_494 = arith.subi %sign3A_490, %sign3A_493 : i32
      %sign3A_495 = arith.constant 0 : i32
      %sign3A_496 = arith.cmpi sgt, %jit3A_486, %sign3A_495 : i32
      %sign3A_497 = arith.extui %sign3A_496 : i1 to i32
      %sign3A_498 = arith.constant 0 : i32
      %sign3A_499 = arith.cmpi slt, %jit3A_486, %sign3A_498 : i32
      %sign3A_500 = arith.extui %sign3A_499 : i1 to i32
      %sign3A_501 = arith.subi %sign3A_497, %sign3A_500 : i32
      %ne3A_502 = arith.cmpi ne, %sign3A_494, %sign3A_501 : i32
      %rem3A_503 = arith.remsi %add3A_485, %jit3A_486 : i32
      %ne3A_504 = arith.constant 0 : i32
      %ne3A_505 = arith.cmpi ne, %rem3A_503, %ne3A_504 : i32
      %and3A_506 = arith.andi %ne3A_502, %ne3A_505 : i1
      %sub3A_507 = arith.constant 1 : i32
      %sub3A_508 = arith.subi %div3A_487, %sub3A_507 : i32
      %select_n3A_509 = arith.select %and3A_506, %sub3A_508, %div3A_487 : i32
      %jit3A_510 = arith.constant 32 : i32
      %eq3A_511 = arith.constant 0 : i32
      %eq3A_512 = arith.cmpi eq, %jit3A_510, %eq3A_511 : i32
      %jit3A_513 = arith.constant 1 : i32
      %select_n3A_514 = arith.select %eq3A_512, %jit3A_513, %jit3A_510 : i32
      %rem3A_515 = arith.remsi %add3A_485, %select_n3A_514 : i32
      %ne3A_516 = arith.constant 0 : i32
      %ne3A_517 = arith.cmpi ne, %rem3A_515, %ne3A_516 : i32
      %lt3A_518 = arith.constant 0 : i32
      %lt3A_519 = arith.cmpi slt, %rem3A_515, %lt3A_518 : i32
      %lt3A_520 = arith.constant 0 : i32
      %lt3A_521 = arith.cmpi slt, %select_n3A_514, %lt3A_520 : i32
      %ne3A_522 = arith.xori %lt3A_519, %lt3A_521 : i1
      %and3A_523 = arith.andi %ne3A_522, %ne3A_517 : i1
      %add3A_524 = arith.addi %rem3A_515, %select_n3A_514 : i32
      %select_n3A_525 = arith.select %and3A_523, %add3A_524, %rem3A_515 : i32
      %dma_start3A_526 = arith.constant 0 : i32
      %dma_start3A_527 = arith.constant 0 : i32
      %dma_start3A_528 = tpu.memref_slice %arg6[%select_n3A_509, %dma_start3A_526, %select_n3A_525, %dma_start3A_527] : memref<64x20x32x512xf32, #tpu.memory_space<hbm>> -> memref<1x20x1x512xf32, #tpu.memory_space<hbm>>
      %dma_start3A_529 = tpu.memref_squeeze %dma_start3A_528 : memref<1x20x1x512xf32, #tpu.memory_space<hbm>> -> memref<20x512xf32, #tpu.memory_space<hbm>>
      %dma_start3A_530 = arith.constant 0 : i32
      %dma_start3A_531 = arith.constant 0 : i32
      %dma_start3A_532 = tpu.memref_slice %arg6[%select_n3A_509, %dma_start3A_530, %select_n3A_525, %dma_start3A_531] : memref<64x20x32x512xf32, #tpu.memory_space<hbm>> -> memref<1x20x1x512xf32, #tpu.memory_space<hbm>>
      %dma_start3A_533 = tpu.memref_squeeze %dma_start3A_532 : memref<1x20x1x512xf32, #tpu.memory_space<hbm>> -> memref<20x512xf32, #tpu.memory_space<hbm>>
      tpu.enqueue_dma source(%arg16 : memref<20x512xf32, #tpu.memory_space<vmem>>) target(%dma_start3A_533 : memref<20x512xf32, #tpu.memory_space<hbm>>) target_semaphore(%arg22 : memref<!tpu.dma_semaphore, #tpu.memory_space<semaphore_mem>>)
    }
    %scan3A_66 = arith.constant 32 : i32
    %mul3A_67 = arith.constant 64 : i32
    %mul3A_68 = arith.muli %add3A, %mul3A_67 : i32
    %add3A_69 = arith.constant 62 : i32
    %add3A_70 = arith.addi %mul3A_68, %add3A_69 : i32
    %jit3A_71 = arith.constant 32 : i32
    %div3A_72 = arith.divsi %add3A_70, %jit3A_71 : i32
    %sign3A_73 = arith.constant 0 : i32
    %sign3A_74 = arith.cmpi sgt, %add3A_70, %sign3A_73 : i32
    %sign3A_75 = arith.extui %sign3A_74 : i1 to i32
    %sign3A_76 = arith.constant 0 : i32
    %sign3A_77 = arith.cmpi slt, %add3A_70, %sign3A_76 : i32
    %sign3A_78 = arith.extui %sign3A_77 : i1 to i32
    %sign3A_79 = arith.subi %sign3A_75, %sign3A_78 : i32
    %sign3A_80 = arith.constant 0 : i32
    %sign3A_81 = arith.cmpi sgt, %jit3A_71, %sign3A_80 : i32
    %sign3A_82 = arith.extui %sign3A_81 : i1 to i32
    %sign3A_83 = arith.constant 0 : i32
    %sign3A_84 = arith.cmpi slt, %jit3A_71, %sign3A_83 : i32
    %sign3A_85 = arith.extui %sign3A_84 : i1 to i32
    %sign3A_86 = arith.subi %sign3A_82, %sign3A_85 : i32
    %ne3A_87 = arith.cmpi ne, %sign3A_79, %sign3A_86 : i32
    %rem3A_88 = arith.remsi %add3A_70, %jit3A_71 : i32
    %ne3A_89 = arith.constant 0 : i32
    %ne3A_90 = arith.cmpi ne, %rem3A_88, %ne3A_89 : i32
    %and3A_91 = arith.andi %ne3A_87, %ne3A_90 : i1
    %sub3A_92 = arith.constant 1 : i32
    %sub3A_93 = arith.subi %div3A_72, %sub3A_92 : i32
    %select_n3A_94 = arith.select %and3A_91, %sub3A_93, %div3A_72 : i32
    %jit3A_95 = arith.constant 32 : i32
    %eq3A_96 = arith.constant 0 : i32
    %eq3A_97 = arith.cmpi eq, %jit3A_95, %eq3A_96 : i32
    %jit3A_98 = arith.constant 1 : i32
    %select_n3A_99 = arith.select %eq3A_97, %jit3A_98, %jit3A_95 : i32
    %rem3A_100 = arith.remsi %add3A_70, %select_n3A_99 : i32
    %ne3A_101 = arith.constant 0 : i32
    %ne3A_102 = arith.cmpi ne, %rem3A_100, %ne3A_101 : i32
    %lt3A_103 = arith.constant 0 : i32
    %lt3A_104 = arith.cmpi slt, %rem3A_100, %lt3A_103 : i32
    %lt3A_105 = arith.constant 0 : i32
    %lt3A_106 = arith.cmpi slt, %select_n3A_99, %lt3A_105 : i32
    %ne3A_107 = arith.xori %lt3A_104, %lt3A_106 : i1
    %and3A_108 = arith.andi %ne3A_107, %ne3A_102 : i1
    %add3A_109 = arith.addi %rem3A_100, %select_n3A_99 : i32
    %select_n3A_110 = arith.select %and3A_108, %add3A_109, %rem3A_100 : i32
    %dma_wait3A = arith.constant 0 : i32
    %dma_wait3A_111 = arith.constant 0 : i32
    %dma_wait3A_112 = tpu.memref_slice %arg6[%select_n3A_94, %dma_wait3A, %select_n3A_110, %dma_wait3A_111] : memref<64x20x32x512xf32, #tpu.memory_space<hbm>> -> memref<1x20x1x512xf32, #tpu.memory_space<hbm>>
    %dma_wait3A_113 = tpu.memref_squeeze %dma_wait3A_112 : memref<1x20x1x512xf32, #tpu.memory_space<hbm>> -> memref<20x512xf32, #tpu.memory_space<hbm>>
    %dma_wait3A_114 = arith.constant 0 : i32
    %dma_wait3A_115 = arith.constant 0 : i32
    %dma_wait3A_116 = tpu.memref_slice %arg6[%select_n3A_94, %dma_wait3A_114, %select_n3A_110, %dma_wait3A_115] : memref<64x20x32x512xf32, #tpu.memory_space<hbm>> -> memref<1x20x1x512xf32, #tpu.memory_space<hbm>>
    %dma_wait3A_117 = tpu.memref_squeeze %dma_wait3A_116 : memref<1x20x1x512xf32, #tpu.memory_space<hbm>> -> memref<20x512xf32, #tpu.memory_space<hbm>>
    tpu.wait_dma2 semaphore(%arg21 : memref<!tpu.dma_semaphore, #tpu.memory_space<semaphore_mem>>) src(%arg11 : memref<20x512xf32, #tpu.memory_space<vmem>>) dst(%dma_wait3A_117 : memref<20x512xf32, #tpu.memory_space<hbm>>)
    %mul3A_118 = arith.constant 64 : i32
    %mul3A_119 = arith.muli %add3A, %mul3A_118 : i32
    %add3A_120 = arith.constant 63 : i32
    %add3A_121 = arith.addi %mul3A_119, %add3A_120 : i32
    %jit3A_122 = arith.constant 32 : i32
    %div3A_123 = arith.divsi %add3A_121, %jit3A_122 : i32
    %sign3A_124 = arith.constant 0 : i32
    %sign3A_125 = arith.cmpi sgt, %add3A_121, %sign3A_124 : i32
    %sign3A_126 = arith.extui %sign3A_125 : i1 to i32
    %sign3A_127 = arith.constant 0 : i32
    %sign3A_128 = arith.cmpi slt, %add3A_121, %sign3A_127 : i32
    %sign3A_129 = arith.extui %sign3A_128 : i1 to i32
    %sign3A_130 = arith.subi %sign3A_126, %sign3A_129 : i32
    %sign3A_131 = arith.constant 0 : i32
    %sign3A_132 = arith.cmpi sgt, %jit3A_122, %sign3A_131 : i32
    %sign3A_133 = arith.extui %sign3A_132 : i1 to i32
    %sign3A_134 = arith.constant 0 : i32
    %sign3A_135 = arith.cmpi slt, %jit3A_122, %sign3A_134 : i32
    %sign3A_136 = arith.extui %sign3A_135 : i1 to i32
    %sign3A_137 = arith.subi %sign3A_133, %sign3A_136 : i32
    %ne3A_138 = arith.cmpi ne, %sign3A_130, %sign3A_137 : i32
    %rem3A_139 = arith.remsi %add3A_121, %jit3A_122 : i32
    %ne3A_140 = arith.constant 0 : i32
    %ne3A_141 = arith.cmpi ne, %rem3A_139, %ne3A_140 : i32
    %and3A_142 = arith.andi %ne3A_138, %ne3A_141 : i1
    %sub3A_143 = arith.constant 1 : i32
    %sub3A_144 = arith.subi %div3A_123, %sub3A_143 : i32
    %select_n3A_145 = arith.select %and3A_142, %sub3A_144, %div3A_123 : i32
    %jit3A_146 = arith.constant 32 : i32
    %eq3A_147 = arith.constant 0 : i32
    %eq3A_148 = arith.cmpi eq, %jit3A_146, %eq3A_147 : i32
    %jit3A_149 = arith.constant 1 : i32
    %select_n3A_150 = arith.select %eq3A_148, %jit3A_149, %jit3A_146 : i32
    %rem3A_151 = arith.remsi %add3A_121, %select_n3A_150 : i32
    %ne3A_152 = arith.constant 0 : i32
    %ne3A_153 = arith.cmpi ne, %rem3A_151, %ne3A_152 : i32
    %lt3A_154 = arith.constant 0 : i32
    %lt3A_155 = arith.cmpi slt, %rem3A_151, %lt3A_154 : i32
    %lt3A_156 = arith.constant 0 : i32
    %lt3A_157 = arith.cmpi slt, %select_n3A_150, %lt3A_156 : i32
    %ne3A_158 = arith.xori %lt3A_155, %lt3A_157 : i1
    %and3A_159 = arith.andi %ne3A_158, %ne3A_153 : i1
    %add3A_160 = arith.addi %rem3A_151, %select_n3A_150 : i32
    %select_n3A_161 = arith.select %and3A_159, %add3A_160, %rem3A_151 : i32
    %dma_wait3A_162 = arith.constant 0 : i32
    %dma_wait3A_163 = arith.constant 0 : i32
    %dma_wait3A_164 = tpu.memref_slice %arg6[%select_n3A_145, %dma_wait3A_162, %select_n3A_161, %dma_wait3A_163] : memref<64x20x32x512xf32, #tpu.memory_space<hbm>> -> memref<1x20x1x512xf32, #tpu.memory_space<hbm>>
    %dma_wait3A_165 = tpu.memref_squeeze %dma_wait3A_164 : memref<1x20x1x512xf32, #tpu.memory_space<hbm>> -> memref<20x512xf32, #tpu.memory_space<hbm>>
    %dma_wait3A_166 = arith.constant 0 : i32
    %dma_wait3A_167 = arith.constant 0 : i32
    %dma_wait3A_168 = tpu.memref_slice %arg6[%select_n3A_145, %dma_wait3A_166, %select_n3A_161, %dma_wait3A_167] : memref<64x20x32x512xf32, #tpu.memory_space<hbm>> -> memref<1x20x1x512xf32, #tpu.memory_space<hbm>>
    %dma_wait3A_169 = tpu.memref_squeeze %dma_wait3A_168 : memref<1x20x1x512xf32, #tpu.memory_space<hbm>> -> memref<20x512xf32, #tpu.memory_space<hbm>>
    tpu.wait_dma2 semaphore(%arg22 : memref<!tpu.dma_semaphore, #tpu.memory_space<semaphore_mem>>) src(%arg16 : memref<20x512xf32, #tpu.memory_space<vmem>>) dst(%dma_wait3A_169 : memref<20x512xf32, #tpu.memory_space<hbm>>)
    return
  }
}

</mosaic_0001>

<sc_bundles>
// kernel: kernel.3.cloned.1.call-start
scs
__scs_entry_jumppad:
0x0: {  	(pc) =	sbr.rel $0x88, $3  }
0x1: {  	(tag) =	ssettag $0x0;
	lr =	simm.s32 $0x1  }
0x2: {  	[smem:$0x3F9C] =	sst lr;
	_ =	strace $0xD0000000  }
0x3: {  	_ = 	snop  }
0x4: {  	_ = 	snop  }
0x5: {  	_ = 	snop  }
0x6: {  	_ = 	snop  }
0x7: {  	_ = 	snop  }
__scs_overlays_trampoline_lowered:
0x8: {  	[smem:$0x3FAB] =	sst s0  }
0x9: {  	[smem:$0x3FAC] =	sst s1  }
0xa: {  	[smem:$0x3FAD] =	sst s2  }
0xb: {  	[smem:$0x3FAE] =	sst s3  }
0xc: {  	[smem:$0x3FAF] =	sst s4  }
0xd: {  	[smem:$0x3FB0] =	sst s5  }
0xe: {  	[smem:$0x3FB1] =	sst s6  }
0xf: {  	[smem:$0x3FB2] =	sst s7  }
0x10: {  	[smem:$0x3FB3] =	sst s8  }
0x11: {  	[smem:$0x3FB4] =	sst s9;
	s0 =	simm.s32 @!p0 $0x0  }
0x12: {  	s1 =	sld [smem:$0x3F9A];
	s0 =	simm.s32 @p0 $0x1  }
0x13: {  	[smem:$0x3FB5] =	sst s0;
	s0 =	simm.s32 @!p1 $0x0  }
0x14: {  	s2 =	sld [smem:$0x3F99];
	s0 =	simm.s32 @p1 $0x1  }
0x15: {  	[smem:$0x3FB6] =	sst s0;
	s0 =	simm.s32 @!p2 $0x0  }
0x16: {  	s3 =	sld [smem:$0x3FDB];
	s0 =	simm.s32 @p2 $0x1  }
0x17: {  	s4 =	simm.s32 $0x1BF5;
	[smem:$0x3FB8] =	sst s0  }
0x18: {  	s0 =	sld [smem:$0x3F9B];
	_ =	swait.ge [sflag:s4], $0x0  }
0x19: {  	s7 =	sld [smem:$0x3F9C]  }
0x1a: {  	s8 =	sadd.s32 $0xFFFFE003, lr  }
0x1b: {  	s9 =	sadd.s32 $0xFFFFFEF7, lr;
	s5 =	simm.s32 $0xFFFFFFFF;
	p2 =	slt.u32 s8, $0xFFFFF086  }
0x1c: {  	p1 =	slt.u32 s9, $0xF7A;
	s5 =	simm.s32 @!p2 $0x0  }
0x1d: {  	s5 =	simm.s32 @p1 $0x1;
	p0 =	seq.s32 s7, s2  }
0x1e: {  	s7 =	smul.u32 @!p0 $0xF7A, s2;
	p2 =	seq.s32 @!p0 s5, $0x0  }
0x1f: {  	s9 =	smul.u32 $0xF7A, s1;
	s8 =	simm.s32 @!p0 $0x1BF5;
	p2 =	por !p2, p0  }
0x20: {  	[sflag:s8] =	ssyncset.s32 @!p0 $0xFFFFF086;
	s6 =	sadd.s32 @!p0 s3, s7;
	s7 =	simm.s32 @!p0 $0x108  }
0x21: {  	s3 =	sadd.s32 s3, s9;
	s6 =	sadd.s32 @!p0 $0x88, s6;
	s7 =	simm.s32 @p2 $0x1082  }
0x22: {  	[simem:s7], [sflag:s8] =	dma.local @!p0 [hbm:s6], $0xF7A  }
0x23: {  	s9 =	sor.u32 $0xD0000000, s2;
	s6 =	simm.s32 $0x108;
	_ =	swait.ge @!p0 [sflag:s8], $0x0  }
0x24: {  	s3 =	sadd.s32 $0x88, s3;
	s6 =	simm.s32 @!p1 $0x1082;
	[sflag:s4] =	ssyncset.s32 $0xFFFFF086  }
0x25: {  	[simem:s6], [sflag:s4] =	dma.local [hbm:s3], $0xF7A  }
0x26: {  	[smem:$0x3F9C] =	sst s1;
	(tag) =	ssettag s2;
	_ =	strace s9  }
0x27: {  	s1 =	sld [smem:$0x3FAC]  }
0x28: {  	s2 =	sld [smem:$0x3FAD]  }
0x29: {  	s4 =	sld [smem:$0x3FAF]  }
0x2a: {  	p0 =	seq.s32 s5, $0x0;
	s5 =	sld [smem:$0x3FB0]  }
0x2b: {  	s6 =	sld [smem:$0x3FB1]  }
0x2c: {  	s7 =	sld [smem:$0x3FB2]  }
0x2d: {  	s3 =	simm.s32 $0x108;
	s8 =	sld [smem:$0x3FB3]  }
0x2e: {  	s3 =	simm.s32 @!p0 $0x1082;
	s9 =	sld [smem:$0x3FB4]  }
0x2f: {  	lr =	sadd.s32 s0, s3;
	s0 =	sld [smem:$0x3FAB]  }
0x30: {  	s3 =	sld [smem:$0x3FAE]  }
0x31: {  	[smem:$0x3FB7] =	sst s10  }
0x32: {  	s10 =	sld [smem:$0x3FB5];
	_ =	sdelay $0x3  }
0x33: {  	p0 =	seq.s32 s10, $0x1;
	s10 =	sld [smem:$0x3FB7];
	_ =	sdelay $0x3  }
0x34: {  	[smem:$0x3FB7] =	sst s10  }
0x35: {  	s10 =	sld [smem:$0x3FB6];
	_ =	sdelay $0x3  }
0x36: {  	p1 =	seq.s32 s10, $0x1;
	s10 =	sld [smem:$0x3FB7];
	_ =	sdelay $0x3  }
0x37: {  	[smem:$0x3FB7] =	sst s10  }
0x38: {  	s10 =	sld [smem:$0x3FB8]  }
0x39: {  	_ = 	snop;
	(pc) =	sbr.ind lr, $3  }
0x3a: {  	_ = 	snop  }
0x3b: {  	_ = 	snop  }
0x3c: {  	p2 =	seq.s32 s10, $0x1;
	s10 =	sld [smem:$0x3FB7]  }
0x3d: {  	_ =	shalt  }
0x3e: {  	_ =	shalt  }
0x3f: {  	_ =	shalt  }
0x40: {  	_ =	shalt  }
0x41: {  	_ =	shalt  }
0x42: {  	_ =	shalt  }
0x43: {  	_ =	shalt  }
0x44: {  	_ =	shalt  }
0x45: {  	_ =	shalt  }
0x46: {  	_ =	shalt  }
0x47: {  	_ =	shalt  }
0x48: {  	_ =	shalt  }
0x49: {  	_ =	shalt  }
0x4a: {  	_ =	shalt  }
0x4b: {  	_ =	shalt  }
0x4c: {  	_ =	shalt  }
0x4d: {  	_ =	shalt  }
0x4e: {  	_ =	shalt  }
0x4f: {  	_ =	shalt  }
0x50: {  	_ =	shalt  }
0x51: {  	_ =	shalt  }
0x52: {  	_ =	shalt  }
0x53: {  	_ =	shalt  }
0x54: {  	_ =	shalt  }
0x55: {  	_ =	shalt  }
0x56: {  	_ =	shalt  }
0x57: {  	_ =	shalt  }
0x58: {  	_ =	shalt  }
0x59: {  	_ =	shalt  }
0x5a: {  	_ =	shalt  }
0x5b: {  	_ =	shalt  }
0x5c: {  	_ =	shalt  }
0x5d: {  	_ =	shalt  }
0x5e: {  	_ =	shalt  }
0x5f: {  	_ =	shalt  }
0x60: {  	_ =	shalt  }
0x61: {  	_ =	shalt  }
0x62: {  	_ =	shalt  }
0x63: {  	_ =	shalt  }
0x64: {  	_ =	shalt  }
0x65: {  	_ =	shalt  }
0x66: {  	_ =	shalt  }
0x67: {  	_ =	shalt  }
0x68: {  	_ =	shalt  }
0x69: {  	_ =	shalt  }
0x6a: {  	_ =	shalt  }
0x6b: {  	_ =	shalt  }
0x6c: {  	_ =	shalt  }
0x6d: {  	_ =	shalt  }
0x6e: {  	_ =	shalt  }
0x6f: {  	_ =	shalt  }
0x70: {  	_ =	shalt  }
0x71: {  	_ =	shalt  }
0x72: {  	_ =	shalt  }
0x73: {  	_ =	shalt  }
0x74: {  	_ =	shalt  }
0x75: {  	_ =	shalt  }
0x76: {  	_ =	shalt  }
0x77: {  	_ =	shalt  }
0x78: {  	_ =	shalt  }
0x79: {  	_ =	shalt  }
0x7a: {  	_ =	shalt  }
0x7b: {  	_ =	shalt  }
0x7c: {  	_ =	shalt  }
0x7d: {  	_ =	shalt  }
0x7e: {  	_ =	shalt  }
0x7f: {  	_ =	shalt  }
0x80: {  	_ =	shalt  }
0x81: {  	_ =	shalt  }
0x82: {  	_ =	shalt  }
0x83: {  	_ =	shalt  }
0x84: {  	_ =	shalt  }
0x85: {  	_ =	shalt  }
0x86: {  	_ =	shalt  }
0x87: {  	_ =	shalt  }
.Lfunc_end0:
.L_simem_size_0:
called_computation_lowered:
.L_overlay_start_0:
0x88: {  	s2 =	sld [smem:$0x3FD9]  }
0x89: {  	s3 =	sld [smem:$0x3FFE];
	_ =	sdelay $0x1  }
0x8a: {  	s1 =	srdreg.scid  }
0x8b: {  	s0 =	sand.u32 $0x1, s1  }
0x8c: {  	s17 =	sshll.u32 s0, $0xA;
	s2 =	sadd.s32 s3, s2  }
0x8d: {  	s2 =	sadd.s32 s2, s17  }
0x8e: {  	[smem:$0x3FC3] =	sst s2  }
0x8f: {  	_ = 	snop  }
0x90: {  	s2 =	sld [smem:$0x3FC9]  }
0x91: {  	s18 =	sld [smem:$0x3FC6]  }
0x92: {  	s4 =	sld [smem:$0x3FC5]  }
0x93: {  	s5 =	sld [smem:$0x3FD0];
	(tm) =	ssettm $0x1  }
0x94: {  	s6 =	sld [smem:$0x3FFB];
	_ =	sdelay $0x3  }
0x95: {  	_ =	strace s6  }
0x96: {  	s6 =	sld [smem:$0x3FFC];
	_ =	sdelay $0x3  }
0x97: {  	_ =	strace s6  }
0x98: {  	s6 =	sld [smem:$0x3FFD];
	_ =	sdelay $0x3  }
0x99: {  	_ =	strace s6  }
0x9a: {  	_ =	strace $0x8FFFFFFF  }
0x9b: {  	s19 =	sld [smem:$0x3FDB];
	_ =	sdelay $0x1  }
0x9c: {  	s7 =	simm.s32 $_scs_section_size  }
0x9d: {  	s8 =	simm.s32 $_size__tile_overlayer_lowered;
	s9 =	simm.s32 $_tile_overlayer_lowered  }
0x9e: {  	s22 =	simm.s32 $0x1BFF;
	s21 =	sshll.u32 s9, $0x1;
	s6 =	sadd.s32 s7, s19  }
0x9f: {  	s10 =	simm.s32 $0x0;
	s20 =	sshll.u32 s8, $0x1;
	s8 =	sadd.s32 s21, s6  }
0xa0: {  	[timem:s10], [sflag:s22] =	dma.local [hbm:s8], s20  }
0xa1: {  	_ =	swait.ge [sflag:s22], s20  }
0xa2: {  	s7 =	ssub.s32 $0x0, s20;
	[sflag:s22] =	ssyncset.done $0x0  }
0xa3: {  	[sflag:s22] =	ssyncadd.s32 s7;
	_ =	sdelay $0x1  }
0xa4: {  	s23 =	simm.s32 $0x1B8B  }
0xa5: {  	_ =	swait.ge [sflag:s23], $0x1  }
0xa6: {  	[sflag:s23] =	ssyncset.done $0x0  }
0xa7: {  	s25 =	simm.s32 $0x1B8E;
	s24 =	sld [smem:$0x3FFE];
	[sflag:s23] =	ssyncadd.s32 $0xFFFFFFFF  }
0xa8: {  	s26 =	simm.s32 $execute0_lowered;
	[smem:$0x3FD2] =	sst s25  }
0xa9: {  	s8 =	sshll.u32 s26, $0x1;
	_ =	strace $0x80000046;
	[dreg:$0x1] =	wrdreg $0xFFFFFFFF  }
0xaa: {  	s28 =	simm.s32 $_size_execute0_lowered;
	s6 =	sadd.s32 s6, s8;
	[dreg:$0x0] =	wrdreg $0x0  }
0xab: {  	s8 =	sshll.u32 s28, $0x1;
	[dreg:$0x2] =	wrdreg s6  }
0xac: {  	[dreg:$0x3] =	wrdreg s8  }
0xad: {  	[dreg:$0x4] =	wrdreg $0xC0  }
0xae: {  	_ =	task [dreg:s10], $0x5FFFF  }
0xaf: {  	[dreg:$0x1] =	wrdreg $0xFFFFFFFF  }
0xb0: {  	[dreg:$0x0] =	wrdreg $0x60  }
0xb1: {  	[dreg:$0x2] =	wrdreg s2  }
0xb2: {  	[dreg:$0x3] =	wrdreg s24  }
0xb3: {  	[dreg:$0x4] =	wrdreg s18  }
0xb4: {  	[dreg:$0x5] =	wrdreg s4  }
0xb5: {  	[dreg:$0x6] =	wrdreg s5  }
0xb6: {  	[dreg:$0x7] =	wrdreg $0x9  }
0xb7: {  	_ =	task.clear_ibuf [dreg:s10], $0x8FFFF;
	_ =	strace $0x90000046  }
0xb8: {  	s29 =	simm.s32 $0x9;
	_ =	strace $0x80000048  }
0xb9: {  	_ =	swait.ge [sflag:s29], $0x1  }
0xba: {  	[sflag:s29] =	ssyncadd.s32 $0xFFFFFFFF  }
0xbb: {  	_ =	strace $0x90000048  }
0xbc: {  	_ =	sfence  }
0xbd: {  	s30 =	sld [smem:$0x0];
	_ =	sdelay $0x2  }
0xbe: {  	s31 =	sshll.u32 s1, $0xD;
	s1 =	sshrl.u32 s1, $0x2  }
0xbf: {  	s3 =	sand.u32 $0x4000, s31;
	s1 =	sadd.s32 s1, s30  }
0xc0: {  	s0 =	sor.u32 s3, s0;
	s1 =	sshll.u32 s1, $0x11  }
0xc1: {  	s0 =	sor.u32 s1, s0  }
0xc2: {  	s0 =	sadd.s32 $0x8F2B, s0  }
0xc3: {  	[sflag:s0] =	ssyncadd.remote.s32 $0x1  }
0xc4: {  	_ =	sfence.sel $0xFFFF  }
0xc5: {  	[dreg:$0x0] =	wrdreg $0xFFFFFFFF;
	(pc) =	sbr.abs _section_cstart, $3  }
0xc6: {  	[dreg:$0x1] =	wrdreg $0xFFFFFFFF  }
0xc7: {  	_ =	task.clear_ibuf [dreg:s10], $0x2FFFF;
	_ =	strace $0x9FFFFFFF  }
0xc8: {  	(tm) =	ssettm $0x7FFFFFFF  }
0xc9: {  	_ =	shalt  }
tec
execute0_lowered:
.L_overlay_start_1:
0x0: {  	(tag) =	ssettag $0x1  }
0x1: {  	s16 =	rddreg [dreg:$0x0]  }
0x2: {  	s0 =	rddreg [dreg:$0x1]  }
0x3: {  	s25 =	rddreg [dreg:$0x2]  }
0x4: {  	s26 =	rddreg [dreg:$0x3];
	s1 =	srdreg.scid  }
0x5: {  	s2 =	stileid.u32;
	s4 =	simm.s32 $0x0;
	s1 =	sand.u32 $0x1, s1  }
0x6: {  	s2 =	sshll.u32 s2, $0x7;
	[smem:$0x7FF] =	sst s4;
	s9 =	sadd.s32 $0x400, s0  }
0x7: {  	s3 =	sshll.u32 s1, $0x6;
	_ =	strace $0x80000047;
	s1 =	ssub.s32 $0x2, s1  }
0x8: {  	[dreg:$0x7] =	wrdreg s9;
	s3 =	sor.u32 s3, s2;
	s10 =	sshrl.u32 s1, $0x1  }
0x9: {  	s2 =	sshrl.u32 s3, $0x5;
	s0 =	ssub.s32 s1, s10;
	s11 =	sshll.u32 s3, $0x5  }
0xa: {  	[dreg:$0x6] =	wrdreg s3;
	s3 =	sshll.u32 s3, $0x6;
	s1 =	sadd.s32 s16, s11  }
0xb: {  	s2 =	smul.u32 $0x5000, s2;
	s12 =	sadd.s32 s26, s3;
	[dreg:$0x8] =	wrdreg s1  }
0xc: {  	s0 =	smax.u32 s0, $0x1;
	[dreg:$0x9] =	wrdreg s12  }
0xd: {  	[dreg:$0xc] =	wrdreg s0;
	s13 =	sadd.s32 s9, s2  }
0xe: {  	s2 =	sadd.s32 s25, s2;
	[dreg:$0xa] =	wrdreg s13  }
0xf: {  	s14 =	sadd.s32 $0x80, s13;
	[dreg:$0xb] =	wrdreg s2  }
0x10: {  	s15 =	sadd.s32 $0x2000, s13;
	[dreg:$0xd] =	wrdreg s14  }
0x11: {  	s17 =	sadd.s32 $0x2080, s13;
	[dreg:$0xe] =	wrdreg s15  }
0x12: {  	s18 =	sadd.s32 $0x4000, s13;
	[dreg:$0xf] =	wrdreg s17  }
0x13: {  	s28 =	simm.s32 $0x2000;
	s19 =	sadd.s32 $0x4080, s13;
	[dreg:$0x10] =	wrdreg s18  }
0x14: {  	s29 =	simm.s32 $0x300;
	s20 =	sadd.s32 $0x80, s2;
	[dreg:$0x11] =	wrdreg s19  }
0x15: {  	s30 =	simm.s32 $0x1B00;
	s21 =	sadd.s32 $0x2000, s2;
	[dreg:$0x12] =	wrdreg s20  }
0x16: {  	s31 =	simm.s32 $0x6600;
	s22 =	sadd.s32 $0x2080, s2;
	[dreg:$0x13] =	wrdreg s21  }
0x17: {  	s4 =	simm.s32 $0x0;
	s23 =	sadd.s32 $0x4000, s2;
	[dreg:$0x14] =	wrdreg s22  }
0x18: {  	s3 =	simm.s32 $0x6300;
	s24 =	sadd.s32 $0x4080, s2;
	[dreg:$0x15] =	wrdreg s23  }
0x19: {  	s0 =	simm.s32 $0x1;
	[dreg:$0x16] =	wrdreg s24;
	s24 =	simm.s32 $0x80  }
0x1a: {  	v0 =	vimm.s32 $0xFF;
	v1 =	vimm.s32 $0x0;
	v2 =	vimm.s32 $0x1;
	s15 =	simm.s32 $0x7E00;
	s21 =	simm.s32 $0x4000;
	s18 =	simm.s32 $0x2  }
.LBB2_1:
0x1b: {  	[dreg:$0x17] =	wrdreg s4  }
0x1c: {  	s1 =	simm.s32 $0x0;
	s2 =	rddreg [dreg:$0x8];
	s12 =	simm.s32 $0x400  }
0x1d: {  	[tilespmem:s1], [sflag:$0x1] =	stream.strided.gather [hbm4b:s2+s24], $0x100, s12, s24, $0x38;
	[tilespmem:$0xCA00] =	vst v63  }
0x1e: {  	s13 =	rddreg [dreg:$0x9];
	s14 =	simm.s32 $0x100  }
0x1f: {  	[tilespmem:s14], [sflag:$0x1] =	stream.strided.gather [hbm4b:s13+s24], $0x200, s12, s24, $0x38;
	[tilespmem:$0xCA00] =	vst v63  }
0x20: {  	s17 =	rddreg [dreg:$0xa]  }
0x21: {  	[tilespmem:s29], [sflag:$0x1] =	stream.strided.gather [hbm4b:s17+s24], $0x400, s28, s24, $0x38;
	[tilespmem:$0xCA00] =	vst v63  }
0x22: {  	s19 =	rddreg [dreg:$0xd];
	s20 =	simm.s32 $0x700  }
0x23: {  	[tilespmem:s20], [sflag:$0x1] =	stream.strided.gather [hbm4b:s19+s24], $0x400, s28, s24, $0x38;
	[tilespmem:$0xCA00] =	vst v63  }
0x24: {  	s22 =	rddreg [dreg:$0xe];
	s23 =	simm.s32 $0xB00  }
0x25: {  	[tilespmem:s23], [sflag:$0x1] =	stream.strided.gather [hbm4b:s22+s24], $0x400, s28, s24, $0x38;
	[tilespmem:$0xCA00] =	vst v63  }
0x26: {  	s4 =	simm.s32 $0xF00;
	s2 =	rddreg [dreg:$0xf]  }
0x27: {  	[tilespmem:s4], [sflag:$0x1] =	stream.strided.gather [hbm4b:s2+s24], $0x400, s28, s24, $0x38;
	[tilespmem:$0xCA00] =	vst v63  }
0x28: {  	s5 =	rddreg [dreg:$0x10];
	s6 =	simm.s32 $0x1300  }
0x29: {  	[tilespmem:s6], [sflag:$0x1] =	stream.strided.gather [hbm4b:s5+s24], $0x200, s28, s24, $0x38;
	[tilespmem:$0xCA00] =	vst v63  }
0x2a: {  	s7 =	rddreg [dreg:$0x11];
	s8 =	simm.s32 $0x1700  }
0x2b: {  	[tilespmem:s8], [sflag:$0x1] =	stream.strided.gather [hbm4b:s7+s24], $0x200, s28, s24, $0x38;
	[tilespmem:$0xCA00] =	vst v63  }
0x2c: {  	s9 =	rddreg [dreg:$0xb]  }
0x2d: {  	[tilespmem:s30], [sflag:$0x1] =	stream.strided.gather [hbm4b:s9+s24], $0x400, s28, s24, $0x38;
	[tilespmem:$0xCA00] =	vst v63  }
0x2e: {  	s10 =	rddreg [dreg:$0x12];
	s11 =	simm.s32 $0x1F00  }
0x2f: {  	[tilespmem:s11], [sflag:$0x1] =	stream.strided.gather [hbm4b:s10+s24], $0x400, s28, s24, $0x38;
	[tilespmem:$0xCA00] =	vst v63  }
0x30: {  	s12 =	rddreg [dreg:$0x13];
	s13 =	simm.s32 $0x2300  }
0x31: {  	[tilespmem:s13], [sflag:$0x1] =	stream.strided.gather [hbm4b:s12+s24], $0x400, s28, s24, $0x38;
	[tilespmem:$0xCA00] =	vst v63  }
0x32: {  	s14 =	rddreg [dreg:$0x14];
	s17 =	simm.s32 $0x2700  }
0x33: {  	[tilespmem:s17], [sflag:$0x1] =	stream.strided.gather [hbm4b:s14+s24], $0x400, s28, s24, $0x38;
	[tilespmem:$0xCA00] =	vst v63  }
0x34: {  	s19 =	rddreg [dreg:$0x15];
	s20 =	simm.s32 $0x2B00  }
0x35: {  	[tilespmem:s20], [sflag:$0x1] =	stream.strided.gather [hbm4b:s19+s24], $0x200, s28, s24, $0x38;
	[tilespmem:$0xCA00] =	vst v63  }
0x36: {  	s22 =	rddreg [dreg:$0x16];
	s23 =	simm.s32 $0x2F00;
	s17 =	simm.s32 $0x0  }
0x37: {  	[tilespmem:s23], [sflag:$0x1] =	stream.strided.gather [hbm4b:s22+s24], $0x200, s28, s24, $0x38;
	[tilespmem:$0xCA00] =	vst v63  }
.LBB2_2:
0x38: {  	_ =	swait.ge [sflag:s0], $0x100  }
0x39: {  	s23 =	sshll.u32 s17, $0x1;
	s2 =	sshll.u32 s17, $0x8;
	[sflag:s0] =	ssyncset.done $0x0  }
0x3a: {  	s5 =	sshrl.u32 s17, $0x2;
	s4 =	simm.s32 $0x400;
	[sflag:s0] =	ssyncadd.s32 $0xFFFFFF00  }
0x3b: {  	s1 =	rddreg [dreg:$0x6];
	s11 =	sand.u32 $0x300, s2;
	_ =	swait.ge [sflag:s0], $0x200  }
0x3c: {  	s8 =	sand.u32 $0x3, s5;
	s1 =	sor.u32 s1, s23;
	[sflag:s0] =	ssyncset.done $0x0  }
0x3d: {  	s5 =	sshll.u32 s8, $0xB;
	s20 =	sor.u32 $0x80, s11;
	[sflag:s0] =	ssyncadd.s32 $0xFFFFFE00  }
0x3e: {  	s9 =	sshll.u32 s8, $0xC;
	s19 =	sshrl.u32 s1, $0x5;
	_ =	swait.ge [sflag:s0], $0x1400  }
0x3f: {  	s6 =	sshll.u32 s19, $0xD;
	s10 =	sshll.u32 s19, $0xE;
	[sflag:s0] =	ssyncset.done $0x0  }
0x40: {  	s12 =	smul.u32 $0x28000, s19;
	s6 =	sor.u32 s5, s6;
	[sflag:s0] =	ssyncadd.s32 $0xFFFFEC00  }
0x41: {  	s2 =	sor.u32 s9, s10;
	s6 =	sor.u32 s20, s6;
	_ =	swait.ge [sflag:s0], $0x1400  }
0x42: {  	s2 =	sor.u32 s20, s2;
	s6 =	sshrl.u32 s6, $0x3;
	[sflag:s0] =	ssyncset.done $0x0  }
0x43: {  	s2 =	sshrl.u32 s2, $0x3;
	s6 =	sadd.s32 s16, s6;
	[sflag:s0] =	ssyncadd.s32 $0xFFFFEC00  }
0x44: {  	[tilespmem:s3], [sflag:$0x2] =	stream.strided.gather [hbm4b:s6+s24], $0x100, s4, s24, $0x38;
	[tilespmem:$0xCA00] =	vst v63  }
0x45: {  	s8 =	simm.s32 $0x6400;
	s13 =	sor.u32 s5, s12;
	s2 =	sadd.s32 s26, s2  }
0x46: {  	[tilespmem:s8], [sflag:$0x2] =	stream.strided.gather [hbm4b:s2+s24], $0x200, s4, s24, $0x38;
	[tilespmem:$0xCA00] =	vst v63  }
0x47: {  	s2 =	sor.u32 s20, s13  }
0x48: {  	s14 =	rddreg [dreg:$0x7];
	s2 =	sshrl.u32 s2, $0x3  }
0x49: {  	s7 =	smov.u32 s16;
	s5 =	sadd.s32 s14, s2  }
0x4a: {  	[tilespmem:s31], [sflag:$0x2] =	stream.strided.gather [hbm4b:s5+s24], $0x400, s28, s24, $0x38;
	[tilespmem:$0xCA00] =	vst v63  }
0x4b: {  	s22 =	smov.u32 s26;
	s26 =	simm.s32 $0x6A00;
	s16 =	sadd.s32 $0x80, s5  }
0x4c: {  	[tilespmem:s26], [sflag:$0x2] =	stream.strided.gather [hbm4b:s16+s24], $0x400, s28, s24, $0x38;
	[tilespmem:$0xCA00] =	vst v63  }
0x4d: {  	[dreg:$0x18] =	wrdreg s9;
	s9 =	simm.s32 $0x6E00;
	s8 =	sadd.s32 $0x2000, s5  }
0x4e: {  	[tilespmem:s9], [sflag:$0x2] =	stream.strided.gather [hbm4b:s8+s24], $0x400, s28, s24, $0x38;
	[tilespmem:$0xCA00] =	vst v63  }
0x4f: {  	s12 =	simm.s32 $0x7200;
	s10 =	sadd.s32 $0x2080, s5  }
0x50: {  	[tilespmem:s12], [sflag:$0x2] =	stream.strided.gather [hbm4b:s10+s24], $0x400, s28, s24, $0x38;
	[tilespmem:$0xCA00] =	vst v63  }
0x51: {  	s14 =	simm.s32 $0x7600;
	s13 =	sadd.s32 $0x4000, s5  }
0x52: {  	[tilespmem:s14], [sflag:$0x2] =	stream.strided.gather [hbm4b:s13+s24], $0x200, s28, s24, $0x38;
	[tilespmem:$0xCA00] =	vst v63  }
0x53: {  	s5 =	sadd.s32 $0x4080, s5;
	s16 =	simm.s32 $0x7A00  }
0x54: {  	[tilespmem:s16], [sflag:$0x2] =	stream.strided.gather [hbm4b:s5+s24], $0x200, s28, s24, $0x38;
	[tilespmem:$0xCA00] =	vst v63  }
0x55: {  	p2 =	seq.s32 s17, $0x0;
	s2 =	sadd.s32 s25, s2  }
0x56: {  	[tilespmem:s15], [sflag:$0x2] =	stream.strided.gather [hbm4b:s2+s24], $0x400, s28, s24, $0x38;
	[tilespmem:$0xCA00] =	vst v63  }
0x57: {  	s26 =	simm.s32 $0x8200;
	s8 =	smov.u32 s25;
	s25 =	sadd.s32 $0x80, s2  }
0x58: {  	[tilespmem:s26], [sflag:$0x2] =	stream.strided.gather [hbm4b:s25+s24], $0x400, s28, s24, $0x38;
	[tilespmem:$0xCA00] =	vst v63  }
0x59: {  	p0 =	seq.s32 s1, $0x0;
	s6 =	sadd.s32 $0x2000, s2;
	s9 =	simm.s32 $0x8600  }
0x5a: {  	[tilespmem:s9], [sflag:$0x2] =	stream.strided.gather [hbm4b:s6+s24], $0x400, s28, s24, $0x38;
	[tilespmem:$0xCA00] =	vst v63  }
0x5b: {  	s1 =	simm.s32 @!p2 $0x3;
	s10 =	sadd.s32 $0x2080, s2;
	s12 =	simm.s32 $0x8A00  }
0x5c: {  	[tilespmem:s12], [sflag:$0x2] =	stream.strided.gather [hbm4b:s10+s24], $0x400, s28, s24, $0x38;
	[tilespmem:$0xCA00] =	vst v63  }
0x5d: {  	s13 =	sadd.s32 $0x4000, s2;
	s14 =	simm.s32 $0x8E00;
	s25 =	sand.u32 $0xF, s17  }
0x5e: {  	[tilespmem:s14], [sflag:$0x2] =	stream.strided.gather [hbm4b:s13+s24], $0x200, s28, s24, $0x38;
	[tilespmem:$0xCA00] =	vst v63  }
0x5f: {  	s16 =	simm.s32 $0x9200;
	s2 =	sadd.s32 $0x4080, s2;
	p1 =	sne.s32 s25, $0x0  }
0x60: {  	[tilespmem:s16], [sflag:$0x2] =	stream.strided.gather [hbm4b:s2+s24], $0x200, s28, s24, $0x38;
	[tilespmem:$0xCA00] =	vst v63  }
0x61: {  	s26 =	sshll.u32 s17, $0xA;
	p0 =	por !p1, !p0;
	_ =	swait.ge @!p2 [sflag:s1], $0x2800  }
0x62: {  	p0 =	por !p0, !p0;
	s2 =	simm.s32 $0x1;
	[sflag:s1] =	ssyncset.done @!p2 $0x0  }
0x63: {  	s6 =	simm.s32 $0x0;
	s2 =	simm.s32 @!p0 $0x0;
	[sflag:s1] =	ssyncadd.s32 @!p2 $0xFFFFD800  }
0x64: {  	s26 =	sand.u32 $0x3000, s26;
	s12 =	ssub.s32 s19, s2;
	s1 =	simm.s32 $0x0;
	v3 =	vld.idx.msk [tilespmem:v0+s6+$0x0], $0xffff  }
.LBB2_3:
0x65: {  	s2 =	sshra.s32 s1, $0x2  }
0x66: {  	v11 =	vld [tilespmem:s2+$0x100]  }
0x67: {  	v10 =	vld [tilespmem:s2+$0x110]  }
0x68: {  	v9 =	vld [tilespmem:s2+$0x120]  }
0x69: {  	v6 =	vld [tilespmem:s2+$0x130]  }
0x6a: {  	v5 =	vld [tilespmem:s2+$0x140]  }
0x6b: {  	v7 =	vld [tilespmem:s2+$0x160];
	_ =	sdelay $0x3  }
0x6c: {  	vm0 =	vlt.f32 v3, v11;
	vm10 =	vlt.f32 v3, v10;
	vm11 =	vlt.f32 v3, v9  }
0x6d: {  	vm1 =	vlt.f32 v3, v6;
	vm12 =	vlt.f32 v3, v5;
	vm14 =	vlt.f32 v3, v7  }
0x6e: {  	v12 =	vsel vm0, $0x100, v1;
	v13 =	vsel vm10, $0x100, v1;
	v14 =	vsel vm11, $0x100, v1  }
0x6f: {  	v15 =	vsel vm1, $0x100, v1;
	v16 =	vsel vm12, $0x100, v1;
	v8 =	vor.u32 $0x80, v12  }
0x70: {  	v29 =	vsel vm14, $0x100, v1;
	v38 =	vor.u32 $0x80, v13;
	v18 =	vmin.u32 v8, $0x100  }
0x71: {  	v20 =	vor.u32 $0x80, v14;
	v19 =	vmin.u32 v38, $0x100;
	v21 =	vadd.s32 $0xFFFFFFFF, v18  }
0x72: {  	v22 =	vor.u32 $0x80, v15;
	v20 =	vmin.u32 v20, $0x100;
	v23 =	vadd.s32 $0xFFFFFFFF, v19  }
0x73: {  	v24 =	vor.u32 $0x80, v16;
	v22 =	vmin.u32 v22, $0x100;
	v25 =	vadd.s32 $0xFFFFFFFF, v20  }
0x74: {  	v4 =	vld [tilespmem:s2+$0x150];
	v31 =	vor.u32 $0x80, v29;
	v24 =	vmin.u32 v24, $0x100;
	v27 =	vadd.s32 $0xFFFFFFFF, v22  }
0x75: {  	v8 =	vld [tilespmem:s2+$0x170];
	v31 =	vmin.u32 v31, $0x100;
	v28 =	vadd.s32 $0xFFFFFFFF, v24  }
0x76: {  	v34 =	vadd.s32 $0xFFFFFFFF, v31;
	v21 =	vld.idx.msk [tilespmem:v21+s6+$0x0], $0xffff  }
0x77: {  	v23 =	vld.idx.msk [tilespmem:v23+s6+$0x0], $0xffff  }
0x78: {  	v25 =	vld.idx.msk [tilespmem:v25+s6+$0x0], $0xffff  }
0x79: {  	v27 =	vld.idx.msk [tilespmem:v27+s6+$0x0], $0xffff  }
0x7a: {  	vm13 =	vlt.f32 v3, v4;
	vm15 =	vlt.f32 v3, v8;
	v28 =	vld.idx.msk [tilespmem:v28+s6+$0x0], $0xffff  }
0x7b: {  	v17 =	vsel vm13, $0x100, v1;
	v32 =	vsel vm15, $0x100, v1;
	v39 =	vld.idx.msk [tilespmem:v34+s6+$0x0], $0xffff  }
0x7c: {  	v26 =	vor.u32 $0x80, v17;
	v33 =	vor.u32 $0x80, v32  }
0x7d: {  	v26 =	vmin.u32 v26, $0x100;
	v33 =	vmin.u32 v33, $0x100  }
0x7e: {  	v30 =	vadd.s32 $0xFFFFFFFF, v26;
	v35 =	vadd.s32 $0xFFFFFFFF, v33  }
0x7f: {  	vm4 =	vlt.f32 v21, v11;
	vm5 =	vlt.f32 v23, v10;
	vm6 =	vlt.f32 v25, v9  }
0x80: {  	vm7 =	vlt.f32 v27, v6;
	vm8 =	vlt.f32 v28, v5;
	vm10 =	vlt.f32 v39, v7  }
0x81: {  	v12 =	vsel vm4, v18, v12;
	v13 =	vsel vm5, v19, v13;
	v14 =	vsel vm6, v20, v14  }
0x82: {  	v15 =	vsel vm7, v22, v15;
	v16 =	vsel vm8, v24, v16;
	v41 =	vor.u32 $0x40, v12  }
0x83: {  	v47 =	vsel vm10, v31, v29;
	v42 =	vor.u32 $0x40, v13;
	v20 =	vmin.u32 v41, $0x100  }
0x84: {  	v43 =	vor.u32 $0x40, v14;
	v21 =	vmin.u32 v42, $0x100;
	v44 =	vadd.s32 $0xFFFFFFFF, v20  }
0x85: {  	v30 =	vld.idx.msk [tilespmem:v30+s6+$0x0], $0xffff;
	v48 =	vor.u32 $0x40, v15;
	v45 =	vmin.u32 v43, $0x100;
	v46 =	vadd.s32 $0xFFFFFFFF, v21  }
0x86: {  	v51 =	vor.u32 $0x40, v16;
	v50 =	vmin.u32 v48, $0x100;
	v49 =	vadd.s32 $0xFFFFFFFF, v45  }
0x87: {  	v29 =	vor.u32 $0x40, v47;
	v40 =	vld.idx.msk [tilespmem:v35+s6+$0x0], $0xffff;
	v25 =	vmin.u32 v51, $0x100;
	v53 =	vadd.s32 $0xFFFFFFFF, v50  }
0x88: {  	v29 =	vmin.u32 v29, $0x100;
	v54 =	vadd.s32 $0xFFFFFFFF, v25  }
0x89: {  	v57 =	vadd.s32 $0xFFFFFFFF, v29;
	v23 =	vld.idx.msk [tilespmem:v44+s6+$0x0], $0xffff  }
0x8a: {  	vm9 =	vlt.f32 v30, v4;
	v22 =	vld.idx.msk [tilespmem:v46+s6+$0x0], $0xffff  }
0x8b: {  	v17 =	vsel vm9, v26, v17;
	v26 =	vld.idx.msk [tilespmem:v49+s6+$0x0], $0xffff  }
0x8c: {  	vm11 =	vlt.f32 v40, v8;
	v28 =	vld.idx.msk [tilespmem:v53+s6+$0x0], $0xffff  }
0x8d: {  	v55 =	vsel vm11, v33, v32;
	v30 =	vld.idx.msk [tilespmem:v54+s6+$0x0], $0xffff  }
0x8e: {  	v52 =	vor.u32 $0x40, v17;
	v60 =	vld.idx.msk [tilespmem:v57+s6+$0x0], $0xffff;
	v33 =	vor.u32 $0x40, v55  }
0x8f: {  	v27 =	vmin.u32 v52, $0x100;
	v33 =	vmin.u32 v33, $0x100  }
0x90: {  	v56 =	vadd.s32 $0xFFFFFFFF, v27;
	v58 =	vadd.s32 $0xFFFFFFFF, v33  }
0x91: {  	vm12 =	vlt.f32 v23, v11;
	vm13 =	vlt.f32 v22, v10;
	vm14 =	vlt.f32 v26, v9  }
0x92: {  	vm15 =	vlt.f32 v28, v6;
	vm4 =	vlt.f32 v30, v5;
	v12 =	vsel vm12, v20, v12  }
0x93: {  	vm6 =	vlt.f32 v60, v7;
	v13 =	vsel vm13, v21, v13;
	v61 =	vmin.u32 v12, $0xE0  }
0x94: {  	v14 =	vsel vm14, v45, v14;
	v62 =	vmin.u32 v13, $0xE0;
	v63 =	vadd.s32 $0x1F, v61  }
0x95: {  	v59 =	vld.idx.msk [tilespmem:v56+s6+$0x0], $0xffff;
	v15 =	vsel vm15, v50, v15;
	v37 =	vmin.u32 v14, $0xE0;
	v38 =	vadd.s32 $0x1F, v62  }
0x96: {  	v16 =	vsel vm4, v25, v16;
	v40 =	vmin.u32 v15, $0xE0;
	v39 =	vadd.s32 $0x1F, v37  }
0x97: {  	v42 =	vsel vm6, v29, v47;
	v43 =	vmin.u32 v16, $0xE0;
	v41 =	vadd.s32 $0x1F, v40  }
0x98: {  	v48 =	vmin.u32 v42, $0xE0;
	v36 =	vld.idx.msk [tilespmem:v58+s6+$0x0], $0xffff;
	v46 =	vadd.s32 $0x1F, v43  }
0x99: {  	v50 =	vadd.s32 $0x1F, v48;
	v22 =	vld.idx.msk [tilespmem:v63+s6+$0x0], $0xffff  }
0x9a: {  	vm5 =	vlt.f32 v59, v4;
	v45 =	vld.idx.msk [tilespmem:v38+s6+$0x0], $0xffff  }
0x9b: {  	v17 =	vsel vm5, v27, v17;
	v19 =	vld.idx.msk [tilespmem:v39+s6+$0x0], $0xffff  }
0x9c: {  	v44 =	vmin.u32 v17, $0xE0;
	v20 =	vld.idx.msk [tilespmem:v41+s6+$0x0], $0xffff  }
0x9d: {  	v49 =	vadd.s32 $0x1F, v44;
	vm7 =	vlt.f32 v36, v8;
	v53 =	vld.idx.msk [tilespmem:v46+s6+$0x0], $0xffff  }
0x9e: {  	v21 =	vadd.s32 $0x20, v61;
	v18 =	vadd.s32 $0x20, v62;
	v56 =	vld.idx.msk [tilespmem:v50+s6+$0x0], $0xffff;
	v47 =	vsel vm7, v33, v55  }
0x9f: {  	v28 =	vadd.s32 $0x20, v37;
	v25 =	vadd.s32 $0x20, v40;
	v33 =	vmin.u32 v47, $0xE0  }
0xa0: {  	v52 =	vadd.s32 $0x20, v43;
	v31 =	vadd.s32 $0x20, v48;
	v51 =	vadd.s32 $0x1F, v33  }
0xa1: {  	vm8 =	vlt.f32 v22, v11;
	vm9 =	vlt.f32 v45, v10;
	vm10 =	vlt.f32 v19, v9  }
0xa2: {  	vm11 =	vlt.f32 v20, v6;
	vm12 =	vlt.f32 v53, v5;
	v12 =	vsel vm8, v21, v12  }
0xa3: {  	vm14 =	vlt.f32 v56, v7;
	v13 =	vsel vm9, v18, v13;
	v55 =	vmin.u32 v12, $0xF0  }
0xa4: {  	v14 =	vsel vm10, v28, v14;
	v57 =	vmin.u32 v13, $0xF0;
	v58 =	vadd.s32 $0xF, v55  }
0xa5: {  	v15 =	vsel vm11, v25, v15;
	v60 =	vmin.u32 v14, $0xF0;
	v61 =	vadd.s32 $0xF, v57  }
0xa6: {  	v54 =	vld.idx.msk [tilespmem:v49+s6+$0x0], $0xffff;
	v16 =	vsel vm12, v52, v16;
	v63 =	vmin.u32 v15, $0xF0;
	v62 =	vadd.s32 $0xF, v60  }
0xa7: {  	v23 =	vsel vm14, v31, v42;
	v38 =	vmin.u32 v16, $0xF0;
	v36 =	vadd.s32 $0xF, v63  }
0xa8: {  	v31 =	vmin.u32 v23, $0xF0;
	v59 =	vld.idx.msk [tilespmem:v51+s6+$0x0], $0xffff;
	v40 =	vadd.s32 $0xF, v38  }
0xa9: {  	v26 =	vadd.s32 $0x20, v44;
	v44 =	vadd.s32 $0xF, v31;
	v28 =	vld.idx.msk [tilespmem:v58+s6+$0x0], $0xffff  }
0xaa: {  	v39 =	vld.idx.msk [tilespmem:v61+s6+$0x0], $0xffff  }
0xab: {  	vm13 =	vlt.f32 v54, v4;
	v25 =	vld.idx.msk [tilespmem:v62+s6+$0x0], $0xffff  }
0xac: {  	v37 =	vadd.s32 $0x20, v33;
	v17 =	vsel vm13, v26, v17;
	v21 =	vld.idx.msk [tilespmem:v36+s6+$0x0], $0xffff  }
0xad: {  	v41 =	vmin.u32 v17, $0xF0;
	v18 =	vadd.s32 $0x10, v55;
	vm15 =	vlt.f32 v59, v8;
	v46 =	vld.idx.msk [tilespmem:v40+s6+$0x0], $0xffff  }
0xae: {  	v42 =	vadd.s32 $0xF, v41;
	v27 =	vadd.s32 $0x10, v57;
	v50 =	vld.idx.msk [tilespmem:v44+s6+$0x0], $0xffff;
	v22 =	vsel vm15, v37, v47  }
0xaf: {  	v20 =	vadd.s32 $0x10, v60;
	v24 =	vadd.s32 $0x10, v63;
	v43 =	vmin.u32 v22, $0xF0  }
0xb0: {  	v26 =	vadd.s32 $0x10, v38;
	v31 =	vadd.s32 $0x10, v31;
	v45 =	vadd.s32 $0xF, v43  }
0xb1: {  	vm4 =	vlt.f32 v28, v11;
	vm5 =	vlt.f32 v39, v10;
	vm6 =	vlt.f32 v25, v9  }
0xb2: {  	vm7 =	vlt.f32 v21, v6;
	vm8 =	vlt.f32 v46, v5;
	v12 =	vsel vm4, v18, v12  }
0xb3: {  	vm10 =	vlt.f32 v50, v7;
	v13 =	vsel vm5, v27, v13;
	v18 =	vmin.u32 v12, $0xF8  }
0xb4: {  	v14 =	vsel vm6, v20, v14;
	v48 =	vmin.u32 v13, $0xF8;
	v49 =	vadd.s32 $0x7, v18  }
0xb5: {  	v15 =	vsel vm7, v24, v15;
	v51 =	vmin.u32 v14, $0xF8;
	v52 =	vadd.s32 $0x7, v48  }
0xb6: {  	v47 =	vld.idx.msk [tilespmem:v42+s6+$0x0], $0xffff;
	v16 =	vsel vm8, v26, v16;
	v55 =	vmin.u32 v15, $0xF8;
	v54 =	vadd.s32 $0x7, v51  }
0xb7: {  	v23 =	vsel vm10, v31, v23;
	v57 =	vmin.u32 v16, $0xF8;
	v56 =	vadd.s32 $0x7, v55  }
0xb8: {  	v31 =	vmin.u32 v23, $0xF8;
	v53 =	vld.idx.msk [tilespmem:v45+s6+$0x0], $0xffff;
	v59 =	vadd.s32 $0x7, v57  }
0xb9: {  	v61 =	vadd.s32 $0x7, v31;
	v25 =	vld.idx.msk [tilespmem:v49+s6+$0x0], $0xffff  }
0xba: {  	v58 =	vld.idx.msk [tilespmem:v52+s6+$0x0], $0xffff  }
0xbb: {  	v30 =	vadd.s32 $0x10, v41;
	vm9 =	vlt.f32 v47, v4;
	v24 =	vld.idx.msk [tilespmem:v54+s6+$0x0], $0xffff  }
0xbc: {  	v33 =	vadd.s32 $0x10, v43;
	v17 =	vsel vm9, v30, v17;
	v26 =	vld.idx.msk [tilespmem:v56+s6+$0x0], $0xffff  }
0xbd: {  	v30 =	vmin.u32 v17, $0xF8;
	v18 =	vadd.s32 $0x8, v18;
	vm11 =	vlt.f32 v53, v8;
	v29 =	vld.idx.msk [tilespmem:v59+s6+$0x0], $0xffff  }
0xbe: {  	v20 =	vadd.s32 $0x8, v48;
	v21 =	vadd.s32 $0x8, v51;
	v37 =	vld.idx.msk [tilespmem:v61+s6+$0x0], $0xffff;
	v22 =	vsel vm11, v33, v22  }
0xbf: {  	v28 =	vadd.s32 $0x8, v55;
	v19 =	vadd.s32 $0x8, v57;
	v33 =	vmin.u32 v22, $0xF8  }
0xc0: {  	v31 =	vadd.s32 $0x8, v31;
	v60 =	vadd.s32 $0x7, v30;
	v62 =	vadd.s32 $0x7, v33  }
0xc1: {  	vm12 =	vlt.f32 v25, v11;
	vm13 =	vlt.f32 v58, v10;
	vm14 =	vlt.f32 v24, v9  }
0xc2: {  	vm15 =	vlt.f32 v26, v6;
	vm4 =	vlt.f32 v29, v5;
	v12 =	vsel vm12, v18, v12  }
0xc3: {  	vm6 =	vlt.f32 v37, v7;
	v13 =	vsel vm13, v20, v13;
	v36 =	vmin.u32 v12, $0xFC  }
0xc4: {  	v14 =	vsel vm14, v21, v14;
	v38 =	vmin.u32 v13, $0xFC;
	v39 =	vadd.s32 $0x3, v36  }
0xc5: {  	v15 =	vsel vm15, v28, v15;
	v41 =	vmin.u32 v14, $0xFC;
	v42 =	vadd.s32 $0x3, v38  }
0xc6: {  	v63 =	vld.idx.msk [tilespmem:v60+s6+$0x0], $0xffff;
	v16 =	vsel vm4, v19, v16;
	v43 =	vmin.u32 v15, $0xFC;
	v44 =	vadd.s32 $0x3, v41  }
0xc7: {  	v23 =	vsel vm6, v31, v23;
	v46 =	vmin.u32 v16, $0xFC;
	v45 =	vadd.s32 $0x3, v43  }
0xc8: {  	v52 =	vmin.u32 v23, $0xFC;
	v40 =	vld.idx.msk [tilespmem:v62+s6+$0x0], $0xffff;
	v47 =	vadd.s32 $0x3, v46  }
0xc9: {  	v53 =	vadd.s32 $0x3, v52;
	v25 =	vld.idx.msk [tilespmem:v39+s6+$0x0], $0xffff  }
0xca: {  	v49 =	vld.idx.msk [tilespmem:v42+s6+$0x0], $0xffff  }
0xcb: {  	v30 =	vadd.s32 $0x8, v30;
	vm5 =	vlt.f32 v63, v4;
	v50 =	vld.idx.msk [tilespmem:v44+s6+$0x0], $0xffff  }
0xcc: {  	v33 =	vadd.s32 $0x8, v33;
	v17 =	vsel vm5, v30, v17;
	v19 =	vld.idx.msk [tilespmem:v45+s6+$0x0], $0xffff  }
0xcd: {  	v48 =	vmin.u32 v17, $0xFC;
	v20 =	vadd.s32 $0x4, v36;
	vm7 =	vlt.f32 v40, v8;
	v30 =	vld.idx.msk [tilespmem:v47+s6+$0x0], $0xffff  }
0xce: {  	v24 =	vadd.s32 $0x4, v38;
	v27 =	vadd.s32 $0x4, v41;
	v59 =	vld.idx.msk [tilespmem:v53+s6+$0x0], $0xffff;
	v22 =	vsel vm7, v33, v22  }
0xcf: {  	v29 =	vadd.s32 $0x4, v43;
	v51 =	vadd.s32 $0x3, v48;
	v54 =	vmin.u32 v22, $0xFC  }
0xd0: {  	v18 =	vadd.s32 $0x4, v46;
	v32 =	vadd.s32 $0x4, v52;
	v55 =	vadd.s32 $0x3, v54  }
0xd1: {  	vm8 =	vlt.f32 v25, v11;
	vm9 =	vlt.f32 v49, v10;
	vm10 =	vlt.f32 v50, v9  }
0xd2: {  	vm11 =	vlt.f32 v19, v6;
	vm12 =	vlt.f32 v30, v5;
	v12 =	vsel vm8, v20, v12  }
0xd3: {  	vm14 =	vlt.f32 v59, v7;
	v13 =	vsel vm9, v24, v13;
	v58 =	vmin.u32 v12, $0xFE  }
0xd4: {  	v57 =	vld.idx.msk [tilespmem:v51+s6+$0x0], $0xffff;
	v14 =	vsel vm10, v27, v14;
	v60 =	vmin.u32 v13, $0xFE;
	v61 =	vadd.s32 $0x1, v58  }
0xd5: {  	v15 =	vsel vm11, v29, v15;
	v62 =	vmin.u32 v14, $0xFE;
	v63 =	vadd.s32 $0x1, v60  }
0xd6: {  	v16 =	vsel vm12, v18, v16;
	v36 =	vmin.u32 v15, $0xFE;
	v37 =	vadd.s32 $0x1, v62  }
0xd7: {  	v23 =	vsel vm14, v32, v23;
	v38 =	vmin.u32 v16, $0xFE;
	v25 =	vld.idx.msk [tilespmem:v55+s6+$0x0], $0xffff;
	v39 =	vadd.s32 $0x1, v36  }
0xd8: {  	v44 =	vmin.u32 v23, $0xFE;
	v40 =	vadd.s32 $0x1, v38  }
0xd9: {  	v56 =	vadd.s32 $0x4, v48;
	vm13 =	vlt.f32 v57, v4;
	v45 =	vadd.s32 $0x1, v44;
	v27 =	vld.idx.msk [tilespmem:v61+s6+$0x0], $0xffff  }
0xda: {  	v43 =	vadd.s32 $0x4, v54;
	v17 =	vsel vm13, v56, v17;
	v29 =	vld.idx.msk [tilespmem:v63+s6+$0x0], $0xffff  }
0xdb: {  	v41 =	vmin.u32 v17, $0xFE;
	v19 =	vadd.s32 $0x2, v58;
	v26 =	vadd.s32 $0x2, v60;
	v30 =	vld.idx.msk [tilespmem:v37+s6+$0x0], $0xffff  }
0xdc: {  	v28 =	vadd.s32 $0x2, v62;
	v42 =	vadd.s32 $0x1, v41;
	vm15 =	vlt.f32 v25, v8;
	v31 =	vld.idx.msk [tilespmem:v39+s6+$0x0], $0xffff  }
0xdd: {  	v18 =	vadd.s32 $0x2, v36;
	v21 =	vadd.s32 $0x2, v38;
	v20 =	vld.idx.msk [tilespmem:v40+s6+$0x0], $0xffff;
	v22 =	vsel vm15, v43, v22  }
0xde: {  	v49 =	vld.idx.msk [tilespmem:v45+s6+$0x0], $0xffff;
	v25 =	vadd.s32 $0x2, v44;
	v46 =	vmin.u32 v22, $0xFE;
	vm4 =	vlt.f32 v27, v11  }
0xdf: {  	v47 =	vadd.s32 $0x1, v46;
	vm5 =	vlt.f32 v29, v10;
	v12 =	vsel vm4, v19, v12  }
0xe0: {  	vm6 =	vlt.f32 v30, v9;
	v13 =	vsel vm5, v26, v13;
	v19 =	vmin.u32 v12, $0xFF  }
0xe1: {  	v48 =	vld.idx.msk [tilespmem:v42+s6+$0x0], $0xffff;
	vm7 =	vlt.f32 v31, v6;
	v14 =	vsel vm6, v28, v14;
	v50 =	vmin.u32 v13, $0xFF  }
0xe2: {  	vm8 =	vlt.f32 v20, v5;
	v15 =	vsel vm7, v18, v15;
	v51 =	vmin.u32 v14, $0xFF  }
0xe3: {  	vm10 =	vlt.f32 v49, v7;
	v16 =	vsel vm8, v21, v16;
	v53 =	vmin.u32 v15, $0xFF  }
0xe4: {  	v23 =	vsel vm10, v25, v23;
	v54 =	vmin.u32 v16, $0xFF;
	v52 =	vld.idx.msk [tilespmem:v47+s6+$0x0], $0xffff  }
0xe5: {  	v60 =	vmin.u32 v23, $0xFF;
	v55 =	vld.idx.msk [tilespmem:v19+s6+$0x0], $0xffff  }
0xe6: {  	v24 =	vadd.s32 $0x2, v41;
	vm9 =	vlt.f32 v48, v4;
	v57 =	vld.idx.msk [tilespmem:v50+s6+$0x0], $0xffff  }
0xe7: {  	v17 =	vsel vm9, v24, v17;
	v58 =	vld.idx.msk [tilespmem:v51+s6+$0x0], $0xffff  }
0xe8: {  	v56 =	vmin.u32 v17, $0xFF;
	v61 =	vld.idx.msk [tilespmem:v53+s6+$0x0], $0xffff  }
0xe9: {  	v59 =	vadd.s32 $0x2, v46;
	v62 =	vld.idx.msk [tilespmem:v54+s6+$0x0], $0xffff;
	vm11 =	vlt.f32 v52, v8  }
0xea: {  	v28 =	vadd.s32 $0x1, v50;
	v18 =	vadd.s32 $0x1, v51;
	v37 =	vld.idx.msk [tilespmem:v60+s6+$0x0], $0xffff;
	v22 =	vsel vm11, v59, v22  }
0xeb: {  	v21 =	vadd.s32 $0x1, v53;
	v35 =	vadd.s32 $0x1, v54;
	v63 =	vmin.u32 v22, $0xFF  }
0xec: {  	v38 =	vadd.s32 $0x1, v60;
	v36 =	vadd.s32 $0x1, v56;
	v19 =	vadd.s32 $0x1, v19  }
0xed: {  	v34 =	vld.idx.msk [tilespmem:v56+s6+$0x0], $0xffff;
	v39 =	vadd.s32 $0x1, v63;
	vm12 =	vlt.f32 v55, v11;
	vm13 =	vlt.f32 v57, v10  }
0xee: {  	vm14 =	vlt.f32 v58, v9;
	vm15 =	vlt.f32 v61, v6;
	vm4 =	vlt.f32 v62, v5  }
0xef: {  	vm6 =	vlt.f32 v37, v7;
	v12 =	vsel vm12, v19, v12;
	v13 =	vsel vm13, v28, v13  }
0xf0: {  	v14 =	vsel vm14, v18, v14;
	v15 =	vsel vm15, v21, v15;
	v41 =	vmax.u32 v12, $0x1;
	v40 =	vld.idx.msk [tilespmem:v63+s6+$0x0], $0xffff  }
0xf1: {  	v16 =	vsel vm4, v35, v16;
	v42 =	vmax.u32 v13, $0x1;
	v19 =	vsub.s32 v41, v2  }
0xf2: {  	vm5 =	vlt.f32 v34, v4;
	v43 =	vmax.u32 v14, $0x1;
	v24 =	vsub.s32 v42, v2  }
0xf3: {  	v18 =	vsel vm6, v38, v23;
	v44 =	vmax.u32 v15, $0x1;
	v25 =	vsub.s32 v43, v2  }
0xf4: {  	v17 =	vsel vm5, v36, v17;
	v46 =	vmax.u32 v16, $0x1;
	v45 =	vsub.s32 v44, v2  }
0xf5: {  	v50 =	vmax.u32 v18, $0x1;
	v47 =	vsub.s32 v46, v2;
	vm7 =	vlt.f32 v40, v8  }
0xf6: {  	v48 =	vmax.u32 v17, $0x1;
	v26 =	vsub.s32 v50, v2;
	v51 =	vld.idx.msk [tilespmem:v19+s6+$0x0], $0xffff;
	v20 =	vsel vm7, v39, v22  }
0xf7: {  	v49 =	vsub.s32 v48, v2;
	v53 =	vld.idx.msk [tilespmem:v24+s6+$0x0], $0xffff;
	v52 =	vmax.u32 v20, $0x1  }
0xf8: {  	v54 =	vld.idx.msk [tilespmem:v25+s6+$0x0], $0xffff;
	v28 =	vsub.s32 v52, v2  }
0xf9: {  	v55 =	vld.idx.msk [tilespmem:v45+s6+$0x0], $0xffff  }
0xfa: {  	vm8 =	veq.s32 v12, $0x0;
	v56 =	vld.idx.msk [tilespmem:v47+s6+$0x0], $0xffff  }
0xfb: {  	v58 =	vld.idx.msk [tilespmem:v26+s6+$0x0], $0xffff;
	v27 =	vsel vm8, $0x0, v51  }
0xfc: {  	vm9 =	veq.s32 v13, $0x0;
	v57 =	vld.idx.msk [tilespmem:v49+s6+$0x0], $0xffff;
	v11 =	vsub.f32 v27, v11  }
0xfd: {  	v13 =	vsel vm9, $0x0, v53;
	v59 =	vld.idx.msk [tilespmem:v28+s6+$0x0], $0xffff;
	[tilespmem:s2+$0xC600] =	vst v19  }
0xfe: {  	vm10 =	veq.s32 v14, $0x0;
	v10 =	vsub.f32 v13, v10;
	[tilespmem:s2+$0xC800] =	vst v11  }
0xff: {  	v60 =	vsel vm10, $0x0, v54;
	[tilespmem:s2+$0xC610] =	vst v24  }
0x100: {  	vm11 =	veq.s32 v15, $0x0;
	v9 =	vsub.f32 v60, v9;
	[tilespmem:s2+$0xC810] =	vst v10  }
0x101: {  	v61 =	vsel vm11, $0x0, v55;
	[tilespmem:s2+$0xC620] =	vst v25  }
0x102: {  	vm12 =	veq.s32 v16, $0x0;
	v6 =	vsub.f32 v61, v6;
	[tilespmem:s2+$0xC820] =	vst v9  }
0x103: {  	v62 =	vsel vm12, $0x0, v56;
	[tilespmem:s2+$0xC630] =	vst v45  }
0x104: {  	vm13 =	veq.s32 v17, $0x0;
	v5 =	vsub.f32 v62, v5;
	[tilespmem:s2+$0xC830] =	vst v6  }
0x105: {  	v63 =	vsel vm13, $0x0, v57;
	[tilespmem:s2+$0xC640] =	vst v47  }
0x106: {  	vm14 =	veq.s32 v18, $0x0;
	v4 =	vsub.f32 v63, v4;
	[tilespmem:s2+$0xC840] =	vst v5  }
0x107: {  	p0 =	sne.s32 s1, $0x600;
	v5 =	vsel vm14, $0x0, v58;
	[tilespmem:s2+$0xC650] =	vst v49  }
.Ltmp0:
0x108: {  	vm15 =	veq.s32 v20, $0x0;
	[tilespmem:s2+$0xC850] =	vst v4;
	v4 =	vsub.f32 v5, v7;
	(pc) =	sbr.rel @p0 .LBB2_3-.Ltmp0, $4  }
0x109: {  	[tilespmem:s2+$0xC660] =	vst v26;
	v5 =	vsel vm15, $0x0, v59  }
0x10a: {  	[tilespmem:s2+$0xC860] =	vst v4;
	v4 =	vsub.f32 v5, v8  }
0x10b: {  	[tilespmem:s2+$0xC670] =	vst v28  }
0x10c: {  	s1 =	sadd.s32 $0x200, s1;
	[tilespmem:s2+$0xC870] =	vst v4  }
0x10d: {  	s9 =	simm.s32 $0xC600  }
0x10e: {  	s10 =	simm.s32 $0xC800;
	s13 =	simm.s32 $0x0;
	s14 =	simm.s32 $0x0  }
.LBB2_5:
0x10f: {  	v3 =	vld [tilespmem:s9+$0x0];
	_ =	sdelay $0x4  }
0x110: {  	v5 =	vshll.u32 v3, $0x3  }
0x111: {  	v3 =	vand.u32 $0x7F, v3;
	v5 =	vand.u32 $0xFFFFFC00, v5  }
0x112: {  	s2 =	sand.u32 $0x60, s14;
	v6 =	vor.u32 v3, v5  }
0x113: {  	s5 =	sand.u32 $0x180, s14;
	s1 =	sor.u32 $0x10, s2;
	v9 =	vor.u32 $0x80, v6  }
0x114: {  	s5 =	sor.u32 s5, s1;
	v10 =	vor.u32 $0x100, v6  }
0x115: {  	v4 =	vld [tilespmem:s5+$0xC600];
	v11 =	vor.u32 $0x180, v6  }
0x116: {  	v5 =	vld [tilespmem:s10+$0x0];
	v14 =	vor.u32 $0x200, v6  }
0x117: {  	v16 =	vor.u32 $0x280, v6;
	v12 =	vld.idx.msk [tilespmem:v6+s30+$0x0], $0xffff  }
0x118: {  	v18 =	vor.u32 $0x300, v6;
	v13 =	vld.idx.msk [tilespmem:v9+s30+$0x0], $0xffff  }
0x119: {  	v19 =	vor.u32 $0x380, v6;
	v15 =	vld.idx.msk [tilespmem:v10+s30+$0x0], $0xffff  }
0x11a: {  	v24 =	vadd.s32 $0x800, v6;
	v17 =	vld.idx.msk [tilespmem:v11+s30+$0x0], $0xffff  }
0x11b: {  	v7 =	vshll.u32 v4, $0x3;
	v26 =	vadd.s32 $0x880, v6;
	v22 =	vld.idx.msk [tilespmem:v14+s30+$0x0], $0xffff  }
0x11c: {  	v4 =	vand.u32 $0x7F, v4;
	v8 =	vand.u32 $0xFFFFFC00, v7;
	v23 =	vld.idx.msk [tilespmem:v16+s30+$0x0], $0xffff  }
0x11d: {  	v4 =	vor.u32 v4, v8;
	v25 =	vld.idx.msk [tilespmem:v18+s30+$0x0], $0xffff  }
0x11e: {  	v28 =	vor.u32 $0x180, v4;
	v27 =	vld.idx.msk [tilespmem:v19+s30+$0x0], $0xffff  }
0x11f: {  	v29 =	vor.u32 $0x200, v4;
	v52 =	vld.idx.msk [tilespmem:v24+s30+$0x0], $0xffff  }
0x120: {  	v30 =	vor.u32 $0x280, v4;
	v54 =	vld.idx.msk [tilespmem:v26+s30+$0x0], $0xffff  }
0x121: {  	v3 =	vld [tilespmem:s5+$0xC800];
	v33 =	vadd.s32 $0x800, v4;
	v12 =	vmul.f32 v12, v5;
	v13 =	vmul.f32 v13, v5  }
0x122: {  	v63 =	vadd.s32 $0x880, v4;
	v20 =	vld.idx.msk [tilespmem:v4+s30+$0x0], $0xffff;
	v15 =	vmul.f32 v15, v5;
	v17 =	vmul.f32 v17, v5  }
0x123: {  	v59 =	vld.idx.msk [tilespmem:v28+s30+$0x0], $0xffff;
	v51 =	vmul.f32 v22, v5;
	v53 =	vmul.f32 v23, v5  }
0x124: {  	v61 =	vld.idx.msk [tilespmem:v29+s30+$0x0], $0xffff;
	v25 =	vmul.f32 v25, v5;
	v27 =	vmul.f32 v27, v5  }
0x125: {  	v32 =	vld.idx.msk [tilespmem:v30+s30+$0x0], $0xffff;
	v57 =	vmul.f32 v52, v5;
	v58 =	vmul.f32 v54, v5  }
0x126: {  	v60 =	vor.u32 $0x300, v4;
	v34 =	vld.idx.msk [tilespmem:v33+s30+$0x0], $0xffff;
	v12 =	vmul.f32 $1.442695020e+00, v12;
	v13 =	vmul.f32 $1.442695020e+00, v13  }
0x127: {  	v36 =	vld.idx.msk [tilespmem:v63+s30+$0x0], $0xffff;
	v48 =	vmul.f32 $1.442695020e+00, v15;
	v49 =	vmul.f32 $1.442695020e+00, v17  }
0x128: {  	v21 =	vor.u32 $0x80, v4;
	v55 =	vmul.f32 $1.442695020e+00, v25;
	v56 =	vmul.f32 $1.442695020e+00, v27  }
0x129: {  	v7 =	vld.idx.msk [tilespmem:v6+s29+$0x0], $0xffff;
	v20 =	vmul.f32 v20, v3;
	(erf) = vpow2.f32 v12  }
0x12a: {  	v9 =	vld.idx.msk [tilespmem:v9+s29+$0x0], $0xffff;
	v12 =	vmul.f32 $1.442695020e+00, v51;
	v42 =	vmul.f32 v59, v3  }
0x12b: {  	v50 =	vor.u32 $0x100, v4;
	v41 =	vld.idx.msk [tilespmem:v60+s30+$0x0], $0xffff;
	v27 =	vmul.f32 v61, v3;
	v32 =	vmul.f32 v32, v3  }
0x12c: {  	v10 =	vld.idx.msk [tilespmem:v10+s29+$0x0], $0xffff;
	v34 =	vmul.f32 v34, v3;
	v36 =	vmul.f32 v36, v3  }
0x12d: {  	v15 =	vld.idx.msk [tilespmem:v21+s29+$0x0], $0xffff;
	(erf) = vpow2.f32 v13;
	v13 =	vmul.f32 $1.442695020e+00, v53  }
0x12e: {  	v21 =	vld.idx.msk [tilespmem:v21+s30+$0x0], $0xffff;
	v62 =	vmul.f32 $1.442695020e+00, v20;
	(erf) = vpow2.f32 v48  }
0x12f: {  	v31 =	vor.u32 $0x380, v4;
	v11 =	vld.idx.msk [tilespmem:v11+s29+$0x0], $0xffff;
	v45 =	vmul.f32 $1.442695020e+00, v27;
	v47 =	vmul.f32 $1.442695020e+00, v32  }
0x130: {  	v17 =	vld.idx.msk [tilespmem:v50+s30+$0x0], $0xffff;
	v48 =	vmul.f32 v41, v3;
	(erf) = vpow2.f32 v49  }
0x131: {  	v25 =	vld.idx.msk [tilespmem:v50+s29+$0x0], $0xffff;
	v50 =	vmul.f32 $1.442695020e+00, v34;
	(erf) = vpow2.f32 v12  }
0x132: {  	v14 =	vld.idx.msk [tilespmem:v14+s29+$0x0], $0xffff;
	v12 =	vmul.f32 $1.442695020e+00, v57;
	(erf) = vpow2.f32 v13  }
0x133: {  	v8 =	vld.idx.msk [tilespmem:v4+s29+$0x0], $0xffff;
	v21 =	vmul.f32 v21, v3;
	(erf) = vpow2.f32 v55  }
0x134: {  	v43 =	vld.idx.msk [tilespmem:v31+s30+$0x0], $0xffff;
	v13 =	vmul.f32 $1.442695020e+00, v58;
	(erf) = vpow2.f32 v56  }
0x135: {  	v16 =	vld.idx.msk [tilespmem:v16+s29+$0x0], $0xffff;
	v40 =	vmul.f32 v17, v3;
	(erf) = vpow2.f32 v12  }
0x136: {  	v18 =	vld.idx.msk [tilespmem:v18+s29+$0x0], $0xffff;
	v39 =	vmul.f32 $1.442695020e+00, v21;
	(erf) = vpow2.f32 v13;
	v44 =	vpop (erf)  }
0x137: {  	v19 =	vld.idx.msk [tilespmem:v19+s29+$0x0], $0xffff;
	v52 =	vshll.u32 v7, $0x10;
	v51 =	vmul.f32 $1.442695020e+00, v36;
	(erf) = vpow2.f32 v62;
	v35 =	vpop (erf)  }
0x138: {  	v24 =	vld.idx.msk [tilespmem:v24+s29+$0x0], $0xffff;
	v54 =	vshll.u32 v8, $0x10;
	v12 =	vmul.f32 $1.442695020e+00, v40;
	(erf) = vpow2.f32 v39;
	v37 =	vpop (erf)  }
0x139: {  	v26 =	vld.idx.msk [tilespmem:v26+s29+$0x0], $0xffff;
	v61 =	vshll.u32 v10, $0x10;
	v49 =	vmul.f32 v43, v3;
	v13 =	vmul.f32 $1.442695020e+00, v42;
	v46 =	vpop (erf)  }
0x13a: {  	v31 =	vld.idx.msk [tilespmem:v31+s29+$0x0], $0xffff;
	v56 =	vshll.u32 v9, $0x10;
	v53 =	vmul.f32 v52, v44;
	(erf) = vpow2.f32 v12;
	v32 =	vpop (erf)  }
0x13b: {  	v41 =	vshll.u32 v11, $0x10;
	v17 =	vld.idx.msk [tilespmem:v30+s29+$0x0], $0xffff;
	v58 =	vmul.f32 v56, v35;
	(erf) = vpow2.f32 v13;
	v30 =	vpop (erf)  }
0x13c: {  	v33 =	vld.idx.msk [tilespmem:v33+s29+$0x0], $0xffff;
	v59 =	vshll.u32 v15, $0x10;
	v12 =	vmul.f32 $1.442695020e+00, v48;
	(erf) = vpow2.f32 v45;
	v21 =	vpop (erf)  }
0x13d: {  	s5 =	sand.u32 $0xC00, s13;
	v20 =	vld.idx.msk [tilespmem:v28+s29+$0x0], $0xffff;
	v7 =	vadd.f32 v7, v53;
	v13 =	vmul.f32 $1.442695020e+00, v49;
	(erf) = vpow2.f32 v47;
	v38 =	vpop (erf)  }
0x13e: {  	s4 =	sor.u32 $0x3300, s5;
	v28 =	vld.idx.msk [tilespmem:v63+s29+$0x0], $0xffff;
	v36 =	vmul.f32 v61, v37;
	v63 =	vadd.f32 v9, v58;
	(erf) = vpow2.f32 v12;
	v39 =	vpop (erf)  }
0x13f: {  	s16 =	sor.u32 s2, s4;
	v23 =	vld.idx.msk [tilespmem:v60+s29+$0x0], $0xffff;
	v44 =	vmul.f32 v41, v46;
	v47 =	vshll.u32 v14, $0x10;
	(erf) = vpow2.f32 v13;
	v34 =	vpop (erf)  }
0x140: {  	v27 =	vld.idx.msk [tilespmem:v29+s29+$0x0], $0xffff;
	[tilespmem:s16+$0x0] =	vst v7;
	v43 =	vadd.f32 v10, v36;
	(erf) = vpow2.f32 v50;
	v50 =	vmul.f32 v47, v32;
	v40 =	vpop (erf)  }
0x141: {  	v37 =	vshll.u32 v25, $0x10;
	[tilespmem:s16+$0x80] =	vst v63;
	v49 =	vadd.f32 v11, v44;
	v55 =	vmul.f32 v54, v40;
	v57 =	vpop (erf)  }
0x142: {  	[tilespmem:s16+$0x100] =	vst v43;
	v54 =	vshll.u32 v16, $0x10;
	v56 =	vadd.f32 v14, v50;
	v60 =	vmul.f32 v59, v57  }
0x143: {  	v45 =	vshll.u32 v20, $0x10;
	[tilespmem:s16+$0x180] =	vst v49;
	v62 =	vpop (erf);
	v57 =	vmul.f32 v54, v30;
	v8 =	vadd.f32 v8, v55  }
0x144: {  	s4 =	sor.u32 s1, s4;
	(erf) = vpow2.f32 v51;
	v12 =	vmul.f32 v37, v62;
	v42 =	vpop (erf);
	[tilespmem:s16+$0x200] =	vst v56;
	v40 =	vadd.f32 v15, v60  }
0x145: {  	v51 =	vshll.u32 v27, $0x10;
	v10 =	vmul.f32 v45, v42;
	v48 =	vpop (erf);
	v63 =	vadd.f32 v16, v57;
	[tilespmem:s4+$0x0] =	vst v8  }
0x146: {  	v58 =	vshll.u32 v17, $0x10;
	v46 =	vadd.f32 v25, v12;
	v53 =	vmul.f32 v51, v48;
	v55 =	vpop (erf);
	[tilespmem:s4+$0x80] =	vst v40  }
0x147: {  	v61 =	vshll.u32 v18, $0x10;
	v52 =	vadd.f32 v20, v10;
	v60 =	vmul.f32 v58, v55;
	[tilespmem:s16+$0x280] =	vst v63  }
0x148: {  	s25 =	sand.u32 $0x3, s6;
	v16 =	vmul.f32 v61, v21;
	v62 =	vpop (erf);
	v20 =	vshll.u32 v23, $0x10;
	[tilespmem:s4+$0x100] =	vst v46;
	v59 =	vadd.f32 v27, v53  }
0x149: {  	s25 =	sshll.u32 s25, $0x5;
	v25 =	vshll.u32 v19, $0x10;
	v22 =	vmul.f32 v20, v62;
	[tilespmem:s4+$0x180] =	vst v52;
	v21 =	vadd.f32 v17, v60  }
0x14a: {  	v32 =	vshll.u32 v31, $0x10;
	v29 =	vadd.f32 v18, v16;
	s16 =	sadd.s32 s25, s13;
	v30 =	vmul.f32 v25, v38;
	v27 =	vpop (erf);
	[tilespmem:s4+$0x200] =	vst v59  }
0x14b: {  	v37 =	vshll.u32 v24, $0x10;
	s25 =	sor.u32 $0x300, s16;
	s16 =	sadd.s32 $0x10, s16;
	v36 =	vmul.f32 v32, v27;
	v35 =	vadd.f32 v23, v22;
	[tilespmem:s4+$0x280] =	vst v21  }
0x14c: {  	v41 =	vmul.f32 v37, v39;
	v42 =	vshll.u32 v33, $0x10;
	v38 =	vpop (erf);
	v40 =	vadd.f32 v19, v30;
	s4 =	sor.u32 $0x300, s16;
	[tilespmem:s25+$0x3300] =	vst v29;
	s25 =	sor.u32 s13, s14  }
0x14d: {  	v45 =	vshll.u32 v26, $0x10;
	v44 =	vmul.f32 v42, v38;
	v43 =	vadd.f32 v31, v36;
	[tilespmem:s4+$0x3300] =	vst v35;
	s25 =	sor.u32 $0x380, s25  }
0x14e: {  	v49 =	vshll.u32 v28, $0x10;
	v48 =	vmul.f32 v45, v34;
	v47 =	vadd.f32 v24, v41;
	v46 =	vpop (erf);
	[tilespmem:s25+$0x3300] =	vst v40;
	s25 =	sor.u32 $0x380, s16;
	s16 =	sor.u32 $0x4300, s5  }
0x14f: {  	v52 =	vadd.s32 $0x900, v6;
	v51 =	vmul.f32 v49, v46;
	v50 =	vadd.f32 v33, v44;
	[tilespmem:s25+$0x3300] =	vst v43;
	s25 =	sor.u32 s2, s16  }
0x150: {  	v55 =	vadd.s32 $0x980, v6;
	v53 =	vadd.f32 v26, v48;
	[tilespmem:s25+$0x0] =	vst v47;
	s25 =	sor.u32 s1, s16;
	s16 =	sor.u32 $0x4380, s5  }
0x151: {  	v56 =	vadd.s32 $0xA00, v6;
	v54 =	vadd.f32 v28, v51;
	[tilespmem:s25+$0x0] =	vst v50;
	s25 =	sor.u32 s2, s16  }
0x152: {  	v57 =	vadd.s32 $0xA80, v6;
	s16 =	sor.u32 s1, s16;
	[tilespmem:s25+$0x0] =	vst v53  }
0x153: {  	v58 =	vadd.s32 $0x900, v4;
	[tilespmem:s16+$0x0] =	vst v54  }
0x154: {  	v60 =	vadd.s32 $0xB00, v6;
	v11 =	vld.idx.msk [tilespmem:v52+s30+$0x0], $0xffff  }
0x155: {  	v17 =	vadd.s32 $0xB80, v6;
	v59 =	vld.idx.msk [tilespmem:v55+s30+$0x0], $0xffff  }
0x156: {  	v19 =	vadd.s32 $0x1000, v6;
	v61 =	vld.idx.msk [tilespmem:v56+s30+$0x0], $0xffff  }
0x157: {  	v20 =	vadd.s32 $0x1080, v6;
	v62 =	vld.idx.msk [tilespmem:v57+s30+$0x0], $0xffff  }
0x158: {  	v24 =	vadd.s32 $0x1100, v6;
	v13 =	vld.idx.msk [tilespmem:v58+s30+$0x0], $0xffff  }
0x159: {  	v6 =	vadd.s32 $0x1180, v6;
	v28 =	vld.idx.msk [tilespmem:v60+s30+$0x0], $0xffff  }
0x15a: {  	v63 =	vadd.s32 $0x980, v4;
	v29 =	vld.idx.msk [tilespmem:v17+s30+$0x0], $0xffff  }
0x15b: {  	v39 =	vadd.s32 $0xA80, v4;
	v30 =	vld.idx.msk [tilespmem:v19+s30+$0x0], $0xffff  }
0x15c: {  	v40 =	vadd.s32 $0xB00, v4;
	v31 =	vld.idx.msk [tilespmem:v20+s30+$0x0], $0xffff  }
0x15d: {  	v42 =	vadd.s32 $0xB80, v4;
	v36 =	vld.idx.msk [tilespmem:v24+s30+$0x0], $0xffff  }
0x15e: {  	v38 =	vld.idx.msk [tilespmem:v6+s30+$0x0], $0xffff  }
0x15f: {  	v21 =	vld.idx.msk [tilespmem:v63+s30+$0x0], $0xffff  }
0x160: {  	v45 =	vld.idx.msk [tilespmem:v39+s30+$0x0], $0xffff;
	v11 =	vmul.f32 v11, v5;
	v14 =	vmul.f32 v59, v5  }
0x161: {  	v47 =	vld.idx.msk [tilespmem:v40+s30+$0x0], $0xffff;
	v16 =	vmul.f32 v61, v5;
	v18 =	vmul.f32 v62, v5  }
0x162: {  	v49 =	vld.idx.msk [tilespmem:v42+s30+$0x0], $0xffff;
	v35 =	vmul.f32 v28, v5;
	v37 =	vmul.f32 v29, v5  }
0x163: {  	v25 =	vmul.f32 v30, v5;
	v26 =	vmul.f32 v31, v5  }
0x164: {  	v44 =	vmul.f32 v36, v5;
	v5 =	vmul.f32 v38, v5  }
0x165: {  	v13 =	vmul.f32 v13, v3;
	v21 =	vmul.f32 v21, v3  }
0x166: {  	v9 =	vld.idx.msk [tilespmem:v55+s29+$0x0], $0xffff;
	v55 =	vmul.f32 v45, v3;
	v23 =	vmul.f32 v47, v3  }
0x167: {  	v30 =	vmul.f32 v49, v3;
	v11 =	vmul.f32 $1.442695020e+00, v11  }
0x168: {  	v14 =	vmul.f32 $1.442695020e+00, v14;
	v32 =	vmul.f32 $1.442695020e+00, v16  }
0x169: {  	v34 =	vadd.s32 $0xA00, v4;
	v33 =	vmul.f32 $1.442695020e+00, v18;
	v41 =	vmul.f32 $1.442695020e+00, v25  }
0x16a: {  	v46 =	vadd.s32 $0x1000, v4;
	v7 =	vld.idx.msk [tilespmem:v52+s29+$0x0], $0xffff;
	v43 =	vmul.f32 $1.442695020e+00, v26;
	(erf) = vpow2.f32 v11  }
0x16b: {  	v48 =	vadd.s32 $0x1080, v4;
	v8 =	vld.idx.msk [tilespmem:v58+s29+$0x0], $0xffff;
	v5 =	vmul.f32 $1.442695020e+00, v5;
	(erf) = vpow2.f32 v14  }
0x16c: {  	v10 =	vld.idx.msk [tilespmem:v56+s29+$0x0], $0xffff;
	v11 =	vmul.f32 $1.442695020e+00, v35;
	(erf) = vpow2.f32 v32  }
0x16d: {  	v50 =	vadd.s32 $0x1100, v4;
	v12 =	vld.idx.msk [tilespmem:v57+s29+$0x0], $0xffff;
	v14 =	vmul.f32 $1.442695020e+00, v37;
	(erf) = vpow2.f32 v33  }
0x16e: {  	v4 =	vadd.s32 $0x1180, v4;
	v18 =	vld.idx.msk [tilespmem:v34+s30+$0x0], $0xffff;
	v51 =	vmul.f32 $1.442695020e+00, v13;
	(erf) = vpow2.f32 v11  }
0x16f: {  	v54 =	vld.idx.msk [tilespmem:v46+s30+$0x0], $0xffff;
	v52 =	vmul.f32 $1.442695020e+00, v21;
	(erf) = vpow2.f32 v14  }
0x170: {  	v57 =	vld.idx.msk [tilespmem:v48+s30+$0x0], $0xffff;
	v11 =	vmul.f32 $1.442695020e+00, v44;
	(erf) = vpow2.f32 v41  }
0x171: {  	v15 =	vld.idx.msk [tilespmem:v60+s29+$0x0], $0xffff;
	v62 =	vmul.f32 $1.442695020e+00, v23;
	(erf) = vpow2.f32 v43  }
0x172: {  	v59 =	vld.idx.msk [tilespmem:v50+s30+$0x0], $0xffff;
	v38 =	vmul.f32 $1.442695020e+00, v30;
	(erf) = vpow2.f32 v11  }
0x173: {  	v60 =	vld.idx.msk [tilespmem:v4+s30+$0x0], $0xffff;
	v53 =	vmul.f32 v18, v3;
	(erf) = vpow2.f32 v5;
	v56 =	vpop (erf)  }
0x174: {  	v13 =	vld.idx.msk [tilespmem:v39+s29+$0x0], $0xffff;
	v39 =	vmul.f32 v54, v3;
	(erf) = vpow2.f32 v51;
	v58 =	vpop (erf)  }
0x175: {  	v23 =	vld.idx.msk [tilespmem:v40+s29+$0x0], $0xffff;
	v40 =	vmul.f32 v57, v3;
	v11 =	vmul.f32 $1.442695020e+00, v53;
	v61 =	vpop (erf)  }
0x176: {  	v16 =	vld.idx.msk [tilespmem:v63+s29+$0x0], $0xffff;
	v5 =	vmul.f32 $1.442695020e+00, v55;
	(erf) = vpow2.f32 v52;
	v63 =	vpop (erf)  }
0x177: {  	v17 =	vld.idx.msk [tilespmem:v17+s29+$0x0], $0xffff;
	v32 =	vmul.f32 v59, v3;
	(erf) = vpow2.f32 v11;
	v30 =	vpop (erf)  }
0x178: {  	v19 =	vld.idx.msk [tilespmem:v19+s29+$0x0], $0xffff;
	v3 =	vmul.f32 v60, v3;
	(erf) = vpow2.f32 v5;
	v29 =	vpop (erf)  }
0x179: {  	v22 =	vld.idx.msk [tilespmem:v46+s29+$0x0], $0xffff;
	v11 =	vmul.f32 $1.442695020e+00, v39;
	(erf) = vpow2.f32 v62;
	v21 =	vpop (erf)  }
0x17a: {  	v20 =	vld.idx.msk [tilespmem:v20+s29+$0x0], $0xffff;
	v5 =	vmul.f32 $1.442695020e+00, v40;
	(erf) = vpow2.f32 v38;
	v35 =	vpop (erf)  }
0x17b: {  	v25 =	vld.idx.msk [tilespmem:v34+s29+$0x0], $0xffff;
	v41 =	vmul.f32 $1.442695020e+00, v32;
	(erf) = vpow2.f32 v11;
	v33 =	vpop (erf)  }
0x17c: {  	v18 =	vld.idx.msk [tilespmem:v42+s29+$0x0], $0xffff;
	v42 =	vshll.u32 v7, $0x10;
	v3 =	vmul.f32 $1.442695020e+00, v3;
	(erf) = vpow2.f32 v5;
	v32 =	vpop (erf)  }
0x17d: {  	v24 =	vld.idx.msk [tilespmem:v24+s29+$0x0], $0xffff;
	v44 =	vshll.u32 v8, $0x10;
	v5 =	vmul.f32 v42, v56;
	(erf) = vpow2.f32 v41;
	v43 =	vpop (erf)  }
0x17e: {  	v6 =	vld.idx.msk [tilespmem:v6+s29+$0x0], $0xffff;
	v45 =	vshll.u32 v9, $0x10;
	(erf) = vpow2.f32 v3;
	v3 =	vmul.f32 v44, v43  }
0x17f: {  	s4 =	sadd.s32 $0x4400, s5;
	v26 =	vld.idx.msk [tilespmem:v48+s29+$0x0], $0xffff;
	v48 =	vshll.u32 v16, $0x10;
	v47 =	vmul.f32 v45, v58;
	v5 =	vadd.f32 v7, v5;
	v46 =	vpop (erf)  }
0x180: {  	s25 =	sor.u32 s2, s4;
	v14 =	vld.idx.msk [tilespmem:v50+s29+$0x0], $0xffff;
	v50 =	vshll.u32 v10, $0x10;
	v49 =	vmul.f32 v48, v46;
	v3 =	vadd.f32 v8, v3  }
0x181: {  	s4 =	sor.u32 s1, s4;
	s16 =	sadd.s32 $0x4480, s5;
	v4 =	vld.idx.msk [tilespmem:v4+s29+$0x0], $0xffff;
	v54 =	vshll.u32 v25, $0x10;
	v53 =	vmul.f32 v50, v61;
	v52 =	vadd.f32 v9, v47;
	v51 =	vpop (erf);
	[tilespmem:s25+$0x0] =	vst v5  }
0x182: {  	v56 =	vshll.u32 v12, $0x10;
	s25 =	sor.u32 s2, s16;
	v55 =	vmul.f32 v54, v51;
	[tilespmem:s4+$0x0] =	vst v3;
	v3 =	vadd.f32 v16, v49  }
0x183: {  	v60 =	vshll.u32 v13, $0x10;
	v58 =	vadd.f32 v10, v53;
	v59 =	vmul.f32 v56, v63;
	v57 =	vpop (erf);
	[tilespmem:s25+$0x0] =	vst v52;
	s25 =	sor.u32 s1, s16;
	s16 =	sadd.s32 $0x4500, s5  }
0x184: {  	v62 =	vshll.u32 v15, $0x10;
	v61 =	vmul.f32 v60, v57;
	[tilespmem:s25+$0x0] =	vst v3;
	s25 =	sor.u32 s2, s16;
	v3 =	vadd.f32 v25, v55  }
0x185: {  	v27 =	vshll.u32 v23, $0x10;
	v63 =	vpop (erf);
	v16 =	vadd.f32 v12, v59;
	v25 =	vmul.f32 v62, v30;
	[tilespmem:s25+$0x0] =	vst v58;
	s25 =	sor.u32 s1, s16;
	s16 =	sadd.s32 $0x4580, s5  }
0x186: {  	v28 =	vmul.f32 v27, v63;
	v30 =	vshll.u32 v17, $0x10;
	[tilespmem:s25+$0x0] =	vst v3;
	s25 =	sor.u32 s2, s16;
	v3 =	vadd.f32 v13, v61  }
0x187: {  	v37 =	vshll.u32 v18, $0x10;
	v31 =	vpop (erf);
	v36 =	vmul.f32 v30, v29;
	v34 =	vadd.f32 v15, v25;
	[tilespmem:s25+$0x0] =	vst v16;
	s25 =	sor.u32 s1, s16;
	s16 =	sadd.s32 $0x4600, s5  }
0x188: {  	v39 =	vshll.u32 v19, $0x10;
	v38 =	vmul.f32 v37, v31;
	[tilespmem:s25+$0x0] =	vst v3;
	s25 =	sor.u32 s2, s16;
	v3 =	vadd.f32 v23, v28  }
0x189: {  	v42 =	vmul.f32 v39, v21;
	v43 =	vshll.u32 v22, $0x10;
	v40 =	vpop (erf);
	v41 =	vadd.f32 v17, v36;
	[tilespmem:s25+$0x0] =	vst v34;
	s25 =	sor.u32 s1, s16;
	s16 =	sadd.s32 $0x4680, s5  }
0x18a: {  	v45 =	vshll.u32 v20, $0x10;
	v44 =	vmul.f32 v43, v40;
	[tilespmem:s25+$0x0] =	vst v3;
	s25 =	sor.u32 s2, s16;
	v3 =	vadd.f32 v18, v38  }
0x18b: {  	v47 =	vadd.f32 v19, v42;
	v48 =	vmul.f32 v45, v35;
	v49 =	vshll.u32 v26, $0x10;
	v46 =	vpop (erf);
	[tilespmem:s25+$0x0] =	vst v41;
	s25 =	sor.u32 s1, s16;
	s16 =	sor.u32 $0x5300, s5  }
0x18c: {  	v51 =	vshll.u32 v24, $0x10;
	v50 =	vmul.f32 v49, v46;
	[tilespmem:s25+$0x0] =	vst v3;
	s25 =	sor.u32 s2, s16;
	v3 =	vadd.f32 v22, v44  }
0x18d: {  	v53 =	vadd.f32 v20, v48;
	v54 =	vmul.f32 v51, v33;
	v55 =	vshll.u32 v14, $0x10;
	v52 =	vpop (erf);
	[tilespmem:s25+$0x0] =	vst v47;
	s25 =	sor.u32 s1, s16;
	s16 =	sor.u32 $0x5380, s5  }
0x18e: {  	v57 =	vshll.u32 v6, $0x10;
	v56 =	vmul.f32 v55, v52;
	[tilespmem:s25+$0x0] =	vst v3;
	s25 =	sor.u32 s2, s16;
	v3 =	vadd.f32 v26, v50  }
0x18f: {  	p0 =	sne.s32 s14, $0x1E0;
	v60 =	vmul.f32 v57, v32;
	v59 =	vadd.f32 v24, v54;
	v58 =	vpop (erf);
	v61 =	vshll.u32 v4, $0x10;
	[tilespmem:s25+$0x0] =	vst v53;
	s25 =	sor.u32 s1, s16;
	s16 =	sadd.s32 $0x5400, s5  }
.Ltmp1:
0x190: {  	v62 =	vmul.f32 v61, v58;
	[tilespmem:s25+$0x0] =	vst v3;
	s25 =	sor.u32 s2, s16;
	v3 =	vadd.f32 v14, v56;
	(pc) =	sbr.rel @p0 .LBB2_5-.Ltmp1, $4  }
0x191: {  	v63 =	vadd.f32 v6, v60;
	s5 =	sadd.s32 $0x5480, s5;
	[tilespmem:s25+$0x0] =	vst v59;
	s25 =	sor.u32 s1, s16  }
0x192: {  	s2 =	sor.u32 s2, s5;
	[tilespmem:s25+$0x0] =	vst v3;
	v3 =	vadd.f32 v4, v62  }
0x193: {  	s6 =	sadd.s32 $0x1, s6;
	s9 =	sadd.s32 $0x20, s9;
	s1 =	sor.u32 s1, s5;
	[tilespmem:s2+$0x0] =	vst v63  }
0x194: {  	s10 =	sadd.s32 $0x20, s10;
	s13 =	sadd.s32 $0x100, s13;
	s14 =	sadd.s32 $0x20, s14;
	[tilespmem:s1+$0x0] =	vst v3  }
0x195: {  	s1 =	smul.u32 $0x50000, s12;
	_ =	sdelay $0x1  }
0x196: {  	s1 =	sor.u32 s26, s1  }
0x197: {  	s1 =	sor.u32 s11, s1  }
0x198: {  	s2 =	rddreg [dreg:$0x4];
	s1 =	sshrl.u32 s1, $0x3  }
0x199: {  	s6 =	simm.s32 $0x3300;
	s1 =	sadd.s32 s2, s1  }
0x19a: {  	[hbm4b:s1+s24] =	stream.strided.scatter [tilespmem:s6], [sflag:$0x3], $0x400, s21, s24, $0x38;
	[tilespmem:$0xCA00] =	vst v63  }
0x19b: {  	s4 =	simm.s32 $0x3700;
	s9 =	sadd.s32 $0x80, s1  }
0x19c: {  	[hbm4b:s9+s24] =	stream.strided.scatter [tilespmem:s4], [sflag:$0x3], $0x400, s21, s24, $0x38;
	[tilespmem:$0xCA00] =	vst v63  }
0x19d: {  	s11 =	simm.s32 $0x3B00;
	s10 =	sadd.s32 $0x100, s1  }
0x19e: {  	[hbm4b:s10+s24] =	stream.strided.scatter [tilespmem:s11], [sflag:$0x3], $0x400, s21, s24, $0x38;
	[tilespmem:$0xCA00] =	vst v63  }
0x19f: {  	s13 =	simm.s32 $0x3F00;
	s12 =	sadd.s32 $0x180, s1  }
0x1a0: {  	[hbm4b:s12+s24] =	stream.strided.scatter [tilespmem:s13], [sflag:$0x3], $0x400, s21, s24, $0x38;
	[tilespmem:$0xCA00] =	vst v63  }
0x1a1: {  	s16 =	simm.s32 $0x4300;
	s14 =	sadd.s32 $0x4000, s1  }
0x1a2: {  	[hbm4b:s14+s24] =	stream.strided.scatter [tilespmem:s16], [sflag:$0x3], $0x400, s21, s24, $0x38;
	[tilespmem:$0xCA00] =	vst v63  }
0x1a3: {  	s26 =	simm.s32 $0x4700;
	s25 =	sadd.s32 $0x4080, s1  }
0x1a4: {  	[hbm4b:s25+s24] =	stream.strided.scatter [tilespmem:s26], [sflag:$0x3], $0x400, s21, s24, $0x38;
	[tilespmem:$0xCA00] =	vst v63  }
0x1a5: {  	s5 =	sadd.s32 $0x4100, s1;
	s6 =	simm.s32 $0x4B00  }
0x1a6: {  	[hbm4b:s5+s24] =	stream.strided.scatter [tilespmem:s6], [sflag:$0x3], $0x400, s21, s24, $0x38;
	[tilespmem:$0xCA00] =	vst v63  }
0x1a7: {  	s9 =	sadd.s32 $0x4180, s1;
	s10 =	simm.s32 $0x4F00  }
0x1a8: {  	[hbm4b:s9+s24] =	stream.strided.scatter [tilespmem:s10], [sflag:$0x3], $0x400, s21, s24, $0x38;
	[tilespmem:$0xCA00] =	vst v63  }
0x1a9: {  	s11 =	sadd.s32 $0x8000, s1;
	s12 =	simm.s32 $0x5300  }
0x1aa: {  	[hbm4b:s11+s24] =	stream.strided.scatter [tilespmem:s12], [sflag:$0x3], $0x200, s21, s24, $0x38;
	[tilespmem:$0xCA00] =	vst v63  }
0x1ab: {  	s13 =	sadd.s32 $0x8080, s1;
	s14 =	simm.s32 $0x5700  }
0x1ac: {  	[hbm4b:s13+s24] =	stream.strided.scatter [tilespmem:s14], [sflag:$0x3], $0x200, s21, s24, $0x38;
	[tilespmem:$0xCA00] =	vst v63  }
0x1ad: {  	s16 =	sadd.s32 $0x8100, s1;
	s25 =	simm.s32 $0x5B00  }
0x1ae: {  	[hbm4b:s16+s24] =	stream.strided.scatter [tilespmem:s25], [sflag:$0x3], $0x200, s21, s24, $0x38;
	[tilespmem:$0xCA00] =	vst v63  }
0x1af: {  	s1 =	sadd.s32 $0x8180, s1;
	s26 =	simm.s32 $0x5F00  }
0x1b0: {  	[hbm4b:s1+s24] =	stream.strided.scatter [tilespmem:s26], [sflag:$0x3], $0x200, s21, s24, $0x38;
	[tilespmem:$0xCA00] =	vst v63  }
0x1b1: {  	_ =	swait.ge [sflag:s18], $0x100  }
0x1b2: {  	[sflag:s18] =	ssyncset.done $0x0  }
0x1b3: {  	[sflag:s18] =	ssyncadd.s32 $0xFFFFFF00  }
0x1b4: {  	_ =	swait.ge [sflag:s18], $0x200  }
0x1b5: {  	[sflag:s18] =	ssyncset.done $0x0  }
0x1b6: {  	p0 =	seq.s32 s17, $0x1F;
	[sflag:s18] =	ssyncadd.s32 $0xFFFFFE00  }
0x1b7: {  	s1 =	sadd.s32 @!p0 $0x2, s23;
	_ =	swait.ge [sflag:s18], $0x1400  }
0x1b8: {  	s4 =	sshrl.u32 @!p0 s1, $0x3;
	s2 =	rddreg [dreg:$0x6]  }
0x1b9: {  	s4 =	sand.u32 @!p0 $0x3, s4;
	s2 =	sadd.s32 @!p0 s2, s1  }
0x1ba: {  	s5 =	sshll.u32 @!p0 s4, $0xB;
	s2 =	sshrl.u32 @!p0 s2, $0x5  }
0x1bb: {  	[sflag:s18] =	ssyncset.done $0x0;
	s1 =	sshll.u32 @!p0 s1, $0x7;
	s6 =	sshll.u32 @!p0 s2, $0xD  }
0x1bc: {  	[sflag:s18] =	ssyncadd.s32 $0xFFFFEC00;
	s1 =	sand.u32 @!p0 $0x300, s1;
	s6 =	sor.u32 @!p0 s5, s6  }
0x1bd: {  	s9 =	simm.s32 @!p0 $0x80;
	_ =	swait.ge [sflag:s18], $0x1400;
	s6 =	sor.u32 @!p0 s1, s6  }
0x1be: {  	s10 =	simm.s32 @!p0 $0x400;
	[sflag:s18] =	ssyncset.done $0x0;
	s6 =	sshrl.u32 @!p0 s6, $0x3  }
0x1bf: {  	s11 =	simm.s32 @!p0 $0x0;
	[sflag:s18] =	ssyncadd.s32 $0xFFFFEC00;
	s6 =	sadd.s32 @!p0 s7, s6  }
0x1c0: {  	[tilespmem:s11], [sflag:$0x1] =	stream.strided.gather @!p0 [hbm4b:s6+s9], $0x100, s10, s9, $0x38;
	[tilespmem:$0xCA00] =	vst v63  }
0x1c1: {  	s4 =	sshll.u32 @!p0 s4, $0xC;
	s6 =	sshll.u32 @!p0 s2, $0xE;
	s2 =	smul.u32 @!p0 $0x28000, s2  }
0x1c2: {  	s4 =	sor.u32 @!p0 s4, s6  }
0x1c3: {  	s4 =	sor.u32 @!p0 s1, s4;
	s2 =	sor.u32 @!p0 s5, s2  }
0x1c4: {  	s6 =	simm.s32 @!p0 $0x100;
	s4 =	sshrl.u32 @!p0 s4, $0x3;
	s1 =	sor.u32 @!p0 s1, s2  }
0x1c5: {  	s2 =	rddreg [dreg:$0x7];
	s4 =	sadd.s32 @!p0 s22, s4;
	s1 =	sshrl.u32 @!p0 s1, $0x3  }
0x1c6: {  	[tilespmem:s6], [sflag:$0x1] =	stream.strided.gather @!p0 [hbm4b:s4+s9], $0x200, s10, s9, $0x38;
	[tilespmem:$0xCA00] =	vst v63  }
0x1c7: {  	s5 =	simm.s32 @!p0 $0x300;
	s2 =	sadd.s32 @!p0 s2, s1;
	s4 =	simm.s32 @!p0 $0x2000  }
0x1c8: {  	[tilespmem:s5], [sflag:$0x1] =	stream.strided.gather @!p0 [hbm4b:s2+s9], $0x400, s4, s9, $0x38;
	[tilespmem:$0xCA00] =	vst v63  }
0x1c9: {  	s6 =	simm.s32 @!p0 $0x700;
	s5 =	sadd.s32 @!p0 $0x80, s2  }
0x1ca: {  	[tilespmem:s6], [sflag:$0x1] =	stream.strided.gather @!p0 [hbm4b:s5+s9], $0x400, s4, s9, $0x38;
	[tilespmem:$0xCA00] =	vst v63  }
0x1cb: {  	s5 =	sadd.s32 @!p0 $0x2000, s2;
	s6 =	simm.s32 @!p0 $0xB00  }
0x1cc: {  	[tilespmem:s6], [sflag:$0x1] =	stream.strided.gather @!p0 [hbm4b:s5+s9], $0x400, s4, s9, $0x38;
	[tilespmem:$0xCA00] =	vst v63  }
0x1cd: {  	s5 =	sadd.s32 @!p0 $0x2080, s2;
	s6 =	simm.s32 @!p0 $0xF00  }
0x1ce: {  	[tilespmem:s6], [sflag:$0x1] =	stream.strided.gather @!p0 [hbm4b:s5+s9], $0x400, s4, s9, $0x38;
	[tilespmem:$0xCA00] =	vst v63  }
0x1cf: {  	s5 =	sadd.s32 @!p0 $0x4000, s2;
	s6 =	simm.s32 @!p0 $0x1300  }
0x1d0: {  	[tilespmem:s6], [sflag:$0x1] =	stream.strided.gather @!p0 [hbm4b:s5+s9], $0x200, s4, s9, $0x38;
	[tilespmem:$0xCA00] =	vst v63  }
0x1d1: {  	s2 =	sadd.s32 @!p0 $0x4080, s2;
	s5 =	simm.s32 @!p0 $0x1700  }
0x1d2: {  	[tilespmem:s5], [sflag:$0x1] =	stream.strided.gather @!p0 [hbm4b:s2+s9], $0x200, s4, s9, $0x38;
	[tilespmem:$0xCA00] =	vst v63  }
0x1d3: {  	s1 =	sadd.s32 @!p0 s8, s1;
	s2 =	simm.s32 @!p0 $0x1B00  }
0x1d4: {  	[tilespmem:s2], [sflag:$0x1] =	stream.strided.gather @!p0 [hbm4b:s1+s9], $0x400, s4, s9, $0x38;
	[tilespmem:$0xCA00] =	vst v63  }
0x1d5: {  	s5 =	simm.s32 @!p0 $0x1F00;
	s2 =	sadd.s32 @!p0 $0x80, s1  }
0x1d6: {  	[tilespmem:s5], [sflag:$0x1] =	stream.strided.gather @!p0 [hbm4b:s2+s9], $0x400, s4, s9, $0x38;
	[tilespmem:$0xCA00] =	vst v63  }
0x1d7: {  	s2 =	sadd.s32 @!p0 $0x2000, s1;
	s5 =	simm.s32 @!p0 $0x2300  }
0x1d8: {  	[tilespmem:s5], [sflag:$0x1] =	stream.strided.gather @!p0 [hbm4b:s2+s9], $0x400, s4, s9, $0x38;
	[tilespmem:$0xCA00] =	vst v63  }
0x1d9: {  	s2 =	sadd.s32 @!p0 $0x2080, s1;
	s5 =	simm.s32 @!p0 $0x2700  }
0x1da: {  	[tilespmem:s5], [sflag:$0x1] =	stream.strided.gather @!p0 [hbm4b:s2+s9], $0x400, s4, s9, $0x38;
	[tilespmem:$0xCA00] =	vst v63  }
0x1db: {  	s2 =	sadd.s32 @!p0 $0x4000, s1;
	s5 =	simm.s32 @!p0 $0x2B00  }
0x1dc: {  	[tilespmem:s5], [sflag:$0x1] =	stream.strided.gather @!p0 [hbm4b:s2+s9], $0x200, s4, s9, $0x38;
	[tilespmem:$0xCA00] =	vst v63  }
0x1dd: {  	p1 =	seq.s32 @!p0 s17, $0x0;
	s1 =	sadd.s32 @!p0 $0x4080, s1;
	s2 =	simm.s32 @!p0 $0x2F00  }
0x1de: {  	[tilespmem:s2], [sflag:$0x1] =	stream.strided.gather @!p0 [hbm4b:s1+s9], $0x200, s4, s9, $0x38;
	[tilespmem:$0xCA00] =	vst v63  }
0x1df: {  	p0 =	por p0, !p1  }
0x1e0: {  	s1 =	simm.s32 @p0 $0x4  }
0x1e1: {  	_ =	swait.ge @p0 [sflag:s1], $0x2800  }
0x1e2: {  	[sflag:s1] =	ssyncset.done @p0 $0x0  }
0x1e3: {  	s16 =	smov.u32 s7;
	s25 =	smov.u32 s8;
	[sflag:s1] =	ssyncadd.s32 @p0 $0xFFFFD800  }
0x1e4: {  	s26 =	smov.u32 s22;
	s6 =	simm.s32 $0x0;
	s1 =	simm.s32 $0x0;
	v3 =	vld.idx.msk [tilespmem:v0+s3+$0x0], $0xffff  }
.LBB2_7:
0x1e5: {  	s2 =	sshra.s32 s1, $0x2  }
0x1e6: {  	v11 =	vld [tilespmem:s2+$0x6400]  }
0x1e7: {  	v10 =	vld [tilespmem:s2+$0x6410]  }
0x1e8: {  	v9 =	vld [tilespmem:s2+$0x6420]  }
0x1e9: {  	v6 =	vld [tilespmem:s2+$0x6430]  }
0x1ea: {  	v5 =	vld [tilespmem:s2+$0x6440]  }
0x1eb: {  	v7 =	vld [tilespmem:s2+$0x6460];
	_ =	sdelay $0x3  }
0x1ec: {  	vm0 =	vlt.f32 v3, v11;
	vm10 =	vlt.f32 v3, v10;
	vm11 =	vlt.f32 v3, v9  }
0x1ed: {  	vm1 =	vlt.f32 v3, v6;
	vm12 =	vlt.f32 v3, v5;
	vm14 =	vlt.f32 v3, v7  }
0x1ee: {  	v12 =	vsel vm0, $0x100, v1;
	v13 =	vsel vm10, $0x100, v1;
	v14 =	vsel vm11, $0x100, v1  }
0x1ef: {  	v15 =	vsel vm1, $0x100, v1;
	v16 =	vsel vm12, $0x100, v1;
	v8 =	vor.u32 $0x80, v12  }
0x1f0: {  	v29 =	vsel vm14, $0x100, v1;
	v38 =	vor.u32 $0x80, v13;
	v18 =	vmin.u32 v8, $0x100  }
0x1f1: {  	v20 =	vor.u32 $0x80, v14;
	v19 =	vmin.u32 v38, $0x100;
	v21 =	vadd.s32 $0xFFFFFFFF, v18  }
0x1f2: {  	v22 =	vor.u32 $0x80, v15;
	v20 =	vmin.u32 v20, $0x100;
	v23 =	vadd.s32 $0xFFFFFFFF, v19  }
0x1f3: {  	v24 =	vor.u32 $0x80, v16;
	v22 =	vmin.u32 v22, $0x100;
	v25 =	vadd.s32 $0xFFFFFFFF, v20  }
0x1f4: {  	v4 =	vld [tilespmem:s2+$0x6450];
	v31 =	vor.u32 $0x80, v29;
	v24 =	vmin.u32 v24, $0x100;
	v27 =	vadd.s32 $0xFFFFFFFF, v22  }
0x1f5: {  	v8 =	vld [tilespmem:s2+$0x6470];
	v31 =	vmin.u32 v31, $0x100;
	v28 =	vadd.s32 $0xFFFFFFFF, v24  }
0x1f6: {  	v34 =	vadd.s32 $0xFFFFFFFF, v31;
	v21 =	vld.idx.msk [tilespmem:v21+s3+$0x0], $0xffff  }
0x1f7: {  	v23 =	vld.idx.msk [tilespmem:v23+s3+$0x0], $0xffff  }
0x1f8: {  	v25 =	vld.idx.msk [tilespmem:v25+s3+$0x0], $0xffff  }
0x1f9: {  	v27 =	vld.idx.msk [tilespmem:v27+s3+$0x0], $0xffff  }
0x1fa: {  	vm13 =	vlt.f32 v3, v4;
	vm15 =	vlt.f32 v3, v8;
	v28 =	vld.idx.msk [tilespmem:v28+s3+$0x0], $0xffff  }
0x1fb: {  	v17 =	vsel vm13, $0x100, v1;
	v32 =	vsel vm15, $0x100, v1;
	v39 =	vld.idx.msk [tilespmem:v34+s3+$0x0], $0xffff  }
0x1fc: {  	v26 =	vor.u32 $0x80, v17;
	v33 =	vor.u32 $0x80, v32  }
0x1fd: {  	v26 =	vmin.u32 v26, $0x100;
	v33 =	vmin.u32 v33, $0x100  }
0x1fe: {  	v30 =	vadd.s32 $0xFFFFFFFF, v26;
	v35 =	vadd.s32 $0xFFFFFFFF, v33  }
0x1ff: {  	vm4 =	vlt.f32 v21, v11;
	vm5 =	vlt.f32 v23, v10;
	vm6 =	vlt.f32 v25, v9  }
0x200: {  	vm7 =	vlt.f32 v27, v6;
	vm8 =	vlt.f32 v28, v5;
	vm10 =	vlt.f32 v39, v7  }
0x201: {  	v12 =	vsel vm4, v18, v12;
	v13 =	vsel vm5, v19, v13;
	v14 =	vsel vm6, v20, v14  }
0x202: {  	v15 =	vsel vm7, v22, v15;
	v16 =	vsel vm8, v24, v16;
	v41 =	vor.u32 $0x40, v12  }
0x203: {  	v47 =	vsel vm10, v31, v29;
	v42 =	vor.u32 $0x40, v13;
	v20 =	vmin.u32 v41, $0x100  }
0x204: {  	v43 =	vor.u32 $0x40, v14;
	v21 =	vmin.u32 v42, $0x100;
	v44 =	vadd.s32 $0xFFFFFFFF, v20  }
0x205: {  	v30 =	vld.idx.msk [tilespmem:v30+s3+$0x0], $0xffff;
	v48 =	vor.u32 $0x40, v15;
	v45 =	vmin.u32 v43, $0x100;
	v46 =	vadd.s32 $0xFFFFFFFF, v21  }
0x206: {  	v51 =	vor.u32 $0x40, v16;
	v50 =	vmin.u32 v48, $0x100;
	v49 =	vadd.s32 $0xFFFFFFFF, v45  }
0x207: {  	v29 =	vor.u32 $0x40, v47;
	v40 =	vld.idx.msk [tilespmem:v35+s3+$0x0], $0xffff;
	v25 =	vmin.u32 v51, $0x100;
	v53 =	vadd.s32 $0xFFFFFFFF, v50  }
0x208: {  	v29 =	vmin.u32 v29, $0x100;
	v54 =	vadd.s32 $0xFFFFFFFF, v25  }
0x209: {  	v57 =	vadd.s32 $0xFFFFFFFF, v29;
	v23 =	vld.idx.msk [tilespmem:v44+s3+$0x0], $0xffff  }
0x20a: {  	vm9 =	vlt.f32 v30, v4;
	v22 =	vld.idx.msk [tilespmem:v46+s3+$0x0], $0xffff  }
0x20b: {  	v17 =	vsel vm9, v26, v17;
	v26 =	vld.idx.msk [tilespmem:v49+s3+$0x0], $0xffff  }
0x20c: {  	vm11 =	vlt.f32 v40, v8;
	v28 =	vld.idx.msk [tilespmem:v53+s3+$0x0], $0xffff  }
0x20d: {  	v55 =	vsel vm11, v33, v32;
	v30 =	vld.idx.msk [tilespmem:v54+s3+$0x0], $0xffff  }
0x20e: {  	v52 =	vor.u32 $0x40, v17;
	v60 =	vld.idx.msk [tilespmem:v57+s3+$0x0], $0xffff;
	v33 =	vor.u32 $0x40, v55  }
0x20f: {  	v27 =	vmin.u32 v52, $0x100;
	v33 =	vmin.u32 v33, $0x100  }
0x210: {  	v56 =	vadd.s32 $0xFFFFFFFF, v27;
	v58 =	vadd.s32 $0xFFFFFFFF, v33  }
0x211: {  	vm12 =	vlt.f32 v23, v11;
	vm13 =	vlt.f32 v22, v10;
	vm14 =	vlt.f32 v26, v9  }
0x212: {  	vm15 =	vlt.f32 v28, v6;
	vm4 =	vlt.f32 v30, v5;
	v12 =	vsel vm12, v20, v12  }
0x213: {  	vm6 =	vlt.f32 v60, v7;
	v13 =	vsel vm13, v21, v13;
	v61 =	vmin.u32 v12, $0xE0  }
0x214: {  	v14 =	vsel vm14, v45, v14;
	v62 =	vmin.u32 v13, $0xE0;
	v63 =	vadd.s32 $0x1F, v61  }
0x215: {  	v59 =	vld.idx.msk [tilespmem:v56+s3+$0x0], $0xffff;
	v15 =	vsel vm15, v50, v15;
	v37 =	vmin.u32 v14, $0xE0;
	v38 =	vadd.s32 $0x1F, v62  }
0x216: {  	v16 =	vsel vm4, v25, v16;
	v40 =	vmin.u32 v15, $0xE0;
	v39 =	vadd.s32 $0x1F, v37  }
0x217: {  	v42 =	vsel vm6, v29, v47;
	v43 =	vmin.u32 v16, $0xE0;
	v41 =	vadd.s32 $0x1F, v40  }
0x218: {  	v48 =	vmin.u32 v42, $0xE0;
	v36 =	vld.idx.msk [tilespmem:v58+s3+$0x0], $0xffff;
	v46 =	vadd.s32 $0x1F, v43  }
0x219: {  	v50 =	vadd.s32 $0x1F, v48;
	v22 =	vld.idx.msk [tilespmem:v63+s3+$0x0], $0xffff  }
0x21a: {  	vm5 =	vlt.f32 v59, v4;
	v45 =	vld.idx.msk [tilespmem:v38+s3+$0x0], $0xffff  }
0x21b: {  	v17 =	vsel vm5, v27, v17;
	v19 =	vld.idx.msk [tilespmem:v39+s3+$0x0], $0xffff  }
0x21c: {  	v44 =	vmin.u32 v17, $0xE0;
	v20 =	vld.idx.msk [tilespmem:v41+s3+$0x0], $0xffff  }
0x21d: {  	v49 =	vadd.s32 $0x1F, v44;
	vm7 =	vlt.f32 v36, v8;
	v53 =	vld.idx.msk [tilespmem:v46+s3+$0x0], $0xffff  }
0x21e: {  	v21 =	vadd.s32 $0x20, v61;
	v18 =	vadd.s32 $0x20, v62;
	v56 =	vld.idx.msk [tilespmem:v50+s3+$0x0], $0xffff;
	v47 =	vsel vm7, v33, v55  }
0x21f: {  	v28 =	vadd.s32 $0x20, v37;
	v25 =	vadd.s32 $0x20, v40;
	v33 =	vmin.u32 v47, $0xE0  }
0x220: {  	v52 =	vadd.s32 $0x20, v43;
	v31 =	vadd.s32 $0x20, v48;
	v51 =	vadd.s32 $0x1F, v33  }
0x221: {  	vm8 =	vlt.f32 v22, v11;
	vm9 =	vlt.f32 v45, v10;
	vm10 =	vlt.f32 v19, v9  }
0x222: {  	vm11 =	vlt.f32 v20, v6;
	vm12 =	vlt.f32 v53, v5;
	v12 =	vsel vm8, v21, v12  }
0x223: {  	vm14 =	vlt.f32 v56, v7;
	v13 =	vsel vm9, v18, v13;
	v55 =	vmin.u32 v12, $0xF0  }
0x224: {  	v14 =	vsel vm10, v28, v14;
	v57 =	vmin.u32 v13, $0xF0;
	v58 =	vadd.s32 $0xF, v55  }
0x225: {  	v15 =	vsel vm11, v25, v15;
	v60 =	vmin.u32 v14, $0xF0;
	v61 =	vadd.s32 $0xF, v57  }
0x226: {  	v54 =	vld.idx.msk [tilespmem:v49+s3+$0x0], $0xffff;
	v16 =	vsel vm12, v52, v16;
	v63 =	vmin.u32 v15, $0xF0;
	v62 =	vadd.s32 $0xF, v60  }
0x227: {  	v23 =	vsel vm14, v31, v42;
	v38 =	vmin.u32 v16, $0xF0;
	v36 =	vadd.s32 $0xF, v63  }
0x228: {  	v31 =	vmin.u32 v23, $0xF0;
	v59 =	vld.idx.msk [tilespmem:v51+s3+$0x0], $0xffff;
	v40 =	vadd.s32 $0xF, v38  }
0x229: {  	v26 =	vadd.s32 $0x20, v44;
	v44 =	vadd.s32 $0xF, v31;
	v28 =	vld.idx.msk [tilespmem:v58+s3+$0x0], $0xffff  }
0x22a: {  	v39 =	vld.idx.msk [tilespmem:v61+s3+$0x0], $0xffff  }
0x22b: {  	vm13 =	vlt.f32 v54, v4;
	v25 =	vld.idx.msk [tilespmem:v62+s3+$0x0], $0xffff  }
0x22c: {  	v37 =	vadd.s32 $0x20, v33;
	v17 =	vsel vm13, v26, v17;
	v21 =	vld.idx.msk [tilespmem:v36+s3+$0x0], $0xffff  }
0x22d: {  	v41 =	vmin.u32 v17, $0xF0;
	v18 =	vadd.s32 $0x10, v55;
	vm15 =	vlt.f32 v59, v8;
	v46 =	vld.idx.msk [tilespmem:v40+s3+$0x0], $0xffff  }
0x22e: {  	v42 =	vadd.s32 $0xF, v41;
	v27 =	vadd.s32 $0x10, v57;
	v50 =	vld.idx.msk [tilespmem:v44+s3+$0x0], $0xffff;
	v22 =	vsel vm15, v37, v47  }
0x22f: {  	v20 =	vadd.s32 $0x10, v60;
	v24 =	vadd.s32 $0x10, v63;
	v43 =	vmin.u32 v22, $0xF0  }
0x230: {  	v26 =	vadd.s32 $0x10, v38;
	v31 =	vadd.s32 $0x10, v31;
	v45 =	vadd.s32 $0xF, v43  }
0x231: {  	vm4 =	vlt.f32 v28, v11;
	vm5 =	vlt.f32 v39, v10;
	vm6 =	vlt.f32 v25, v9  }
0x232: {  	vm7 =	vlt.f32 v21, v6;
	vm8 =	vlt.f32 v46, v5;
	v12 =	vsel vm4, v18, v12  }
0x233: {  	vm10 =	vlt.f32 v50, v7;
	v13 =	vsel vm5, v27, v13;
	v18 =	vmin.u32 v12, $0xF8  }
0x234: {  	v14 =	vsel vm6, v20, v14;
	v48 =	vmin.u32 v13, $0xF8;
	v49 =	vadd.s32 $0x7, v18  }
0x235: {  	v15 =	vsel vm7, v24, v15;
	v51 =	vmin.u32 v14, $0xF8;
	v52 =	vadd.s32 $0x7, v48  }
0x236: {  	v47 =	vld.idx.msk [tilespmem:v42+s3+$0x0], $0xffff;
	v16 =	vsel vm8, v26, v16;
	v55 =	vmin.u32 v15, $0xF8;
	v54 =	vadd.s32 $0x7, v51  }
0x237: {  	v23 =	vsel vm10, v31, v23;
	v57 =	vmin.u32 v16, $0xF8;
	v56 =	vadd.s32 $0x7, v55  }
0x238: {  	v31 =	vmin.u32 v23, $0xF8;
	v53 =	vld.idx.msk [tilespmem:v45+s3+$0x0], $0xffff;
	v59 =	vadd.s32 $0x7, v57  }
0x239: {  	v61 =	vadd.s32 $0x7, v31;
	v25 =	vld.idx.msk [tilespmem:v49+s3+$0x0], $0xffff  }
0x23a: {  	v58 =	vld.idx.msk [tilespmem:v52+s3+$0x0], $0xffff  }
0x23b: {  	v30 =	vadd.s32 $0x10, v41;
	vm9 =	vlt.f32 v47, v4;
	v24 =	vld.idx.msk [tilespmem:v54+s3+$0x0], $0xffff  }
0x23c: {  	v33 =	vadd.s32 $0x10, v43;
	v17 =	vsel vm9, v30, v17;
	v26 =	vld.idx.msk [tilespmem:v56+s3+$0x0], $0xffff  }
0x23d: {  	v30 =	vmin.u32 v17, $0xF8;
	v18 =	vadd.s32 $0x8, v18;
	vm11 =	vlt.f32 v53, v8;
	v29 =	vld.idx.msk [tilespmem:v59+s3+$0x0], $0xffff  }
0x23e: {  	v20 =	vadd.s32 $0x8, v48;
	v21 =	vadd.s32 $0x8, v51;
	v37 =	vld.idx.msk [tilespmem:v61+s3+$0x0], $0xffff;
	v22 =	vsel vm11, v33, v22  }
0x23f: {  	v28 =	vadd.s32 $0x8, v55;
	v19 =	vadd.s32 $0x8, v57;
	v33 =	vmin.u32 v22, $0xF8  }
0x240: {  	v31 =	vadd.s32 $0x8, v31;
	v60 =	vadd.s32 $0x7, v30;
	v62 =	vadd.s32 $0x7, v33  }
0x241: {  	vm12 =	vlt.f32 v25, v11;
	vm13 =	vlt.f32 v58, v10;
	vm14 =	vlt.f32 v24, v9  }
0x242: {  	vm15 =	vlt.f32 v26, v6;
	vm4 =	vlt.f32 v29, v5;
	v12 =	vsel vm12, v18, v12  }
0x243: {  	vm6 =	vlt.f32 v37, v7;
	v13 =	vsel vm13, v20, v13;
	v36 =	vmin.u32 v12, $0xFC  }
0x244: {  	v14 =	vsel vm14, v21, v14;
	v38 =	vmin.u32 v13, $0xFC;
	v39 =	vadd.s32 $0x3, v36  }
0x245: {  	v15 =	vsel vm15, v28, v15;
	v41 =	vmin.u32 v14, $0xFC;
	v42 =	vadd.s32 $0x3, v38  }
0x246: {  	v63 =	vld.idx.msk [tilespmem:v60+s3+$0x0], $0xffff;
	v16 =	vsel vm4, v19, v16;
	v43 =	vmin.u32 v15, $0xFC;
	v44 =	vadd.s32 $0x3, v41  }
0x247: {  	v23 =	vsel vm6, v31, v23;
	v46 =	vmin.u32 v16, $0xFC;
	v45 =	vadd.s32 $0x3, v43  }
0x248: {  	v52 =	vmin.u32 v23, $0xFC;
	v40 =	vld.idx.msk [tilespmem:v62+s3+$0x0], $0xffff;
	v47 =	vadd.s32 $0x3, v46  }
0x249: {  	v53 =	vadd.s32 $0x3, v52;
	v25 =	vld.idx.msk [tilespmem:v39+s3+$0x0], $0xffff  }
0x24a: {  	v49 =	vld.idx.msk [tilespmem:v42+s3+$0x0], $0xffff  }
0x24b: {  	v30 =	vadd.s32 $0x8, v30;
	vm5 =	vlt.f32 v63, v4;
	v50 =	vld.idx.msk [tilespmem:v44+s3+$0x0], $0xffff  }
0x24c: {  	v33 =	vadd.s32 $0x8, v33;
	v17 =	vsel vm5, v30, v17;
	v19 =	vld.idx.msk [tilespmem:v45+s3+$0x0], $0xffff  }
0x24d: {  	v48 =	vmin.u32 v17, $0xFC;
	v20 =	vadd.s32 $0x4, v36;
	vm7 =	vlt.f32 v40, v8;
	v30 =	vld.idx.msk [tilespmem:v47+s3+$0x0], $0xffff  }
0x24e: {  	v24 =	vadd.s32 $0x4, v38;
	v27 =	vadd.s32 $0x4, v41;
	v59 =	vld.idx.msk [tilespmem:v53+s3+$0x0], $0xffff;
	v22 =	vsel vm7, v33, v22  }
0x24f: {  	v29 =	vadd.s32 $0x4, v43;
	v51 =	vadd.s32 $0x3, v48;
	v54 =	vmin.u32 v22, $0xFC  }
0x250: {  	v18 =	vadd.s32 $0x4, v46;
	v32 =	vadd.s32 $0x4, v52;
	v55 =	vadd.s32 $0x3, v54  }
0x251: {  	vm8 =	vlt.f32 v25, v11;
	vm9 =	vlt.f32 v49, v10;
	vm10 =	vlt.f32 v50, v9  }
0x252: {  	vm11 =	vlt.f32 v19, v6;
	vm12 =	vlt.f32 v30, v5;
	v12 =	vsel vm8, v20, v12  }
0x253: {  	vm14 =	vlt.f32 v59, v7;
	v13 =	vsel vm9, v24, v13;
	v58 =	vmin.u32 v12, $0xFE  }
0x254: {  	v57 =	vld.idx.msk [tilespmem:v51+s3+$0x0], $0xffff;
	v14 =	vsel vm10, v27, v14;
	v60 =	vmin.u32 v13, $0xFE;
	v61 =	vadd.s32 $0x1, v58  }
0x255: {  	v15 =	vsel vm11, v29, v15;
	v62 =	vmin.u32 v14, $0xFE;
	v63 =	vadd.s32 $0x1, v60  }
0x256: {  	v16 =	vsel vm12, v18, v16;
	v36 =	vmin.u32 v15, $0xFE;
	v37 =	vadd.s32 $0x1, v62  }
0x257: {  	v23 =	vsel vm14, v32, v23;
	v38 =	vmin.u32 v16, $0xFE;
	v25 =	vld.idx.msk [tilespmem:v55+s3+$0x0], $0xffff;
	v39 =	vadd.s32 $0x1, v36  }
0x258: {  	v44 =	vmin.u32 v23, $0xFE;
	v40 =	vadd.s32 $0x1, v38  }
0x259: {  	v56 =	vadd.s32 $0x4, v48;
	vm13 =	vlt.f32 v57, v4;
	v45 =	vadd.s32 $0x1, v44;
	v27 =	vld.idx.msk [tilespmem:v61+s3+$0x0], $0xffff  }
0x25a: {  	v43 =	vadd.s32 $0x4, v54;
	v17 =	vsel vm13, v56, v17;
	v29 =	vld.idx.msk [tilespmem:v63+s3+$0x0], $0xffff  }
0x25b: {  	v41 =	vmin.u32 v17, $0xFE;
	v19 =	vadd.s32 $0x2, v58;
	v26 =	vadd.s32 $0x2, v60;
	v30 =	vld.idx.msk [tilespmem:v37+s3+$0x0], $0xffff  }
0x25c: {  	v28 =	vadd.s32 $0x2, v62;
	v42 =	vadd.s32 $0x1, v41;
	vm15 =	vlt.f32 v25, v8;
	v31 =	vld.idx.msk [tilespmem:v39+s3+$0x0], $0xffff  }
0x25d: {  	v18 =	vadd.s32 $0x2, v36;
	v21 =	vadd.s32 $0x2, v38;
	v20 =	vld.idx.msk [tilespmem:v40+s3+$0x0], $0xffff;
	v22 =	vsel vm15, v43, v22  }
0x25e: {  	v49 =	vld.idx.msk [tilespmem:v45+s3+$0x0], $0xffff;
	v25 =	vadd.s32 $0x2, v44;
	v46 =	vmin.u32 v22, $0xFE;
	vm4 =	vlt.f32 v27, v11  }
0x25f: {  	v47 =	vadd.s32 $0x1, v46;
	vm5 =	vlt.f32 v29, v10;
	v12 =	vsel vm4, v19, v12  }
0x260: {  	vm6 =	vlt.f32 v30, v9;
	v13 =	vsel vm5, v26, v13;
	v19 =	vmin.u32 v12, $0xFF  }
0x261: {  	v48 =	vld.idx.msk [tilespmem:v42+s3+$0x0], $0xffff;
	vm7 =	vlt.f32 v31, v6;
	v14 =	vsel vm6, v28, v14;
	v50 =	vmin.u32 v13, $0xFF  }
0x262: {  	vm8 =	vlt.f32 v20, v5;
	v15 =	vsel vm7, v18, v15;
	v51 =	vmin.u32 v14, $0xFF  }
0x263: {  	vm10 =	vlt.f32 v49, v7;
	v16 =	vsel vm8, v21, v16;
	v53 =	vmin.u32 v15, $0xFF  }
0x264: {  	v23 =	vsel vm10, v25, v23;
	v54 =	vmin.u32 v16, $0xFF;
	v52 =	vld.idx.msk [tilespmem:v47+s3+$0x0], $0xffff  }
0x265: {  	v60 =	vmin.u32 v23, $0xFF;
	v55 =	vld.idx.msk [tilespmem:v19+s3+$0x0], $0xffff  }
0x266: {  	v24 =	vadd.s32 $0x2, v41;
	vm9 =	vlt.f32 v48, v4;
	v57 =	vld.idx.msk [tilespmem:v50+s3+$0x0], $0xffff  }
0x267: {  	v17 =	vsel vm9, v24, v17;
	v58 =	vld.idx.msk [tilespmem:v51+s3+$0x0], $0xffff  }
0x268: {  	v56 =	vmin.u32 v17, $0xFF;
	v61 =	vld.idx.msk [tilespmem:v53+s3+$0x0], $0xffff  }
0x269: {  	v59 =	vadd.s32 $0x2, v46;
	v62 =	vld.idx.msk [tilespmem:v54+s3+$0x0], $0xffff;
	vm11 =	vlt.f32 v52, v8  }
0x26a: {  	v28 =	vadd.s32 $0x1, v50;
	v18 =	vadd.s32 $0x1, v51;
	v37 =	vld.idx.msk [tilespmem:v60+s3+$0x0], $0xffff;
	v22 =	vsel vm11, v59, v22  }
0x26b: {  	v21 =	vadd.s32 $0x1, v53;
	v35 =	vadd.s32 $0x1, v54;
	v63 =	vmin.u32 v22, $0xFF  }
0x26c: {  	v38 =	vadd.s32 $0x1, v60;
	v36 =	vadd.s32 $0x1, v56;
	v19 =	vadd.s32 $0x1, v19  }
0x26d: {  	v34 =	vld.idx.msk [tilespmem:v56+s3+$0x0], $0xffff;
	v39 =	vadd.s32 $0x1, v63;
	vm12 =	vlt.f32 v55, v11;
	vm13 =	vlt.f32 v57, v10  }
0x26e: {  	vm14 =	vlt.f32 v58, v9;
	vm15 =	vlt.f32 v61, v6;
	vm4 =	vlt.f32 v62, v5  }
0x26f: {  	vm6 =	vlt.f32 v37, v7;
	v12 =	vsel vm12, v19, v12;
	v13 =	vsel vm13, v28, v13  }
0x270: {  	v14 =	vsel vm14, v18, v14;
	v15 =	vsel vm15, v21, v15;
	v41 =	vmax.u32 v12, $0x1;
	v40 =	vld.idx.msk [tilespmem:v63+s3+$0x0], $0xffff  }
0x271: {  	v16 =	vsel vm4, v35, v16;
	v42 =	vmax.u32 v13, $0x1;
	v19 =	vsub.s32 v41, v2  }
0x272: {  	vm5 =	vlt.f32 v34, v4;
	v43 =	vmax.u32 v14, $0x1;
	v24 =	vsub.s32 v42, v2  }
0x273: {  	v18 =	vsel vm6, v38, v23;
	v44 =	vmax.u32 v15, $0x1;
	v25 =	vsub.s32 v43, v2  }
0x274: {  	v17 =	vsel vm5, v36, v17;
	v46 =	vmax.u32 v16, $0x1;
	v45 =	vsub.s32 v44, v2  }
0x275: {  	v50 =	vmax.u32 v18, $0x1;
	v47 =	vsub.s32 v46, v2;
	vm7 =	vlt.f32 v40, v8  }
0x276: {  	v48 =	vmax.u32 v17, $0x1;
	v26 =	vsub.s32 v50, v2;
	v51 =	vld.idx.msk [tilespmem:v19+s3+$0x0], $0xffff;
	v20 =	vsel vm7, v39, v22  }
0x277: {  	v49 =	vsub.s32 v48, v2;
	v53 =	vld.idx.msk [tilespmem:v24+s3+$0x0], $0xffff;
	v52 =	vmax.u32 v20, $0x1  }
0x278: {  	v54 =	vld.idx.msk [tilespmem:v25+s3+$0x0], $0xffff;
	v28 =	vsub.s32 v52, v2  }
0x279: {  	v55 =	vld.idx.msk [tilespmem:v45+s3+$0x0], $0xffff  }
0x27a: {  	vm8 =	veq.s32 v12, $0x0;
	v56 =	vld.idx.msk [tilespmem:v47+s3+$0x0], $0xffff  }
0x27b: {  	v58 =	vld.idx.msk [tilespmem:v26+s3+$0x0], $0xffff;
	v27 =	vsel vm8, $0x0, v51  }
0x27c: {  	vm9 =	veq.s32 v13, $0x0;
	v57 =	vld.idx.msk [tilespmem:v49+s3+$0x0], $0xffff;
	v11 =	vsub.f32 v27, v11  }
0x27d: {  	v13 =	vsel vm9, $0x0, v53;
	v59 =	vld.idx.msk [tilespmem:v28+s3+$0x0], $0xffff;
	[tilespmem:s2+$0xC600] =	vst v19  }
0x27e: {  	vm10 =	veq.s32 v14, $0x0;
	v10 =	vsub.f32 v13, v10;
	[tilespmem:s2+$0xC800] =	vst v11  }
0x27f: {  	v60 =	vsel vm10, $0x0, v54;
	[tilespmem:s2+$0xC610] =	vst v24  }
0x280: {  	vm11 =	veq.s32 v15, $0x0;
	v9 =	vsub.f32 v60, v9;
	[tilespmem:s2+$0xC810] =	vst v10  }
0x281: {  	v61 =	vsel vm11, $0x0, v55;
	[tilespmem:s2+$0xC620] =	vst v25  }
0x282: {  	vm12 =	veq.s32 v16, $0x0;
	v6 =	vsub.f32 v61, v6;
	[tilespmem:s2+$0xC820] =	vst v9  }
0x283: {  	v62 =	vsel vm12, $0x0, v56;
	[tilespmem:s2+$0xC630] =	vst v45  }
0x284: {  	vm13 =	veq.s32 v17, $0x0;
	v5 =	vsub.f32 v62, v5;
	[tilespmem:s2+$0xC830] =	vst v6  }
0x285: {  	v63 =	vsel vm13, $0x0, v57;
	[tilespmem:s2+$0xC640] =	vst v47  }
0x286: {  	vm14 =	veq.s32 v18, $0x0;
	v4 =	vsub.f32 v63, v4;
	[tilespmem:s2+$0xC840] =	vst v5  }
0x287: {  	p0 =	sne.s32 s1, $0x600;
	v5 =	vsel vm14, $0x0, v58;
	[tilespmem:s2+$0xC650] =	vst v49  }
.Ltmp2:
0x288: {  	vm15 =	veq.s32 v20, $0x0;
	[tilespmem:s2+$0xC850] =	vst v4;
	v4 =	vsub.f32 v5, v7;
	(pc) =	sbr.rel @p0 .LBB2_7-.Ltmp2, $4  }
0x289: {  	[tilespmem:s2+$0xC660] =	vst v26;
	v5 =	vsel vm15, $0x0, v59  }
0x28a: {  	[tilespmem:s2+$0xC860] =	vst v4;
	v4 =	vsub.f32 v5, v8  }
0x28b: {  	[tilespmem:s2+$0xC670] =	vst v28  }
0x28c: {  	s1 =	sadd.s32 $0x200, s1;
	[tilespmem:s2+$0xC870] =	vst v4  }
0x28d: {  	s9 =	simm.s32 $0xC600  }
0x28e: {  	s10 =	simm.s32 $0xC800;
	s11 =	simm.s32 $0x0;
	s12 =	simm.s32 $0x0  }
.LBB2_9:
0x28f: {  	v3 =	vld [tilespmem:s9+$0x0];
	_ =	sdelay $0x4  }
0x290: {  	v5 =	vshll.u32 v3, $0x3  }
0x291: {  	v3 =	vand.u32 $0x7F, v3;
	v5 =	vand.u32 $0xFFFFFC00, v5  }
0x292: {  	s2 =	sand.u32 $0x60, s12;
	v6 =	vor.u32 v3, v5  }
0x293: {  	s4 =	sand.u32 $0x180, s12;
	s1 =	sor.u32 $0x10, s2;
	v9 =	vor.u32 $0x80, v6  }
0x294: {  	s4 =	sor.u32 s4, s1;
	v10 =	vor.u32 $0x100, v6  }
0x295: {  	v4 =	vld [tilespmem:s4+$0xC600];
	v11 =	vor.u32 $0x180, v6  }
0x296: {  	v5 =	vld [tilespmem:s10+$0x0];
	v14 =	vor.u32 $0x200, v6  }
0x297: {  	v16 =	vor.u32 $0x280, v6;
	v12 =	vld.idx.msk [tilespmem:v6+s15+$0x0], $0xffff  }
0x298: {  	v18 =	vor.u32 $0x300, v6;
	v13 =	vld.idx.msk [tilespmem:v9+s15+$0x0], $0xffff  }
0x299: {  	v19 =	vor.u32 $0x380, v6;
	v15 =	vld.idx.msk [tilespmem:v10+s15+$0x0], $0xffff  }
0x29a: {  	v24 =	vadd.s32 $0x800, v6;
	v17 =	vld.idx.msk [tilespmem:v11+s15+$0x0], $0xffff  }
0x29b: {  	v7 =	vshll.u32 v4, $0x3;
	v26 =	vadd.s32 $0x880, v6;
	v22 =	vld.idx.msk [tilespmem:v14+s15+$0x0], $0xffff  }
0x29c: {  	v4 =	vand.u32 $0x7F, v4;
	v8 =	vand.u32 $0xFFFFFC00, v7;
	v23 =	vld.idx.msk [tilespmem:v16+s15+$0x0], $0xffff  }
0x29d: {  	v4 =	vor.u32 v4, v8;
	v25 =	vld.idx.msk [tilespmem:v18+s15+$0x0], $0xffff  }
0x29e: {  	v28 =	vor.u32 $0x180, v4;
	v27 =	vld.idx.msk [tilespmem:v19+s15+$0x0], $0xffff  }
0x29f: {  	v29 =	vor.u32 $0x200, v4;
	v52 =	vld.idx.msk [tilespmem:v24+s15+$0x0], $0xffff  }
0x2a0: {  	v30 =	vor.u32 $0x280, v4;
	v54 =	vld.idx.msk [tilespmem:v26+s15+$0x0], $0xffff  }
0x2a1: {  	v3 =	vld [tilespmem:s4+$0xC800];
	v33 =	vadd.s32 $0x800, v4;
	v12 =	vmul.f32 v12, v5;
	v13 =	vmul.f32 v13, v5  }
0x2a2: {  	v63 =	vadd.s32 $0x880, v4;
	v20 =	vld.idx.msk [tilespmem:v4+s15+$0x0], $0xffff;
	v15 =	vmul.f32 v15, v5;
	v17 =	vmul.f32 v17, v5  }
0x2a3: {  	v59 =	vld.idx.msk [tilespmem:v28+s15+$0x0], $0xffff;
	v51 =	vmul.f32 v22, v5;
	v53 =	vmul.f32 v23, v5  }
0x2a4: {  	v61 =	vld.idx.msk [tilespmem:v29+s15+$0x0], $0xffff;
	v25 =	vmul.f32 v25, v5;
	v27 =	vmul.f32 v27, v5  }
0x2a5: {  	v32 =	vld.idx.msk [tilespmem:v30+s15+$0x0], $0xffff;
	v57 =	vmul.f32 v52, v5;
	v58 =	vmul.f32 v54, v5  }
0x2a6: {  	v60 =	vor.u32 $0x300, v4;
	v34 =	vld.idx.msk [tilespmem:v33+s15+$0x0], $0xffff;
	v12 =	vmul.f32 $1.442695020e+00, v12;
	v13 =	vmul.f32 $1.442695020e+00, v13  }
0x2a7: {  	v36 =	vld.idx.msk [tilespmem:v63+s15+$0x0], $0xffff;
	v48 =	vmul.f32 $1.442695020e+00, v15;
	v49 =	vmul.f32 $1.442695020e+00, v17  }
0x2a8: {  	v21 =	vor.u32 $0x80, v4;
	v55 =	vmul.f32 $1.442695020e+00, v25;
	v56 =	vmul.f32 $1.442695020e+00, v27  }
0x2a9: {  	v7 =	vld.idx.msk [tilespmem:v6+s31+$0x0], $0xffff;
	v20 =	vmul.f32 v20, v3;
	(erf) = vpow2.f32 v12  }
0x2aa: {  	v9 =	vld.idx.msk [tilespmem:v9+s31+$0x0], $0xffff;
	v12 =	vmul.f32 $1.442695020e+00, v51;
	v42 =	vmul.f32 v59, v3  }
0x2ab: {  	v50 =	vor.u32 $0x100, v4;
	v41 =	vld.idx.msk [tilespmem:v60+s15+$0x0], $0xffff;
	v27 =	vmul.f32 v61, v3;
	v32 =	vmul.f32 v32, v3  }
0x2ac: {  	v10 =	vld.idx.msk [tilespmem:v10+s31+$0x0], $0xffff;
	v34 =	vmul.f32 v34, v3;
	v36 =	vmul.f32 v36, v3  }
0x2ad: {  	v15 =	vld.idx.msk [tilespmem:v21+s31+$0x0], $0xffff;
	(erf) = vpow2.f32 v13;
	v13 =	vmul.f32 $1.442695020e+00, v53  }
0x2ae: {  	v21 =	vld.idx.msk [tilespmem:v21+s15+$0x0], $0xffff;
	v62 =	vmul.f32 $1.442695020e+00, v20;
	(erf) = vpow2.f32 v48  }
0x2af: {  	v31 =	vor.u32 $0x380, v4;
	v11 =	vld.idx.msk [tilespmem:v11+s31+$0x0], $0xffff;
	v45 =	vmul.f32 $1.442695020e+00, v27;
	v47 =	vmul.f32 $1.442695020e+00, v32  }
0x2b0: {  	v17 =	vld.idx.msk [tilespmem:v50+s15+$0x0], $0xffff;
	v48 =	vmul.f32 v41, v3;
	(erf) = vpow2.f32 v49  }
0x2b1: {  	v25 =	vld.idx.msk [tilespmem:v50+s31+$0x0], $0xffff;
	v50 =	vmul.f32 $1.442695020e+00, v34;
	(erf) = vpow2.f32 v12  }
0x2b2: {  	v14 =	vld.idx.msk [tilespmem:v14+s31+$0x0], $0xffff;
	v12 =	vmul.f32 $1.442695020e+00, v57;
	(erf) = vpow2.f32 v13  }
0x2b3: {  	v8 =	vld.idx.msk [tilespmem:v4+s31+$0x0], $0xffff;
	v21 =	vmul.f32 v21, v3;
	(erf) = vpow2.f32 v55  }
0x2b4: {  	v43 =	vld.idx.msk [tilespmem:v31+s15+$0x0], $0xffff;
	v13 =	vmul.f32 $1.442695020e+00, v58;
	(erf) = vpow2.f32 v56  }
0x2b5: {  	v16 =	vld.idx.msk [tilespmem:v16+s31+$0x0], $0xffff;
	v40 =	vmul.f32 v17, v3;
	(erf) = vpow2.f32 v12  }
0x2b6: {  	v18 =	vld.idx.msk [tilespmem:v18+s31+$0x0], $0xffff;
	v39 =	vmul.f32 $1.442695020e+00, v21;
	(erf) = vpow2.f32 v13;
	v44 =	vpop (erf)  }
0x2b7: {  	v19 =	vld.idx.msk [tilespmem:v19+s31+$0x0], $0xffff;
	v52 =	vshll.u32 v7, $0x10;
	v51 =	vmul.f32 $1.442695020e+00, v36;
	(erf) = vpow2.f32 v62;
	v35 =	vpop (erf)  }
0x2b8: {  	v24 =	vld.idx.msk [tilespmem:v24+s31+$0x0], $0xffff;
	v54 =	vshll.u32 v8, $0x10;
	v12 =	vmul.f32 $1.442695020e+00, v40;
	(erf) = vpow2.f32 v39;
	v37 =	vpop (erf)  }
0x2b9: {  	v26 =	vld.idx.msk [tilespmem:v26+s31+$0x0], $0xffff;
	v61 =	vshll.u32 v10, $0x10;
	v49 =	vmul.f32 v43, v3;
	v13 =	vmul.f32 $1.442695020e+00, v42;
	v46 =	vpop (erf)  }
0x2ba: {  	v31 =	vld.idx.msk [tilespmem:v31+s31+$0x0], $0xffff;
	v56 =	vshll.u32 v9, $0x10;
	v53 =	vmul.f32 v52, v44;
	(erf) = vpow2.f32 v12;
	v32 =	vpop (erf)  }
0x2bb: {  	v41 =	vshll.u32 v11, $0x10;
	v17 =	vld.idx.msk [tilespmem:v30+s31+$0x0], $0xffff;
	v58 =	vmul.f32 v56, v35;
	(erf) = vpow2.f32 v13;
	v30 =	vpop (erf)  }
0x2bc: {  	v33 =	vld.idx.msk [tilespmem:v33+s31+$0x0], $0xffff;
	v59 =	vshll.u32 v15, $0x10;
	v12 =	vmul.f32 $1.442695020e+00, v48;
	(erf) = vpow2.f32 v45;
	v21 =	vpop (erf)  }
0x2bd: {  	s5 =	sand.u32 $0xC00, s11;
	v20 =	vld.idx.msk [tilespmem:v28+s31+$0x0], $0xffff;
	v7 =	vadd.f32 v7, v53;
	v13 =	vmul.f32 $1.442695020e+00, v49;
	(erf) = vpow2.f32 v47;
	v38 =	vpop (erf)  }
0x2be: {  	s8 =	sadd.s32 $0x9600, s5;
	v28 =	vld.idx.msk [tilespmem:v63+s31+$0x0], $0xffff;
	v36 =	vmul.f32 v61, v37;
	v63 =	vadd.f32 v9, v58;
	(erf) = vpow2.f32 v12;
	v39 =	vpop (erf)  }
0x2bf: {  	s13 =	sor.u32 s2, s8;
	v23 =	vld.idx.msk [tilespmem:v60+s31+$0x0], $0xffff;
	v44 =	vmul.f32 v41, v46;
	v47 =	vshll.u32 v14, $0x10;
	(erf) = vpow2.f32 v13;
	v34 =	vpop (erf)  }
0x2c0: {  	v27 =	vld.idx.msk [tilespmem:v29+s31+$0x0], $0xffff;
	[tilespmem:s13+$0x0] =	vst v7;
	v43 =	vadd.f32 v10, v36;
	(erf) = vpow2.f32 v50;
	v50 =	vmul.f32 v47, v32;
	v40 =	vpop (erf)  }
0x2c1: {  	v37 =	vshll.u32 v25, $0x10;
	[tilespmem:s13+$0x80] =	vst v63;
	v49 =	vadd.f32 v11, v44;
	v55 =	vmul.f32 v54, v40;
	v57 =	vpop (erf)  }
0x2c2: {  	[tilespmem:s13+$0x100] =	vst v43;
	v54 =	vshll.u32 v16, $0x10;
	v56 =	vadd.f32 v14, v50;
	v60 =	vmul.f32 v59, v57  }
0x2c3: {  	v45 =	vshll.u32 v20, $0x10;
	[tilespmem:s13+$0x180] =	vst v49;
	v62 =	vpop (erf);
	v57 =	vmul.f32 v54, v30;
	v8 =	vadd.f32 v8, v55  }
0x2c4: {  	s4 =	sor.u32 s1, s8;
	(erf) = vpow2.f32 v51;
	v12 =	vmul.f32 v37, v62;
	v42 =	vpop (erf);
	[tilespmem:s13+$0x200] =	vst v56;
	v40 =	vadd.f32 v15, v60  }
0x2c5: {  	v51 =	vshll.u32 v27, $0x10;
	v10 =	vmul.f32 v45, v42;
	v48 =	vpop (erf);
	v63 =	vadd.f32 v16, v57;
	[tilespmem:s4+$0x0] =	vst v8  }
0x2c6: {  	v58 =	vshll.u32 v17, $0x10;
	v46 =	vadd.f32 v25, v12;
	v53 =	vmul.f32 v51, v48;
	v55 =	vpop (erf);
	[tilespmem:s4+$0x80] =	vst v40  }
0x2c7: {  	v61 =	vshll.u32 v18, $0x10;
	v52 =	vadd.f32 v20, v10;
	v60 =	vmul.f32 v58, v55;
	[tilespmem:s13+$0x280] =	vst v63  }
0x2c8: {  	s14 =	sand.u32 $0x3, s6;
	v16 =	vmul.f32 v61, v21;
	v62 =	vpop (erf);
	v20 =	vshll.u32 v23, $0x10;
	[tilespmem:s4+$0x100] =	vst v46;
	v59 =	vadd.f32 v27, v53  }
0x2c9: {  	s14 =	sshll.u32 s14, $0x5;
	v25 =	vshll.u32 v19, $0x10;
	v22 =	vmul.f32 v20, v62;
	[tilespmem:s4+$0x180] =	vst v52;
	v21 =	vadd.f32 v17, v60  }
0x2ca: {  	s14 =	sadd.s32 s14, s11;
	v32 =	vshll.u32 v31, $0x10;
	v29 =	vadd.f32 v18, v16;
	v30 =	vmul.f32 v25, v38;
	v27 =	vpop (erf);
	[tilespmem:s4+$0x200] =	vst v59  }
0x2cb: {  	s22 =	sor.u32 $0x300, s14;
	v37 =	vshll.u32 v24, $0x10;
	s13 =	sadd.s32 $0x10, s14;
	v36 =	vmul.f32 v32, v27;
	v35 =	vadd.f32 v23, v22;
	[tilespmem:s4+$0x280] =	vst v21  }
0x2cc: {  	s7 =	sor.u32 s11, s12;
	v41 =	vmul.f32 v37, v39;
	v42 =	vshll.u32 v33, $0x10;
	s23 =	sor.u32 $0x300, s13;
	v38 =	vpop (erf);
	v40 =	vadd.f32 v19, v30;
	[tilespmem:s22+$0x9600] =	vst v29  }
0x2cd: {  	s8 =	sor.u32 $0x380, s7;
	v45 =	vshll.u32 v26, $0x10;
	v44 =	vmul.f32 v42, v38;
	v43 =	vadd.f32 v31, v36;
	[tilespmem:s23+$0x9600] =	vst v35  }
0x2ce: {  	v49 =	vshll.u32 v28, $0x10;
	v48 =	vmul.f32 v45, v34;
	v47 =	vadd.f32 v24, v41;
	s14 =	sadd.s32 $0xA600, s5;
	s13 =	sor.u32 $0x380, s13;
	v46 =	vpop (erf);
	[tilespmem:s8+$0x9600] =	vst v40  }
0x2cf: {  	v52 =	vadd.s32 $0x900, v6;
	v51 =	vmul.f32 v49, v46;
	s22 =	sor.u32 s2, s14;
	v50 =	vadd.f32 v33, v44;
	[tilespmem:s13+$0x9600] =	vst v43  }
0x2d0: {  	s7 =	sadd.s32 $0xA680, s5;
	v55 =	vadd.s32 $0x980, v6;
	v53 =	vadd.f32 v26, v48;
	s23 =	sor.u32 s1, s14;
	[tilespmem:s22+$0x0] =	vst v47  }
0x2d1: {  	v56 =	vadd.s32 $0xA00, v6;
	v54 =	vadd.f32 v28, v51;
	s8 =	sor.u32 s2, s7;
	[tilespmem:s23+$0x0] =	vst v50  }
0x2d2: {  	v57 =	vadd.s32 $0xA80, v6;
	s14 =	sor.u32 s1, s7;
	[tilespmem:s8+$0x0] =	vst v53  }
0x2d3: {  	v58 =	vadd.s32 $0x900, v4;
	[tilespmem:s14+$0x0] =	vst v54  }
0x2d4: {  	v60 =	vadd.s32 $0xB00, v6;
	v11 =	vld.idx.msk [tilespmem:v52+s15+$0x0], $0xffff  }
0x2d5: {  	v17 =	vadd.s32 $0xB80, v6;
	v59 =	vld.idx.msk [tilespmem:v55+s15+$0x0], $0xffff  }
0x2d6: {  	v19 =	vadd.s32 $0x1000, v6;
	v61 =	vld.idx.msk [tilespmem:v56+s15+$0x0], $0xffff  }
0x2d7: {  	v20 =	vadd.s32 $0x1080, v6;
	v62 =	vld.idx.msk [tilespmem:v57+s15+$0x0], $0xffff  }
0x2d8: {  	v24 =	vadd.s32 $0x1100, v6;
	v13 =	vld.idx.msk [tilespmem:v58+s15+$0x0], $0xffff  }
0x2d9: {  	v6 =	vadd.s32 $0x1180, v6;
	v28 =	vld.idx.msk [tilespmem:v60+s15+$0x0], $0xffff  }
0x2da: {  	v63 =	vadd.s32 $0x980, v4;
	v29 =	vld.idx.msk [tilespmem:v17+s15+$0x0], $0xffff  }
0x2db: {  	v39 =	vadd.s32 $0xA80, v4;
	v30 =	vld.idx.msk [tilespmem:v19+s15+$0x0], $0xffff  }
0x2dc: {  	v40 =	vadd.s32 $0xB00, v4;
	v31 =	vld.idx.msk [tilespmem:v20+s15+$0x0], $0xffff  }
0x2dd: {  	v42 =	vadd.s32 $0xB80, v4;
	v36 =	vld.idx.msk [tilespmem:v24+s15+$0x0], $0xffff  }
0x2de: {  	v38 =	vld.idx.msk [tilespmem:v6+s15+$0x0], $0xffff  }
0x2df: {  	v21 =	vld.idx.msk [tilespmem:v63+s15+$0x0], $0xffff  }
0x2e0: {  	v45 =	vld.idx.msk [tilespmem:v39+s15+$0x0], $0xffff;
	v11 =	vmul.f32 v11, v5;
	v14 =	vmul.f32 v59, v5  }
0x2e1: {  	v47 =	vld.idx.msk [tilespmem:v40+s15+$0x0], $0xffff;
	v16 =	vmul.f32 v61, v5;
	v18 =	vmul.f32 v62, v5  }
0x2e2: {  	v49 =	vld.idx.msk [tilespmem:v42+s15+$0x0], $0xffff;
	v35 =	vmul.f32 v28, v5;
	v37 =	vmul.f32 v29, v5  }
0x2e3: {  	v25 =	vmul.f32 v30, v5;
	v26 =	vmul.f32 v31, v5  }
0x2e4: {  	v44 =	vmul.f32 v36, v5;
	v5 =	vmul.f32 v38, v5  }
0x2e5: {  	v13 =	vmul.f32 v13, v3;
	v21 =	vmul.f32 v21, v3  }
0x2e6: {  	v9 =	vld.idx.msk [tilespmem:v55+s31+$0x0], $0xffff;
	v55 =	vmul.f32 v45, v3;
	v23 =	vmul.f32 v47, v3  }
0x2e7: {  	v30 =	vmul.f32 v49, v3;
	v11 =	vmul.f32 $1.442695020e+00, v11  }
0x2e8: {  	v14 =	vmul.f32 $1.442695020e+00, v14;
	v32 =	vmul.f32 $1.442695020e+00, v16  }
0x2e9: {  	v34 =	vadd.s32 $0xA00, v4;
	v33 =	vmul.f32 $1.442695020e+00, v18;
	v41 =	vmul.f32 $1.442695020e+00, v25  }
0x2ea: {  	v46 =	vadd.s32 $0x1000, v4;
	v7 =	vld.idx.msk [tilespmem:v52+s31+$0x0], $0xffff;
	v43 =	vmul.f32 $1.442695020e+00, v26;
	(erf) = vpow2.f32 v11  }
0x2eb: {  	v48 =	vadd.s32 $0x1080, v4;
	v8 =	vld.idx.msk [tilespmem:v58+s31+$0x0], $0xffff;
	v5 =	vmul.f32 $1.442695020e+00, v5;
	(erf) = vpow2.f32 v14  }
0x2ec: {  	v10 =	vld.idx.msk [tilespmem:v56+s31+$0x0], $0xffff;
	v11 =	vmul.f32 $1.442695020e+00, v35;
	(erf) = vpow2.f32 v32  }
0x2ed: {  	v50 =	vadd.s32 $0x1100, v4;
	v12 =	vld.idx.msk [tilespmem:v57+s31+$0x0], $0xffff;
	v14 =	vmul.f32 $1.442695020e+00, v37;
	(erf) = vpow2.f32 v33  }
0x2ee: {  	v4 =	vadd.s32 $0x1180, v4;
	v18 =	vld.idx.msk [tilespmem:v34+s15+$0x0], $0xffff;
	v51 =	vmul.f32 $1.442695020e+00, v13;
	(erf) = vpow2.f32 v11  }
0x2ef: {  	v54 =	vld.idx.msk [tilespmem:v46+s15+$0x0], $0xffff;
	v52 =	vmul.f32 $1.442695020e+00, v21;
	(erf) = vpow2.f32 v14  }
0x2f0: {  	v57 =	vld.idx.msk [tilespmem:v48+s15+$0x0], $0xffff;
	v11 =	vmul.f32 $1.442695020e+00, v44;
	(erf) = vpow2.f32 v41  }
0x2f1: {  	v15 =	vld.idx.msk [tilespmem:v60+s31+$0x0], $0xffff;
	v62 =	vmul.f32 $1.442695020e+00, v23;
	(erf) = vpow2.f32 v43  }
0x2f2: {  	v59 =	vld.idx.msk [tilespmem:v50+s15+$0x0], $0xffff;
	v38 =	vmul.f32 $1.442695020e+00, v30;
	(erf) = vpow2.f32 v11  }
0x2f3: {  	v60 =	vld.idx.msk [tilespmem:v4+s15+$0x0], $0xffff;
	v53 =	vmul.f32 v18, v3;
	(erf) = vpow2.f32 v5;
	v56 =	vpop (erf)  }
0x2f4: {  	v13 =	vld.idx.msk [tilespmem:v39+s31+$0x0], $0xffff;
	v39 =	vmul.f32 v54, v3;
	(erf) = vpow2.f32 v51;
	v58 =	vpop (erf)  }
0x2f5: {  	v23 =	vld.idx.msk [tilespmem:v40+s31+$0x0], $0xffff;
	v40 =	vmul.f32 v57, v3;
	v11 =	vmul.f32 $1.442695020e+00, v53;
	v61 =	vpop (erf)  }
0x2f6: {  	v16 =	vld.idx.msk [tilespmem:v63+s31+$0x0], $0xffff;
	v5 =	vmul.f32 $1.442695020e+00, v55;
	(erf) = vpow2.f32 v52;
	v63 =	vpop (erf)  }
0x2f7: {  	v17 =	vld.idx.msk [tilespmem:v17+s31+$0x0], $0xffff;
	v32 =	vmul.f32 v59, v3;
	(erf) = vpow2.f32 v11;
	v30 =	vpop (erf)  }
0x2f8: {  	v19 =	vld.idx.msk [tilespmem:v19+s31+$0x0], $0xffff;
	v3 =	vmul.f32 v60, v3;
	(erf) = vpow2.f32 v5;
	v29 =	vpop (erf)  }
0x2f9: {  	v22 =	vld.idx.msk [tilespmem:v46+s31+$0x0], $0xffff;
	v11 =	vmul.f32 $1.442695020e+00, v39;
	(erf) = vpow2.f32 v62;
	v21 =	vpop (erf)  }
0x2fa: {  	v20 =	vld.idx.msk [tilespmem:v20+s31+$0x0], $0xffff;
	v5 =	vmul.f32 $1.442695020e+00, v40;
	(erf) = vpow2.f32 v38;
	v35 =	vpop (erf)  }
0x2fb: {  	v25 =	vld.idx.msk [tilespmem:v34+s31+$0x0], $0xffff;
	v41 =	vmul.f32 $1.442695020e+00, v32;
	(erf) = vpow2.f32 v11;
	v33 =	vpop (erf)  }
0x2fc: {  	v18 =	vld.idx.msk [tilespmem:v42+s31+$0x0], $0xffff;
	v42 =	vshll.u32 v7, $0x10;
	v3 =	vmul.f32 $1.442695020e+00, v3;
	(erf) = vpow2.f32 v5;
	v32 =	vpop (erf)  }
0x2fd: {  	v24 =	vld.idx.msk [tilespmem:v24+s31+$0x0], $0xffff;
	v44 =	vshll.u32 v8, $0x10;
	v5 =	vmul.f32 v42, v56;
	(erf) = vpow2.f32 v41;
	v43 =	vpop (erf)  }
0x2fe: {  	v6 =	vld.idx.msk [tilespmem:v6+s31+$0x0], $0xffff;
	v45 =	vshll.u32 v9, $0x10;
	(erf) = vpow2.f32 v3;
	v3 =	vmul.f32 v44, v43  }
0x2ff: {  	s22 =	sadd.s32 $0xA700, s5;
	v26 =	vld.idx.msk [tilespmem:v48+s31+$0x0], $0xffff;
	v48 =	vshll.u32 v16, $0x10;
	v47 =	vmul.f32 v45, v58;
	v5 =	vadd.f32 v7, v5;
	v46 =	vpop (erf)  }
0x300: {  	s23 =	sor.u32 s2, s22;
	v14 =	vld.idx.msk [tilespmem:v50+s31+$0x0], $0xffff;
	v50 =	vshll.u32 v10, $0x10;
	v49 =	vmul.f32 v48, v46;
	v3 =	vadd.f32 v8, v3  }
0x301: {  	s7 =	sadd.s32 $0xA780, s5;
	s4 =	sor.u32 s1, s22;
	v4 =	vld.idx.msk [tilespmem:v4+s31+$0x0], $0xffff;
	v54 =	vshll.u32 v25, $0x10;
	v53 =	vmul.f32 v50, v61;
	v52 =	vadd.f32 v9, v47;
	v51 =	vpop (erf);
	[tilespmem:s23+$0x0] =	vst v5  }
0x302: {  	s8 =	sor.u32 s2, s7;
	v56 =	vshll.u32 v12, $0x10;
	v55 =	vmul.f32 v54, v51;
	[tilespmem:s4+$0x0] =	vst v3;
	v3 =	vadd.f32 v16, v49  }
0x303: {  	s13 =	sor.u32 s1, s7;
	s14 =	sadd.s32 $0xA800, s5;
	v60 =	vshll.u32 v13, $0x10;
	v58 =	vadd.f32 v10, v53;
	v59 =	vmul.f32 v56, v63;
	v57 =	vpop (erf);
	[tilespmem:s8+$0x0] =	vst v52  }
0x304: {  	s22 =	sor.u32 s2, s14;
	v62 =	vshll.u32 v15, $0x10;
	v61 =	vmul.f32 v60, v57;
	[tilespmem:s13+$0x0] =	vst v3;
	v3 =	vadd.f32 v25, v55  }
0x305: {  	s7 =	sadd.s32 $0xA880, s5;
	v27 =	vshll.u32 v23, $0x10;
	s23 =	sor.u32 s1, s14;
	v63 =	vpop (erf);
	v16 =	vadd.f32 v12, v59;
	v25 =	vmul.f32 v62, v30;
	[tilespmem:s22+$0x0] =	vst v58  }
0x306: {  	v28 =	vmul.f32 v27, v63;
	s8 =	sor.u32 s2, s7;
	v30 =	vshll.u32 v17, $0x10;
	[tilespmem:s23+$0x0] =	vst v3;
	v3 =	vadd.f32 v13, v61  }
0x307: {  	v37 =	vshll.u32 v18, $0x10;
	s14 =	sadd.s32 $0xA900, s5;
	v31 =	vpop (erf);
	s13 =	sor.u32 s1, s7;
	v36 =	vmul.f32 v30, v29;
	v34 =	vadd.f32 v15, v25;
	[tilespmem:s8+$0x0] =	vst v16  }
0x308: {  	v39 =	vshll.u32 v19, $0x10;
	v38 =	vmul.f32 v37, v31;
	s22 =	sor.u32 s2, s14;
	[tilespmem:s13+$0x0] =	vst v3;
	v3 =	vadd.f32 v23, v28  }
0x309: {  	v42 =	vmul.f32 v39, v21;
	v43 =	vshll.u32 v22, $0x10;
	v40 =	vpop (erf);
	s7 =	sadd.s32 $0xA980, s5;
	s23 =	sor.u32 s1, s14;
	v41 =	vadd.f32 v17, v36;
	[tilespmem:s22+$0x0] =	vst v34  }
0x30a: {  	v45 =	vshll.u32 v20, $0x10;
	v44 =	vmul.f32 v43, v40;
	s8 =	sor.u32 s2, s7;
	[tilespmem:s23+$0x0] =	vst v3;
	v3 =	vadd.f32 v18, v38  }
0x30b: {  	v47 =	vadd.f32 v19, v42;
	v48 =	vmul.f32 v45, v35;
	v49 =	vshll.u32 v26, $0x10;
	v46 =	vpop (erf);
	s14 =	sadd.s32 $0xB600, s5;
	s13 =	sor.u32 s1, s7;
	[tilespmem:s8+$0x0] =	vst v41  }
0x30c: {  	v51 =	vshll.u32 v24, $0x10;
	v50 =	vmul.f32 v49, v46;
	s22 =	sor.u32 s2, s14;
	[tilespmem:s13+$0x0] =	vst v3;
	v3 =	vadd.f32 v22, v44  }
0x30d: {  	v53 =	vadd.f32 v20, v48;
	v54 =	vmul.f32 v51, v33;
	v55 =	vshll.u32 v14, $0x10;
	v52 =	vpop (erf);
	s7 =	sadd.s32 $0xB680, s5;
	s23 =	sor.u32 s1, s14;
	[tilespmem:s22+$0x0] =	vst v47  }
0x30e: {  	v57 =	vshll.u32 v6, $0x10;
	v56 =	vmul.f32 v55, v52;
	s8 =	sor.u32 s2, s7;
	[tilespmem:s23+$0x0] =	vst v3;
	v3 =	vadd.f32 v26, v50  }
0x30f: {  	p0 =	sne.s32 s12, $0x1E0;
	v60 =	vmul.f32 v57, v32;
	v59 =	vadd.f32 v24, v54;
	v58 =	vpop (erf);
	v61 =	vshll.u32 v4, $0x10;
	s14 =	sadd.s32 $0xB700, s5;
	s13 =	sor.u32 s1, s7;
	[tilespmem:s8+$0x0] =	vst v53  }
.Ltmp3:
0x310: {  	v62 =	vmul.f32 v61, v58;
	s22 =	sor.u32 s2, s14;
	[tilespmem:s13+$0x0] =	vst v3;
	v3 =	vadd.f32 v14, v56;
	(pc) =	sbr.rel @p0 .LBB2_9-.Ltmp3, $4  }
0x311: {  	v63 =	vadd.f32 v6, v60;
	s5 =	sadd.s32 $0xB780, s5;
	s23 =	sor.u32 s1, s14;
	[tilespmem:s22+$0x0] =	vst v59  }
0x312: {  	s2 =	sor.u32 s2, s5;
	[tilespmem:s23+$0x0] =	vst v3;
	v3 =	vadd.f32 v4, v62  }
0x313: {  	s6 =	sadd.s32 $0x1, s6;
	s9 =	sadd.s32 $0x20, s9;
	s1 =	sor.u32 s1, s5;
	[tilespmem:s2+$0x0] =	vst v63  }
0x314: {  	s12 =	sadd.s32 $0x20, s12;
	s11 =	sadd.s32 $0x100, s11;
	s10 =	sadd.s32 $0x20, s10;
	[tilespmem:s1+$0x0] =	vst v3  }
0x315: {  	s1 =	smul.u32 $0x50000, s19  }
0x316: {  	s2 =	rddreg [dreg:$0x18]  }
0x317: {  	s1 =	sor.u32 s2, s1  }
0x318: {  	s1 =	sor.u32 s20, s1  }
0x319: {  	s12 =	rddreg [dreg:$0x4];
	s1 =	sshrl.u32 s1, $0x3  }
0x31a: {  	s13 =	simm.s32 $0x9600;
	s1 =	sadd.s32 s12, s1  }
0x31b: {  	[hbm4b:s1+s24] =	stream.strided.scatter [tilespmem:s13], [sflag:$0x4], $0x400, s21, s24, $0x38;
	[tilespmem:$0xCA00] =	vst v63  }
0x31c: {  	s4 =	simm.s32 $0x9A00;
	s14 =	sadd.s32 $0x80, s1  }
0x31d: {  	[hbm4b:s14+s24] =	stream.strided.scatter [tilespmem:s4], [sflag:$0x4], $0x400, s21, s24, $0x38;
	[tilespmem:$0xCA00] =	vst v63  }
0x31e: {  	s20 =	simm.s32 $0x9E00;
	s19 =	sadd.s32 $0x100, s1  }
0x31f: {  	[hbm4b:s19+s24] =	stream.strided.scatter [tilespmem:s20], [sflag:$0x4], $0x400, s21, s24, $0x38;
	[tilespmem:$0xCA00] =	vst v63  }
0x320: {  	s23 =	simm.s32 $0xA200;
	s22 =	sadd.s32 $0x180, s1  }
0x321: {  	[hbm4b:s22+s24] =	stream.strided.scatter [tilespmem:s23], [sflag:$0x4], $0x400, s21, s24, $0x38;
	[tilespmem:$0xCA00] =	vst v63  }
0x322: {  	s5 =	simm.s32 $0xA600;
	s4 =	sadd.s32 $0x4000, s1  }
0x323: {  	[hbm4b:s4+s24] =	stream.strided.scatter [tilespmem:s5], [sflag:$0x4], $0x400, s21, s24, $0x38;
	[tilespmem:$0xCA00] =	vst v63  }
0x324: {  	s7 =	simm.s32 $0xAA00;
	s6 =	sadd.s32 $0x4080, s1  }
0x325: {  	[hbm4b:s6+s24] =	stream.strided.scatter [tilespmem:s7], [sflag:$0x4], $0x400, s21, s24, $0x38;
	[tilespmem:$0xCA00] =	vst v63  }
0x326: {  	s9 =	simm.s32 $0xAE00;
	s8 =	sadd.s32 $0x4100, s1  }
0x327: {  	[hbm4b:s8+s24] =	stream.strided.scatter [tilespmem:s9], [sflag:$0x4], $0x400, s21, s24, $0x38;
	[tilespmem:$0xCA00] =	vst v63  }
0x328: {  	s11 =	simm.s32 $0xB200;
	s10 =	sadd.s32 $0x4180, s1  }
0x329: {  	[hbm4b:s10+s24] =	stream.strided.scatter [tilespmem:s11], [sflag:$0x4], $0x400, s21, s24, $0x38;
	[tilespmem:$0xCA00] =	vst v63  }
0x32a: {  	s17 =	sadd.s32 $0x1, s17;
	s12 =	sadd.s32 $0x8000, s1;
	s13 =	simm.s32 $0xB600  }
0x32b: {  	[hbm4b:s12+s24] =	stream.strided.scatter [tilespmem:s13], [sflag:$0x4], $0x200, s21, s24, $0x38;
	[tilespmem:$0xCA00] =	vst v63  }
0x32c: {  	p0 =	sne.s32 s17, $0x20;
	s14 =	sadd.s32 $0x8080, s1;
	s19 =	simm.s32 $0xBA00  }
0x32d: {  	[hbm4b:s14+s24] =	stream.strided.scatter [tilespmem:s19], [sflag:$0x4], $0x200, s21, s24, $0x38;
	[tilespmem:$0xCA00] =	vst v63  }
.Ltmp4:
0x32e: {  	_ = 	snop;
	(pc) =	sbr.rel @p0 .LBB2_2-.Ltmp4, $4  }
0x32f: {  	s20 =	sadd.s32 $0x8100, s1;
	s22 =	simm.s32 $0xBE00  }
0x330: {  	[hbm4b:s20+s24] =	stream.strided.scatter [tilespmem:s22], [sflag:$0x4], $0x200, s21, s24, $0x38;
	[tilespmem:$0xCA00] =	vst v63  }
0x331: {  	s1 =	sadd.s32 $0x8180, s1;
	s23 =	simm.s32 $0xC200  }
0x332: {  	[hbm4b:s1+s24] =	stream.strided.scatter [tilespmem:s23], [sflag:$0x4], $0x200, s21, s24, $0x38;
	[tilespmem:$0xCA00] =	vst v63  }
0x333: {  	s1 =	simm.s32 $0x3  }
0x334: {  	_ =	swait.ge [sflag:s1], $0x2800  }
0x335: {  	[sflag:s1] =	ssyncset.done $0x0  }
0x336: {  	s2 =	simm.s32 $0x4;
	[sflag:s1] =	ssyncadd.s32 $0xFFFFD800  }
0x337: {  	_ =	swait.ge [sflag:s2], $0x2800  }
0x338: {  	s4 =	rddreg [dreg:$0x17]  }
0x339: {  	s23 =	rddreg [dreg:$0xc];
	s4 =	sadd.s32 $0x1, s4  }
0x33a: {  	p0 =	sne.s32 s4, s23  }
.Ltmp5:
0x33b: {  	_ = 	snop;
	(pc) =	sbr.rel @p0 .LBB2_1-.Ltmp5, $3  }
0x33c: {  	_ =	sdelay $0x1  }
0x33d: {  	[sflag:s2] =	ssyncset.done $0x0  }
0x33e: {  	[sflag:s2] =	ssyncadd.s32 $0xFFFFD800  }
0x33f: {  	_ =	sfence.sel $0x180000  }
0x340: {  	[bflag:$0x0] =	sbarrier.arrive $0xFFFF  }
0x341: {  	_ =	strace $0x90000047  }
0x342: {  	s0 =	stileid.u32;
	[bflag:$0x2] =	sbarrier.arrive $0xFFFF  }
0x343: {  	p0 =	sne.s32 s0, $0x0;
	s0 =	rddreg [dreg:$0x5]  }
0x344: {  	s0 =	sadd.s32 @!p0 $0x100000, s0  }
0x345: {  	[sflag:s0] =	ssyncadd.tile.s32 @!p0 $0x1;
	_ =	shalt  }
.Lfunc_end2:
_tile_overlayer_lowered:
.L_overlay_start_2:
0x346: {  	(tag) =	ssettag $0x2  }
0x347: {  	s0 =	rddreg [dreg:$0x0];
	s2 =	stileid.u32  }
0x348: {  	s1 =	rddreg [dreg:$0x1];
	p0 =	sne.s32 s2, $0x0  }
0x349: {  	s3 =	rddreg [dreg:$0x2];
	[bflag:$0x3] =	sbarrier.arrive $0xFFFF;
	s2 =	simm.s32 @!p0 $0x1C05  }
0x34a: {  	[timem:s3], [sflag:s2] =	dma.local @!p0 [hbm:s0], s1  }
0x34b: {  	s0 =	simm.s32 @!p0 $0x5  }
0x34c: {  	_ =	swait.ge @!p0 [sflag:s0], s1  }
0x34d: {  	s1 =	ssub.s32 @!p0 $0x0, s1;
	[sflag:s0] =	ssyncset.done @!p0 $0x0  }
0x34e: {  	[sflag:s0] =	ssyncadd.s32 @!p0 s1  }
0x34f: {  	[bflag:$0x3] =	sbarrier.arrive $0xFFFF  }
0x350: {  	_ =	shalt  }

</sc_bundles>
